<compile_context>
chip_gen: v7x
topology: tpu7x:2x2x1
jax: 0.10.2.dev20260603
libtpu: 0.0.44.dev20260713+nightly
codegen_flags: <defaults>
</compile_context>

<pallas_src>
import functools

import jax
import jax.numpy as jnp
from jax import lax
from jax.experimental import pallas as pl
from jax.experimental.pallas import tpu as pltpu
from jax.experimental.pallas import tpu_sc as plsc

S, E, C = 2048, 64, 80
EC = E * C
SEC = S * EC
MW = SEC // 4
NC, NS, L = 2, 16, 16
NW = NC * NS
TOK_W = S // NW
TOK_S = S // NS
EXP_S = E // NS
TB = 128
NEG = -3.0e38


@functools.partial(
    pl.kernel,
    out_type=[
        jax.ShapeDtypeStruct((S // L, L), jnp.int32),
        jax.ShapeDtypeStruct((S // L, L), jnp.int32),
        jax.ShapeDtypeStruct((NS * S // L, L), jnp.int32),
        jax.ShapeDtypeStruct((S // L, L), jnp.float32),
    ],
    mesh=plsc.VectorSubcoreMesh(core_axis_name="c", subcore_axis_name="s"),
    compiler_params=pltpu.CompilerParams(needs_layout_passes=False),
    scratch_types=dict(
        x_v=pltpu.VMEM((TOK_S // 2, E), jnp.float32),
        e1_l=pltpu.VMEM((TOK_S // L, L), jnp.int32),
        e2_l=pltpu.VMEM((TOK_S // L, L), jnp.int32),
        w1_l=pltpu.VMEM((TOK_S // L, L), jnp.float32),
        e1_all=pltpu.VMEM((S // L, L), jnp.int32),
        e2_all=pltpu.VMEM((S // L, L), jnp.int32),
        contrib=pltpu.VMEM((S // L, L), jnp.int32),
        e1_s=pltpu.VMEM_SHARED((S // L, L), jnp.int32),
        e2_s=pltpu.VMEM_SHARED((S // L, L), jnp.int32),
        w1_s=pltpu.VMEM_SHARED((S // L, L), jnp.float32),
        sem_sc=pltpu.SemaphoreType.DMA,
    ),
)
def _router_meta(x_hbm, e1_o, e2_o, cont_o, w1_o, *, x_v,
                 e1_l, e2_l, w1_l, e1_all, e2_all, contrib,
                 e1_s, e2_s, w1_s, sem_sc):
    cid = lax.axis_index("c")
    sid = lax.axis_index("s")
    w = sid * NC + cid
    iota = lax.iota(jnp.int32, L)
    zf = jnp.zeros((L,), jnp.float32)
    zi = jnp.zeros((L,), jnp.int32)

    def zero_c(j, _):
        contrib[j] = zi
        return 0
    lax.fori_loop(0, S // L, zero_c, 0)

    t0 = sid * TOK_S

    def p1_row(r, _):
        def p1_tok(u, acc):
            a1, a2, aw1, _ = acc
            t = (r % 4) * L + u
            v = [x_v[t, pl.ds(j * L, L)] for j in range(E // L)]
            m = jnp.max(jnp.maximum(jnp.maximum(v[0], v[1]),
                                    jnp.maximum(v[2], v[3])))
            ex = [jnp.exp(vj - m) for vj in v]
            z = jnp.sum(ex[0] + ex[1] + ex[2] + ex[3])
            cand = [jnp.where(v[j] == m, iota + j * L, 9999)
                    for j in range(4)]
            i1 = jnp.min(jnp.minimum(jnp.minimum(cand[0], cand[1]),
                                     jnp.minimum(cand[2], cand[3])))
            vm = [jnp.where(iota + j * L == i1, NEG, v[j]) for j in range(4)]
            m2 = jnp.max(jnp.maximum(jnp.maximum(vm[0], vm[1]),
                                     jnp.maximum(vm[2], vm[3])))
            cand2 = [jnp.where(vm[j] == m2, iota + j * L, 9999)
                     for j in range(4)]
            i2 = jnp.min(jnp.minimum(jnp.minimum(cand2[0], cand2[1]),
                                     jnp.minimum(cand2[2], cand2[3])))
            lane = iota == u
            return (jnp.where(lane, i1, a1), jnp.where(lane, i2, a2),
                    jnp.where(lane, z, aw1), a1)

        a1, a2, az, _ = lax.fori_loop(0, L, p1_tok, (zi, zi, zf, zi))
        e1_l[r] = a1
        e2_l[r] = a2
        w1_l[r] = 1.0 / az
        return 0

    for cc in range(2):
        pltpu.sync_copy(
            x_hbm.at[pl.ds(t0 + cc * (TOK_S // 2), TOK_S // 2)], x_v)
        lax.fori_loop(cc * 4, cc * 4 + 4, p1_row, 0)

    r0 = pl.multiple_of(t0 // L, 8)
    pltpu.sync_copy(e1_l, e1_s.at[pl.ds(r0, TOK_S // L)])
    pltpu.sync_copy(e2_l, e2_s.at[pl.ds(r0, TOK_S // L)])
    pltpu.sync_copy(w1_l, w1_s.at[pl.ds(r0, TOK_S // L)])

    plsc.subcore_barrier()

    pltpu.sync_copy(e1_s, e1_all)
    pltpu.sync_copy(e2_s, e2_all)

    for kk in range(EXP_S):
        e_id = sid * EXP_S + kk

        def passA(j, cnt):
            ve = e1_all[j]
            mt = ve == e_id
            mi = jnp.where(mt, 1, 0)
            inc = jnp.cumsum(mi)
            rank = cnt + inc - mi
            contrib[j] = contrib[j] + jnp.where(mt, rank, 0)
            return cnt + jnp.sum(mi)
        cnt = lax.fori_loop(0, S // L, passA, jnp.int32(0))

        def passB(j, cnt):
            ve = e2_all[j]
            mt = ve == e_id
            mi = jnp.where(mt, 1, 0)
            inc = jnp.cumsum(mi)
            rank = cnt + inc - mi
            contrib[j] = contrib[j] + jnp.where(mt, lax.shift_left(rank, 16), 0)
            return cnt + jnp.sum(mi)
        lax.fori_loop(0, S // L, passB, cnt)

    pltpu.sync_copy(contrib, cont_o.at[pl.ds(sid * (S // L), S // L)])

    r0w = pl.multiple_of(t0 // L, 8)

    pltpu.sync_copy(e1_l, e1_o.at[pl.ds(r0w, TOK_S // L)])
    pltpu.sync_copy(e2_l, e2_o.at[pl.ds(r0w, TOK_S // L)])
    pltpu.sync_copy(w1_l, w1_o.at[pl.ds(r0w, TOK_S // L)])


@functools.partial(
    pl.kernel,
    out_type=[
        jax.ShapeDtypeStruct((S // L, L), jnp.int32),
        jax.ShapeDtypeStruct((S // L, L), jnp.int32),
    ],
    mesh=plsc.VectorSubcoreMesh(core_axis_name="c", subcore_axis_name="s"),
    compiler_params=pltpu.CompilerParams(needs_layout_passes=False),
    scratch_types=dict(
        tmpc=pltpu.VMEM((NS * 8, L), jnp.int32),
        tok_r1=pltpu.VMEM((8, L), jnp.int32),
        tok_r2=pltpu.VMEM((8, L), jnp.int32),
        sem_sc=pltpu.SemaphoreType.DMA,
    ),
)
def _rank_reduce(cont_hbm, r1_o, r2_o, *, tmpc, tok_r1, tok_r2, sem_sc):
    cid = lax.axis_index("c")
    sid = lax.axis_index("s")
    w = sid * NC + cid
    rb8 = pl.multiple_of((w // 2) * 8, 8)
    gh = []
    for ss in range(NS):
        gh.append(pltpu.async_copy(
            cont_hbm.at[pl.ds(ss * (S // L) + rb8, 8)],
            tmpc.at[pl.ds(ss * 8, 8)], sem_sc))
        if ss % 8 == 7:
            for h in gh:
                h.wait()
            gh = []
    for k in range(8):
        acc = tmpc[k]
        for ss in range(1, NS):
            acc = acc + tmpc[ss * 8 + k]
        tok_r1[k] = acc & 0xFFFF
        tok_r2[k] = lax.shift_right_logical(acc, 16)
    pltpu.sync_copy(tok_r1, r1_o.at[pl.ds(rb8, 8)])
    pltpu.sync_copy(tok_r2, r2_o.at[pl.ds(rb8, 8)])


def _materialize_body(x_ref, e1_ref, e2_ref, r1_ref, r2_ref,
                      cb_ref, mask_ref):
    iota_e = lax.broadcasted_iota(jnp.int32, (TB, E, C), 1)
    iota_c = lax.broadcasted_iota(jnp.int32, (TB, E, C), 2)
    x = x_ref[...]
    e1v = e1_ref[0, 0]
    e2v = e2_ref[0, 0]
    iota_te = lax.broadcasted_iota(jnp.int32, (TB, E), 1)
    xv1 = jnp.sum(jnp.where(iota_te == e1v[:, None], x, 0.0), axis=1)
    xv2 = jnp.sum(jnp.where(iota_te == e2v[:, None], x, 0.0), axis=1)
    z = jnp.sum(jnp.exp(x - xv1[:, None]), axis=1)
    w1v = 1.0 / z
    w2v = jnp.exp(xv2 - xv1) * w1v
    e1 = e1v[:, None, None]
    e2 = e2v[:, None, None]
    r1 = r1_ref[0, 0][:, None, None]
    r2 = r2_ref[0, 0][:, None, None]
    w1 = w1v[:, None, None]
    w2 = w2v[:, None, None]
    c1 = jnp.minimum(r1, C - 1)
    c2 = jnp.minimum(r2, C - 1)
    m1 = (iota_e == e1) & (iota_c == c1) & (r1 < C)
    m2 = (iota_e == e2) & (iota_c == c2) & (r2 < C)
    cb = jnp.where(m1, w1, 0.0) + jnp.where(m2, w2, 0.0)
    cb_ref[...] = cb
    mask_ref[...] = cb != 0.0


def _materialize(x, e1, e2, r1, r2):
    grid = (S // TB,)
    x_spec = pl.BlockSpec((TB, E), lambda i: (i, 0))
    tok_spec = pl.BlockSpec((1, 1, TB), lambda i: (i, 0, 0))
    out_spec = pl.BlockSpec((TB, E, C), lambda i: (i, 0, 0))
    return pl.pallas_call(
        _materialize_body,
        grid=grid,
        in_specs=[x_spec] + [tok_spec] * 4,
        out_specs=[out_spec, out_spec],
        out_shape=[
            jax.ShapeDtypeStruct((S, E, C), jnp.float32),
            jax.ShapeDtypeStruct((S, E, C), jnp.bool_),
        ],
    )(x, e1.reshape(S // TB, 1, TB), e2.reshape(S // TB, 1, TB),
      r1.reshape(S // TB, 1, TB), r2.reshape(S // TB, 1, TB))


def kernel(inputs):
    e1, e2, cont, _ = _router_meta(inputs)
    r1, r2 = _rank_reduce(cont)
    cb_weight, sec_mask = _materialize(inputs, e1, e2, r1, r2)
    return (cb_weight, sec_mask)

# --- scband reference (transcript-rebuilt; emitter-appended) ---
"""Pipeline reference for scband-top2-router-79413945303481 (READ-ONLY COPY).

The authoritative reference and input builder live on the scoring server;
editing this copy changes nothing except your own understanding.
"""

import jax, jax.numpy as jnp
import numpy as np
import math


def _get_capacity(num_tokens, num_experts, k_value=2, capacity_factor=1.25, min_capacity=4):
    capacity = math.floor(k_value * capacity_factor * num_tokens / num_experts)
    capacity += capacity % 2
    capacity = max(capacity, min_capacity)
    assert capacity > 0
    return capacity


def setup_inputs(seed: int = 0) -> dict:
    key = jax.random.key(seed)
    inputs = jax.random.normal(key, (2048, 64), dtype=jnp.float32)
    return {"inputs": inputs}


def reference(inputs):
    # Top2Router.forward (training mode, use_kernel=False, ep_group=None, noisy_func=None)
    logits = jax.nn.softmax(inputs, axis=-1)
    S, E = logits.shape
    capacity = _get_capacity(S, E)

    top1_idx = jnp.argmax(logits, axis=-1)
    mask1 = jax.nn.one_hot(top1_idx, E, dtype=jnp.int32)
    logits_except1 = jnp.where(mask1.astype(bool), -jnp.inf, logits)
    top2_idx = jnp.argmax(logits_except1, axis=-1)
    mask2 = jax.nn.one_hot(top2_idx, E, dtype=jnp.int32)

    cmask = (mask1 + mask2).astype(jnp.float32) / 2.0

    # aux loss and z loss (in original these are popped into MOE_CONTEXT;
    # computed here for fidelity but not part of the returned output)
    me = jnp.mean(logits, axis=0)
    ce = jnp.mean(cmask, axis=0)
    aux_loss = E * jnp.sum(me * ce)
    log_z = jax.scipy.special.logsumexp(inputs, axis=-1)
    z_loss = jnp.sum(log_z ** 2).astype(jnp.float32) / S
    del aux_loss, z_loss

    # moe_cumsum: exclusive running position of each routed token per expert
    rank1 = jnp.cumsum(mask1, axis=0) - 1
    rank2 = jnp.cumsum(mask2, axis=0) - 1
    rank2 = rank2 + jnp.sum(mask1, axis=0, keepdims=True)

    mask1 = mask1 * (rank1 < capacity).astype(jnp.int32)
    mask2 = mask2 * (rank2 < capacity).astype(jnp.int32)

    rank1 = jnp.sum(mask1 * rank1, axis=-1)
    rank2 = jnp.sum(mask2 * rank2, axis=-1)

    weight1 = mask1.astype(inputs.dtype) * logits
    weight2 = mask2.astype(inputs.dtype) * logits
    rank1_sc = jax.nn.one_hot(rank1, capacity, dtype=inputs.dtype)
    rank2_sc = jax.nn.one_hot(rank2, capacity, dtype=inputs.dtype)

    cb_weight1 = weight1[:, :, None] * rank1_sc[:, None, :]
    cb_weight2 = weight2[:, :, None] * rank2_sc[:, None, :]
    cb_weight = cb_weight1 + cb_weight2
    sec_mask = cb_weight.astype(bool)
    return (cb_weight, sec_mask)

if __name__ == "__main__":
    import jax
    _d = setup_inputs()
    print(jax.jit(kernel)(*tuple(_d.values())))

</pallas_src>

<mosaic_0001>
#map = affine_map<(d0, d1) -> (0, 0)>
module attributes {stable_mosaic.version = 14 : i64} {
  func.func @_router_meta(%arg0: i32, %arg1: i32, %arg2: memref<2048x64xf32, #tpu.memory_space<hbm>>, %arg3: memref<128x16xi32, #tpu.memory_space<hbm>>, %arg4: memref<128x16xi32, #tpu.memory_space<hbm>>, %arg5: memref<2048x16xi32, #tpu.memory_space<hbm>>, %arg6: memref<128x16xf32, #tpu.memory_space<hbm>>, %arg7: memref<128x16xi32, #tpu.memory_space<vmem>>, %arg8: memref<128x16xi32, #tpu.memory_space<vmem>>, %arg9: memref<8x16xi32, #tpu.memory_space<vmem>>, %arg10: memref<128x16xi32, #tpu.memory_space<vmem_shared>>, %arg11: memref<128x16xi32, #tpu.memory_space<vmem>>, %arg12: memref<8x16xi32, #tpu.memory_space<vmem>>, %arg13: memref<128x16xi32, #tpu.memory_space<vmem_shared>>, %arg14: memref<!tpu.dma_semaphore, #tpu.memory_space<semaphore_mem>>, %arg15: memref<8x16xf32, #tpu.memory_space<vmem>>, %arg16: memref<128x16xf32, #tpu.memory_space<vmem_shared>>, %arg17: memref<64x64xf32, #tpu.memory_space<vmem>>) attributes {dimension_semantics = [#tpu.dimension_semantics<core_parallel>, #tpu.dimension_semantics<subcore_parallel>], iteration_bounds = array<i64: 2, 16>, scalar_prefetch = 0 : i64, scratch_operands = 11 : i64, tpu.core_type = #tpu.core_type<sc_vector_subcore>, window_params = [{transform_indices = #map}, {transform_indices = #map}, {transform_indices = #map}, {transform_indices = #map}, {transform_indices = #map}]} {
    %mul3A = arith.constant 2 : i32
    %mul3A_0 = arith.muli %arg1, %mul3A : i32
    %add3A = arith.addi %mul3A_0, %arg0 : i32
    %iota3A = tpu.iota {dimensions = array<i32: 0>} : vector<16xi32>
    %broadcast_in_dim3A = arith.constant 0.000000e+00 : f32
    %broadcast_in_dim3A_1 = vector.broadcast %broadcast_in_dim3A : f32 to vector<16xf32>
    %broadcast_in_dim3A_2 = arith.constant 0 : i32
    %broadcast_in_dim3A_3 = vector.broadcast %broadcast_in_dim3A_2 : i32 to vector<16xi32>
    %scan3A = arith.constant 0 : i32
    %scan3A_4 = arith.constant 0 : i32
    %scan3A_5 = arith.constant 128 : i32
    %scan3A_6 = arith.addi %scan3A_4, %scan3A_5 : i32
    %scan3A_7 = arith.constant 1 : i32
    %scan3A_8 = scf.for %scan3A_141 = %scan3A_4 to %scan3A_6 step %scan3A_7 iter_args(%scan3A_142 = %scan3A) -> (i32)  : i32 {
      %swap3A = arith.index_cast %scan3A_141 : i32 to index
      %swap3A_143 = arith.constant 0 : index
      %swap3A_144 = tpu.vector_load %arg7[%swap3A, %swap3A_143] {strides = array<i32>} : memref<128x16xi32, #tpu.memory_space<vmem>>, vector<16xi32>,
      tpu.vector_store %arg7[%swap3A, %swap3A_143], %broadcast_in_dim3A_3 {strides = array<i32>} : memref<128x16xi32, #tpu.memory_space<vmem>>, vector<16xi32>,
      %scan3A_145 = arith.constant 0 : i32
      scf.yield %scan3A_145 : i32
    }
    %scan3A_9 = arith.constant 128 : i32
    %mul3A_10 = arith.constant 128 : i32
    %mul3A_11 = arith.muli %arg1, %mul3A_10 : i32
    %add3A_12 = arith.constant 0 : i32
    %add3A_13 = arith.addi %mul3A_11, %add3A_12 : i32
    "tpu.region"() ({
      %run_scoped3A = tpu.sem_alloc : memref<!tpu.dma_semaphore, #tpu.memory_space<semaphore_mem>>
      %dma_start3A = arith.constant 0 : i32
      %dma_start3A_141 = tpu.memref_slice %arg2[%add3A_13, %dma_start3A] : memref<2048x64xf32, #tpu.memory_space<hbm>> -> memref<64x64xf32, #tpu.memory_space<hbm>>
      %dma_start3A_142 = arith.constant 0 : i32
      %dma_start3A_143 = tpu.memref_slice %arg2[%add3A_13, %dma_start3A_142] : memref<2048x64xf32, #tpu.memory_space<hbm>> -> memref<64x64xf32, #tpu.memory_space<hbm>>
      tpu.enqueue_dma source(%dma_start3A_143 : memref<64x64xf32, #tpu.memory_space<hbm>>) target(%arg17 : memref<64x64xf32, #tpu.memory_space<vmem>>) target_semaphore(%run_scoped3A : memref<!tpu.dma_semaphore, #tpu.memory_space<semaphore_mem>>)
      %dma_wait3A = arith.constant 0 : i32
      %dma_wait3A_144 = tpu.memref_slice %arg2[%add3A_13, %dma_wait3A] : memref<2048x64xf32, #tpu.memory_space<hbm>> -> memref<64x64xf32, #tpu.memory_space<hbm>>
      %dma_wait3A_145 = arith.constant 0 : i32
      %dma_wait3A_146 = tpu.memref_slice %arg2[%add3A_13, %dma_wait3A_145] : memref<2048x64xf32, #tpu.memory_space<hbm>> -> memref<64x64xf32, #tpu.memory_space<hbm>>
      tpu.wait_dma2 semaphore(%run_scoped3A : memref<!tpu.dma_semaphore, #tpu.memory_space<semaphore_mem>>) src(%dma_wait3A_146 : memref<64x64xf32, #tpu.memory_space<hbm>>) dst(%arg17 : memref<64x64xf32, #tpu.memory_space<vmem>>)
      tpu.yield
    }) : () -> ()
    %scan3A_14 = arith.constant 0 : i32
    %scan3A_15 = arith.constant 0 : i32
    %scan3A_16 = arith.constant 4 : i32
    %scan3A_17 = arith.addi %scan3A_15, %scan3A_16 : i32
    %scan3A_18 = arith.constant 1 : i32
    %scan3A_19 = scf.for %scan3A_141 = %scan3A_15 to %scan3A_17 step %scan3A_18 iter_args(%scan3A_142 = %scan3A_14) -> (i32)  : i32 {
      %scan3A_143 = arith.constant 0 : i32
      %scan3A_144 = arith.constant 16 : i32
      %scan3A_145 = arith.addi %scan3A_143, %scan3A_144 : i32
      %scan3A_146 = arith.constant 1 : i32
      %scan3A_147:4 = scf.for %scan3A_161 = %scan3A_143 to %scan3A_145 step %scan3A_146 iter_args(%scan3A_162 = %broadcast_in_dim3A_3, %scan3A_163 = %broadcast_in_dim3A_3, %scan3A_164 = %broadcast_in_dim3A_1, %scan3A_165 = %broadcast_in_dim3A_3) -> (vector<16xi32>, vector<16xi32>, vector<16xf32>, vector<16xi32>)  : i32 {
        %jit3A_166 = arith.constant 4 : i32
        %eq3A = arith.constant 0 : i32
        %eq3A_167 = arith.cmpi eq, %jit3A_166, %eq3A : i32
        %jit3A_168 = arith.constant 1 : i32
        %select_n3A_169 = arith.select %eq3A_167, %jit3A_168, %jit3A_166 : i32
        %rem3A_170 = arith.remsi %scan3A_141, %select_n3A_169 : i32
        %ne3A_171 = arith.constant 0 : i32
        %ne3A_172 = arith.cmpi ne, %rem3A_170, %ne3A_171 : i32
        %lt3A = arith.constant 0 : i32
        %lt3A_173 = arith.cmpi slt, %rem3A_170, %lt3A : i32
        %lt3A_174 = arith.constant 0 : i32
        %lt3A_175 = arith.cmpi slt, %select_n3A_169, %lt3A_174 : i32
        %ne3A_176 = arith.xori %lt3A_173, %lt3A_175 : i1
        %and3A_177 = arith.andi %ne3A_176, %ne3A_172 : i1
        %add3A_178 = arith.addi %rem3A_170, %select_n3A_169 : i32
        %select_n3A_179 = arith.select %and3A_177, %add3A_178, %rem3A_170 : i32
        %mul3A_180 = arith.constant 16 : i32
        %mul3A_181 = arith.muli %select_n3A_179, %mul3A_180 : i32
        %add3A_182 = arith.addi %mul3A_181, %scan3A_161 : i32
        %get3A = arith.index_cast %add3A_182 : i32 to index
        %get3A_183 = arith.constant 0 : index
        %get3A_184 = tpu.vector_load %arg17[%get3A, %get3A_183] {strides = array<i32>} : memref<64x64xf32, #tpu.memory_space<vmem>>, vector<16xf32>,
        %get3A_185 = arith.index_cast %add3A_182 : i32 to index
        %get3A_186 = arith.constant 16 : index
        %get3A_187 = tpu.vector_load %arg17[%get3A_185, %get3A_186] {strides = array<i32>} : memref<64x64xf32, #tpu.memory_space<vmem>>, vector<16xf32>,
        %get3A_188 = arith.index_cast %add3A_182 : i32 to index
        %get3A_189 = arith.constant 32 : index
        %get3A_190 = tpu.vector_load %arg17[%get3A_188, %get3A_189] {strides = array<i32>} : memref<64x64xf32, #tpu.memory_space<vmem>>, vector<16xf32>,
        %get3A_191 = arith.index_cast %add3A_182 : i32 to index
        %get3A_192 = arith.constant 48 : index
        %get3A_193 = tpu.vector_load %arg17[%get3A_191, %get3A_192] {strides = array<i32>} : memref<64x64xf32, #tpu.memory_space<vmem>>, vector<16xf32>,
        %max3A = arith.maximumf %get3A_184, %get3A_187 : vector<16xf32>
        %max3A_194 = arith.maximumf %get3A_190, %get3A_193 : vector<16xf32>
        %max3A_195 = arith.maximumf %max3A, %max3A_194 : vector<16xf32>
        %reduce_max3A = arith.constant true
        %reduce_max3A_196 = vector.broadcast %reduce_max3A : i1 to vector<16xi1>
        %reduce_max3A_197 = tpu.scan <max>, %max3A_195 masked %reduce_max3A_196 : vector<16xf32>, vector<16xi1> -> vector<16xf32>
        %reduce_max3A_198 = vector.extract %reduce_max3A_197[15] : f32 from vector<16xf32>
        %sub3A_199 = vector.broadcast %reduce_max3A_198 : f32 to vector<16xf32>
        %sub3A_200 = arith.subf %get3A_184, %sub3A_199 : vector<16xf32>
        %exp3A = math.exp %sub3A_200 : vector<16xf32>
        %sub3A_201 = vector.broadcast %reduce_max3A_198 : f32 to vector<16xf32>
        %sub3A_202 = arith.subf %get3A_187, %sub3A_201 : vector<16xf32>
        %exp3A_203 = math.exp %sub3A_202 : vector<16xf32>
        %sub3A_204 = vector.broadcast %reduce_max3A_198 : f32 to vector<16xf32>
        %sub3A_205 = arith.subf %get3A_190, %sub3A_204 : vector<16xf32>
        %exp3A_206 = math.exp %sub3A_205 : vector<16xf32>
        %sub3A_207 = vector.broadcast %reduce_max3A_198 : f32 to vector<16xf32>
        %sub3A_208 = arith.subf %get3A_193, %sub3A_207 : vector<16xf32>
        %exp3A_209 = math.exp %sub3A_208 : vector<16xf32>
        %add3A_210 = arith.addf %exp3A, %exp3A_203 : vector<16xf32>
        %add3A_211 = arith.addf %add3A_210, %exp3A_206 : vector<16xf32>
        %add3A_212 = arith.addf %add3A_211, %exp3A_209 : vector<16xf32>
        %reduce_sum3A = arith.constant true
        %reduce_sum3A_213 = vector.broadcast %reduce_sum3A : i1 to vector<16xi1>
        %reduce_sum3A_214 = tpu.scan <sum>, %add3A_212 masked %reduce_sum3A_213 : vector<16xf32>, vector<16xi1> -> vector<16xf32>
        %reduce_sum3A_215 = vector.extract %reduce_sum3A_214[15] : f32 from vector<16xf32>
        %eq3A_216 = vector.broadcast %reduce_max3A_198 : f32 to vector<16xf32>
        %eq3A_217 = arith.cmpf oeq, %get3A_184, %eq3A_216 : vector<16xf32>
        %add3A_218 = arith.constant 0 : i32
        %add3A_219 = vector.broadcast %add3A_218 : i32 to vector<16xi32>
        %add3A_220 = arith.addi %iota3A, %add3A_219 : vector<16xi32>
        %jit3A_221 = arith.constant 9999 : i32
        %broadcast_in_dim3A_222 = vector.broadcast %jit3A_221 : i32 to vector<16xi32>
        %select_n3A_223 = arith.select %eq3A_217, %add3A_220, %broadcast_in_dim3A_222 : vector<16xi1>, vector<16xi32>
        %eq3A_224 = vector.broadcast %reduce_max3A_198 : f32 to vector<16xf32>
        %eq3A_225 = arith.cmpf oeq, %get3A_187, %eq3A_224 : vector<16xf32>
        %add3A_226 = arith.constant 16 : i32
        %add3A_227 = vector.broadcast %add3A_226 : i32 to vector<16xi32>
        %add3A_228 = arith.addi %iota3A, %add3A_227 : vector<16xi32>
        %jit3A_229 = arith.constant 9999 : i32
        %broadcast_in_dim3A_230 = vector.broadcast %jit3A_229 : i32 to vector<16xi32>
        %select_n3A_231 = arith.select %eq3A_225, %add3A_228, %broadcast_in_dim3A_230 : vector<16xi1>, vector<16xi32>
        %eq3A_232 = vector.broadcast %reduce_max3A_198 : f32 to vector<16xf32>
        %eq3A_233 = arith.cmpf oeq, %get3A_190, %eq3A_232 : vector<16xf32>
        %add3A_234 = arith.constant 32 : i32
        %add3A_235 = vector.broadcast %add3A_234 : i32 to vector<16xi32>
        %add3A_236 = arith.addi %iota3A, %add3A_235 : vector<16xi32>
        %jit3A_237 = arith.constant 9999 : i32
        %broadcast_in_dim3A_238 = vector.broadcast %jit3A_237 : i32 to vector<16xi32>
        %select_n3A_239 = arith.select %eq3A_233, %add3A_236, %broadcast_in_dim3A_238 : vector<16xi1>, vector<16xi32>
        %eq3A_240 = vector.broadcast %reduce_max3A_198 : f32 to vector<16xf32>
        %eq3A_241 = arith.cmpf oeq, %get3A_193, %eq3A_240 : vector<16xf32>
        %add3A_242 = arith.constant 48 : i32
        %add3A_243 = vector.broadcast %add3A_242 : i32 to vector<16xi32>
        %add3A_244 = arith.addi %iota3A, %add3A_243 : vector<16xi32>
        %jit3A_245 = arith.constant 9999 : i32
        %broadcast_in_dim3A_246 = vector.broadcast %jit3A_245 : i32 to vector<16xi32>
        %select_n3A_247 = arith.select %eq3A_241, %add3A_244, %broadcast_in_dim3A_246 : vector<16xi1>, vector<16xi32>
        %min3A = arith.minsi %select_n3A_223, %select_n3A_231 : vector<16xi32>
        %min3A_248 = arith.minsi %select_n3A_239, %select_n3A_247 : vector<16xi32>
        %min3A_249 = arith.minsi %min3A, %min3A_248 : vector<16xi32>
        %reduce_min3A = arith.constant true
        %reduce_min3A_250 = vector.broadcast %reduce_min3A : i1 to vector<16xi1>
        %reduce_min3A_251 = arith.constant -2147483648 : i32
        %reduce_min3A_252 = vector.broadcast %reduce_min3A_251 : i32 to vector<16xi32>
        %reduce_min3A_253 = arith.xori %min3A_249, %reduce_min3A_252 : vector<16xi32>
        %reduce_min3A_254 = tpu.scan <min>, %reduce_min3A_253 masked %reduce_min3A_250 : vector<16xi32>, vector<16xi1> -> vector<16xi32>
        %reduce_min3A_255 = arith.xori %reduce_min3A_254, %reduce_min3A_252 : vector<16xi32>
        %reduce_min3A_256 = vector.extract %reduce_min3A_255[15] : i32 from vector<16xi32>
        %add3A_257 = arith.constant 0 : i32
        %add3A_258 = vector.broadcast %add3A_257 : i32 to vector<16xi32>
        %add3A_259 = arith.addi %iota3A, %add3A_258 : vector<16xi32>
        %eq3A_260 = vector.broadcast %reduce_min3A_256 : i32 to vector<16xi32>
        %eq3A_261 = arith.cmpi eq, %add3A_259, %eq3A_260 : vector<16xi32>
        %jit3A_262 = arith.constant -3.000000e+38 : f32
        %broadcast_in_dim3A_263 = vector.broadcast %jit3A_262 : f32 to vector<16xf32>
        %select_n3A_264 = arith.select %eq3A_261, %broadcast_in_dim3A_263, %get3A_184 : vector<16xi1>, vector<16xf32>
        %add3A_265 = arith.constant 16 : i32
        %add3A_266 = vector.broadcast %add3A_265 : i32 to vector<16xi32>
        %add3A_267 = arith.addi %iota3A, %add3A_266 : vector<16xi32>
        %eq3A_268 = vector.broadcast %reduce_min3A_256 : i32 to vector<16xi32>
        %eq3A_269 = arith.cmpi eq, %add3A_267, %eq3A_268 : vector<16xi32>
        %jit3A_270 = arith.constant -3.000000e+38 : f32
        %broadcast_in_dim3A_271 = vector.broadcast %jit3A_270 : f32 to vector<16xf32>
        %select_n3A_272 = arith.select %eq3A_269, %broadcast_in_dim3A_271, %get3A_187 : vector<16xi1>, vector<16xf32>
        %add3A_273 = arith.constant 32 : i32
        %add3A_274 = vector.broadcast %add3A_273 : i32 to vector<16xi32>
        %add3A_275 = arith.addi %iota3A, %add3A_274 : vector<16xi32>
        %eq3A_276 = vector.broadcast %reduce_min3A_256 : i32 to vector<16xi32>
        %eq3A_277 = arith.cmpi eq, %add3A_275, %eq3A_276 : vector<16xi32>
        %jit3A_278 = arith.constant -3.000000e+38 : f32
        %broadcast_in_dim3A_279 = vector.broadcast %jit3A_278 : f32 to vector<16xf32>
        %select_n3A_280 = arith.select %eq3A_277, %broadcast_in_dim3A_279, %get3A_190 : vector<16xi1>, vector<16xf32>
        %add3A_281 = arith.constant 48 : i32
        %add3A_282 = vector.broadcast %add3A_281 : i32 to vector<16xi32>
        %add3A_283 = arith.addi %iota3A, %add3A_282 : vector<16xi32>
        %eq3A_284 = vector.broadcast %reduce_min3A_256 : i32 to vector<16xi32>
        %eq3A_285 = arith.cmpi eq, %add3A_283, %eq3A_284 : vector<16xi32>
        %jit3A_286 = arith.constant -3.000000e+38 : f32
        %broadcast_in_dim3A_287 = vector.broadcast %jit3A_286 : f32 to vector<16xf32>
        %select_n3A_288 = arith.select %eq3A_285, %broadcast_in_dim3A_287, %get3A_193 : vector<16xi1>, vector<16xf32>
        %max3A_289 = arith.maximumf %select_n3A_264, %select_n3A_272 : vector<16xf32>
        %max3A_290 = arith.maximumf %select_n3A_280, %select_n3A_288 : vector<16xf32>
        %max3A_291 = arith.maximumf %max3A_289, %max3A_290 : vector<16xf32>
        %reduce_max3A_292 = arith.constant true
        %reduce_max3A_293 = vector.broadcast %reduce_max3A_292 : i1 to vector<16xi1>
        %reduce_max3A_294 = tpu.scan <max>, %max3A_291 masked %reduce_max3A_293 : vector<16xf32>, vector<16xi1> -> vector<16xf32>
        %reduce_max3A_295 = vector.extract %reduce_max3A_294[15] : f32 from vector<16xf32>
        %eq3A_296 = vector.broadcast %reduce_max3A_295 : f32 to vector<16xf32>
        %eq3A_297 = arith.cmpf oeq, %select_n3A_264, %eq3A_296 : vector<16xf32>
        %add3A_298 = arith.constant 0 : i32
        %add3A_299 = vector.broadcast %add3A_298 : i32 to vector<16xi32>
        %add3A_300 = arith.addi %iota3A, %add3A_299 : vector<16xi32>
        %jit3A_301 = arith.constant 9999 : i32
        %broadcast_in_dim3A_302 = vector.broadcast %jit3A_301 : i32 to vector<16xi32>
        %select_n3A_303 = arith.select %eq3A_297, %add3A_300, %broadcast_in_dim3A_302 : vector<16xi1>, vector<16xi32>
        %eq3A_304 = vector.broadcast %reduce_max3A_295 : f32 to vector<16xf32>
        %eq3A_305 = arith.cmpf oeq, %select_n3A_272, %eq3A_304 : vector<16xf32>
        %add3A_306 = arith.constant 16 : i32
        %add3A_307 = vector.broadcast %add3A_306 : i32 to vector<16xi32>
        %add3A_308 = arith.addi %iota3A, %add3A_307 : vector<16xi32>
        %jit3A_309 = arith.constant 9999 : i32
        %broadcast_in_dim3A_310 = vector.broadcast %jit3A_309 : i32 to vector<16xi32>
        %select_n3A_311 = arith.select %eq3A_305, %add3A_308, %broadcast_in_dim3A_310 : vector<16xi1>, vector<16xi32>
        %eq3A_312 = vector.broadcast %reduce_max3A_295 : f32 to vector<16xf32>
        %eq3A_313 = arith.cmpf oeq, %select_n3A_280, %eq3A_312 : vector<16xf32>
        %add3A_314 = arith.constant 32 : i32
        %add3A_315 = vector.broadcast %add3A_314 : i32 to vector<16xi32>
        %add3A_316 = arith.addi %iota3A, %add3A_315 : vector<16xi32>
        %jit3A_317 = arith.constant 9999 : i32
        %broadcast_in_dim3A_318 = vector.broadcast %jit3A_317 : i32 to vector<16xi32>
        %select_n3A_319 = arith.select %eq3A_313, %add3A_316, %broadcast_in_dim3A_318 : vector<16xi1>, vector<16xi32>
        %eq3A_320 = vector.broadcast %reduce_max3A_295 : f32 to vector<16xf32>
        %eq3A_321 = arith.cmpf oeq, %select_n3A_288, %eq3A_320 : vector<16xf32>
        %add3A_322 = arith.constant 48 : i32
        %add3A_323 = vector.broadcast %add3A_322 : i32 to vector<16xi32>
        %add3A_324 = arith.addi %iota3A, %add3A_323 : vector<16xi32>
        %jit3A_325 = arith.constant 9999 : i32
        %broadcast_in_dim3A_326 = vector.broadcast %jit3A_325 : i32 to vector<16xi32>
        %select_n3A_327 = arith.select %eq3A_321, %add3A_324, %broadcast_in_dim3A_326 : vector<16xi1>, vector<16xi32>
        %min3A_328 = arith.minsi %select_n3A_303, %select_n3A_311 : vector<16xi32>
        %min3A_329 = arith.minsi %select_n3A_319, %select_n3A_327 : vector<16xi32>
        %min3A_330 = arith.minsi %min3A_328, %min3A_329 : vector<16xi32>
        %reduce_min3A_331 = arith.constant true
        %reduce_min3A_332 = vector.broadcast %reduce_min3A_331 : i1 to vector<16xi1>
        %reduce_min3A_333 = arith.constant -2147483648 : i32
        %reduce_min3A_334 = vector.broadcast %reduce_min3A_333 : i32 to vector<16xi32>
        %reduce_min3A_335 = arith.xori %min3A_330, %reduce_min3A_334 : vector<16xi32>
        %reduce_min3A_336 = tpu.scan <min>, %reduce_min3A_335 masked %reduce_min3A_332 : vector<16xi32>, vector<16xi1> -> vector<16xi32>
        %reduce_min3A_337 = arith.xori %reduce_min3A_336, %reduce_min3A_334 : vector<16xi32>
        %reduce_min3A_338 = vector.extract %reduce_min3A_337[15] : i32 from vector<16xi32>
        %eq3A_339 = vector.broadcast %scan3A_161 : i32 to vector<16xi32>
        %eq3A_340 = arith.cmpi eq, %iota3A, %eq3A_339 : vector<16xi32>
        %broadcast_in_dim3A_341 = vector.broadcast %reduce_min3A_256 : i32 to vector<16xi32>
        %select_n3A_342 = arith.select %eq3A_340, %broadcast_in_dim3A_341, %scan3A_162 : vector<16xi1>, vector<16xi32>
        %broadcast_in_dim3A_343 = vector.broadcast %reduce_min3A_338 : i32 to vector<16xi32>
        %select_n3A_344 = arith.select %eq3A_340, %broadcast_in_dim3A_343, %scan3A_163 : vector<16xi1>, vector<16xi32>
        %broadcast_in_dim3A_345 = vector.broadcast %reduce_sum3A_215 : f32 to vector<16xf32>
        %select_n3A_346 = arith.select %eq3A_340, %broadcast_in_dim3A_345, %scan3A_164 : vector<16xi1>, vector<16xf32>
        scf.yield %select_n3A_342, %select_n3A_344, %select_n3A_346, %scan3A_162 : vector<16xi32>, vector<16xi32>, vector<16xf32>, vector<16xi32>
      }
      %scan3A_148 = arith.constant 16 : i32
      %swap3A = arith.index_cast %scan3A_141 : i32 to index
      %swap3A_149 = arith.constant 0 : index
      %swap3A_150 = tpu.vector_load %arg9[%swap3A, %swap3A_149] {strides = array<i32>} : memref<8x16xi32, #tpu.memory_space<vmem>>, vector<16xi32>,
      tpu.vector_store %arg9[%swap3A, %swap3A_149], %scan3A_147#0 {strides = array<i32>} : memref<8x16xi32, #tpu.memory_space<vmem>>, vector<16xi32>,
      %swap3A_151 = arith.index_cast %scan3A_141 : i32 to index
      %swap3A_152 = arith.constant 0 : index
      %swap3A_153 = tpu.vector_load %arg12[%swap3A_151, %swap3A_152] {strides = array<i32>} : memref<8x16xi32, #tpu.memory_space<vmem>>, vector<16xi32>,
      tpu.vector_store %arg12[%swap3A_151, %swap3A_152], %scan3A_147#1 {strides = array<i32>} : memref<8x16xi32, #tpu.memory_space<vmem>>, vector<16xi32>,
      %div3A_154 = arith.constant 1.000000e+00 : f32
      %div3A_155 = vector.broadcast %div3A_154 : f32 to vector<16xf32>
      %div3A_156 = arith.divf %div3A_155, %scan3A_147#2 : vector<16xf32>
      %swap3A_157 = arith.index_cast %scan3A_141 : i32 to index
      %swap3A_158 = arith.constant 0 : index
      %swap3A_159 = tpu.vector_load %arg15[%swap3A_157, %swap3A_158] {strides = array<i32>} : memref<8x16xf32, #tpu.memory_space<vmem>>, vector<16xf32>,
      tpu.vector_store %arg15[%swap3A_157, %swap3A_158], %div3A_156 {strides = array<i32>} : memref<8x16xf32, #tpu.memory_space<vmem>>, vector<16xf32>,
      %scan3A_160 = arith.constant 0 : i32
      scf.yield %scan3A_160 : i32
    }
    %scan3A_20 = arith.constant 4 : i32
    %add3A_21 = arith.constant 64 : i32
    %add3A_22 = arith.addi %mul3A_11, %add3A_21 : i32
    "tpu.region"() ({
      %run_scoped3A = tpu.sem_alloc : memref<!tpu.dma_semaphore, #tpu.memory_space<semaphore_mem>>
      %dma_start3A = arith.constant 0 : i32
      %dma_start3A_141 = tpu.memref_slice %arg2[%add3A_22, %dma_start3A] : memref<2048x64xf32, #tpu.memory_space<hbm>> -> memref<64x64xf32, #tpu.memory_space<hbm>>
      %dma_start3A_142 = arith.constant 0 : i32
      %dma_start3A_143 = tpu.memref_slice %arg2[%add3A_22, %dma_start3A_142] : memref<2048x64xf32, #tpu.memory_space<hbm>> -> memref<64x64xf32, #tpu.memory_space<hbm>>
      tpu.enqueue_dma source(%dma_start3A_143 : memref<64x64xf32, #tpu.memory_space<hbm>>) target(%arg17 : memref<64x64xf32, #tpu.memory_space<vmem>>) target_semaphore(%run_scoped3A : memref<!tpu.dma_semaphore, #tpu.memory_space<semaphore_mem>>)
      %dma_wait3A = arith.constant 0 : i32
      %dma_wait3A_144 = tpu.memref_slice %arg2[%add3A_22, %dma_wait3A] : memref<2048x64xf32, #tpu.memory_space<hbm>> -> memref<64x64xf32, #tpu.memory_space<hbm>>
      %dma_wait3A_145 = arith.constant 0 : i32
      %dma_wait3A_146 = tpu.memref_slice %arg2[%add3A_22, %dma_wait3A_145] : memref<2048x64xf32, #tpu.memory_space<hbm>> -> memref<64x64xf32, #tpu.memory_space<hbm>>
      tpu.wait_dma2 semaphore(%run_scoped3A : memref<!tpu.dma_semaphore, #tpu.memory_space<semaphore_mem>>) src(%dma_wait3A_146 : memref<64x64xf32, #tpu.memory_space<hbm>>) dst(%arg17 : memref<64x64xf32, #tpu.memory_space<vmem>>)
      tpu.yield
    }) : () -> ()
    %scan3A_23 = arith.constant 0 : i32
    %scan3A_24 = arith.constant 4 : i32
    %scan3A_25 = arith.constant 4 : i32
    %scan3A_26 = arith.addi %scan3A_24, %scan3A_25 : i32
    %scan3A_27 = arith.constant 1 : i32
    %scan3A_28 = scf.for %scan3A_141 = %scan3A_24 to %scan3A_26 step %scan3A_27 iter_args(%scan3A_142 = %scan3A_23) -> (i32)  : i32 {
      %scan3A_143 = arith.constant 0 : i32
      %scan3A_144 = arith.constant 16 : i32
      %scan3A_145 = arith.addi %scan3A_143, %scan3A_144 : i32
      %scan3A_146 = arith.constant 1 : i32
      %scan3A_147:4 = scf.for %scan3A_161 = %scan3A_143 to %scan3A_145 step %scan3A_146 iter_args(%scan3A_162 = %broadcast_in_dim3A_3, %scan3A_163 = %broadcast_in_dim3A_3, %scan3A_164 = %broadcast_in_dim3A_1, %scan3A_165 = %broadcast_in_dim3A_3) -> (vector<16xi32>, vector<16xi32>, vector<16xf32>, vector<16xi32>)  : i32 {
        %jit3A_166 = arith.constant 4 : i32
        %eq3A = arith.constant 0 : i32
        %eq3A_167 = arith.cmpi eq, %jit3A_166, %eq3A : i32
        %jit3A_168 = arith.constant 1 : i32
        %select_n3A_169 = arith.select %eq3A_167, %jit3A_168, %jit3A_166 : i32
        %rem3A_170 = arith.remsi %scan3A_141, %select_n3A_169 : i32
        %ne3A_171 = arith.constant 0 : i32
        %ne3A_172 = arith.cmpi ne, %rem3A_170, %ne3A_171 : i32
        %lt3A = arith.constant 0 : i32
        %lt3A_173 = arith.cmpi slt, %rem3A_170, %lt3A : i32
        %lt3A_174 = arith.constant 0 : i32
        %lt3A_175 = arith.cmpi slt, %select_n3A_169, %lt3A_174 : i32
        %ne3A_176 = arith.xori %lt3A_173, %lt3A_175 : i1
        %and3A_177 = arith.andi %ne3A_176, %ne3A_172 : i1
        %add3A_178 = arith.addi %rem3A_170, %select_n3A_169 : i32
        %select_n3A_179 = arith.select %and3A_177, %add3A_178, %rem3A_170 : i32
        %mul3A_180 = arith.constant 16 : i32
        %mul3A_181 = arith.muli %select_n3A_179, %mul3A_180 : i32
        %add3A_182 = arith.addi %mul3A_181, %scan3A_161 : i32
        %get3A = arith.index_cast %add3A_182 : i32 to index
        %get3A_183 = arith.constant 0 : index
        %get3A_184 = tpu.vector_load %arg17[%get3A, %get3A_183] {strides = array<i32>} : memref<64x64xf32, #tpu.memory_space<vmem>>, vector<16xf32>,
        %get3A_185 = arith.index_cast %add3A_182 : i32 to index
        %get3A_186 = arith.constant 16 : index
        %get3A_187 = tpu.vector_load %arg17[%get3A_185, %get3A_186] {strides = array<i32>} : memref<64x64xf32, #tpu.memory_space<vmem>>, vector<16xf32>,
        %get3A_188 = arith.index_cast %add3A_182 : i32 to index
        %get3A_189 = arith.constant 32 : index
        %get3A_190 = tpu.vector_load %arg17[%get3A_188, %get3A_189] {strides = array<i32>} : memref<64x64xf32, #tpu.memory_space<vmem>>, vector<16xf32>,
        %get3A_191 = arith.index_cast %add3A_182 : i32 to index
        %get3A_192 = arith.constant 48 : index
        %get3A_193 = tpu.vector_load %arg17[%get3A_191, %get3A_192] {strides = array<i32>} : memref<64x64xf32, #tpu.memory_space<vmem>>, vector<16xf32>,
        %max3A = arith.maximumf %get3A_184, %get3A_187 : vector<16xf32>
        %max3A_194 = arith.maximumf %get3A_190, %get3A_193 : vector<16xf32>
        %max3A_195 = arith.maximumf %max3A, %max3A_194 : vector<16xf32>
        %reduce_max3A = arith.constant true
        %reduce_max3A_196 = vector.broadcast %reduce_max3A : i1 to vector<16xi1>
        %reduce_max3A_197 = tpu.scan <max>, %max3A_195 masked %reduce_max3A_196 : vector<16xf32>, vector<16xi1> -> vector<16xf32>
        %reduce_max3A_198 = vector.extract %reduce_max3A_197[15] : f32 from vector<16xf32>
        %sub3A_199 = vector.broadcast %reduce_max3A_198 : f32 to vector<16xf32>
        %sub3A_200 = arith.subf %get3A_184, %sub3A_199 : vector<16xf32>
        %exp3A = math.exp %sub3A_200 : vector<16xf32>
        %sub3A_201 = vector.broadcast %reduce_max3A_198 : f32 to vector<16xf32>
        %sub3A_202 = arith.subf %get3A_187, %sub3A_201 : vector<16xf32>
        %exp3A_203 = math.exp %sub3A_202 : vector<16xf32>
        %sub3A_204 = vector.broadcast %reduce_max3A_198 : f32 to vector<16xf32>
        %sub3A_205 = arith.subf %get3A_190, %sub3A_204 : vector<16xf32>
        %exp3A_206 = math.exp %sub3A_205 : vector<16xf32>
        %sub3A_207 = vector.broadcast %reduce_max3A_198 : f32 to vector<16xf32>
        %sub3A_208 = arith.subf %get3A_193, %sub3A_207 : vector<16xf32>
        %exp3A_209 = math.exp %sub3A_208 : vector<16xf32>
        %add3A_210 = arith.addf %exp3A, %exp3A_203 : vector<16xf32>
        %add3A_211 = arith.addf %add3A_210, %exp3A_206 : vector<16xf32>
        %add3A_212 = arith.addf %add3A_211, %exp3A_209 : vector<16xf32>
        %reduce_sum3A = arith.constant true
        %reduce_sum3A_213 = vector.broadcast %reduce_sum3A : i1 to vector<16xi1>
        %reduce_sum3A_214 = tpu.scan <sum>, %add3A_212 masked %reduce_sum3A_213 : vector<16xf32>, vector<16xi1> -> vector<16xf32>
        %reduce_sum3A_215 = vector.extract %reduce_sum3A_214[15] : f32 from vector<16xf32>
        %eq3A_216 = vector.broadcast %reduce_max3A_198 : f32 to vector<16xf32>
        %eq3A_217 = arith.cmpf oeq, %get3A_184, %eq3A_216 : vector<16xf32>
        %add3A_218 = arith.constant 0 : i32
        %add3A_219 = vector.broadcast %add3A_218 : i32 to vector<16xi32>
        %add3A_220 = arith.addi %iota3A, %add3A_219 : vector<16xi32>
        %jit3A_221 = arith.constant 9999 : i32
        %broadcast_in_dim3A_222 = vector.broadcast %jit3A_221 : i32 to vector<16xi32>
        %select_n3A_223 = arith.select %eq3A_217, %add3A_220, %broadcast_in_dim3A_222 : vector<16xi1>, vector<16xi32>
        %eq3A_224 = vector.broadcast %reduce_max3A_198 : f32 to vector<16xf32>
        %eq3A_225 = arith.cmpf oeq, %get3A_187, %eq3A_224 : vector<16xf32>
        %add3A_226 = arith.constant 16 : i32
        %add3A_227 = vector.broadcast %add3A_226 : i32 to vector<16xi32>
        %add3A_228 = arith.addi %iota3A, %add3A_227 : vector<16xi32>
        %jit3A_229 = arith.constant 9999 : i32
        %broadcast_in_dim3A_230 = vector.broadcast %jit3A_229 : i32 to vector<16xi32>
        %select_n3A_231 = arith.select %eq3A_225, %add3A_228, %broadcast_in_dim3A_230 : vector<16xi1>, vector<16xi32>
        %eq3A_232 = vector.broadcast %reduce_max3A_198 : f32 to vector<16xf32>
        %eq3A_233 = arith.cmpf oeq, %get3A_190, %eq3A_232 : vector<16xf32>
        %add3A_234 = arith.constant 32 : i32
        %add3A_235 = vector.broadcast %add3A_234 : i32 to vector<16xi32>
        %add3A_236 = arith.addi %iota3A, %add3A_235 : vector<16xi32>
        %jit3A_237 = arith.constant 9999 : i32
        %broadcast_in_dim3A_238 = vector.broadcast %jit3A_237 : i32 to vector<16xi32>
        %select_n3A_239 = arith.select %eq3A_233, %add3A_236, %broadcast_in_dim3A_238 : vector<16xi1>, vector<16xi32>
        %eq3A_240 = vector.broadcast %reduce_max3A_198 : f32 to vector<16xf32>
        %eq3A_241 = arith.cmpf oeq, %get3A_193, %eq3A_240 : vector<16xf32>
        %add3A_242 = arith.constant 48 : i32
        %add3A_243 = vector.broadcast %add3A_242 : i32 to vector<16xi32>
        %add3A_244 = arith.addi %iota3A, %add3A_243 : vector<16xi32>
        %jit3A_245 = arith.constant 9999 : i32
        %broadcast_in_dim3A_246 = vector.broadcast %jit3A_245 : i32 to vector<16xi32>
        %select_n3A_247 = arith.select %eq3A_241, %add3A_244, %broadcast_in_dim3A_246 : vector<16xi1>, vector<16xi32>
        %min3A = arith.minsi %select_n3A_223, %select_n3A_231 : vector<16xi32>
        %min3A_248 = arith.minsi %select_n3A_239, %select_n3A_247 : vector<16xi32>
        %min3A_249 = arith.minsi %min3A, %min3A_248 : vector<16xi32>
        %reduce_min3A = arith.constant true
        %reduce_min3A_250 = vector.broadcast %reduce_min3A : i1 to vector<16xi1>
        %reduce_min3A_251 = arith.constant -2147483648 : i32
        %reduce_min3A_252 = vector.broadcast %reduce_min3A_251 : i32 to vector<16xi32>
        %reduce_min3A_253 = arith.xori %min3A_249, %reduce_min3A_252 : vector<16xi32>
        %reduce_min3A_254 = tpu.scan <min>, %reduce_min3A_253 masked %reduce_min3A_250 : vector<16xi32>, vector<16xi1> -> vector<16xi32>
        %reduce_min3A_255 = arith.xori %reduce_min3A_254, %reduce_min3A_252 : vector<16xi32>
        %reduce_min3A_256 = vector.extract %reduce_min3A_255[15] : i32 from vector<16xi32>
        %add3A_257 = arith.constant 0 : i32
        %add3A_258 = vector.broadcast %add3A_257 : i32 to vector<16xi32>
        %add3A_259 = arith.addi %iota3A, %add3A_258 : vector<16xi32>
        %eq3A_260 = vector.broadcast %reduce_min3A_256 : i32 to vector<16xi32>
        %eq3A_261 = arith.cmpi eq, %add3A_259, %eq3A_260 : vector<16xi32>
        %jit3A_262 = arith.constant -3.000000e+38 : f32
        %broadcast_in_dim3A_263 = vector.broadcast %jit3A_262 : f32 to vector<16xf32>
        %select_n3A_264 = arith.select %eq3A_261, %broadcast_in_dim3A_263, %get3A_184 : vector<16xi1>, vector<16xf32>
        %add3A_265 = arith.constant 16 : i32
        %add3A_266 = vector.broadcast %add3A_265 : i32 to vector<16xi32>
        %add3A_267 = arith.addi %iota3A, %add3A_266 : vector<16xi32>
        %eq3A_268 = vector.broadcast %reduce_min3A_256 : i32 to vector<16xi32>
        %eq3A_269 = arith.cmpi eq, %add3A_267, %eq3A_268 : vector<16xi32>
        %jit3A_270 = arith.constant -3.000000e+38 : f32
        %broadcast_in_dim3A_271 = vector.broadcast %jit3A_270 : f32 to vector<16xf32>
        %select_n3A_272 = arith.select %eq3A_269, %broadcast_in_dim3A_271, %get3A_187 : vector<16xi1>, vector<16xf32>
        %add3A_273 = arith.constant 32 : i32
        %add3A_274 = vector.broadcast %add3A_273 : i32 to vector<16xi32>
        %add3A_275 = arith.addi %iota3A, %add3A_274 : vector<16xi32>
        %eq3A_276 = vector.broadcast %reduce_min3A_256 : i32 to vector<16xi32>
        %eq3A_277 = arith.cmpi eq, %add3A_275, %eq3A_276 : vector<16xi32>
        %jit3A_278 = arith.constant -3.000000e+38 : f32
        %broadcast_in_dim3A_279 = vector.broadcast %jit3A_278 : f32 to vector<16xf32>
        %select_n3A_280 = arith.select %eq3A_277, %broadcast_in_dim3A_279, %get3A_190 : vector<16xi1>, vector<16xf32>
        %add3A_281 = arith.constant 48 : i32
        %add3A_282 = vector.broadcast %add3A_281 : i32 to vector<16xi32>
        %add3A_283 = arith.addi %iota3A, %add3A_282 : vector<16xi32>
        %eq3A_284 = vector.broadcast %reduce_min3A_256 : i32 to vector<16xi32>
        %eq3A_285 = arith.cmpi eq, %add3A_283, %eq3A_284 : vector<16xi32>
        %jit3A_286 = arith.constant -3.000000e+38 : f32
        %broadcast_in_dim3A_287 = vector.broadcast %jit3A_286 : f32 to vector<16xf32>
        %select_n3A_288 = arith.select %eq3A_285, %broadcast_in_dim3A_287, %get3A_193 : vector<16xi1>, vector<16xf32>
        %max3A_289 = arith.maximumf %select_n3A_264, %select_n3A_272 : vector<16xf32>
        %max3A_290 = arith.maximumf %select_n3A_280, %select_n3A_288 : vector<16xf32>
        %max3A_291 = arith.maximumf %max3A_289, %max3A_290 : vector<16xf32>
        %reduce_max3A_292 = arith.constant true
        %reduce_max3A_293 = vector.broadcast %reduce_max3A_292 : i1 to vector<16xi1>
        %reduce_max3A_294 = tpu.scan <max>, %max3A_291 masked %reduce_max3A_293 : vector<16xf32>, vector<16xi1> -> vector<16xf32>
        %reduce_max3A_295 = vector.extract %reduce_max3A_294[15] : f32 from vector<16xf32>
        %eq3A_296 = vector.broadcast %reduce_max3A_295 : f32 to vector<16xf32>
        %eq3A_297 = arith.cmpf oeq, %select_n3A_264, %eq3A_296 : vector<16xf32>
        %add3A_298 = arith.constant 0 : i32
        %add3A_299 = vector.broadcast %add3A_298 : i32 to vector<16xi32>
        %add3A_300 = arith.addi %iota3A, %add3A_299 : vector<16xi32>
        %jit3A_301 = arith.constant 9999 : i32
        %broadcast_in_dim3A_302 = vector.broadcast %jit3A_301 : i32 to vector<16xi32>
        %select_n3A_303 = arith.select %eq3A_297, %add3A_300, %broadcast_in_dim3A_302 : vector<16xi1>, vector<16xi32>
        %eq3A_304 = vector.broadcast %reduce_max3A_295 : f32 to vector<16xf32>
        %eq3A_305 = arith.cmpf oeq, %select_n3A_272, %eq3A_304 : vector<16xf32>
        %add3A_306 = arith.constant 16 : i32
        %add3A_307 = vector.broadcast %add3A_306 : i32 to vector<16xi32>
        %add3A_308 = arith.addi %iota3A, %add3A_307 : vector<16xi32>
        %jit3A_309 = arith.constant 9999 : i32
        %broadcast_in_dim3A_310 = vector.broadcast %jit3A_309 : i32 to vector<16xi32>
        %select_n3A_311 = arith.select %eq3A_305, %add3A_308, %broadcast_in_dim3A_310 : vector<16xi1>, vector<16xi32>
        %eq3A_312 = vector.broadcast %reduce_max3A_295 : f32 to vector<16xf32>
        %eq3A_313 = arith.cmpf oeq, %select_n3A_280, %eq3A_312 : vector<16xf32>
        %add3A_314 = arith.constant 32 : i32
        %add3A_315 = vector.broadcast %add3A_314 : i32 to vector<16xi32>
        %add3A_316 = arith.addi %iota3A, %add3A_315 : vector<16xi32>
        %jit3A_317 = arith.constant 9999 : i32
        %broadcast_in_dim3A_318 = vector.broadcast %jit3A_317 : i32 to vector<16xi32>
        %select_n3A_319 = arith.select %eq3A_313, %add3A_316, %broadcast_in_dim3A_318 : vector<16xi1>, vector<16xi32>
        %eq3A_320 = vector.broadcast %reduce_max3A_295 : f32 to vector<16xf32>
        %eq3A_321 = arith.cmpf oeq, %select_n3A_288, %eq3A_320 : vector<16xf32>
        %add3A_322 = arith.constant 48 : i32
        %add3A_323 = vector.broadcast %add3A_322 : i32 to vector<16xi32>
        %add3A_324 = arith.addi %iota3A, %add3A_323 : vector<16xi32>
        %jit3A_325 = arith.constant 9999 : i32
        %broadcast_in_dim3A_326 = vector.broadcast %jit3A_325 : i32 to vector<16xi32>
        %select_n3A_327 = arith.select %eq3A_321, %add3A_324, %broadcast_in_dim3A_326 : vector<16xi1>, vector<16xi32>
        %min3A_328 = arith.minsi %select_n3A_303, %select_n3A_311 : vector<16xi32>
        %min3A_329 = arith.minsi %select_n3A_319, %select_n3A_327 : vector<16xi32>
        %min3A_330 = arith.minsi %min3A_328, %min3A_329 : vector<16xi32>
        %reduce_min3A_331 = arith.constant true
        %reduce_min3A_332 = vector.broadcast %reduce_min3A_331 : i1 to vector<16xi1>
        %reduce_min3A_333 = arith.constant -2147483648 : i32
        %reduce_min3A_334 = vector.broadcast %reduce_min3A_333 : i32 to vector<16xi32>
        %reduce_min3A_335 = arith.xori %min3A_330, %reduce_min3A_334 : vector<16xi32>
        %reduce_min3A_336 = tpu.scan <min>, %reduce_min3A_335 masked %reduce_min3A_332 : vector<16xi32>, vector<16xi1> -> vector<16xi32>
        %reduce_min3A_337 = arith.xori %reduce_min3A_336, %reduce_min3A_334 : vector<16xi32>
        %reduce_min3A_338 = vector.extract %reduce_min3A_337[15] : i32 from vector<16xi32>
        %eq3A_339 = vector.broadcast %scan3A_161 : i32 to vector<16xi32>
        %eq3A_340 = arith.cmpi eq, %iota3A, %eq3A_339 : vector<16xi32>
        %broadcast_in_dim3A_341 = vector.broadcast %reduce_min3A_256 : i32 to vector<16xi32>
        %select_n3A_342 = arith.select %eq3A_340, %broadcast_in_dim3A_341, %scan3A_162 : vector<16xi1>, vector<16xi32>
        %broadcast_in_dim3A_343 = vector.broadcast %reduce_min3A_338 : i32 to vector<16xi32>
        %select_n3A_344 = arith.select %eq3A_340, %broadcast_in_dim3A_343, %scan3A_163 : vector<16xi1>, vector<16xi32>
        %broadcast_in_dim3A_345 = vector.broadcast %reduce_sum3A_215 : f32 to vector<16xf32>
        %select_n3A_346 = arith.select %eq3A_340, %broadcast_in_dim3A_345, %scan3A_164 : vector<16xi1>, vector<16xf32>
        scf.yield %select_n3A_342, %select_n3A_344, %select_n3A_346, %scan3A_162 : vector<16xi32>, vector<16xi32>, vector<16xf32>, vector<16xi32>
      }
      %scan3A_148 = arith.constant 16 : i32
      %swap3A = arith.index_cast %scan3A_141 : i32 to index
      %swap3A_149 = arith.constant 0 : index
      %swap3A_150 = tpu.vector_load %arg9[%swap3A, %swap3A_149] {strides = array<i32>} : memref<8x16xi32, #tpu.memory_space<vmem>>, vector<16xi32>,
      tpu.vector_store %arg9[%swap3A, %swap3A_149], %scan3A_147#0 {strides = array<i32>} : memref<8x16xi32, #tpu.memory_space<vmem>>, vector<16xi32>,
      %swap3A_151 = arith.index_cast %scan3A_141 : i32 to index
      %swap3A_152 = arith.constant 0 : index
      %swap3A_153 = tpu.vector_load %arg12[%swap3A_151, %swap3A_152] {strides = array<i32>} : memref<8x16xi32, #tpu.memory_space<vmem>>, vector<16xi32>,
      tpu.vector_store %arg12[%swap3A_151, %swap3A_152], %scan3A_147#1 {strides = array<i32>} : memref<8x16xi32, #tpu.memory_space<vmem>>, vector<16xi32>,
      %div3A_154 = arith.constant 1.000000e+00 : f32
      %div3A_155 = vector.broadcast %div3A_154 : f32 to vector<16xf32>
      %div3A_156 = arith.divf %div3A_155, %scan3A_147#2 : vector<16xf32>
      %swap3A_157 = arith.index_cast %scan3A_141 : i32 to index
      %swap3A_158 = arith.constant 0 : index
      %swap3A_159 = tpu.vector_load %arg15[%swap3A_157, %swap3A_158] {strides = array<i32>} : memref<8x16xf32, #tpu.memory_space<vmem>>, vector<16xf32>,
      tpu.vector_store %arg15[%swap3A_157, %swap3A_158], %div3A_156 {strides = array<i32>} : memref<8x16xf32, #tpu.memory_space<vmem>>, vector<16xf32>,
      %scan3A_160 = arith.constant 0 : i32
      scf.yield %scan3A_160 : i32
    }
    %scan3A_29 = arith.constant 4 : i32
    %jit3A = arith.constant 16 : i32
    %div3A = arith.divsi %mul3A_11, %jit3A : i32
    %sign3A = arith.constant 0 : i32
    %sign3A_30 = arith.cmpi sgt, %mul3A_11, %sign3A : i32
    %sign3A_31 = arith.extui %sign3A_30 : i1 to i32
    %sign3A_32 = arith.constant 0 : i32
    %sign3A_33 = arith.cmpi slt, %mul3A_11, %sign3A_32 : i32
    %sign3A_34 = arith.extui %sign3A_33 : i1 to i32
    %sign3A_35 = arith.subi %sign3A_31, %sign3A_34 : i32
    %sign3A_36 = arith.constant 0 : i32
    %sign3A_37 = arith.cmpi sgt, %jit3A, %sign3A_36 : i32
    %sign3A_38 = arith.extui %sign3A_37 : i1 to i32
    %sign3A_39 = arith.constant 0 : i32
    %sign3A_40 = arith.cmpi slt, %jit3A, %sign3A_39 : i32
    %sign3A_41 = arith.extui %sign3A_40 : i1 to i32
    %sign3A_42 = arith.subi %sign3A_38, %sign3A_41 : i32
    %ne3A = arith.cmpi ne, %sign3A_35, %sign3A_42 : i32
    %rem3A = arith.remsi %mul3A_11, %jit3A : i32
    %ne3A_43 = arith.constant 0 : i32
    %ne3A_44 = arith.cmpi ne, %rem3A, %ne3A_43 : i32
    %and3A = arith.andi %ne3A, %ne3A_44 : i1
    %sub3A = arith.constant 1 : i32
    %sub3A_45 = arith.subi %div3A, %sub3A : i32
    %select_n3A = arith.select %and3A, %sub3A_45, %div3A : i32
    %multiple_of3A = tpu.assume_multiple %select_n3A, 8 : i32
    "tpu.region"() ({
      %run_scoped3A = tpu.sem_alloc : memref<!tpu.dma_semaphore, #tpu.memory_space<semaphore_mem>>
      %dma_start3A = arith.constant 0 : i32
      %dma_start3A_141 = tpu.memref_slice %arg10[%multiple_of3A, %dma_start3A] : memref<128x16xi32, #tpu.memory_space<vmem_shared>> -> memref<8x16xi32, #tpu.memory_space<vmem_shared>>
      %dma_start3A_142 = arith.constant 0 : i32
      %dma_start3A_143 = tpu.memref_slice %arg10[%multiple_of3A, %dma_start3A_142] : memref<128x16xi32, #tpu.memory_space<vmem_shared>> -> memref<8x16xi32, #tpu.memory_space<vmem_shared>>
      tpu.enqueue_dma source(%arg9 : memref<8x16xi32, #tpu.memory_space<vmem>>) target(%dma_start3A_143 : memref<8x16xi32, #tpu.memory_space<vmem_shared>>) target_semaphore(%run_scoped3A : memref<!tpu.dma_semaphore, #tpu.memory_space<semaphore_mem>>)
      %dma_wait3A = arith.constant 0 : i32
      %dma_wait3A_144 = tpu.memref_slice %arg10[%multiple_of3A, %dma_wait3A] : memref<128x16xi32, #tpu.memory_space<vmem_shared>> -> memref<8x16xi32, #tpu.memory_space<vmem_shared>>
      %dma_wait3A_145 = arith.constant 0 : i32
      %dma_wait3A_146 = tpu.memref_slice %arg10[%multiple_of3A, %dma_wait3A_145] : memref<128x16xi32, #tpu.memory_space<vmem_shared>> -> memref<8x16xi32, #tpu.memory_space<vmem_shared>>
      tpu.wait_dma2 semaphore(%run_scoped3A : memref<!tpu.dma_semaphore, #tpu.memory_space<semaphore_mem>>) src(%arg9 : memref<8x16xi32, #tpu.memory_space<vmem>>) dst(%dma_wait3A_146 : memref<8x16xi32, #tpu.memory_space<vmem_shared>>)
      tpu.yield
    }) : () -> ()
    "tpu.region"() ({
      %run_scoped3A = tpu.sem_alloc : memref<!tpu.dma_semaphore, #tpu.memory_space<semaphore_mem>>
      %dma_start3A = arith.constant 0 : i32
      %dma_start3A_141 = tpu.memref_slice %arg13[%multiple_of3A, %dma_start3A] : memref<128x16xi32, #tpu.memory_space<vmem_shared>> -> memref<8x16xi32, #tpu.memory_space<vmem_shared>>
      %dma_start3A_142 = arith.constant 0 : i32
      %dma_start3A_143 = tpu.memref_slice %arg13[%multiple_of3A, %dma_start3A_142] : memref<128x16xi32, #tpu.memory_space<vmem_shared>> -> memref<8x16xi32, #tpu.memory_space<vmem_shared>>
      tpu.enqueue_dma source(%arg12 : memref<8x16xi32, #tpu.memory_space<vmem>>) target(%dma_start3A_143 : memref<8x16xi32, #tpu.memory_space<vmem_shared>>) target_semaphore(%run_scoped3A : memref<!tpu.dma_semaphore, #tpu.memory_space<semaphore_mem>>)
      %dma_wait3A = arith.constant 0 : i32
      %dma_wait3A_144 = tpu.memref_slice %arg13[%multiple_of3A, %dma_wait3A] : memref<128x16xi32, #tpu.memory_space<vmem_shared>> -> memref<8x16xi32, #tpu.memory_space<vmem_shared>>
      %dma_wait3A_145 = arith.constant 0 : i32
      %dma_wait3A_146 = tpu.memref_slice %arg13[%multiple_of3A, %dma_wait3A_145] : memref<128x16xi32, #tpu.memory_space<vmem_shared>> -> memref<8x16xi32, #tpu.memory_space<vmem_shared>>
      tpu.wait_dma2 semaphore(%run_scoped3A : memref<!tpu.dma_semaphore, #tpu.memory_space<semaphore_mem>>) src(%arg12 : memref<8x16xi32, #tpu.memory_space<vmem>>) dst(%dma_wait3A_146 : memref<8x16xi32, #tpu.memory_space<vmem_shared>>)
      tpu.yield
    }) : () -> ()
    "tpu.region"() ({
      %run_scoped3A = tpu.sem_alloc : memref<!tpu.dma_semaphore, #tpu.memory_space<semaphore_mem>>
      %dma_start3A = arith.constant 0 : i32
      %dma_start3A_141 = tpu.memref_slice %arg16[%multiple_of3A, %dma_start3A] : memref<128x16xf32, #tpu.memory_space<vmem_shared>> -> memref<8x16xf32, #tpu.memory_space<vmem_shared>>
      %dma_start3A_142 = arith.constant 0 : i32
      %dma_start3A_143 = tpu.memref_slice %arg16[%multiple_of3A, %dma_start3A_142] : memref<128x16xf32, #tpu.memory_space<vmem_shared>> -> memref<8x16xf32, #tpu.memory_space<vmem_shared>>
      tpu.enqueue_dma source(%arg15 : memref<8x16xf32, #tpu.memory_space<vmem>>) target(%dma_start3A_143 : memref<8x16xf32, #tpu.memory_space<vmem_shared>>) target_semaphore(%run_scoped3A : memref<!tpu.dma_semaphore, #tpu.memory_space<semaphore_mem>>)
      %dma_wait3A = arith.constant 0 : i32
      %dma_wait3A_144 = tpu.memref_slice %arg16[%multiple_of3A, %dma_wait3A] : memref<128x16xf32, #tpu.memory_space<vmem_shared>> -> memref<8x16xf32, #tpu.memory_space<vmem_shared>>
      %dma_wait3A_145 = arith.constant 0 : i32
      %dma_wait3A_146 = tpu.memref_slice %arg16[%multiple_of3A, %dma_wait3A_145] : memref<128x16xf32, #tpu.memory_space<vmem_shared>> -> memref<8x16xf32, #tpu.memory_space<vmem_shared>>
      tpu.wait_dma2 semaphore(%run_scoped3A : memref<!tpu.dma_semaphore, #tpu.memory_space<semaphore_mem>>) src(%arg15 : memref<8x16xf32, #tpu.memory_space<vmem>>) dst(%dma_wait3A_146 : memref<8x16xf32, #tpu.memory_space<vmem_shared>>)
      tpu.yield
    }) : () -> ()
    %barrier3A = arith.constant 0 : index
    tpu.barrier barrier_id(%barrier3A)
    "tpu.region"() ({
      %run_scoped3A = tpu.sem_alloc : memref<!tpu.dma_semaphore, #tpu.memory_space<semaphore_mem>>
      tpu.enqueue_dma source(%arg10 : memref<128x16xi32, #tpu.memory_space<vmem_shared>>) target(%arg8 : memref<128x16xi32, #tpu.memory_space<vmem>>) target_semaphore(%run_scoped3A : memref<!tpu.dma_semaphore, #tpu.memory_space<semaphore_mem>>)
      tpu.wait_dma2 semaphore(%run_scoped3A : memref<!tpu.dma_semaphore, #tpu.memory_space<semaphore_mem>>) src(%arg10 : memref<128x16xi32, #tpu.memory_space<vmem_shared>>) dst(%arg8 : memref<128x16xi32, #tpu.memory_space<vmem>>)
      tpu.yield
    }) : () -> ()
    "tpu.region"() ({
      %run_scoped3A = tpu.sem_alloc : memref<!tpu.dma_semaphore, #tpu.memory_space<semaphore_mem>>
      tpu.enqueue_dma source(%arg13 : memref<128x16xi32, #tpu.memory_space<vmem_shared>>) target(%arg11 : memref<128x16xi32, #tpu.memory_space<vmem>>) target_semaphore(%run_scoped3A : memref<!tpu.dma_semaphore, #tpu.memory_space<semaphore_mem>>)
      tpu.wait_dma2 semaphore(%run_scoped3A : memref<!tpu.dma_semaphore, #tpu.memory_space<semaphore_mem>>) src(%arg13 : memref<128x16xi32, #tpu.memory_space<vmem_shared>>) dst(%arg11 : memref<128x16xi32, #tpu.memory_space<vmem>>)
      tpu.yield
    }) : () -> ()
    %mul3A_46 = arith.constant 4 : i32
    %mul3A_47 = arith.muli %arg1, %mul3A_46 : i32
    %add3A_48 = arith.constant 0 : i32
    %add3A_49 = arith.addi %mul3A_47, %add3A_48 : i32
    %scan3A_50 = arith.constant 0 : i32
    %scan3A_51 = arith.constant 0 : i32
    %scan3A_52 = arith.constant 128 : i32
    %scan3A_53 = arith.addi %scan3A_51, %scan3A_52 : i32
    %scan3A_54 = arith.constant 1 : i32
    %scan3A_55 = scf.for %scan3A_141 = %scan3A_51 to %scan3A_53 step %scan3A_54 iter_args(%scan3A_142 = %scan3A_50) -> (i32)  : i32 {
      %get3A = arith.index_cast %scan3A_141 : i32 to index
      %get3A_143 = arith.constant 0 : index
      %get3A_144 = tpu.vector_load %arg8[%get3A, %get3A_143] {strides = array<i32>} : memref<128x16xi32, #tpu.memory_space<vmem>>, vector<16xi32>,
      %eq3A = vector.broadcast %add3A_49 : i32 to vector<16xi32>
      %eq3A_145 = arith.cmpi eq, %get3A_144, %eq3A : vector<16xi32>
      %jit3A_146 = arith.constant 1 : i32
      %jit3A_147 = arith.constant 0 : i32
      %broadcast_in_dim3A_148 = vector.broadcast %jit3A_146 : i32 to vector<16xi32>
      %broadcast_in_dim3A_149 = vector.broadcast %jit3A_147 : i32 to vector<16xi32>
      %select_n3A_150 = arith.select %eq3A_145, %broadcast_in_dim3A_148, %broadcast_in_dim3A_149 : vector<16xi1>, vector<16xi32>
      %cumsum3A = arith.constant true
      %cumsum3A_151 = vector.broadcast %cumsum3A : i1 to vector<16xi1>
      %cumsum3A_152 = tpu.scan <sum>, %select_n3A_150 masked %cumsum3A_151 : vector<16xi32>, vector<16xi1> -> vector<16xi32>
      %add3A_153 = vector.broadcast %scan3A_142 : i32 to vector<16xi32>
      %add3A_154 = arith.addi %add3A_153, %cumsum3A_152 : vector<16xi32>
      %sub3A_155 = arith.subi %add3A_154, %select_n3A_150 : vector<16xi32>
      %get3A_156 = arith.index_cast %scan3A_141 : i32 to index
      %get3A_157 = arith.constant 0 : index
      %get3A_158 = tpu.vector_load %arg7[%get3A_156, %get3A_157] {strides = array<i32>} : memref<128x16xi32, #tpu.memory_space<vmem>>, vector<16xi32>,
      %jit3A_159 = arith.constant 0 : i32
      %broadcast_in_dim3A_160 = vector.broadcast %jit3A_159 : i32 to vector<16xi32>
      %select_n3A_161 = arith.select %eq3A_145, %sub3A_155, %broadcast_in_dim3A_160 : vector<16xi1>, vector<16xi32>
      %add3A_162 = arith.addi %get3A_158, %select_n3A_161 : vector<16xi32>
      %swap3A = arith.index_cast %scan3A_141 : i32 to index
      %swap3A_163 = arith.constant 0 : index
      %swap3A_164 = tpu.vector_load %arg7[%swap3A, %swap3A_163] {strides = array<i32>} : memref<128x16xi32, #tpu.memory_space<vmem>>, vector<16xi32>,
      tpu.vector_store %arg7[%swap3A, %swap3A_163], %add3A_162 {strides = array<i32>} : memref<128x16xi32, #tpu.memory_space<vmem>>, vector<16xi32>,
      %reduce_sum3A = arith.constant true
      %reduce_sum3A_165 = vector.broadcast %reduce_sum3A : i1 to vector<16xi1>
      %reduce_sum3A_166 = tpu.scan <sum>, %select_n3A_150 masked %reduce_sum3A_165 : vector<16xi32>, vector<16xi1> -> vector<16xi32>
      %reduce_sum3A_167 = vector.extract %reduce_sum3A_166[15] : i32 from vector<16xi32>
      %add3A_168 = arith.addi %scan3A_142, %reduce_sum3A_167 : i32
      scf.yield %add3A_168 : i32
    }
    %scan3A_56 = arith.constant 128 : i32
    %scan3A_57 = arith.constant 0 : i32
    %scan3A_58 = arith.constant 128 : i32
    %scan3A_59 = arith.addi %scan3A_57, %scan3A_58 : i32
    %scan3A_60 = arith.constant 1 : i32
    %scan3A_61 = scf.for %scan3A_141 = %scan3A_57 to %scan3A_59 step %scan3A_60 iter_args(%scan3A_142 = %scan3A_55) -> (i32)  : i32 {
      %get3A = arith.index_cast %scan3A_141 : i32 to index
      %get3A_143 = arith.constant 0 : index
      %get3A_144 = tpu.vector_load %arg11[%get3A, %get3A_143] {strides = array<i32>} : memref<128x16xi32, #tpu.memory_space<vmem>>, vector<16xi32>,
      %eq3A = vector.broadcast %add3A_49 : i32 to vector<16xi32>
      %eq3A_145 = arith.cmpi eq, %get3A_144, %eq3A : vector<16xi32>
      %jit3A_146 = arith.constant 1 : i32
      %jit3A_147 = arith.constant 0 : i32
      %broadcast_in_dim3A_148 = vector.broadcast %jit3A_146 : i32 to vector<16xi32>
      %broadcast_in_dim3A_149 = vector.broadcast %jit3A_147 : i32 to vector<16xi32>
      %select_n3A_150 = arith.select %eq3A_145, %broadcast_in_dim3A_148, %broadcast_in_dim3A_149 : vector<16xi1>, vector<16xi32>
      %cumsum3A = arith.constant true
      %cumsum3A_151 = vector.broadcast %cumsum3A : i1 to vector<16xi1>
      %cumsum3A_152 = tpu.scan <sum>, %select_n3A_150 masked %cumsum3A_151 : vector<16xi32>, vector<16xi1> -> vector<16xi32>
      %add3A_153 = vector.broadcast %scan3A_142 : i32 to vector<16xi32>
      %add3A_154 = arith.addi %add3A_153, %cumsum3A_152 : vector<16xi32>
      %sub3A_155 = arith.subi %add3A_154, %select_n3A_150 : vector<16xi32>
      %get3A_156 = arith.index_cast %scan3A_141 : i32 to index
      %get3A_157 = arith.constant 0 : index
      %get3A_158 = tpu.vector_load %arg7[%get3A_156, %get3A_157] {strides = array<i32>} : memref<128x16xi32, #tpu.memory_space<vmem>>, vector<16xi32>,
      %shift_left3A = arith.constant 16 : i32
      %shift_left3A_159 = vector.broadcast %shift_left3A : i32 to vector<16xi32>
      %shift_left3A_160 = arith.shli %sub3A_155, %shift_left3A_159 : vector<16xi32>
      %jit3A_161 = arith.constant 0 : i32
      %broadcast_in_dim3A_162 = vector.broadcast %jit3A_161 : i32 to vector<16xi32>
      %select_n3A_163 = arith.select %eq3A_145, %shift_left3A_160, %broadcast_in_dim3A_162 : vector<16xi1>, vector<16xi32>
      %add3A_164 = arith.addi %get3A_158, %select_n3A_163 : vector<16xi32>
      %swap3A = arith.index_cast %scan3A_141 : i32 to index
      %swap3A_165 = arith.constant 0 : index
      %swap3A_166 = tpu.vector_load %arg7[%swap3A, %swap3A_165] {strides = array<i32>} : memref<128x16xi32, #tpu.memory_space<vmem>>, vector<16xi32>,
      tpu.vector_store %arg7[%swap3A, %swap3A_165], %add3A_164 {strides = array<i32>} : memref<128x16xi32, #tpu.memory_space<vmem>>, vector<16xi32>,
      %reduce_sum3A = arith.constant true
      %reduce_sum3A_167 = vector.broadcast %reduce_sum3A : i1 to vector<16xi1>
      %reduce_sum3A_168 = tpu.scan <sum>, %select_n3A_150 masked %reduce_sum3A_167 : vector<16xi32>, vector<16xi1> -> vector<16xi32>
      %reduce_sum3A_169 = vector.extract %reduce_sum3A_168[15] : i32 from vector<16xi32>
      %add3A_170 = arith.addi %scan3A_142, %reduce_sum3A_169 : i32
      scf.yield %add3A_170 : i32
    }
    %scan3A_62 = arith.constant 128 : i32
    %mul3A_63 = arith.constant 4 : i32
    %mul3A_64 = arith.muli %arg1, %mul3A_63 : i32
    %add3A_65 = arith.constant 1 : i32
    %add3A_66 = arith.addi %mul3A_64, %add3A_65 : i32
    %scan3A_67 = arith.constant 0 : i32
    %scan3A_68 = arith.constant 0 : i32
    %scan3A_69 = arith.constant 128 : i32
    %scan3A_70 = arith.addi %scan3A_68, %scan3A_69 : i32
    %scan3A_71 = arith.constant 1 : i32
    %scan3A_72 = scf.for %scan3A_141 = %scan3A_68 to %scan3A_70 step %scan3A_71 iter_args(%scan3A_142 = %scan3A_67) -> (i32)  : i32 {
      %get3A = arith.index_cast %scan3A_141 : i32 to index
      %get3A_143 = arith.constant 0 : index
      %get3A_144 = tpu.vector_load %arg8[%get3A, %get3A_143] {strides = array<i32>} : memref<128x16xi32, #tpu.memory_space<vmem>>, vector<16xi32>,
      %eq3A = vector.broadcast %add3A_66 : i32 to vector<16xi32>
      %eq3A_145 = arith.cmpi eq, %get3A_144, %eq3A : vector<16xi32>
      %jit3A_146 = arith.constant 1 : i32
      %jit3A_147 = arith.constant 0 : i32
      %broadcast_in_dim3A_148 = vector.broadcast %jit3A_146 : i32 to vector<16xi32>
      %broadcast_in_dim3A_149 = vector.broadcast %jit3A_147 : i32 to vector<16xi32>
      %select_n3A_150 = arith.select %eq3A_145, %broadcast_in_dim3A_148, %broadcast_in_dim3A_149 : vector<16xi1>, vector<16xi32>
      %cumsum3A = arith.constant true
      %cumsum3A_151 = vector.broadcast %cumsum3A : i1 to vector<16xi1>
      %cumsum3A_152 = tpu.scan <sum>, %select_n3A_150 masked %cumsum3A_151 : vector<16xi32>, vector<16xi1> -> vector<16xi32>
      %add3A_153 = vector.broadcast %scan3A_142 : i32 to vector<16xi32>
      %add3A_154 = arith.addi %add3A_153, %cumsum3A_152 : vector<16xi32>
      %sub3A_155 = arith.subi %add3A_154, %select_n3A_150 : vector<16xi32>
      %get3A_156 = arith.index_cast %scan3A_141 : i32 to index
      %get3A_157 = arith.constant 0 : index
      %get3A_158 = tpu.vector_load %arg7[%get3A_156, %get3A_157] {strides = array<i32>} : memref<128x16xi32, #tpu.memory_space<vmem>>, vector<16xi32>,
      %jit3A_159 = arith.constant 0 : i32
      %broadcast_in_dim3A_160 = vector.broadcast %jit3A_159 : i32 to vector<16xi32>
      %select_n3A_161 = arith.select %eq3A_145, %sub3A_155, %broadcast_in_dim3A_160 : vector<16xi1>, vector<16xi32>
      %add3A_162 = arith.addi %get3A_158, %select_n3A_161 : vector<16xi32>
      %swap3A = arith.index_cast %scan3A_141 : i32 to index
      %swap3A_163 = arith.constant 0 : index
      %swap3A_164 = tpu.vector_load %arg7[%swap3A, %swap3A_163] {strides = array<i32>} : memref<128x16xi32, #tpu.memory_space<vmem>>, vector<16xi32>,
      tpu.vector_store %arg7[%swap3A, %swap3A_163], %add3A_162 {strides = array<i32>} : memref<128x16xi32, #tpu.memory_space<vmem>>, vector<16xi32>,
      %reduce_sum3A = arith.constant true
      %reduce_sum3A_165 = vector.broadcast %reduce_sum3A : i1 to vector<16xi1>
      %reduce_sum3A_166 = tpu.scan <sum>, %select_n3A_150 masked %reduce_sum3A_165 : vector<16xi32>, vector<16xi1> -> vector<16xi32>
      %reduce_sum3A_167 = vector.extract %reduce_sum3A_166[15] : i32 from vector<16xi32>
      %add3A_168 = arith.addi %scan3A_142, %reduce_sum3A_167 : i32
      scf.yield %add3A_168 : i32
    }
    %scan3A_73 = arith.constant 128 : i32
    %scan3A_74 = arith.constant 0 : i32
    %scan3A_75 = arith.constant 128 : i32
    %scan3A_76 = arith.addi %scan3A_74, %scan3A_75 : i32
    %scan3A_77 = arith.constant 1 : i32
    %scan3A_78 = scf.for %scan3A_141 = %scan3A_74 to %scan3A_76 step %scan3A_77 iter_args(%scan3A_142 = %scan3A_72) -> (i32)  : i32 {
      %get3A = arith.index_cast %scan3A_141 : i32 to index
      %get3A_143 = arith.constant 0 : index
      %get3A_144 = tpu.vector_load %arg11[%get3A, %get3A_143] {strides = array<i32>} : memref<128x16xi32, #tpu.memory_space<vmem>>, vector<16xi32>,
      %eq3A = vector.broadcast %add3A_66 : i32 to vector<16xi32>
      %eq3A_145 = arith.cmpi eq, %get3A_144, %eq3A : vector<16xi32>
      %jit3A_146 = arith.constant 1 : i32
      %jit3A_147 = arith.constant 0 : i32
      %broadcast_in_dim3A_148 = vector.broadcast %jit3A_146 : i32 to vector<16xi32>
      %broadcast_in_dim3A_149 = vector.broadcast %jit3A_147 : i32 to vector<16xi32>
      %select_n3A_150 = arith.select %eq3A_145, %broadcast_in_dim3A_148, %broadcast_in_dim3A_149 : vector<16xi1>, vector<16xi32>
      %cumsum3A = arith.constant true
      %cumsum3A_151 = vector.broadcast %cumsum3A : i1 to vector<16xi1>
      %cumsum3A_152 = tpu.scan <sum>, %select_n3A_150 masked %cumsum3A_151 : vector<16xi32>, vector<16xi1> -> vector<16xi32>
      %add3A_153 = vector.broadcast %scan3A_142 : i32 to vector<16xi32>
      %add3A_154 = arith.addi %add3A_153, %cumsum3A_152 : vector<16xi32>
      %sub3A_155 = arith.subi %add3A_154, %select_n3A_150 : vector<16xi32>
      %get3A_156 = arith.index_cast %scan3A_141 : i32 to index
      %get3A_157 = arith.constant 0 : index
      %get3A_158 = tpu.vector_load %arg7[%get3A_156, %get3A_157] {strides = array<i32>} : memref<128x16xi32, #tpu.memory_space<vmem>>, vector<16xi32>,
      %shift_left3A = arith.constant 16 : i32
      %shift_left3A_159 = vector.broadcast %shift_left3A : i32 to vector<16xi32>
      %shift_left3A_160 = arith.shli %sub3A_155, %shift_left3A_159 : vector<16xi32>
      %jit3A_161 = arith.constant 0 : i32
      %broadcast_in_dim3A_162 = vector.broadcast %jit3A_161 : i32 to vector<16xi32>
      %select_n3A_163 = arith.select %eq3A_145, %shift_left3A_160, %broadcast_in_dim3A_162 : vector<16xi1>, vector<16xi32>
      %add3A_164 = arith.addi %get3A_158, %select_n3A_163 : vector<16xi32>
      %swap3A = arith.index_cast %scan3A_141 : i32 to index
      %swap3A_165 = arith.constant 0 : index
      %swap3A_166 = tpu.vector_load %arg7[%swap3A, %swap3A_165] {strides = array<i32>} : memref<128x16xi32, #tpu.memory_space<vmem>>, vector<16xi32>,
      tpu.vector_store %arg7[%swap3A, %swap3A_165], %add3A_164 {strides = array<i32>} : memref<128x16xi32, #tpu.memory_space<vmem>>, vector<16xi32>,
      %reduce_sum3A = arith.constant true
      %reduce_sum3A_167 = vector.broadcast %reduce_sum3A : i1 to vector<16xi1>
      %reduce_sum3A_168 = tpu.scan <sum>, %select_n3A_150 masked %reduce_sum3A_167 : vector<16xi32>, vector<16xi1> -> vector<16xi32>
      %reduce_sum3A_169 = vector.extract %reduce_sum3A_168[15] : i32 from vector<16xi32>
      %add3A_170 = arith.addi %scan3A_142, %reduce_sum3A_169 : i32
      scf.yield %add3A_170 : i32
    }
    %scan3A_79 = arith.constant 128 : i32
    %mul3A_80 = arith.constant 4 : i32
    %mul3A_81 = arith.muli %arg1, %mul3A_80 : i32
    %add3A_82 = arith.constant 2 : i32
    %add3A_83 = arith.addi %mul3A_81, %add3A_82 : i32
    %scan3A_84 = arith.constant 0 : i32
    %scan3A_85 = arith.constant 0 : i32
    %scan3A_86 = arith.constant 128 : i32
    %scan3A_87 = arith.addi %scan3A_85, %scan3A_86 : i32
    %scan3A_88 = arith.constant 1 : i32
    %scan3A_89 = scf.for %scan3A_141 = %scan3A_85 to %scan3A_87 step %scan3A_88 iter_args(%scan3A_142 = %scan3A_84) -> (i32)  : i32 {
      %get3A = arith.index_cast %scan3A_141 : i32 to index
      %get3A_143 = arith.constant 0 : index
      %get3A_144 = tpu.vector_load %arg8[%get3A, %get3A_143] {strides = array<i32>} : memref<128x16xi32, #tpu.memory_space<vmem>>, vector<16xi32>,
      %eq3A = vector.broadcast %add3A_83 : i32 to vector<16xi32>
      %eq3A_145 = arith.cmpi eq, %get3A_144, %eq3A : vector<16xi32>
      %jit3A_146 = arith.constant 1 : i32
      %jit3A_147 = arith.constant 0 : i32
      %broadcast_in_dim3A_148 = vector.broadcast %jit3A_146 : i32 to vector<16xi32>
      %broadcast_in_dim3A_149 = vector.broadcast %jit3A_147 : i32 to vector<16xi32>
      %select_n3A_150 = arith.select %eq3A_145, %broadcast_in_dim3A_148, %broadcast_in_dim3A_149 : vector<16xi1>, vector<16xi32>
      %cumsum3A = arith.constant true
      %cumsum3A_151 = vector.broadcast %cumsum3A : i1 to vector<16xi1>
      %cumsum3A_152 = tpu.scan <sum>, %select_n3A_150 masked %cumsum3A_151 : vector<16xi32>, vector<16xi1> -> vector<16xi32>
      %add3A_153 = vector.broadcast %scan3A_142 : i32 to vector<16xi32>
      %add3A_154 = arith.addi %add3A_153, %cumsum3A_152 : vector<16xi32>
      %sub3A_155 = arith.subi %add3A_154, %select_n3A_150 : vector<16xi32>
      %get3A_156 = arith.index_cast %scan3A_141 : i32 to index
      %get3A_157 = arith.constant 0 : index
      %get3A_158 = tpu.vector_load %arg7[%get3A_156, %get3A_157] {strides = array<i32>} : memref<128x16xi32, #tpu.memory_space<vmem>>, vector<16xi32>,
      %jit3A_159 = arith.constant 0 : i32
      %broadcast_in_dim3A_160 = vector.broadcast %jit3A_159 : i32 to vector<16xi32>
      %select_n3A_161 = arith.select %eq3A_145, %sub3A_155, %broadcast_in_dim3A_160 : vector<16xi1>, vector<16xi32>
      %add3A_162 = arith.addi %get3A_158, %select_n3A_161 : vector<16xi32>
      %swap3A = arith.index_cast %scan3A_141 : i32 to index
      %swap3A_163 = arith.constant 0 : index
      %swap3A_164 = tpu.vector_load %arg7[%swap3A, %swap3A_163] {strides = array<i32>} : memref<128x16xi32, #tpu.memory_space<vmem>>, vector<16xi32>,
      tpu.vector_store %arg7[%swap3A, %swap3A_163], %add3A_162 {strides = array<i32>} : memref<128x16xi32, #tpu.memory_space<vmem>>, vector<16xi32>,
      %reduce_sum3A = arith.constant true
      %reduce_sum3A_165 = vector.broadcast %reduce_sum3A : i1 to vector<16xi1>
      %reduce_sum3A_166 = tpu.scan <sum>, %select_n3A_150 masked %reduce_sum3A_165 : vector<16xi32>, vector<16xi1> -> vector<16xi32>
      %reduce_sum3A_167 = vector.extract %reduce_sum3A_166[15] : i32 from vector<16xi32>
      %add3A_168 = arith.addi %scan3A_142, %reduce_sum3A_167 : i32
      scf.yield %add3A_168 : i32
    }
    %scan3A_90 = arith.constant 128 : i32
    %scan3A_91 = arith.constant 0 : i32
    %scan3A_92 = arith.constant 128 : i32
    %scan3A_93 = arith.addi %scan3A_91, %scan3A_92 : i32
    %scan3A_94 = arith.constant 1 : i32
    %scan3A_95 = scf.for %scan3A_141 = %scan3A_91 to %scan3A_93 step %scan3A_94 iter_args(%scan3A_142 = %scan3A_89) -> (i32)  : i32 {
      %get3A = arith.index_cast %scan3A_141 : i32 to index
      %get3A_143 = arith.constant 0 : index
      %get3A_144 = tpu.vector_load %arg11[%get3A, %get3A_143] {strides = array<i32>} : memref<128x16xi32, #tpu.memory_space<vmem>>, vector<16xi32>,
      %eq3A = vector.broadcast %add3A_83 : i32 to vector<16xi32>
      %eq3A_145 = arith.cmpi eq, %get3A_144, %eq3A : vector<16xi32>
      %jit3A_146 = arith.constant 1 : i32
      %jit3A_147 = arith.constant 0 : i32
      %broadcast_in_dim3A_148 = vector.broadcast %jit3A_146 : i32 to vector<16xi32>
      %broadcast_in_dim3A_149 = vector.broadcast %jit3A_147 : i32 to vector<16xi32>
      %select_n3A_150 = arith.select %eq3A_145, %broadcast_in_dim3A_148, %broadcast_in_dim3A_149 : vector<16xi1>, vector<16xi32>
      %cumsum3A = arith.constant true
      %cumsum3A_151 = vector.broadcast %cumsum3A : i1 to vector<16xi1>
      %cumsum3A_152 = tpu.scan <sum>, %select_n3A_150 masked %cumsum3A_151 : vector<16xi32>, vector<16xi1> -> vector<16xi32>
      %add3A_153 = vector.broadcast %scan3A_142 : i32 to vector<16xi32>
      %add3A_154 = arith.addi %add3A_153, %cumsum3A_152 : vector<16xi32>
      %sub3A_155 = arith.subi %add3A_154, %select_n3A_150 : vector<16xi32>
      %get3A_156 = arith.index_cast %scan3A_141 : i32 to index
      %get3A_157 = arith.constant 0 : index
      %get3A_158 = tpu.vector_load %arg7[%get3A_156, %get3A_157] {strides = array<i32>} : memref<128x16xi32, #tpu.memory_space<vmem>>, vector<16xi32>,
      %shift_left3A = arith.constant 16 : i32
      %shift_left3A_159 = vector.broadcast %shift_left3A : i32 to vector<16xi32>
      %shift_left3A_160 = arith.shli %sub3A_155, %shift_left3A_159 : vector<16xi32>
      %jit3A_161 = arith.constant 0 : i32
      %broadcast_in_dim3A_162 = vector.broadcast %jit3A_161 : i32 to vector<16xi32>
      %select_n3A_163 = arith.select %eq3A_145, %shift_left3A_160, %broadcast_in_dim3A_162 : vector<16xi1>, vector<16xi32>
      %add3A_164 = arith.addi %get3A_158, %select_n3A_163 : vector<16xi32>
      %swap3A = arith.index_cast %scan3A_141 : i32 to index
      %swap3A_165 = arith.constant 0 : index
      %swap3A_166 = tpu.vector_load %arg7[%swap3A, %swap3A_165] {strides = array<i32>} : memref<128x16xi32, #tpu.memory_space<vmem>>, vector<16xi32>,
      tpu.vector_store %arg7[%swap3A, %swap3A_165], %add3A_164 {strides = array<i32>} : memref<128x16xi32, #tpu.memory_space<vmem>>, vector<16xi32>,
      %reduce_sum3A = arith.constant true
      %reduce_sum3A_167 = vector.broadcast %reduce_sum3A : i1 to vector<16xi1>
      %reduce_sum3A_168 = tpu.scan <sum>, %select_n3A_150 masked %reduce_sum3A_167 : vector<16xi32>, vector<16xi1> -> vector<16xi32>
      %reduce_sum3A_169 = vector.extract %reduce_sum3A_168[15] : i32 from vector<16xi32>
      %add3A_170 = arith.addi %scan3A_142, %reduce_sum3A_169 : i32
      scf.yield %add3A_170 : i32
    }
    %scan3A_96 = arith.constant 128 : i32
    %mul3A_97 = arith.constant 4 : i32
    %mul3A_98 = arith.muli %arg1, %mul3A_97 : i32
    %add3A_99 = arith.constant 3 : i32
    %add3A_100 = arith.addi %mul3A_98, %add3A_99 : i32
    %scan3A_101 = arith.constant 0 : i32
    %scan3A_102 = arith.constant 0 : i32
    %scan3A_103 = arith.constant 128 : i32
    %scan3A_104 = arith.addi %scan3A_102, %scan3A_103 : i32
    %scan3A_105 = arith.constant 1 : i32
    %scan3A_106 = scf.for %scan3A_141 = %scan3A_102 to %scan3A_104 step %scan3A_105 iter_args(%scan3A_142 = %scan3A_101) -> (i32)  : i32 {
      %get3A = arith.index_cast %scan3A_141 : i32 to index
      %get3A_143 = arith.constant 0 : index
      %get3A_144 = tpu.vector_load %arg8[%get3A, %get3A_143] {strides = array<i32>} : memref<128x16xi32, #tpu.memory_space<vmem>>, vector<16xi32>,
      %eq3A = vector.broadcast %add3A_100 : i32 to vector<16xi32>
      %eq3A_145 = arith.cmpi eq, %get3A_144, %eq3A : vector<16xi32>
      %jit3A_146 = arith.constant 1 : i32
      %jit3A_147 = arith.constant 0 : i32
      %broadcast_in_dim3A_148 = vector.broadcast %jit3A_146 : i32 to vector<16xi32>
      %broadcast_in_dim3A_149 = vector.broadcast %jit3A_147 : i32 to vector<16xi32>
      %select_n3A_150 = arith.select %eq3A_145, %broadcast_in_dim3A_148, %broadcast_in_dim3A_149 : vector<16xi1>, vector<16xi32>
      %cumsum3A = arith.constant true
      %cumsum3A_151 = vector.broadcast %cumsum3A : i1 to vector<16xi1>
      %cumsum3A_152 = tpu.scan <sum>, %select_n3A_150 masked %cumsum3A_151 : vector<16xi32>, vector<16xi1> -> vector<16xi32>
      %add3A_153 = vector.broadcast %scan3A_142 : i32 to vector<16xi32>
      %add3A_154 = arith.addi %add3A_153, %cumsum3A_152 : vector<16xi32>
      %sub3A_155 = arith.subi %add3A_154, %select_n3A_150 : vector<16xi32>
      %get3A_156 = arith.index_cast %scan3A_141 : i32 to index
      %get3A_157 = arith.constant 0 : index
      %get3A_158 = tpu.vector_load %arg7[%get3A_156, %get3A_157] {strides = array<i32>} : memref<128x16xi32, #tpu.memory_space<vmem>>, vector<16xi32>,
      %jit3A_159 = arith.constant 0 : i32
      %broadcast_in_dim3A_160 = vector.broadcast %jit3A_159 : i32 to vector<16xi32>
      %select_n3A_161 = arith.select %eq3A_145, %sub3A_155, %broadcast_in_dim3A_160 : vector<16xi1>, vector<16xi32>
      %add3A_162 = arith.addi %get3A_158, %select_n3A_161 : vector<16xi32>
      %swap3A = arith.index_cast %scan3A_141 : i32 to index
      %swap3A_163 = arith.constant 0 : index
      %swap3A_164 = tpu.vector_load %arg7[%swap3A, %swap3A_163] {strides = array<i32>} : memref<128x16xi32, #tpu.memory_space<vmem>>, vector<16xi32>,
      tpu.vector_store %arg7[%swap3A, %swap3A_163], %add3A_162 {strides = array<i32>} : memref<128x16xi32, #tpu.memory_space<vmem>>, vector<16xi32>,
      %reduce_sum3A = arith.constant true
      %reduce_sum3A_165 = vector.broadcast %reduce_sum3A : i1 to vector<16xi1>
      %reduce_sum3A_166 = tpu.scan <sum>, %select_n3A_150 masked %reduce_sum3A_165 : vector<16xi32>, vector<16xi1> -> vector<16xi32>
      %reduce_sum3A_167 = vector.extract %reduce_sum3A_166[15] : i32 from vector<16xi32>
      %add3A_168 = arith.addi %scan3A_142, %reduce_sum3A_167 : i32
      scf.yield %add3A_168 : i32
    }
    %scan3A_107 = arith.constant 128 : i32
    %scan3A_108 = arith.constant 0 : i32
    %scan3A_109 = arith.constant 128 : i32
    %scan3A_110 = arith.addi %scan3A_108, %scan3A_109 : i32
    %scan3A_111 = arith.constant 1 : i32
    %scan3A_112 = scf.for %scan3A_141 = %scan3A_108 to %scan3A_110 step %scan3A_111 iter_args(%scan3A_142 = %scan3A_106) -> (i32)  : i32 {
      %get3A = arith.index_cast %scan3A_141 : i32 to index
      %get3A_143 = arith.constant 0 : index
      %get3A_144 = tpu.vector_load %arg11[%get3A, %get3A_143] {strides = array<i32>} : memref<128x16xi32, #tpu.memory_space<vmem>>, vector<16xi32>,
      %eq3A = vector.broadcast %add3A_100 : i32 to vector<16xi32>
      %eq3A_145 = arith.cmpi eq, %get3A_144, %eq3A : vector<16xi32>
      %jit3A_146 = arith.constant 1 : i32
      %jit3A_147 = arith.constant 0 : i32
      %broadcast_in_dim3A_148 = vector.broadcast %jit3A_146 : i32 to vector<16xi32>
      %broadcast_in_dim3A_149 = vector.broadcast %jit3A_147 : i32 to vector<16xi32>
      %select_n3A_150 = arith.select %eq3A_145, %broadcast_in_dim3A_148, %broadcast_in_dim3A_149 : vector<16xi1>, vector<16xi32>
      %cumsum3A = arith.constant true
      %cumsum3A_151 = vector.broadcast %cumsum3A : i1 to vector<16xi1>
      %cumsum3A_152 = tpu.scan <sum>, %select_n3A_150 masked %cumsum3A_151 : vector<16xi32>, vector<16xi1> -> vector<16xi32>
      %add3A_153 = vector.broadcast %scan3A_142 : i32 to vector<16xi32>
      %add3A_154 = arith.addi %add3A_153, %cumsum3A_152 : vector<16xi32>
      %sub3A_155 = arith.subi %add3A_154, %select_n3A_150 : vector<16xi32>
      %get3A_156 = arith.index_cast %scan3A_141 : i32 to index
      %get3A_157 = arith.constant 0 : index
      %get3A_158 = tpu.vector_load %arg7[%get3A_156, %get3A_157] {strides = array<i32>} : memref<128x16xi32, #tpu.memory_space<vmem>>, vector<16xi32>,
      %shift_left3A = arith.constant 16 : i32
      %shift_left3A_159 = vector.broadcast %shift_left3A : i32 to vector<16xi32>
      %shift_left3A_160 = arith.shli %sub3A_155, %shift_left3A_159 : vector<16xi32>
      %jit3A_161 = arith.constant 0 : i32
      %broadcast_in_dim3A_162 = vector.broadcast %jit3A_161 : i32 to vector<16xi32>
      %select_n3A_163 = arith.select %eq3A_145, %shift_left3A_160, %broadcast_in_dim3A_162 : vector<16xi1>, vector<16xi32>
      %add3A_164 = arith.addi %get3A_158, %select_n3A_163 : vector<16xi32>
      %swap3A = arith.index_cast %scan3A_141 : i32 to index
      %swap3A_165 = arith.constant 0 : index
      %swap3A_166 = tpu.vector_load %arg7[%swap3A, %swap3A_165] {strides = array<i32>} : memref<128x16xi32, #tpu.memory_space<vmem>>, vector<16xi32>,
      tpu.vector_store %arg7[%swap3A, %swap3A_165], %add3A_164 {strides = array<i32>} : memref<128x16xi32, #tpu.memory_space<vmem>>, vector<16xi32>,
      %reduce_sum3A = arith.constant true
      %reduce_sum3A_167 = vector.broadcast %reduce_sum3A : i1 to vector<16xi1>
      %reduce_sum3A_168 = tpu.scan <sum>, %select_n3A_150 masked %reduce_sum3A_167 : vector<16xi32>, vector<16xi1> -> vector<16xi32>
      %reduce_sum3A_169 = vector.extract %reduce_sum3A_168[15] : i32 from vector<16xi32>
      %add3A_170 = arith.addi %scan3A_142, %reduce_sum3A_169 : i32
      scf.yield %add3A_170 : i32
    }
    %scan3A_113 = arith.constant 128 : i32
    %mul3A_114 = arith.constant 128 : i32
    %mul3A_115 = arith.muli %arg1, %mul3A_114 : i32
    "tpu.region"() ({
      %run_scoped3A = tpu.sem_alloc : memref<!tpu.dma_semaphore, #tpu.memory_space<semaphore_mem>>
      %dma_start3A = arith.constant 0 : i32
      %dma_start3A_141 = tpu.memref_slice %arg5[%mul3A_115, %dma_start3A] : memref<2048x16xi32, #tpu.memory_space<hbm>> -> memref<128x16xi32, #tpu.memory_space<hbm>>
      %dma_start3A_142 = arith.constant 0 : i32
      %dma_start3A_143 = tpu.memref_slice %arg5[%mul3A_115, %dma_start3A_142] : memref<2048x16xi32, #tpu.memory_space<hbm>> -> memref<128x16xi32, #tpu.memory_space<hbm>>
      tpu.enqueue_dma source(%arg7 : memref<128x16xi32, #tpu.memory_space<vmem>>) target(%dma_start3A_143 : memref<128x16xi32, #tpu.memory_space<hbm>>) target_semaphore(%run_scoped3A : memref<!tpu.dma_semaphore, #tpu.memory_space<semaphore_mem>>)
      %dma_wait3A = arith.constant 0 : i32
      %dma_wait3A_144 = tpu.memref_slice %arg5[%mul3A_115, %dma_wait3A] : memref<2048x16xi32, #tpu.memory_space<hbm>> -> memref<128x16xi32, #tpu.memory_space<hbm>>
      %dma_wait3A_145 = arith.constant 0 : i32
      %dma_wait3A_146 = tpu.memref_slice %arg5[%mul3A_115, %dma_wait3A_145] : memref<2048x16xi32, #tpu.memory_space<hbm>> -> memref<128x16xi32, #tpu.memory_space<hbm>>
      tpu.wait_dma2 semaphore(%run_scoped3A : memref<!tpu.dma_semaphore, #tpu.memory_space<semaphore_mem>>) src(%arg7 : memref<128x16xi32, #tpu.memory_space<vmem>>) dst(%dma_wait3A_146 : memref<128x16xi32, #tpu.memory_space<hbm>>)
      tpu.yield
    }) : () -> ()
    %jit3A_116 = arith.constant 16 : i32
    %div3A_117 = arith.divsi %mul3A_11, %jit3A_116 : i32
    %sign3A_118 = arith.constant 0 : i32
    %sign3A_119 = arith.cmpi sgt, %mul3A_11, %sign3A_118 : i32
    %sign3A_120 = arith.extui %sign3A_119 : i1 to i32
    %sign3A_121 = arith.constant 0 : i32
    %sign3A_122 = arith.cmpi slt, %mul3A_11, %sign3A_121 : i32
    %sign3A_123 = arith.extui %sign3A_122 : i1 to i32
    %sign3A_124 = arith.subi %sign3A_120, %sign3A_123 : i32
    %sign3A_125 = arith.constant 0 : i32
    %sign3A_126 = arith.cmpi sgt, %jit3A_116, %sign3A_125 : i32
    %sign3A_127 = arith.extui %sign3A_126 : i1 to i32
    %sign3A_128 = arith.constant 0 : i32
    %sign3A_129 = arith.cmpi slt, %jit3A_116, %sign3A_128 : i32
    %sign3A_130 = arith.extui %sign3A_129 : i1 to i32
    %sign3A_131 = arith.subi %sign3A_127, %sign3A_130 : i32
    %ne3A_132 = arith.cmpi ne, %sign3A_124, %sign3A_131 : i32
    %rem3A_133 = arith.remsi %mul3A_11, %jit3A_116 : i32
    %ne3A_134 = arith.constant 0 : i32
    %ne3A_135 = arith.cmpi ne, %rem3A_133, %ne3A_134 : i32
    %and3A_136 = arith.andi %ne3A_132, %ne3A_135 : i1
    %sub3A_137 = arith.constant 1 : i32
    %sub3A_138 = arith.subi %div3A_117, %sub3A_137 : i32
    %select_n3A_139 = arith.select %and3A_136, %sub3A_138, %div3A_117 : i32
    %multiple_of3A_140 = tpu.assume_multiple %select_n3A_139, 8 : i32
    "tpu.region"() ({
      %run_scoped3A = tpu.sem_alloc : memref<!tpu.dma_semaphore, #tpu.memory_space<semaphore_mem>>
      %dma_start3A = arith.constant 0 : i32
      %dma_start3A_141 = tpu.memref_slice %arg3[%multiple_of3A_140, %dma_start3A] : memref<128x16xi32, #tpu.memory_space<hbm>> -> memref<8x16xi32, #tpu.memory_space<hbm>>
      %dma_start3A_142 = arith.constant 0 : i32
      %dma_start3A_143 = tpu.memref_slice %arg3[%multiple_of3A_140, %dma_start3A_142] : memref<128x16xi32, #tpu.memory_space<hbm>> -> memref<8x16xi32, #tpu.memory_space<hbm>>
      tpu.enqueue_dma source(%arg9 : memref<8x16xi32, #tpu.memory_space<vmem>>) target(%dma_start3A_143 : memref<8x16xi32, #tpu.memory_space<hbm>>) target_semaphore(%run_scoped3A : memref<!tpu.dma_semaphore, #tpu.memory_space<semaphore_mem>>)
      %dma_wait3A = arith.constant 0 : i32
      %dma_wait3A_144 = tpu.memref_slice %arg3[%multiple_of3A_140, %dma_wait3A] : memref<128x16xi32, #tpu.memory_space<hbm>> -> memref<8x16xi32, #tpu.memory_space<hbm>>
      %dma_wait3A_145 = arith.constant 0 : i32
      %dma_wait3A_146 = tpu.memref_slice %arg3[%multiple_of3A_140, %dma_wait3A_145] : memref<128x16xi32, #tpu.memory_space<hbm>> -> memref<8x16xi32, #tpu.memory_space<hbm>>
      tpu.wait_dma2 semaphore(%run_scoped3A : memref<!tpu.dma_semaphore, #tpu.memory_space<semaphore_mem>>) src(%arg9 : memref<8x16xi32, #tpu.memory_space<vmem>>) dst(%dma_wait3A_146 : memref<8x16xi32, #tpu.memory_space<hbm>>)
      tpu.yield
    }) : () -> ()
    "tpu.region"() ({
      %run_scoped3A = tpu.sem_alloc : memref<!tpu.dma_semaphore, #tpu.memory_space<semaphore_mem>>
      %dma_start3A = arith.constant 0 : i32
      %dma_start3A_141 = tpu.memref_slice %arg4[%multiple_of3A_140, %dma_start3A] : memref<128x16xi32, #tpu.memory_space<hbm>> -> memref<8x16xi32, #tpu.memory_space<hbm>>
      %dma_start3A_142 = arith.constant 0 : i32
      %dma_start3A_143 = tpu.memref_slice %arg4[%multiple_of3A_140, %dma_start3A_142] : memref<128x16xi32, #tpu.memory_space<hbm>> -> memref<8x16xi32, #tpu.memory_space<hbm>>
      tpu.enqueue_dma source(%arg12 : memref<8x16xi32, #tpu.memory_space<vmem>>) target(%dma_start3A_143 : memref<8x16xi32, #tpu.memory_space<hbm>>) target_semaphore(%run_scoped3A : memref<!tpu.dma_semaphore, #tpu.memory_space<semaphore_mem>>)
      %dma_wait3A = arith.constant 0 : i32
      %dma_wait3A_144 = tpu.memref_slice %arg4[%multiple_of3A_140, %dma_wait3A] : memref<128x16xi32, #tpu.memory_space<hbm>> -> memref<8x16xi32, #tpu.memory_space<hbm>>
      %dma_wait3A_145 = arith.constant 0 : i32
      %dma_wait3A_146 = tpu.memref_slice %arg4[%multiple_of3A_140, %dma_wait3A_145] : memref<128x16xi32, #tpu.memory_space<hbm>> -> memref<8x16xi32, #tpu.memory_space<hbm>>
      tpu.wait_dma2 semaphore(%run_scoped3A : memref<!tpu.dma_semaphore, #tpu.memory_space<semaphore_mem>>) src(%arg12 : memref<8x16xi32, #tpu.memory_space<vmem>>) dst(%dma_wait3A_146 : memref<8x16xi32, #tpu.memory_space<hbm>>)
      tpu.yield
    }) : () -> ()
    "tpu.region"() ({
      %run_scoped3A = tpu.sem_alloc : memref<!tpu.dma_semaphore, #tpu.memory_space<semaphore_mem>>
      %dma_start3A = arith.constant 0 : i32
      %dma_start3A_141 = tpu.memref_slice %arg6[%multiple_of3A_140, %dma_start3A] : memref<128x16xf32, #tpu.memory_space<hbm>> -> memref<8x16xf32, #tpu.memory_space<hbm>>
      %dma_start3A_142 = arith.constant 0 : i32
      %dma_start3A_143 = tpu.memref_slice %arg6[%multiple_of3A_140, %dma_start3A_142] : memref<128x16xf32, #tpu.memory_space<hbm>> -> memref<8x16xf32, #tpu.memory_space<hbm>>
      tpu.enqueue_dma source(%arg15 : memref<8x16xf32, #tpu.memory_space<vmem>>) target(%dma_start3A_143 : memref<8x16xf32, #tpu.memory_space<hbm>>) target_semaphore(%run_scoped3A : memref<!tpu.dma_semaphore, #tpu.memory_space<semaphore_mem>>)
      %dma_wait3A = arith.constant 0 : i32
      %dma_wait3A_144 = tpu.memref_slice %arg6[%multiple_of3A_140, %dma_wait3A] : memref<128x16xf32, #tpu.memory_space<hbm>> -> memref<8x16xf32, #tpu.memory_space<hbm>>
      %dma_wait3A_145 = arith.constant 0 : i32
      %dma_wait3A_146 = tpu.memref_slice %arg6[%multiple_of3A_140, %dma_wait3A_145] : memref<128x16xf32, #tpu.memory_space<hbm>> -> memref<8x16xf32, #tpu.memory_space<hbm>>
      tpu.wait_dma2 semaphore(%run_scoped3A : memref<!tpu.dma_semaphore, #tpu.memory_space<semaphore_mem>>) src(%arg15 : memref<8x16xf32, #tpu.memory_space<vmem>>) dst(%dma_wait3A_146 : memref<8x16xf32, #tpu.memory_space<hbm>>)
      tpu.yield
    }) : () -> ()
    return
  }
}

#map = affine_map<(d0, d1) -> (0, 0)>
module attributes {stable_mosaic.version = 14 : i64} {
  func.func @_rank_reduce(%arg0: i32, %arg1: i32, %arg2: memref<2048x16xi32, #tpu.memory_space<hbm>>, %arg3: memref<128x16xi32, #tpu.memory_space<hbm>>, %arg4: memref<128x16xi32, #tpu.memory_space<hbm>>, %arg5: memref<!tpu.dma_semaphore, #tpu.memory_space<semaphore_mem>>, %arg6: memref<128x16xi32, #tpu.memory_space<vmem>>, %arg7: memref<8x16xi32, #tpu.memory_space<vmem>>, %arg8: memref<8x16xi32, #tpu.memory_space<vmem>>) attributes {dimension_semantics = [#tpu.dimension_semantics<core_parallel>, #tpu.dimension_semantics<subcore_parallel>], iteration_bounds = array<i64: 2, 16>, scalar_prefetch = 0 : i64, scratch_operands = 4 : i64, tpu.core_type = #tpu.core_type<sc_vector_subcore>, window_params = [{transform_indices = #map}, {transform_indices = #map}, {transform_indices = #map}]} {
    %mul3A = arith.constant 2 : i32
    %mul3A_0 = arith.muli %arg1, %mul3A : i32
    %add3A = arith.addi %mul3A_0, %arg0 : i32
    %jit3A = arith.constant 2 : i32
    %div3A = arith.divsi %add3A, %jit3A : i32
    %sign3A = arith.constant 0 : i32
    %sign3A_1 = arith.cmpi sgt, %add3A, %sign3A : i32
    %sign3A_2 = arith.extui %sign3A_1 : i1 to i32
    %sign3A_3 = arith.constant 0 : i32
    %sign3A_4 = arith.cmpi slt, %add3A, %sign3A_3 : i32
    %sign3A_5 = arith.extui %sign3A_4 : i1 to i32
    %sign3A_6 = arith.subi %sign3A_2, %sign3A_5 : i32
    %sign3A_7 = arith.constant 0 : i32
    %sign3A_8 = arith.cmpi sgt, %jit3A, %sign3A_7 : i32
    %sign3A_9 = arith.extui %sign3A_8 : i1 to i32
    %sign3A_10 = arith.constant 0 : i32
    %sign3A_11 = arith.cmpi slt, %jit3A, %sign3A_10 : i32
    %sign3A_12 = arith.extui %sign3A_11 : i1 to i32
    %sign3A_13 = arith.subi %sign3A_9, %sign3A_12 : i32
    %ne3A = arith.cmpi ne, %sign3A_6, %sign3A_13 : i32
    %rem3A = arith.remsi %add3A, %jit3A : i32
    %ne3A_14 = arith.constant 0 : i32
    %ne3A_15 = arith.cmpi ne, %rem3A, %ne3A_14 : i32
    %and3A = arith.andi %ne3A, %ne3A_15 : i1
    %sub3A = arith.constant 1 : i32
    %sub3A_16 = arith.subi %div3A, %sub3A : i32
    %select_n3A = arith.select %and3A, %sub3A_16, %div3A : i32
    %mul3A_17 = arith.constant 8 : i32
    %mul3A_18 = arith.muli %select_n3A, %mul3A_17 : i32
    %multiple_of3A = tpu.assume_multiple %mul3A_18, 8 : i32
    %add3A_19 = arith.constant 0 : i32
    %add3A_20 = arith.addi %add3A_19, %multiple_of3A : i32
    %dma_start3A = arith.constant 0 : i32
    %dma_start3A_21 = arith.constant 0 : i32
    %dma_start3A_22 = tpu.memref_slice %arg6[%dma_start3A, %dma_start3A_21] : memref<128x16xi32, #tpu.memory_space<vmem>> -> memref<8x16xi32, #tpu.memory_space<vmem>>
    %dma_start3A_23 = arith.constant 0 : i32
    %dma_start3A_24 = tpu.memref_slice %arg2[%add3A_20, %dma_start3A_23] : memref<2048x16xi32, #tpu.memory_space<hbm>> -> memref<8x16xi32, #tpu.memory_space<hbm>>
    %dma_start3A_25 = arith.constant 0 : i32
    %dma_start3A_26 = arith.constant 0 : i32
    %dma_start3A_27 = tpu.memref_slice %arg6[%dma_start3A_25, %dma_start3A_26] : memref<128x16xi32, #tpu.memory_space<vmem>> -> memref<8x16xi32, #tpu.memory_space<vmem>>
    %dma_start3A_28 = arith.constant 0 : i32
    %dma_start3A_29 = tpu.memref_slice %arg2[%add3A_20, %dma_start3A_28] : memref<2048x16xi32, #tpu.memory_space<hbm>> -> memref<8x16xi32, #tpu.memory_space<hbm>>
    tpu.enqueue_dma source(%dma_start3A_29 : memref<8x16xi32, #tpu.memory_space<hbm>>) target(%dma_start3A_27 : memref<8x16xi32, #tpu.memory_space<vmem>>) target_semaphore(%arg5 : memref<!tpu.dma_semaphore, #tpu.memory_space<semaphore_mem>>)
    %add3A_30 = arith.constant 128 : i32
    %add3A_31 = arith.addi %add3A_30, %multiple_of3A : i32
    %dma_start3A_32 = arith.constant 8 : i32
    %dma_start3A_33 = arith.constant 0 : i32
    %dma_start3A_34 = tpu.memref_slice %arg6[%dma_start3A_32, %dma_start3A_33] : memref<128x16xi32, #tpu.memory_space<vmem>> -> memref<8x16xi32, #tpu.memory_space<vmem>>
    %dma_start3A_35 = arith.constant 0 : i32
    %dma_start3A_36 = tpu.memref_slice %arg2[%add3A_31, %dma_start3A_35] : memref<2048x16xi32, #tpu.memory_space<hbm>> -> memref<8x16xi32, #tpu.memory_space<hbm>>
    %dma_start3A_37 = arith.constant 8 : i32
    %dma_start3A_38 = arith.constant 0 : i32
    %dma_start3A_39 = tpu.memref_slice %arg6[%dma_start3A_37, %dma_start3A_38] : memref<128x16xi32, #tpu.memory_space<vmem>> -> memref<8x16xi32, #tpu.memory_space<vmem>>
    %dma_start3A_40 = arith.constant 0 : i32
    %dma_start3A_41 = tpu.memref_slice %arg2[%add3A_31, %dma_start3A_40] : memref<2048x16xi32, #tpu.memory_space<hbm>> -> memref<8x16xi32, #tpu.memory_space<hbm>>
    tpu.enqueue_dma source(%dma_start3A_41 : memref<8x16xi32, #tpu.memory_space<hbm>>) target(%dma_start3A_39 : memref<8x16xi32, #tpu.memory_space<vmem>>) target_semaphore(%arg5 : memref<!tpu.dma_semaphore, #tpu.memory_space<semaphore_mem>>)
    %add3A_42 = arith.constant 256 : i32
    %add3A_43 = arith.addi %add3A_42, %multiple_of3A : i32
    %dma_start3A_44 = arith.constant 16 : i32
    %dma_start3A_45 = arith.constant 0 : i32
    %dma_start3A_46 = tpu.memref_slice %arg6[%dma_start3A_44, %dma_start3A_45] : memref<128x16xi32, #tpu.memory_space<vmem>> -> memref<8x16xi32, #tpu.memory_space<vmem>>
    %dma_start3A_47 = arith.constant 0 : i32
    %dma_start3A_48 = tpu.memref_slice %arg2[%add3A_43, %dma_start3A_47] : memref<2048x16xi32, #tpu.memory_space<hbm>> -> memref<8x16xi32, #tpu.memory_space<hbm>>
    %dma_start3A_49 = arith.constant 16 : i32
    %dma_start3A_50 = arith.constant 0 : i32
    %dma_start3A_51 = tpu.memref_slice %arg6[%dma_start3A_49, %dma_start3A_50] : memref<128x16xi32, #tpu.memory_space<vmem>> -> memref<8x16xi32, #tpu.memory_space<vmem>>
    %dma_start3A_52 = arith.constant 0 : i32
    %dma_start3A_53 = tpu.memref_slice %arg2[%add3A_43, %dma_start3A_52] : memref<2048x16xi32, #tpu.memory_space<hbm>> -> memref<8x16xi32, #tpu.memory_space<hbm>>
    tpu.enqueue_dma source(%dma_start3A_53 : memref<8x16xi32, #tpu.memory_space<hbm>>) target(%dma_start3A_51 : memref<8x16xi32, #tpu.memory_space<vmem>>) target_semaphore(%arg5 : memref<!tpu.dma_semaphore, #tpu.memory_space<semaphore_mem>>)
    %add3A_54 = arith.constant 384 : i32
    %add3A_55 = arith.addi %add3A_54, %multiple_of3A : i32
    %dma_start3A_56 = arith.constant 24 : i32
    %dma_start3A_57 = arith.constant 0 : i32
    %dma_start3A_58 = tpu.memref_slice %arg6[%dma_start3A_56, %dma_start3A_57] : memref<128x16xi32, #tpu.memory_space<vmem>> -> memref<8x16xi32, #tpu.memory_space<vmem>>
    %dma_start3A_59 = arith.constant 0 : i32
    %dma_start3A_60 = tpu.memref_slice %arg2[%add3A_55, %dma_start3A_59] : memref<2048x16xi32, #tpu.memory_space<hbm>> -> memref<8x16xi32, #tpu.memory_space<hbm>>
    %dma_start3A_61 = arith.constant 24 : i32
    %dma_start3A_62 = arith.constant 0 : i32
    %dma_start3A_63 = tpu.memref_slice %arg6[%dma_start3A_61, %dma_start3A_62] : memref<128x16xi32, #tpu.memory_space<vmem>> -> memref<8x16xi32, #tpu.memory_space<vmem>>
    %dma_start3A_64 = arith.constant 0 : i32
    %dma_start3A_65 = tpu.memref_slice %arg2[%add3A_55, %dma_start3A_64] : memref<2048x16xi32, #tpu.memory_space<hbm>> -> memref<8x16xi32, #tpu.memory_space<hbm>>
    tpu.enqueue_dma source(%dma_start3A_65 : memref<8x16xi32, #tpu.memory_space<hbm>>) target(%dma_start3A_63 : memref<8x16xi32, #tpu.memory_space<vmem>>) target_semaphore(%arg5 : memref<!tpu.dma_semaphore, #tpu.memory_space<semaphore_mem>>)
    %add3A_66 = arith.constant 512 : i32
    %add3A_67 = arith.addi %add3A_66, %multiple_of3A : i32
    %dma_start3A_68 = arith.constant 32 : i32
    %dma_start3A_69 = arith.constant 0 : i32
    %dma_start3A_70 = tpu.memref_slice %arg6[%dma_start3A_68, %dma_start3A_69] : memref<128x16xi32, #tpu.memory_space<vmem>> -> memref<8x16xi32, #tpu.memory_space<vmem>>
    %dma_start3A_71 = arith.constant 0 : i32
    %dma_start3A_72 = tpu.memref_slice %arg2[%add3A_67, %dma_start3A_71] : memref<2048x16xi32, #tpu.memory_space<hbm>> -> memref<8x16xi32, #tpu.memory_space<hbm>>
    %dma_start3A_73 = arith.constant 32 : i32
    %dma_start3A_74 = arith.constant 0 : i32
    %dma_start3A_75 = tpu.memref_slice %arg6[%dma_start3A_73, %dma_start3A_74] : memref<128x16xi32, #tpu.memory_space<vmem>> -> memref<8x16xi32, #tpu.memory_space<vmem>>
    %dma_start3A_76 = arith.constant 0 : i32
    %dma_start3A_77 = tpu.memref_slice %arg2[%add3A_67, %dma_start3A_76] : memref<2048x16xi32, #tpu.memory_space<hbm>> -> memref<8x16xi32, #tpu.memory_space<hbm>>
    tpu.enqueue_dma source(%dma_start3A_77 : memref<8x16xi32, #tpu.memory_space<hbm>>) target(%dma_start3A_75 : memref<8x16xi32, #tpu.memory_space<vmem>>) target_semaphore(%arg5 : memref<!tpu.dma_semaphore, #tpu.memory_space<semaphore_mem>>)
    %add3A_78 = arith.constant 640 : i32
    %add3A_79 = arith.addi %add3A_78, %multiple_of3A : i32
    %dma_start3A_80 = arith.constant 40 : i32
    %dma_start3A_81 = arith.constant 0 : i32
    %dma_start3A_82 = tpu.memref_slice %arg6[%dma_start3A_80, %dma_start3A_81] : memref<128x16xi32, #tpu.memory_space<vmem>> -> memref<8x16xi32, #tpu.memory_space<vmem>>
    %dma_start3A_83 = arith.constant 0 : i32
    %dma_start3A_84 = tpu.memref_slice %arg2[%add3A_79, %dma_start3A_83] : memref<2048x16xi32, #tpu.memory_space<hbm>> -> memref<8x16xi32, #tpu.memory_space<hbm>>
    %dma_start3A_85 = arith.constant 40 : i32
    %dma_start3A_86 = arith.constant 0 : i32
    %dma_start3A_87 = tpu.memref_slice %arg6[%dma_start3A_85, %dma_start3A_86] : memref<128x16xi32, #tpu.memory_space<vmem>> -> memref<8x16xi32, #tpu.memory_space<vmem>>
    %dma_start3A_88 = arith.constant 0 : i32
    %dma_start3A_89 = tpu.memref_slice %arg2[%add3A_79, %dma_start3A_88] : memref<2048x16xi32, #tpu.memory_space<hbm>> -> memref<8x16xi32, #tpu.memory_space<hbm>>
    tpu.enqueue_dma source(%dma_start3A_89 : memref<8x16xi32, #tpu.memory_space<hbm>>) target(%dma_start3A_87 : memref<8x16xi32, #tpu.memory_space<vmem>>) target_semaphore(%arg5 : memref<!tpu.dma_semaphore, #tpu.memory_space<semaphore_mem>>)
    %add3A_90 = arith.constant 768 : i32
    %add3A_91 = arith.addi %add3A_90, %multiple_of3A : i32
    %dma_start3A_92 = arith.constant 48 : i32
    %dma_start3A_93 = arith.constant 0 : i32
    %dma_start3A_94 = tpu.memref_slice %arg6[%dma_start3A_92, %dma_start3A_93] : memref<128x16xi32, #tpu.memory_space<vmem>> -> memref<8x16xi32, #tpu.memory_space<vmem>>
    %dma_start3A_95 = arith.constant 0 : i32
    %dma_start3A_96 = tpu.memref_slice %arg2[%add3A_91, %dma_start3A_95] : memref<2048x16xi32, #tpu.memory_space<hbm>> -> memref<8x16xi32, #tpu.memory_space<hbm>>
    %dma_start3A_97 = arith.constant 48 : i32
    %dma_start3A_98 = arith.constant 0 : i32
    %dma_start3A_99 = tpu.memref_slice %arg6[%dma_start3A_97, %dma_start3A_98] : memref<128x16xi32, #tpu.memory_space<vmem>> -> memref<8x16xi32, #tpu.memory_space<vmem>>
    %dma_start3A_100 = arith.constant 0 : i32
    %dma_start3A_101 = tpu.memref_slice %arg2[%add3A_91, %dma_start3A_100] : memref<2048x16xi32, #tpu.memory_space<hbm>> -> memref<8x16xi32, #tpu.memory_space<hbm>>
    tpu.enqueue_dma source(%dma_start3A_101 : memref<8x16xi32, #tpu.memory_space<hbm>>) target(%dma_start3A_99 : memref<8x16xi32, #tpu.memory_space<vmem>>) target_semaphore(%arg5 : memref<!tpu.dma_semaphore, #tpu.memory_space<semaphore_mem>>)
    %add3A_102 = arith.constant 896 : i32
    %add3A_103 = arith.addi %add3A_102, %multiple_of3A : i32
    %dma_start3A_104 = arith.constant 56 : i32
    %dma_start3A_105 = arith.constant 0 : i32
    %dma_start3A_106 = tpu.memref_slice %arg6[%dma_start3A_104, %dma_start3A_105] : memref<128x16xi32, #tpu.memory_space<vmem>> -> memref<8x16xi32, #tpu.memory_space<vmem>>
    %dma_start3A_107 = arith.constant 0 : i32
    %dma_start3A_108 = tpu.memref_slice %arg2[%add3A_103, %dma_start3A_107] : memref<2048x16xi32, #tpu.memory_space<hbm>> -> memref<8x16xi32, #tpu.memory_space<hbm>>
    %dma_start3A_109 = arith.constant 56 : i32
    %dma_start3A_110 = arith.constant 0 : i32
    %dma_start3A_111 = tpu.memref_slice %arg6[%dma_start3A_109, %dma_start3A_110] : memref<128x16xi32, #tpu.memory_space<vmem>> -> memref<8x16xi32, #tpu.memory_space<vmem>>
    %dma_start3A_112 = arith.constant 0 : i32
    %dma_start3A_113 = tpu.memref_slice %arg2[%add3A_103, %dma_start3A_112] : memref<2048x16xi32, #tpu.memory_space<hbm>> -> memref<8x16xi32, #tpu.memory_space<hbm>>
    tpu.enqueue_dma source(%dma_start3A_113 : memref<8x16xi32, #tpu.memory_space<hbm>>) target(%dma_start3A_111 : memref<8x16xi32, #tpu.memory_space<vmem>>) target_semaphore(%arg5 : memref<!tpu.dma_semaphore, #tpu.memory_space<semaphore_mem>>)
    %dma_wait3A = arith.constant 0 : i32
    %dma_wait3A_114 = arith.constant 0 : i32
    %dma_wait3A_115 = tpu.memref_slice %arg6[%dma_wait3A, %dma_wait3A_114] : memref<128x16xi32, #tpu.memory_space<vmem>> -> memref<8x16xi32, #tpu.memory_space<vmem>>
    %dma_wait3A_116 = arith.constant 0 : i32
    %dma_wait3A_117 = tpu.memref_slice %arg2[%add3A_20, %dma_wait3A_116] : memref<2048x16xi32, #tpu.memory_space<hbm>> -> memref<8x16xi32, #tpu.memory_space<hbm>>
    %dma_wait3A_118 = arith.constant 0 : i32
    %dma_wait3A_119 = arith.constant 0 : i32
    %dma_wait3A_120 = tpu.memref_slice %arg6[%dma_wait3A_118, %dma_wait3A_119] : memref<128x16xi32, #tpu.memory_space<vmem>> -> memref<8x16xi32, #tpu.memory_space<vmem>>
    %dma_wait3A_121 = arith.constant 0 : i32
    %dma_wait3A_122 = tpu.memref_slice %arg2[%add3A_20, %dma_wait3A_121] : memref<2048x16xi32, #tpu.memory_space<hbm>> -> memref<8x16xi32, #tpu.memory_space<hbm>>
    tpu.wait_dma2 semaphore(%arg5 : memref<!tpu.dma_semaphore, #tpu.memory_space<semaphore_mem>>) src(%dma_wait3A_122 : memref<8x16xi32, #tpu.memory_space<hbm>>) dst(%dma_wait3A_120 : memref<8x16xi32, #tpu.memory_space<vmem>>)
    %dma_wait3A_123 = arith.constant 8 : i32
    %dma_wait3A_124 = arith.constant 0 : i32
    %dma_wait3A_125 = tpu.memref_slice %arg6[%dma_wait3A_123, %dma_wait3A_124] : memref<128x16xi32, #tpu.memory_space<vmem>> -> memref<8x16xi32, #tpu.memory_space<vmem>>
    %dma_wait3A_126 = arith.constant 0 : i32
    %dma_wait3A_127 = tpu.memref_slice %arg2[%add3A_31, %dma_wait3A_126] : memref<2048x16xi32, #tpu.memory_space<hbm>> -> memref<8x16xi32, #tpu.memory_space<hbm>>
    %dma_wait3A_128 = arith.constant 8 : i32
    %dma_wait3A_129 = arith.constant 0 : i32
    %dma_wait3A_130 = tpu.memref_slice %arg6[%dma_wait3A_128, %dma_wait3A_129] : memref<128x16xi32, #tpu.memory_space<vmem>> -> memref<8x16xi32, #tpu.memory_space<vmem>>
    %dma_wait3A_131 = arith.constant 0 : i32
    %dma_wait3A_132 = tpu.memref_slice %arg2[%add3A_31, %dma_wait3A_131] : memref<2048x16xi32, #tpu.memory_space<hbm>> -> memref<8x16xi32, #tpu.memory_space<hbm>>
    tpu.wait_dma2 semaphore(%arg5 : memref<!tpu.dma_semaphore, #tpu.memory_space<semaphore_mem>>) src(%dma_wait3A_132 : memref<8x16xi32, #tpu.memory_space<hbm>>) dst(%dma_wait3A_130 : memref<8x16xi32, #tpu.memory_space<vmem>>)
    %dma_wait3A_133 = arith.constant 16 : i32
    %dma_wait3A_134 = arith.constant 0 : i32
    %dma_wait3A_135 = tpu.memref_slice %arg6[%dma_wait3A_133, %dma_wait3A_134] : memref<128x16xi32, #tpu.memory_space<vmem>> -> memref<8x16xi32, #tpu.memory_space<vmem>>
    %dma_wait3A_136 = arith.constant 0 : i32
    %dma_wait3A_137 = tpu.memref_slice %arg2[%add3A_43, %dma_wait3A_136] : memref<2048x16xi32, #tpu.memory_space<hbm>> -> memref<8x16xi32, #tpu.memory_space<hbm>>
    %dma_wait3A_138 = arith.constant 16 : i32
    %dma_wait3A_139 = arith.constant 0 : i32
    %dma_wait3A_140 = tpu.memref_slice %arg6[%dma_wait3A_138, %dma_wait3A_139] : memref<128x16xi32, #tpu.memory_space<vmem>> -> memref<8x16xi32, #tpu.memory_space<vmem>>
    %dma_wait3A_141 = arith.constant 0 : i32
    %dma_wait3A_142 = tpu.memref_slice %arg2[%add3A_43, %dma_wait3A_141] : memref<2048x16xi32, #tpu.memory_space<hbm>> -> memref<8x16xi32, #tpu.memory_space<hbm>>
    tpu.wait_dma2 semaphore(%arg5 : memref<!tpu.dma_semaphore, #tpu.memory_space<semaphore_mem>>) src(%dma_wait3A_142 : memref<8x16xi32, #tpu.memory_space<hbm>>) dst(%dma_wait3A_140 : memref<8x16xi32, #tpu.memory_space<vmem>>)
    %dma_wait3A_143 = arith.constant 24 : i32
    %dma_wait3A_144 = arith.constant 0 : i32
    %dma_wait3A_145 = tpu.memref_slice %arg6[%dma_wait3A_143, %dma_wait3A_144] : memref<128x16xi32, #tpu.memory_space<vmem>> -> memref<8x16xi32, #tpu.memory_space<vmem>>
    %dma_wait3A_146 = arith.constant 0 : i32
    %dma_wait3A_147 = tpu.memref_slice %arg2[%add3A_55, %dma_wait3A_146] : memref<2048x16xi32, #tpu.memory_space<hbm>> -> memref<8x16xi32, #tpu.memory_space<hbm>>
    %dma_wait3A_148 = arith.constant 24 : i32
    %dma_wait3A_149 = arith.constant 0 : i32
    %dma_wait3A_150 = tpu.memref_slice %arg6[%dma_wait3A_148, %dma_wait3A_149] : memref<128x16xi32, #tpu.memory_space<vmem>> -> memref<8x16xi32, #tpu.memory_space<vmem>>
    %dma_wait3A_151 = arith.constant 0 : i32
    %dma_wait3A_152 = tpu.memref_slice %arg2[%add3A_55, %dma_wait3A_151] : memref<2048x16xi32, #tpu.memory_space<hbm>> -> memref<8x16xi32, #tpu.memory_space<hbm>>
    tpu.wait_dma2 semaphore(%arg5 : memref<!tpu.dma_semaphore, #tpu.memory_space<semaphore_mem>>) src(%dma_wait3A_152 : memref<8x16xi32, #tpu.memory_space<hbm>>) dst(%dma_wait3A_150 : memref<8x16xi32, #tpu.memory_space<vmem>>)
    %dma_wait3A_153 = arith.constant 32 : i32
    %dma_wait3A_154 = arith.constant 0 : i32
    %dma_wait3A_155 = tpu.memref_slice %arg6[%dma_wait3A_153, %dma_wait3A_154] : memref<128x16xi32, #tpu.memory_space<vmem>> -> memref<8x16xi32, #tpu.memory_space<vmem>>
    %dma_wait3A_156 = arith.constant 0 : i32
    %dma_wait3A_157 = tpu.memref_slice %arg2[%add3A_67, %dma_wait3A_156] : memref<2048x16xi32, #tpu.memory_space<hbm>> -> memref<8x16xi32, #tpu.memory_space<hbm>>
    %dma_wait3A_158 = arith.constant 32 : i32
    %dma_wait3A_159 = arith.constant 0 : i32
    %dma_wait3A_160 = tpu.memref_slice %arg6[%dma_wait3A_158, %dma_wait3A_159] : memref<128x16xi32, #tpu.memory_space<vmem>> -> memref<8x16xi32, #tpu.memory_space<vmem>>
    %dma_wait3A_161 = arith.constant 0 : i32
    %dma_wait3A_162 = tpu.memref_slice %arg2[%add3A_67, %dma_wait3A_161] : memref<2048x16xi32, #tpu.memory_space<hbm>> -> memref<8x16xi32, #tpu.memory_space<hbm>>
    tpu.wait_dma2 semaphore(%arg5 : memref<!tpu.dma_semaphore, #tpu.memory_space<semaphore_mem>>) src(%dma_wait3A_162 : memref<8x16xi32, #tpu.memory_space<hbm>>) dst(%dma_wait3A_160 : memref<8x16xi32, #tpu.memory_space<vmem>>)
    %dma_wait3A_163 = arith.constant 40 : i32
    %dma_wait3A_164 = arith.constant 0 : i32
    %dma_wait3A_165 = tpu.memref_slice %arg6[%dma_wait3A_163, %dma_wait3A_164] : memref<128x16xi32, #tpu.memory_space<vmem>> -> memref<8x16xi32, #tpu.memory_space<vmem>>
    %dma_wait3A_166 = arith.constant 0 : i32
    %dma_wait3A_167 = tpu.memref_slice %arg2[%add3A_79, %dma_wait3A_166] : memref<2048x16xi32, #tpu.memory_space<hbm>> -> memref<8x16xi32, #tpu.memory_space<hbm>>
    %dma_wait3A_168 = arith.constant 40 : i32
    %dma_wait3A_169 = arith.constant 0 : i32
    %dma_wait3A_170 = tpu.memref_slice %arg6[%dma_wait3A_168, %dma_wait3A_169] : memref<128x16xi32, #tpu.memory_space<vmem>> -> memref<8x16xi32, #tpu.memory_space<vmem>>
    %dma_wait3A_171 = arith.constant 0 : i32
    %dma_wait3A_172 = tpu.memref_slice %arg2[%add3A_79, %dma_wait3A_171] : memref<2048x16xi32, #tpu.memory_space<hbm>> -> memref<8x16xi32, #tpu.memory_space<hbm>>
    tpu.wait_dma2 semaphore(%arg5 : memref<!tpu.dma_semaphore, #tpu.memory_space<semaphore_mem>>) src(%dma_wait3A_172 : memref<8x16xi32, #tpu.memory_space<hbm>>) dst(%dma_wait3A_170 : memref<8x16xi32, #tpu.memory_space<vmem>>)
    %dma_wait3A_173 = arith.constant 48 : i32
    %dma_wait3A_174 = arith.constant 0 : i32
    %dma_wait3A_175 = tpu.memref_slice %arg6[%dma_wait3A_173, %dma_wait3A_174] : memref<128x16xi32, #tpu.memory_space<vmem>> -> memref<8x16xi32, #tpu.memory_space<vmem>>
    %dma_wait3A_176 = arith.constant 0 : i32
    %dma_wait3A_177 = tpu.memref_slice %arg2[%add3A_91, %dma_wait3A_176] : memref<2048x16xi32, #tpu.memory_space<hbm>> -> memref<8x16xi32, #tpu.memory_space<hbm>>
    %dma_wait3A_178 = arith.constant 48 : i32
    %dma_wait3A_179 = arith.constant 0 : i32
    %dma_wait3A_180 = tpu.memref_slice %arg6[%dma_wait3A_178, %dma_wait3A_179] : memref<128x16xi32, #tpu.memory_space<vmem>> -> memref<8x16xi32, #tpu.memory_space<vmem>>
    %dma_wait3A_181 = arith.constant 0 : i32
    %dma_wait3A_182 = tpu.memref_slice %arg2[%add3A_91, %dma_wait3A_181] : memref<2048x16xi32, #tpu.memory_space<hbm>> -> memref<8x16xi32, #tpu.memory_space<hbm>>
    tpu.wait_dma2 semaphore(%arg5 : memref<!tpu.dma_semaphore, #tpu.memory_space<semaphore_mem>>) src(%dma_wait3A_182 : memref<8x16xi32, #tpu.memory_space<hbm>>) dst(%dma_wait3A_180 : memref<8x16xi32, #tpu.memory_space<vmem>>)
    %dma_wait3A_183 = arith.constant 56 : i32
    %dma_wait3A_184 = arith.constant 0 : i32
    %dma_wait3A_185 = tpu.memref_slice %arg6[%dma_wait3A_183, %dma_wait3A_184] : memref<128x16xi32, #tpu.memory_space<vmem>> -> memref<8x16xi32, #tpu.memory_space<vmem>>
    %dma_wait3A_186 = arith.constant 0 : i32
    %dma_wait3A_187 = tpu.memref_slice %arg2[%add3A_103, %dma_wait3A_186] : memref<2048x16xi32, #tpu.memory_space<hbm>> -> memref<8x16xi32, #tpu.memory_space<hbm>>
    %dma_wait3A_188 = arith.constant 56 : i32
    %dma_wait3A_189 = arith.constant 0 : i32
    %dma_wait3A_190 = tpu.memref_slice %arg6[%dma_wait3A_188, %dma_wait3A_189] : memref<128x16xi32, #tpu.memory_space<vmem>> -> memref<8x16xi32, #tpu.memory_space<vmem>>
    %dma_wait3A_191 = arith.constant 0 : i32
    %dma_wait3A_192 = tpu.memref_slice %arg2[%add3A_103, %dma_wait3A_191] : memref<2048x16xi32, #tpu.memory_space<hbm>> -> memref<8x16xi32, #tpu.memory_space<hbm>>
    tpu.wait_dma2 semaphore(%arg5 : memref<!tpu.dma_semaphore, #tpu.memory_space<semaphore_mem>>) src(%dma_wait3A_192 : memref<8x16xi32, #tpu.memory_space<hbm>>) dst(%dma_wait3A_190 : memref<8x16xi32, #tpu.memory_space<vmem>>)
    %add3A_193 = arith.constant 1024 : i32
    %add3A_194 = arith.addi %add3A_193, %multiple_of3A : i32
    %dma_start3A_195 = arith.constant 64 : i32
    %dma_start3A_196 = arith.constant 0 : i32
    %dma_start3A_197 = tpu.memref_slice %arg6[%dma_start3A_195, %dma_start3A_196] : memref<128x16xi32, #tpu.memory_space<vmem>> -> memref<8x16xi32, #tpu.memory_space<vmem>>
    %dma_start3A_198 = arith.constant 0 : i32
    %dma_start3A_199 = tpu.memref_slice %arg2[%add3A_194, %dma_start3A_198] : memref<2048x16xi32, #tpu.memory_space<hbm>> -> memref<8x16xi32, #tpu.memory_space<hbm>>
    %dma_start3A_200 = arith.constant 64 : i32
    %dma_start3A_201 = arith.constant 0 : i32
    %dma_start3A_202 = tpu.memref_slice %arg6[%dma_start3A_200, %dma_start3A_201] : memref<128x16xi32, #tpu.memory_space<vmem>> -> memref<8x16xi32, #tpu.memory_space<vmem>>
    %dma_start3A_203 = arith.constant 0 : i32
    %dma_start3A_204 = tpu.memref_slice %arg2[%add3A_194, %dma_start3A_203] : memref<2048x16xi32, #tpu.memory_space<hbm>> -> memref<8x16xi32, #tpu.memory_space<hbm>>
    tpu.enqueue_dma source(%dma_start3A_204 : memref<8x16xi32, #tpu.memory_space<hbm>>) target(%dma_start3A_202 : memref<8x16xi32, #tpu.memory_space<vmem>>) target_semaphore(%arg5 : memref<!tpu.dma_semaphore, #tpu.memory_space<semaphore_mem>>)
    %add3A_205 = arith.constant 1152 : i32
    %add3A_206 = arith.addi %add3A_205, %multiple_of3A : i32
    %dma_start3A_207 = arith.constant 72 : i32
    %dma_start3A_208 = arith.constant 0 : i32
    %dma_start3A_209 = tpu.memref_slice %arg6[%dma_start3A_207, %dma_start3A_208] : memref<128x16xi32, #tpu.memory_space<vmem>> -> memref<8x16xi32, #tpu.memory_space<vmem>>
    %dma_start3A_210 = arith.constant 0 : i32
    %dma_start3A_211 = tpu.memref_slice %arg2[%add3A_206, %dma_start3A_210] : memref<2048x16xi32, #tpu.memory_space<hbm>> -> memref<8x16xi32, #tpu.memory_space<hbm>>
    %dma_start3A_212 = arith.constant 72 : i32
    %dma_start3A_213 = arith.constant 0 : i32
    %dma_start3A_214 = tpu.memref_slice %arg6[%dma_start3A_212, %dma_start3A_213] : memref<128x16xi32, #tpu.memory_space<vmem>> -> memref<8x16xi32, #tpu.memory_space<vmem>>
    %dma_start3A_215 = arith.constant 0 : i32
    %dma_start3A_216 = tpu.memref_slice %arg2[%add3A_206, %dma_start3A_215] : memref<2048x16xi32, #tpu.memory_space<hbm>> -> memref<8x16xi32, #tpu.memory_space<hbm>>
    tpu.enqueue_dma source(%dma_start3A_216 : memref<8x16xi32, #tpu.memory_space<hbm>>) target(%dma_start3A_214 : memref<8x16xi32, #tpu.memory_space<vmem>>) target_semaphore(%arg5 : memref<!tpu.dma_semaphore, #tpu.memory_space<semaphore_mem>>)
    %add3A_217 = arith.constant 1280 : i32
    %add3A_218 = arith.addi %add3A_217, %multiple_of3A : i32
    %dma_start3A_219 = arith.constant 80 : i32
    %dma_start3A_220 = arith.constant 0 : i32
    %dma_start3A_221 = tpu.memref_slice %arg6[%dma_start3A_219, %dma_start3A_220] : memref<128x16xi32, #tpu.memory_space<vmem>> -> memref<8x16xi32, #tpu.memory_space<vmem>>
    %dma_start3A_222 = arith.constant 0 : i32
    %dma_start3A_223 = tpu.memref_slice %arg2[%add3A_218, %dma_start3A_222] : memref<2048x16xi32, #tpu.memory_space<hbm>> -> memref<8x16xi32, #tpu.memory_space<hbm>>
    %dma_start3A_224 = arith.constant 80 : i32
    %dma_start3A_225 = arith.constant 0 : i32
    %dma_start3A_226 = tpu.memref_slice %arg6[%dma_start3A_224, %dma_start3A_225] : memref<128x16xi32, #tpu.memory_space<vmem>> -> memref<8x16xi32, #tpu.memory_space<vmem>>
    %dma_start3A_227 = arith.constant 0 : i32
    %dma_start3A_228 = tpu.memref_slice %arg2[%add3A_218, %dma_start3A_227] : memref<2048x16xi32, #tpu.memory_space<hbm>> -> memref<8x16xi32, #tpu.memory_space<hbm>>
    tpu.enqueue_dma source(%dma_start3A_228 : memref<8x16xi32, #tpu.memory_space<hbm>>) target(%dma_start3A_226 : memref<8x16xi32, #tpu.memory_space<vmem>>) target_semaphore(%arg5 : memref<!tpu.dma_semaphore, #tpu.memory_space<semaphore_mem>>)
    %add3A_229 = arith.constant 1408 : i32
    %add3A_230 = arith.addi %add3A_229, %multiple_of3A : i32
    %dma_start3A_231 = arith.constant 88 : i32
    %dma_start3A_232 = arith.constant 0 : i32
    %dma_start3A_233 = tpu.memref_slice %arg6[%dma_start3A_231, %dma_start3A_232] : memref<128x16xi32, #tpu.memory_space<vmem>> -> memref<8x16xi32, #tpu.memory_space<vmem>>
    %dma_start3A_234 = arith.constant 0 : i32
    %dma_start3A_235 = tpu.memref_slice %arg2[%add3A_230, %dma_start3A_234] : memref<2048x16xi32, #tpu.memory_space<hbm>> -> memref<8x16xi32, #tpu.memory_space<hbm>>
    %dma_start3A_236 = arith.constant 88 : i32
    %dma_start3A_237 = arith.constant 0 : i32
    %dma_start3A_238 = tpu.memref_slice %arg6[%dma_start3A_236, %dma_start3A_237] : memref<128x16xi32, #tpu.memory_space<vmem>> -> memref<8x16xi32, #tpu.memory_space<vmem>>
    %dma_start3A_239 = arith.constant 0 : i32
    %dma_start3A_240 = tpu.memref_slice %arg2[%add3A_230, %dma_start3A_239] : memref<2048x16xi32, #tpu.memory_space<hbm>> -> memref<8x16xi32, #tpu.memory_space<hbm>>
    tpu.enqueue_dma source(%dma_start3A_240 : memref<8x16xi32, #tpu.memory_space<hbm>>) target(%dma_start3A_238 : memref<8x16xi32, #tpu.memory_space<vmem>>) target_semaphore(%arg5 : memref<!tpu.dma_semaphore, #tpu.memory_space<semaphore_mem>>)
    %add3A_241 = arith.constant 1536 : i32
    %add3A_242 = arith.addi %add3A_241, %multiple_of3A : i32
    %dma_start3A_243 = arith.constant 96 : i32
    %dma_start3A_244 = arith.constant 0 : i32
    %dma_start3A_245 = tpu.memref_slice %arg6[%dma_start3A_243, %dma_start3A_244] : memref<128x16xi32, #tpu.memory_space<vmem>> -> memref<8x16xi32, #tpu.memory_space<vmem>>
    %dma_start3A_246 = arith.constant 0 : i32
    %dma_start3A_247 = tpu.memref_slice %arg2[%add3A_242, %dma_start3A_246] : memref<2048x16xi32, #tpu.memory_space<hbm>> -> memref<8x16xi32, #tpu.memory_space<hbm>>
    %dma_start3A_248 = arith.constant 96 : i32
    %dma_start3A_249 = arith.constant 0 : i32
    %dma_start3A_250 = tpu.memref_slice %arg6[%dma_start3A_248, %dma_start3A_249] : memref<128x16xi32, #tpu.memory_space<vmem>> -> memref<8x16xi32, #tpu.memory_space<vmem>>
    %dma_start3A_251 = arith.constant 0 : i32
    %dma_start3A_252 = tpu.memref_slice %arg2[%add3A_242, %dma_start3A_251] : memref<2048x16xi32, #tpu.memory_space<hbm>> -> memref<8x16xi32, #tpu.memory_space<hbm>>
    tpu.enqueue_dma source(%dma_start3A_252 : memref<8x16xi32, #tpu.memory_space<hbm>>) target(%dma_start3A_250 : memref<8x16xi32, #tpu.memory_space<vmem>>) target_semaphore(%arg5 : memref<!tpu.dma_semaphore, #tpu.memory_space<semaphore_mem>>)
    %add3A_253 = arith.constant 1664 : i32
    %add3A_254 = arith.addi %add3A_253, %multiple_of3A : i32
    %dma_start3A_255 = arith.constant 104 : i32
    %dma_start3A_256 = arith.constant 0 : i32
    %dma_start3A_257 = tpu.memref_slice %arg6[%dma_start3A_255, %dma_start3A_256] : memref<128x16xi32, #tpu.memory_space<vmem>> -> memref<8x16xi32, #tpu.memory_space<vmem>>
    %dma_start3A_258 = arith.constant 0 : i32
    %dma_start3A_259 = tpu.memref_slice %arg2[%add3A_254, %dma_start3A_258] : memref<2048x16xi32, #tpu.memory_space<hbm>> -> memref<8x16xi32, #tpu.memory_space<hbm>>
    %dma_start3A_260 = arith.constant 104 : i32
    %dma_start3A_261 = arith.constant 0 : i32
    %dma_start3A_262 = tpu.memref_slice %arg6[%dma_start3A_260, %dma_start3A_261] : memref<128x16xi32, #tpu.memory_space<vmem>> -> memref<8x16xi32, #tpu.memory_space<vmem>>
    %dma_start3A_263 = arith.constant 0 : i32
    %dma_start3A_264 = tpu.memref_slice %arg2[%add3A_254, %dma_start3A_263] : memref<2048x16xi32, #tpu.memory_space<hbm>> -> memref<8x16xi32, #tpu.memory_space<hbm>>
    tpu.enqueue_dma source(%dma_start3A_264 : memref<8x16xi32, #tpu.memory_space<hbm>>) target(%dma_start3A_262 : memref<8x16xi32, #tpu.memory_space<vmem>>) target_semaphore(%arg5 : memref<!tpu.dma_semaphore, #tpu.memory_space<semaphore_mem>>)
    %add3A_265 = arith.constant 1792 : i32
    %add3A_266 = arith.addi %add3A_265, %multiple_of3A : i32
    %dma_start3A_267 = arith.constant 112 : i32
    %dma_start3A_268 = arith.constant 0 : i32
    %dma_start3A_269 = tpu.memref_slice %arg6[%dma_start3A_267, %dma_start3A_268] : memref<128x16xi32, #tpu.memory_space<vmem>> -> memref<8x16xi32, #tpu.memory_space<vmem>>
    %dma_start3A_270 = arith.constant 0 : i32
    %dma_start3A_271 = tpu.memref_slice %arg2[%add3A_266, %dma_start3A_270] : memref<2048x16xi32, #tpu.memory_space<hbm>> -> memref<8x16xi32, #tpu.memory_space<hbm>>
    %dma_start3A_272 = arith.constant 112 : i32
    %dma_start3A_273 = arith.constant 0 : i32
    %dma_start3A_274 = tpu.memref_slice %arg6[%dma_start3A_272, %dma_start3A_273] : memref<128x16xi32, #tpu.memory_space<vmem>> -> memref<8x16xi32, #tpu.memory_space<vmem>>
    %dma_start3A_275 = arith.constant 0 : i32
    %dma_start3A_276 = tpu.memref_slice %arg2[%add3A_266, %dma_start3A_275] : memref<2048x16xi32, #tpu.memory_space<hbm>> -> memref<8x16xi32, #tpu.memory_space<hbm>>
    tpu.enqueue_dma source(%dma_start3A_276 : memref<8x16xi32, #tpu.memory_space<hbm>>) target(%dma_start3A_274 : memref<8x16xi32, #tpu.memory_space<vmem>>) target_semaphore(%arg5 : memref<!tpu.dma_semaphore, #tpu.memory_space<semaphore_mem>>)
    %add3A_277 = arith.constant 1920 : i32
    %add3A_278 = arith.addi %add3A_277, %multiple_of3A : i32
    %dma_start3A_279 = arith.constant 120 : i32
    %dma_start3A_280 = arith.constant 0 : i32
    %dma_start3A_281 = tpu.memref_slice %arg6[%dma_start3A_279, %dma_start3A_280] : memref<128x16xi32, #tpu.memory_space<vmem>> -> memref<8x16xi32, #tpu.memory_space<vmem>>
    %dma_start3A_282 = arith.constant 0 : i32
    %dma_start3A_283 = tpu.memref_slice %arg2[%add3A_278, %dma_start3A_282] : memref<2048x16xi32, #tpu.memory_space<hbm>> -> memref<8x16xi32, #tpu.memory_space<hbm>>
    %dma_start3A_284 = arith.constant 120 : i32
    %dma_start3A_285 = arith.constant 0 : i32
    %dma_start3A_286 = tpu.memref_slice %arg6[%dma_start3A_284, %dma_start3A_285] : memref<128x16xi32, #tpu.memory_space<vmem>> -> memref<8x16xi32, #tpu.memory_space<vmem>>
    %dma_start3A_287 = arith.constant 0 : i32
    %dma_start3A_288 = tpu.memref_slice %arg2[%add3A_278, %dma_start3A_287] : memref<2048x16xi32, #tpu.memory_space<hbm>> -> memref<8x16xi32, #tpu.memory_space<hbm>>
    tpu.enqueue_dma source(%dma_start3A_288 : memref<8x16xi32, #tpu.memory_space<hbm>>) target(%dma_start3A_286 : memref<8x16xi32, #tpu.memory_space<vmem>>) target_semaphore(%arg5 : memref<!tpu.dma_semaphore, #tpu.memory_space<semaphore_mem>>)
    %dma_wait3A_289 = arith.constant 64 : i32
    %dma_wait3A_290 = arith.constant 0 : i32
    %dma_wait3A_291 = tpu.memref_slice %arg6[%dma_wait3A_289, %dma_wait3A_290] : memref<128x16xi32, #tpu.memory_space<vmem>> -> memref<8x16xi32, #tpu.memory_space<vmem>>
    %dma_wait3A_292 = arith.constant 0 : i32
    %dma_wait3A_293 = tpu.memref_slice %arg2[%add3A_194, %dma_wait3A_292] : memref<2048x16xi32, #tpu.memory_space<hbm>> -> memref<8x16xi32, #tpu.memory_space<hbm>>
    %dma_wait3A_294 = arith.constant 64 : i32
    %dma_wait3A_295 = arith.constant 0 : i32
    %dma_wait3A_296 = tpu.memref_slice %arg6[%dma_wait3A_294, %dma_wait3A_295] : memref<128x16xi32, #tpu.memory_space<vmem>> -> memref<8x16xi32, #tpu.memory_space<vmem>>
    %dma_wait3A_297 = arith.constant 0 : i32
    %dma_wait3A_298 = tpu.memref_slice %arg2[%add3A_194, %dma_wait3A_297] : memref<2048x16xi32, #tpu.memory_space<hbm>> -> memref<8x16xi32, #tpu.memory_space<hbm>>
    tpu.wait_dma2 semaphore(%arg5 : memref<!tpu.dma_semaphore, #tpu.memory_space<semaphore_mem>>) src(%dma_wait3A_298 : memref<8x16xi32, #tpu.memory_space<hbm>>) dst(%dma_wait3A_296 : memref<8x16xi32, #tpu.memory_space<vmem>>)
    %dma_wait3A_299 = arith.constant 72 : i32
    %dma_wait3A_300 = arith.constant 0 : i32
    %dma_wait3A_301 = tpu.memref_slice %arg6[%dma_wait3A_299, %dma_wait3A_300] : memref<128x16xi32, #tpu.memory_space<vmem>> -> memref<8x16xi32, #tpu.memory_space<vmem>>
    %dma_wait3A_302 = arith.constant 0 : i32
    %dma_wait3A_303 = tpu.memref_slice %arg2[%add3A_206, %dma_wait3A_302] : memref<2048x16xi32, #tpu.memory_space<hbm>> -> memref<8x16xi32, #tpu.memory_space<hbm>>
    %dma_wait3A_304 = arith.constant 72 : i32
    %dma_wait3A_305 = arith.constant 0 : i32
    %dma_wait3A_306 = tpu.memref_slice %arg6[%dma_wait3A_304, %dma_wait3A_305] : memref<128x16xi32, #tpu.memory_space<vmem>> -> memref<8x16xi32, #tpu.memory_space<vmem>>
    %dma_wait3A_307 = arith.constant 0 : i32
    %dma_wait3A_308 = tpu.memref_slice %arg2[%add3A_206, %dma_wait3A_307] : memref<2048x16xi32, #tpu.memory_space<hbm>> -> memref<8x16xi32, #tpu.memory_space<hbm>>
    tpu.wait_dma2 semaphore(%arg5 : memref<!tpu.dma_semaphore, #tpu.memory_space<semaphore_mem>>) src(%dma_wait3A_308 : memref<8x16xi32, #tpu.memory_space<hbm>>) dst(%dma_wait3A_306 : memref<8x16xi32, #tpu.memory_space<vmem>>)
    %dma_wait3A_309 = arith.constant 80 : i32
    %dma_wait3A_310 = arith.constant 0 : i32
    %dma_wait3A_311 = tpu.memref_slice %arg6[%dma_wait3A_309, %dma_wait3A_310] : memref<128x16xi32, #tpu.memory_space<vmem>> -> memref<8x16xi32, #tpu.memory_space<vmem>>
    %dma_wait3A_312 = arith.constant 0 : i32
    %dma_wait3A_313 = tpu.memref_slice %arg2[%add3A_218, %dma_wait3A_312] : memref<2048x16xi32, #tpu.memory_space<hbm>> -> memref<8x16xi32, #tpu.memory_space<hbm>>
    %dma_wait3A_314 = arith.constant 80 : i32
    %dma_wait3A_315 = arith.constant 0 : i32
    %dma_wait3A_316 = tpu.memref_slice %arg6[%dma_wait3A_314, %dma_wait3A_315] : memref<128x16xi32, #tpu.memory_space<vmem>> -> memref<8x16xi32, #tpu.memory_space<vmem>>
    %dma_wait3A_317 = arith.constant 0 : i32
    %dma_wait3A_318 = tpu.memref_slice %arg2[%add3A_218, %dma_wait3A_317] : memref<2048x16xi32, #tpu.memory_space<hbm>> -> memref<8x16xi32, #tpu.memory_space<hbm>>
    tpu.wait_dma2 semaphore(%arg5 : memref<!tpu.dma_semaphore, #tpu.memory_space<semaphore_mem>>) src(%dma_wait3A_318 : memref<8x16xi32, #tpu.memory_space<hbm>>) dst(%dma_wait3A_316 : memref<8x16xi32, #tpu.memory_space<vmem>>)
    %dma_wait3A_319 = arith.constant 88 : i32
    %dma_wait3A_320 = arith.constant 0 : i32
    %dma_wait3A_321 = tpu.memref_slice %arg6[%dma_wait3A_319, %dma_wait3A_320] : memref<128x16xi32, #tpu.memory_space<vmem>> -> memref<8x16xi32, #tpu.memory_space<vmem>>
    %dma_wait3A_322 = arith.constant 0 : i32
    %dma_wait3A_323 = tpu.memref_slice %arg2[%add3A_230, %dma_wait3A_322] : memref<2048x16xi32, #tpu.memory_space<hbm>> -> memref<8x16xi32, #tpu.memory_space<hbm>>
    %dma_wait3A_324 = arith.constant 88 : i32
    %dma_wait3A_325 = arith.constant 0 : i32
    %dma_wait3A_326 = tpu.memref_slice %arg6[%dma_wait3A_324, %dma_wait3A_325] : memref<128x16xi32, #tpu.memory_space<vmem>> -> memref<8x16xi32, #tpu.memory_space<vmem>>
    %dma_wait3A_327 = arith.constant 0 : i32
    %dma_wait3A_328 = tpu.memref_slice %arg2[%add3A_230, %dma_wait3A_327] : memref<2048x16xi32, #tpu.memory_space<hbm>> -> memref<8x16xi32, #tpu.memory_space<hbm>>
    tpu.wait_dma2 semaphore(%arg5 : memref<!tpu.dma_semaphore, #tpu.memory_space<semaphore_mem>>) src(%dma_wait3A_328 : memref<8x16xi32, #tpu.memory_space<hbm>>) dst(%dma_wait3A_326 : memref<8x16xi32, #tpu.memory_space<vmem>>)
    %dma_wait3A_329 = arith.constant 96 : i32
    %dma_wait3A_330 = arith.constant 0 : i32
    %dma_wait3A_331 = tpu.memref_slice %arg6[%dma_wait3A_329, %dma_wait3A_330] : memref<128x16xi32, #tpu.memory_space<vmem>> -> memref<8x16xi32, #tpu.memory_space<vmem>>
    %dma_wait3A_332 = arith.constant 0 : i32
    %dma_wait3A_333 = tpu.memref_slice %arg2[%add3A_242, %dma_wait3A_332] : memref<2048x16xi32, #tpu.memory_space<hbm>> -> memref<8x16xi32, #tpu.memory_space<hbm>>
    %dma_wait3A_334 = arith.constant 96 : i32
    %dma_wait3A_335 = arith.constant 0 : i32
    %dma_wait3A_336 = tpu.memref_slice %arg6[%dma_wait3A_334, %dma_wait3A_335] : memref<128x16xi32, #tpu.memory_space<vmem>> -> memref<8x16xi32, #tpu.memory_space<vmem>>
    %dma_wait3A_337 = arith.constant 0 : i32
    %dma_wait3A_338 = tpu.memref_slice %arg2[%add3A_242, %dma_wait3A_337] : memref<2048x16xi32, #tpu.memory_space<hbm>> -> memref<8x16xi32, #tpu.memory_space<hbm>>
    tpu.wait_dma2 semaphore(%arg5 : memref<!tpu.dma_semaphore, #tpu.memory_space<semaphore_mem>>) src(%dma_wait3A_338 : memref<8x16xi32, #tpu.memory_space<hbm>>) dst(%dma_wait3A_336 : memref<8x16xi32, #tpu.memory_space<vmem>>)
    %dma_wait3A_339 = arith.constant 104 : i32
    %dma_wait3A_340 = arith.constant 0 : i32
    %dma_wait3A_341 = tpu.memref_slice %arg6[%dma_wait3A_339, %dma_wait3A_340] : memref<128x16xi32, #tpu.memory_space<vmem>> -> memref<8x16xi32, #tpu.memory_space<vmem>>
    %dma_wait3A_342 = arith.constant 0 : i32
    %dma_wait3A_343 = tpu.memref_slice %arg2[%add3A_254, %dma_wait3A_342] : memref<2048x16xi32, #tpu.memory_space<hbm>> -> memref<8x16xi32, #tpu.memory_space<hbm>>
    %dma_wait3A_344 = arith.constant 104 : i32
    %dma_wait3A_345 = arith.constant 0 : i32
    %dma_wait3A_346 = tpu.memref_slice %arg6[%dma_wait3A_344, %dma_wait3A_345] : memref<128x16xi32, #tpu.memory_space<vmem>> -> memref<8x16xi32, #tpu.memory_space<vmem>>
    %dma_wait3A_347 = arith.constant 0 : i32
    %dma_wait3A_348 = tpu.memref_slice %arg2[%add3A_254, %dma_wait3A_347] : memref<2048x16xi32, #tpu.memory_space<hbm>> -> memref<8x16xi32, #tpu.memory_space<hbm>>
    tpu.wait_dma2 semaphore(%arg5 : memref<!tpu.dma_semaphore, #tpu.memory_space<semaphore_mem>>) src(%dma_wait3A_348 : memref<8x16xi32, #tpu.memory_space<hbm>>) dst(%dma_wait3A_346 : memref<8x16xi32, #tpu.memory_space<vmem>>)
    %dma_wait3A_349 = arith.constant 112 : i32
    %dma_wait3A_350 = arith.constant 0 : i32
    %dma_wait3A_351 = tpu.memref_slice %arg6[%dma_wait3A_349, %dma_wait3A_350] : memref<128x16xi32, #tpu.memory_space<vmem>> -> memref<8x16xi32, #tpu.memory_space<vmem>>
    %dma_wait3A_352 = arith.constant 0 : i32
    %dma_wait3A_353 = tpu.memref_slice %arg2[%add3A_266, %dma_wait3A_352] : memref<2048x16xi32, #tpu.memory_space<hbm>> -> memref<8x16xi32, #tpu.memory_space<hbm>>
    %dma_wait3A_354 = arith.constant 112 : i32
    %dma_wait3A_355 = arith.constant 0 : i32
    %dma_wait3A_356 = tpu.memref_slice %arg6[%dma_wait3A_354, %dma_wait3A_355] : memref<128x16xi32, #tpu.memory_space<vmem>> -> memref<8x16xi32, #tpu.memory_space<vmem>>
    %dma_wait3A_357 = arith.constant 0 : i32
    %dma_wait3A_358 = tpu.memref_slice %arg2[%add3A_266, %dma_wait3A_357] : memref<2048x16xi32, #tpu.memory_space<hbm>> -> memref<8x16xi32, #tpu.memory_space<hbm>>
    tpu.wait_dma2 semaphore(%arg5 : memref<!tpu.dma_semaphore, #tpu.memory_space<semaphore_mem>>) src(%dma_wait3A_358 : memref<8x16xi32, #tpu.memory_space<hbm>>) dst(%dma_wait3A_356 : memref<8x16xi32, #tpu.memory_space<vmem>>)
    %dma_wait3A_359 = arith.constant 120 : i32
    %dma_wait3A_360 = arith.constant 0 : i32
    %dma_wait3A_361 = tpu.memref_slice %arg6[%dma_wait3A_359, %dma_wait3A_360] : memref<128x16xi32, #tpu.memory_space<vmem>> -> memref<8x16xi32, #tpu.memory_space<vmem>>
    %dma_wait3A_362 = arith.constant 0 : i32
    %dma_wait3A_363 = tpu.memref_slice %arg2[%add3A_278, %dma_wait3A_362] : memref<2048x16xi32, #tpu.memory_space<hbm>> -> memref<8x16xi32, #tpu.memory_space<hbm>>
    %dma_wait3A_364 = arith.constant 120 : i32
    %dma_wait3A_365 = arith.constant 0 : i32
    %dma_wait3A_366 = tpu.memref_slice %arg6[%dma_wait3A_364, %dma_wait3A_365] : memref<128x16xi32, #tpu.memory_space<vmem>> -> memref<8x16xi32, #tpu.memory_space<vmem>>
    %dma_wait3A_367 = arith.constant 0 : i32
    %dma_wait3A_368 = tpu.memref_slice %arg2[%add3A_278, %dma_wait3A_367] : memref<2048x16xi32, #tpu.memory_space<hbm>> -> memref<8x16xi32, #tpu.memory_space<hbm>>
    tpu.wait_dma2 semaphore(%arg5 : memref<!tpu.dma_semaphore, #tpu.memory_space<semaphore_mem>>) src(%dma_wait3A_368 : memref<8x16xi32, #tpu.memory_space<hbm>>) dst(%dma_wait3A_366 : memref<8x16xi32, #tpu.memory_space<vmem>>)
    %get3A = arith.constant 0 : i32
    %get3A_369 = arith.index_cast %get3A : i32 to index
    %get3A_370 = arith.constant 0 : index
    %get3A_371 = tpu.vector_load %arg6[%get3A_369, %get3A_370] {strides = array<i32>} : memref<128x16xi32, #tpu.memory_space<vmem>>, vector<16xi32>,
    %get3A_372 = arith.constant 8 : i32
    %get3A_373 = arith.index_cast %get3A_372 : i32 to index
    %get3A_374 = arith.constant 0 : index
    %get3A_375 = tpu.vector_load %arg6[%get3A_373, %get3A_374] {strides = array<i32>} : memref<128x16xi32, #tpu.memory_space<vmem>>, vector<16xi32>,
    %add3A_376 = arith.addi %get3A_371, %get3A_375 : vector<16xi32>
    %get3A_377 = arith.constant 16 : i32
    %get3A_378 = arith.index_cast %get3A_377 : i32 to index
    %get3A_379 = arith.constant 0 : index
    %get3A_380 = tpu.vector_load %arg6[%get3A_378, %get3A_379] {strides = array<i32>} : memref<128x16xi32, #tpu.memory_space<vmem>>, vector<16xi32>,
    %add3A_381 = arith.addi %add3A_376, %get3A_380 : vector<16xi32>
    %get3A_382 = arith.constant 24 : i32
    %get3A_383 = arith.index_cast %get3A_382 : i32 to index
    %get3A_384 = arith.constant 0 : index
    %get3A_385 = tpu.vector_load %arg6[%get3A_383, %get3A_384] {strides = array<i32>} : memref<128x16xi32, #tpu.memory_space<vmem>>, vector<16xi32>,
    %add3A_386 = arith.addi %add3A_381, %get3A_385 : vector<16xi32>
    %get3A_387 = arith.constant 32 : i32
    %get3A_388 = arith.index_cast %get3A_387 : i32 to index
    %get3A_389 = arith.constant 0 : index
    %get3A_390 = tpu.vector_load %arg6[%get3A_388, %get3A_389] {strides = array<i32>} : memref<128x16xi32, #tpu.memory_space<vmem>>, vector<16xi32>,
    %add3A_391 = arith.addi %add3A_386, %get3A_390 : vector<16xi32>
    %get3A_392 = arith.constant 40 : i32
    %get3A_393 = arith.index_cast %get3A_392 : i32 to index
    %get3A_394 = arith.constant 0 : index
    %get3A_395 = tpu.vector_load %arg6[%get3A_393, %get3A_394] {strides = array<i32>} : memref<128x16xi32, #tpu.memory_space<vmem>>, vector<16xi32>,
    %add3A_396 = arith.addi %add3A_391, %get3A_395 : vector<16xi32>
    %get3A_397 = arith.constant 48 : i32
    %get3A_398 = arith.index_cast %get3A_397 : i32 to index
    %get3A_399 = arith.constant 0 : index
    %get3A_400 = tpu.vector_load %arg6[%get3A_398, %get3A_399] {strides = array<i32>} : memref<128x16xi32, #tpu.memory_space<vmem>>, vector<16xi32>,
    %add3A_401 = arith.addi %add3A_396, %get3A_400 : vector<16xi32>
    %get3A_402 = arith.constant 56 : i32
    %get3A_403 = arith.index_cast %get3A_402 : i32 to index
    %get3A_404 = arith.constant 0 : index
    %get3A_405 = tpu.vector_load %arg6[%get3A_403, %get3A_404] {strides = array<i32>} : memref<128x16xi32, #tpu.memory_space<vmem>>, vector<16xi32>,
    %add3A_406 = arith.addi %add3A_401, %get3A_405 : vector<16xi32>
    %get3A_407 = arith.constant 64 : i32
    %get3A_408 = arith.index_cast %get3A_407 : i32 to index
    %get3A_409 = arith.constant 0 : index
    %get3A_410 = tpu.vector_load %arg6[%get3A_408, %get3A_409] {strides = array<i32>} : memref<128x16xi32, #tpu.memory_space<vmem>>, vector<16xi32>,
    %add3A_411 = arith.addi %add3A_406, %get3A_410 : vector<16xi32>
    %get3A_412 = arith.constant 72 : i32
    %get3A_413 = arith.index_cast %get3A_412 : i32 to index
    %get3A_414 = arith.constant 0 : index
    %get3A_415 = tpu.vector_load %arg6[%get3A_413, %get3A_414] {strides = array<i32>} : memref<128x16xi32, #tpu.memory_space<vmem>>, vector<16xi32>,
    %add3A_416 = arith.addi %add3A_411, %get3A_415 : vector<16xi32>
    %get3A_417 = arith.constant 80 : i32
    %get3A_418 = arith.index_cast %get3A_417 : i32 to index
    %get3A_419 = arith.constant 0 : index
    %get3A_420 = tpu.vector_load %arg6[%get3A_418, %get3A_419] {strides = array<i32>} : memref<128x16xi32, #tpu.memory_space<vmem>>, vector<16xi32>,
    %add3A_421 = arith.addi %add3A_416, %get3A_420 : vector<16xi32>
    %get3A_422 = arith.constant 88 : i32
    %get3A_423 = arith.index_cast %get3A_422 : i32 to index
    %get3A_424 = arith.constant 0 : index
    %get3A_425 = tpu.vector_load %arg6[%get3A_423, %get3A_424] {strides = array<i32>} : memref<128x16xi32, #tpu.memory_space<vmem>>, vector<16xi32>,
    %add3A_426 = arith.addi %add3A_421, %get3A_425 : vector<16xi32>
    %get3A_427 = arith.constant 96 : i32
    %get3A_428 = arith.index_cast %get3A_427 : i32 to index
    %get3A_429 = arith.constant 0 : index
    %get3A_430 = tpu.vector_load %arg6[%get3A_428, %get3A_429] {strides = array<i32>} : memref<128x16xi32, #tpu.memory_space<vmem>>, vector<16xi32>,
    %add3A_431 = arith.addi %add3A_426, %get3A_430 : vector<16xi32>
    %get3A_432 = arith.constant 104 : i32
    %get3A_433 = arith.index_cast %get3A_432 : i32 to index
    %get3A_434 = arith.constant 0 : index
    %get3A_435 = tpu.vector_load %arg6[%get3A_433, %get3A_434] {strides = array<i32>} : memref<128x16xi32, #tpu.memory_space<vmem>>, vector<16xi32>,
    %add3A_436 = arith.addi %add3A_431, %get3A_435 : vector<16xi32>
    %get3A_437 = arith.constant 112 : i32
    %get3A_438 = arith.index_cast %get3A_437 : i32 to index
    %get3A_439 = arith.constant 0 : index
    %get3A_440 = tpu.vector_load %arg6[%get3A_438, %get3A_439] {strides = array<i32>} : memref<128x16xi32, #tpu.memory_space<vmem>>, vector<16xi32>,
    %add3A_441 = arith.addi %add3A_436, %get3A_440 : vector<16xi32>
    %get3A_442 = arith.constant 120 : i32
    %get3A_443 = arith.index_cast %get3A_442 : i32 to index
    %get3A_444 = arith.constant 0 : index
    %get3A_445 = tpu.vector_load %arg6[%get3A_443, %get3A_444] {strides = array<i32>} : memref<128x16xi32, #tpu.memory_space<vmem>>, vector<16xi32>,
    %add3A_446 = arith.addi %add3A_441, %get3A_445 : vector<16xi32>
    %and3A_447 = arith.constant 65535 : i32
    %and3A_448 = vector.broadcast %and3A_447 : i32 to vector<16xi32>
    %and3A_449 = arith.andi %add3A_446, %and3A_448 : vector<16xi32>
    %swap3A = arith.constant 0 : i32
    %swap3A_450 = arith.index_cast %swap3A : i32 to index
    %swap3A_451 = arith.constant 0 : index
    %swap3A_452 = tpu.vector_load %arg7[%swap3A_450, %swap3A_451] {strides = array<i32>} : memref<8x16xi32, #tpu.memory_space<vmem>>, vector<16xi32>,
    tpu.vector_store %arg7[%swap3A_450, %swap3A_451], %and3A_449 {strides = array<i32>} : memref<8x16xi32, #tpu.memory_space<vmem>>, vector<16xi32>,
    %shift_right_logical3A = arith.constant 16 : i32
    %shift_right_logical3A_453 = vector.broadcast %shift_right_logical3A : i32 to vector<16xi32>
    %shift_right_logical3A_454 = arith.shrui %add3A_446, %shift_right_logical3A_453 : vector<16xi32>
    %swap3A_455 = arith.constant 0 : i32
    %swap3A_456 = arith.index_cast %swap3A_455 : i32 to index
    %swap3A_457 = arith.constant 0 : index
    %swap3A_458 = tpu.vector_load %arg8[%swap3A_456, %swap3A_457] {strides = array<i32>} : memref<8x16xi32, #tpu.memory_space<vmem>>, vector<16xi32>,
    tpu.vector_store %arg8[%swap3A_456, %swap3A_457], %shift_right_logical3A_454 {strides = array<i32>} : memref<8x16xi32, #tpu.memory_space<vmem>>, vector<16xi32>,
    %get3A_459 = arith.constant 1 : i32
    %get3A_460 = arith.index_cast %get3A_459 : i32 to index
    %get3A_461 = arith.constant 0 : index
    %get3A_462 = tpu.vector_load %arg6[%get3A_460, %get3A_461] {strides = array<i32>} : memref<128x16xi32, #tpu.memory_space<vmem>>, vector<16xi32>,
    %get3A_463 = arith.constant 9 : i32
    %get3A_464 = arith.index_cast %get3A_463 : i32 to index
    %get3A_465 = arith.constant 0 : index
    %get3A_466 = tpu.vector_load %arg6[%get3A_464, %get3A_465] {strides = array<i32>} : memref<128x16xi32, #tpu.memory_space<vmem>>, vector<16xi32>,
    %add3A_467 = arith.addi %get3A_462, %get3A_466 : vector<16xi32>
    %get3A_468 = arith.constant 17 : i32
    %get3A_469 = arith.index_cast %get3A_468 : i32 to index
    %get3A_470 = arith.constant 0 : index
    %get3A_471 = tpu.vector_load %arg6[%get3A_469, %get3A_470] {strides = array<i32>} : memref<128x16xi32, #tpu.memory_space<vmem>>, vector<16xi32>,
    %add3A_472 = arith.addi %add3A_467, %get3A_471 : vector<16xi32>
    %get3A_473 = arith.constant 25 : i32
    %get3A_474 = arith.index_cast %get3A_473 : i32 to index
    %get3A_475 = arith.constant 0 : index
    %get3A_476 = tpu.vector_load %arg6[%get3A_474, %get3A_475] {strides = array<i32>} : memref<128x16xi32, #tpu.memory_space<vmem>>, vector<16xi32>,
    %add3A_477 = arith.addi %add3A_472, %get3A_476 : vector<16xi32>
    %get3A_478 = arith.constant 33 : i32
    %get3A_479 = arith.index_cast %get3A_478 : i32 to index
    %get3A_480 = arith.constant 0 : index
    %get3A_481 = tpu.vector_load %arg6[%get3A_479, %get3A_480] {strides = array<i32>} : memref<128x16xi32, #tpu.memory_space<vmem>>, vector<16xi32>,
    %add3A_482 = arith.addi %add3A_477, %get3A_481 : vector<16xi32>
    %get3A_483 = arith.constant 41 : i32
    %get3A_484 = arith.index_cast %get3A_483 : i32 to index
    %get3A_485 = arith.constant 0 : index
    %get3A_486 = tpu.vector_load %arg6[%get3A_484, %get3A_485] {strides = array<i32>} : memref<128x16xi32, #tpu.memory_space<vmem>>, vector<16xi32>,
    %add3A_487 = arith.addi %add3A_482, %get3A_486 : vector<16xi32>
    %get3A_488 = arith.constant 49 : i32
    %get3A_489 = arith.index_cast %get3A_488 : i32 to index
    %get3A_490 = arith.constant 0 : index
    %get3A_491 = tpu.vector_load %arg6[%get3A_489, %get3A_490] {strides = array<i32>} : memref<128x16xi32, #tpu.memory_space<vmem>>, vector<16xi32>,
    %add3A_492 = arith.addi %add3A_487, %get3A_491 : vector<16xi32>
    %get3A_493 = arith.constant 57 : i32
    %get3A_494 = arith.index_cast %get3A_493 : i32 to index
    %get3A_495 = arith.constant 0 : index
    %get3A_496 = tpu.vector_load %arg6[%get3A_494, %get3A_495] {strides = array<i32>} : memref<128x16xi32, #tpu.memory_space<vmem>>, vector<16xi32>,
    %add3A_497 = arith.addi %add3A_492, %get3A_496 : vector<16xi32>
    %get3A_498 = arith.constant 65 : i32
    %get3A_499 = arith.index_cast %get3A_498 : i32 to index
    %get3A_500 = arith.constant 0 : index
    %get3A_501 = tpu.vector_load %arg6[%get3A_499, %get3A_500] {strides = array<i32>} : memref<128x16xi32, #tpu.memory_space<vmem>>, vector<16xi32>,
    %add3A_502 = arith.addi %add3A_497, %get3A_501 : vector<16xi32>
    %get3A_503 = arith.constant 73 : i32
    %get3A_504 = arith.index_cast %get3A_503 : i32 to index
    %get3A_505 = arith.constant 0 : index
    %get3A_506 = tpu.vector_load %arg6[%get3A_504, %get3A_505] {strides = array<i32>} : memref<128x16xi32, #tpu.memory_space<vmem>>, vector<16xi32>,
    %add3A_507 = arith.addi %add3A_502, %get3A_506 : vector<16xi32>
    %get3A_508 = arith.constant 81 : i32
    %get3A_509 = arith.index_cast %get3A_508 : i32 to index
    %get3A_510 = arith.constant 0 : index
    %get3A_511 = tpu.vector_load %arg6[%get3A_509, %get3A_510] {strides = array<i32>} : memref<128x16xi32, #tpu.memory_space<vmem>>, vector<16xi32>,
    %add3A_512 = arith.addi %add3A_507, %get3A_511 : vector<16xi32>
    %get3A_513 = arith.constant 89 : i32
    %get3A_514 = arith.index_cast %get3A_513 : i32 to index
    %get3A_515 = arith.constant 0 : index
    %get3A_516 = tpu.vector_load %arg6[%get3A_514, %get3A_515] {strides = array<i32>} : memref<128x16xi32, #tpu.memory_space<vmem>>, vector<16xi32>,
    %add3A_517 = arith.addi %add3A_512, %get3A_516 : vector<16xi32>
    %get3A_518 = arith.constant 97 : i32
    %get3A_519 = arith.index_cast %get3A_518 : i32 to index
    %get3A_520 = arith.constant 0 : index
    %get3A_521 = tpu.vector_load %arg6[%get3A_519, %get3A_520] {strides = array<i32>} : memref<128x16xi32, #tpu.memory_space<vmem>>, vector<16xi32>,
    %add3A_522 = arith.addi %add3A_517, %get3A_521 : vector<16xi32>
    %get3A_523 = arith.constant 105 : i32
    %get3A_524 = arith.index_cast %get3A_523 : i32 to index
    %get3A_525 = arith.constant 0 : index
    %get3A_526 = tpu.vector_load %arg6[%get3A_524, %get3A_525] {strides = array<i32>} : memref<128x16xi32, #tpu.memory_space<vmem>>, vector<16xi32>,
    %add3A_527 = arith.addi %add3A_522, %get3A_526 : vector<16xi32>
    %get3A_528 = arith.constant 113 : i32
    %get3A_529 = arith.index_cast %get3A_528 : i32 to index
    %get3A_530 = arith.constant 0 : index
    %get3A_531 = tpu.vector_load %arg6[%get3A_529, %get3A_530] {strides = array<i32>} : memref<128x16xi32, #tpu.memory_space<vmem>>, vector<16xi32>,
    %add3A_532 = arith.addi %add3A_527, %get3A_531 : vector<16xi32>
    %get3A_533 = arith.constant 121 : i32
    %get3A_534 = arith.index_cast %get3A_533 : i32 to index
    %get3A_535 = arith.constant 0 : index
    %get3A_536 = tpu.vector_load %arg6[%get3A_534, %get3A_535] {strides = array<i32>} : memref<128x16xi32, #tpu.memory_space<vmem>>, vector<16xi32>,
    %add3A_537 = arith.addi %add3A_532, %get3A_536 : vector<16xi32>
    %and3A_538 = arith.constant 65535 : i32
    %and3A_539 = vector.broadcast %and3A_538 : i32 to vector<16xi32>
    %and3A_540 = arith.andi %add3A_537, %and3A_539 : vector<16xi32>
    %swap3A_541 = arith.constant 1 : i32
    %swap3A_542 = arith.index_cast %swap3A_541 : i32 to index
    %swap3A_543 = arith.constant 0 : index
    %swap3A_544 = tpu.vector_load %arg7[%swap3A_542, %swap3A_543] {strides = array<i32>} : memref<8x16xi32, #tpu.memory_space<vmem>>, vector<16xi32>,
    tpu.vector_store %arg7[%swap3A_542, %swap3A_543], %and3A_540 {strides = array<i32>} : memref<8x16xi32, #tpu.memory_space<vmem>>, vector<16xi32>,
    %shift_right_logical3A_545 = arith.constant 16 : i32
    %shift_right_logical3A_546 = vector.broadcast %shift_right_logical3A_545 : i32 to vector<16xi32>
    %shift_right_logical3A_547 = arith.shrui %add3A_537, %shift_right_logical3A_546 : vector<16xi32>
    %swap3A_548 = arith.constant 1 : i32
    %swap3A_549 = arith.index_cast %swap3A_548 : i32 to index
    %swap3A_550 = arith.constant 0 : index
    %swap3A_551 = tpu.vector_load %arg8[%swap3A_549, %swap3A_550] {strides = array<i32>} : memref<8x16xi32, #tpu.memory_space<vmem>>, vector<16xi32>,
    tpu.vector_store %arg8[%swap3A_549, %swap3A_550], %shift_right_logical3A_547 {strides = array<i32>} : memref<8x16xi32, #tpu.memory_space<vmem>>, vector<16xi32>,
    %get3A_552 = arith.constant 2 : i32
    %get3A_553 = arith.index_cast %get3A_552 : i32 to index
    %get3A_554 = arith.constant 0 : index
    %get3A_555 = tpu.vector_load %arg6[%get3A_553, %get3A_554] {strides = array<i32>} : memref<128x16xi32, #tpu.memory_space<vmem>>, vector<16xi32>,
    %get3A_556 = arith.constant 10 : i32
    %get3A_557 = arith.index_cast %get3A_556 : i32 to index
    %get3A_558 = arith.constant 0 : index
    %get3A_559 = tpu.vector_load %arg6[%get3A_557, %get3A_558] {strides = array<i32>} : memref<128x16xi32, #tpu.memory_space<vmem>>, vector<16xi32>,
    %add3A_560 = arith.addi %get3A_555, %get3A_559 : vector<16xi32>
    %get3A_561 = arith.constant 18 : i32
    %get3A_562 = arith.index_cast %get3A_561 : i32 to index
    %get3A_563 = arith.constant 0 : index
    %get3A_564 = tpu.vector_load %arg6[%get3A_562, %get3A_563] {strides = array<i32>} : memref<128x16xi32, #tpu.memory_space<vmem>>, vector<16xi32>,
    %add3A_565 = arith.addi %add3A_560, %get3A_564 : vector<16xi32>
    %get3A_566 = arith.constant 26 : i32
    %get3A_567 = arith.index_cast %get3A_566 : i32 to index
    %get3A_568 = arith.constant 0 : index
    %get3A_569 = tpu.vector_load %arg6[%get3A_567, %get3A_568] {strides = array<i32>} : memref<128x16xi32, #tpu.memory_space<vmem>>, vector<16xi32>,
    %add3A_570 = arith.addi %add3A_565, %get3A_569 : vector<16xi32>
    %get3A_571 = arith.constant 34 : i32
    %get3A_572 = arith.index_cast %get3A_571 : i32 to index
    %get3A_573 = arith.constant 0 : index
    %get3A_574 = tpu.vector_load %arg6[%get3A_572, %get3A_573] {strides = array<i32>} : memref<128x16xi32, #tpu.memory_space<vmem>>, vector<16xi32>,
    %add3A_575 = arith.addi %add3A_570, %get3A_574 : vector<16xi32>
    %get3A_576 = arith.constant 42 : i32
    %get3A_577 = arith.index_cast %get3A_576 : i32 to index
    %get3A_578 = arith.constant 0 : index
    %get3A_579 = tpu.vector_load %arg6[%get3A_577, %get3A_578] {strides = array<i32>} : memref<128x16xi32, #tpu.memory_space<vmem>>, vector<16xi32>,
    %add3A_580 = arith.addi %add3A_575, %get3A_579 : vector<16xi32>
    %get3A_581 = arith.constant 50 : i32
    %get3A_582 = arith.index_cast %get3A_581 : i32 to index
    %get3A_583 = arith.constant 0 : index
    %get3A_584 = tpu.vector_load %arg6[%get3A_582, %get3A_583] {strides = array<i32>} : memref<128x16xi32, #tpu.memory_space<vmem>>, vector<16xi32>,
    %add3A_585 = arith.addi %add3A_580, %get3A_584 : vector<16xi32>
    %get3A_586 = arith.constant 58 : i32
    %get3A_587 = arith.index_cast %get3A_586 : i32 to index
    %get3A_588 = arith.constant 0 : index
    %get3A_589 = tpu.vector_load %arg6[%get3A_587, %get3A_588] {strides = array<i32>} : memref<128x16xi32, #tpu.memory_space<vmem>>, vector<16xi32>,
    %add3A_590 = arith.addi %add3A_585, %get3A_589 : vector<16xi32>
    %get3A_591 = arith.constant 66 : i32
    %get3A_592 = arith.index_cast %get3A_591 : i32 to index
    %get3A_593 = arith.constant 0 : index
    %get3A_594 = tpu.vector_load %arg6[%get3A_592, %get3A_593] {strides = array<i32>} : memref<128x16xi32, #tpu.memory_space<vmem>>, vector<16xi32>,
    %add3A_595 = arith.addi %add3A_590, %get3A_594 : vector<16xi32>
    %get3A_596 = arith.constant 74 : i32
    %get3A_597 = arith.index_cast %get3A_596 : i32 to index
    %get3A_598 = arith.constant 0 : index
    %get3A_599 = tpu.vector_load %arg6[%get3A_597, %get3A_598] {strides = array<i32>} : memref<128x16xi32, #tpu.memory_space<vmem>>, vector<16xi32>,
    %add3A_600 = arith.addi %add3A_595, %get3A_599 : vector<16xi32>
    %get3A_601 = arith.constant 82 : i32
    %get3A_602 = arith.index_cast %get3A_601 : i32 to index
    %get3A_603 = arith.constant 0 : index
    %get3A_604 = tpu.vector_load %arg6[%get3A_602, %get3A_603] {strides = array<i32>} : memref<128x16xi32, #tpu.memory_space<vmem>>, vector<16xi32>,
    %add3A_605 = arith.addi %add3A_600, %get3A_604 : vector<16xi32>
    %get3A_606 = arith.constant 90 : i32
    %get3A_607 = arith.index_cast %get3A_606 : i32 to index
    %get3A_608 = arith.constant 0 : index
    %get3A_609 = tpu.vector_load %arg6[%get3A_607, %get3A_608] {strides = array<i32>} : memref<128x16xi32, #tpu.memory_space<vmem>>, vector<16xi32>,
    %add3A_610 = arith.addi %add3A_605, %get3A_609 : vector<16xi32>
    %get3A_611 = arith.constant 98 : i32
    %get3A_612 = arith.index_cast %get3A_611 : i32 to index
    %get3A_613 = arith.constant 0 : index
    %get3A_614 = tpu.vector_load %arg6[%get3A_612, %get3A_613] {strides = array<i32>} : memref<128x16xi32, #tpu.memory_space<vmem>>, vector<16xi32>,
    %add3A_615 = arith.addi %add3A_610, %get3A_614 : vector<16xi32>
    %get3A_616 = arith.constant 106 : i32
    %get3A_617 = arith.index_cast %get3A_616 : i32 to index
    %get3A_618 = arith.constant 0 : index
    %get3A_619 = tpu.vector_load %arg6[%get3A_617, %get3A_618] {strides = array<i32>} : memref<128x16xi32, #tpu.memory_space<vmem>>, vector<16xi32>,
    %add3A_620 = arith.addi %add3A_615, %get3A_619 : vector<16xi32>
    %get3A_621 = arith.constant 114 : i32
    %get3A_622 = arith.index_cast %get3A_621 : i32 to index
    %get3A_623 = arith.constant 0 : index
    %get3A_624 = tpu.vector_load %arg6[%get3A_622, %get3A_623] {strides = array<i32>} : memref<128x16xi32, #tpu.memory_space<vmem>>, vector<16xi32>,
    %add3A_625 = arith.addi %add3A_620, %get3A_624 : vector<16xi32>
    %get3A_626 = arith.constant 122 : i32
    %get3A_627 = arith.index_cast %get3A_626 : i32 to index
    %get3A_628 = arith.constant 0 : index
    %get3A_629 = tpu.vector_load %arg6[%get3A_627, %get3A_628] {strides = array<i32>} : memref<128x16xi32, #tpu.memory_space<vmem>>, vector<16xi32>,
    %add3A_630 = arith.addi %add3A_625, %get3A_629 : vector<16xi32>
    %and3A_631 = arith.constant 65535 : i32
    %and3A_632 = vector.broadcast %and3A_631 : i32 to vector<16xi32>
    %and3A_633 = arith.andi %add3A_630, %and3A_632 : vector<16xi32>
    %swap3A_634 = arith.constant 2 : i32
    %swap3A_635 = arith.index_cast %swap3A_634 : i32 to index
    %swap3A_636 = arith.constant 0 : index
    %swap3A_637 = tpu.vector_load %arg7[%swap3A_635, %swap3A_636] {strides = array<i32>} : memref<8x16xi32, #tpu.memory_space<vmem>>, vector<16xi32>,
    tpu.vector_store %arg7[%swap3A_635, %swap3A_636], %and3A_633 {strides = array<i32>} : memref<8x16xi32, #tpu.memory_space<vmem>>, vector<16xi32>,
    %shift_right_logical3A_638 = arith.constant 16 : i32
    %shift_right_logical3A_639 = vector.broadcast %shift_right_logical3A_638 : i32 to vector<16xi32>
    %shift_right_logical3A_640 = arith.shrui %add3A_630, %shift_right_logical3A_639 : vector<16xi32>
    %swap3A_641 = arith.constant 2 : i32
    %swap3A_642 = arith.index_cast %swap3A_641 : i32 to index
    %swap3A_643 = arith.constant 0 : index
    %swap3A_644 = tpu.vector_load %arg8[%swap3A_642, %swap3A_643] {strides = array<i32>} : memref<8x16xi32, #tpu.memory_space<vmem>>, vector<16xi32>,
    tpu.vector_store %arg8[%swap3A_642, %swap3A_643], %shift_right_logical3A_640 {strides = array<i32>} : memref<8x16xi32, #tpu.memory_space<vmem>>, vector<16xi32>,
    %get3A_645 = arith.constant 3 : i32
    %get3A_646 = arith.index_cast %get3A_645 : i32 to index
    %get3A_647 = arith.constant 0 : index
    %get3A_648 = tpu.vector_load %arg6[%get3A_646, %get3A_647] {strides = array<i32>} : memref<128x16xi32, #tpu.memory_space<vmem>>, vector<16xi32>,
    %get3A_649 = arith.constant 11 : i32
    %get3A_650 = arith.index_cast %get3A_649 : i32 to index
    %get3A_651 = arith.constant 0 : index
    %get3A_652 = tpu.vector_load %arg6[%get3A_650, %get3A_651] {strides = array<i32>} : memref<128x16xi32, #tpu.memory_space<vmem>>, vector<16xi32>,
    %add3A_653 = arith.addi %get3A_648, %get3A_652 : vector<16xi32>
    %get3A_654 = arith.constant 19 : i32
    %get3A_655 = arith.index_cast %get3A_654 : i32 to index
    %get3A_656 = arith.constant 0 : index
    %get3A_657 = tpu.vector_load %arg6[%get3A_655, %get3A_656] {strides = array<i32>} : memref<128x16xi32, #tpu.memory_space<vmem>>, vector<16xi32>,
    %add3A_658 = arith.addi %add3A_653, %get3A_657 : vector<16xi32>
    %get3A_659 = arith.constant 27 : i32
    %get3A_660 = arith.index_cast %get3A_659 : i32 to index
    %get3A_661 = arith.constant 0 : index
    %get3A_662 = tpu.vector_load %arg6[%get3A_660, %get3A_661] {strides = array<i32>} : memref<128x16xi32, #tpu.memory_space<vmem>>, vector<16xi32>,
    %add3A_663 = arith.addi %add3A_658, %get3A_662 : vector<16xi32>
    %get3A_664 = arith.constant 35 : i32
    %get3A_665 = arith.index_cast %get3A_664 : i32 to index
    %get3A_666 = arith.constant 0 : index
    %get3A_667 = tpu.vector_load %arg6[%get3A_665, %get3A_666] {strides = array<i32>} : memref<128x16xi32, #tpu.memory_space<vmem>>, vector<16xi32>,
    %add3A_668 = arith.addi %add3A_663, %get3A_667 : vector<16xi32>
    %get3A_669 = arith.constant 43 : i32
    %get3A_670 = arith.index_cast %get3A_669 : i32 to index
    %get3A_671 = arith.constant 0 : index
    %get3A_672 = tpu.vector_load %arg6[%get3A_670, %get3A_671] {strides = array<i32>} : memref<128x16xi32, #tpu.memory_space<vmem>>, vector<16xi32>,
    %add3A_673 = arith.addi %add3A_668, %get3A_672 : vector<16xi32>
    %get3A_674 = arith.constant 51 : i32
    %get3A_675 = arith.index_cast %get3A_674 : i32 to index
    %get3A_676 = arith.constant 0 : index
    %get3A_677 = tpu.vector_load %arg6[%get3A_675, %get3A_676] {strides = array<i32>} : memref<128x16xi32, #tpu.memory_space<vmem>>, vector<16xi32>,
    %add3A_678 = arith.addi %add3A_673, %get3A_677 : vector<16xi32>
    %get3A_679 = arith.constant 59 : i32
    %get3A_680 = arith.index_cast %get3A_679 : i32 to index
    %get3A_681 = arith.constant 0 : index
    %get3A_682 = tpu.vector_load %arg6[%get3A_680, %get3A_681] {strides = array<i32>} : memref<128x16xi32, #tpu.memory_space<vmem>>, vector<16xi32>,
    %add3A_683 = arith.addi %add3A_678, %get3A_682 : vector<16xi32>
    %get3A_684 = arith.constant 67 : i32
    %get3A_685 = arith.index_cast %get3A_684 : i32 to index
    %get3A_686 = arith.constant 0 : index
    %get3A_687 = tpu.vector_load %arg6[%get3A_685, %get3A_686] {strides = array<i32>} : memref<128x16xi32, #tpu.memory_space<vmem>>, vector<16xi32>,
    %add3A_688 = arith.addi %add3A_683, %get3A_687 : vector<16xi32>
    %get3A_689 = arith.constant 75 : i32
    %get3A_690 = arith.index_cast %get3A_689 : i32 to index
    %get3A_691 = arith.constant 0 : index
    %get3A_692 = tpu.vector_load %arg6[%get3A_690, %get3A_691] {strides = array<i32>} : memref<128x16xi32, #tpu.memory_space<vmem>>, vector<16xi32>,
    %add3A_693 = arith.addi %add3A_688, %get3A_692 : vector<16xi32>
    %get3A_694 = arith.constant 83 : i32
    %get3A_695 = arith.index_cast %get3A_694 : i32 to index
    %get3A_696 = arith.constant 0 : index
    %get3A_697 = tpu.vector_load %arg6[%get3A_695, %get3A_696] {strides = array<i32>} : memref<128x16xi32, #tpu.memory_space<vmem>>, vector<16xi32>,
    %add3A_698 = arith.addi %add3A_693, %get3A_697 : vector<16xi32>
    %get3A_699 = arith.constant 91 : i32
    %get3A_700 = arith.index_cast %get3A_699 : i32 to index
    %get3A_701 = arith.constant 0 : index
    %get3A_702 = tpu.vector_load %arg6[%get3A_700, %get3A_701] {strides = array<i32>} : memref<128x16xi32, #tpu.memory_space<vmem>>, vector<16xi32>,
    %add3A_703 = arith.addi %add3A_698, %get3A_702 : vector<16xi32>
    %get3A_704 = arith.constant 99 : i32
    %get3A_705 = arith.index_cast %get3A_704 : i32 to index
    %get3A_706 = arith.constant 0 : index
    %get3A_707 = tpu.vector_load %arg6[%get3A_705, %get3A_706] {strides = array<i32>} : memref<128x16xi32, #tpu.memory_space<vmem>>, vector<16xi32>,
    %add3A_708 = arith.addi %add3A_703, %get3A_707 : vector<16xi32>
    %get3A_709 = arith.constant 107 : i32
    %get3A_710 = arith.index_cast %get3A_709 : i32 to index
    %get3A_711 = arith.constant 0 : index
    %get3A_712 = tpu.vector_load %arg6[%get3A_710, %get3A_711] {strides = array<i32>} : memref<128x16xi32, #tpu.memory_space<vmem>>, vector<16xi32>,
    %add3A_713 = arith.addi %add3A_708, %get3A_712 : vector<16xi32>
    %get3A_714 = arith.constant 115 : i32
    %get3A_715 = arith.index_cast %get3A_714 : i32 to index
    %get3A_716 = arith.constant 0 : index
    %get3A_717 = tpu.vector_load %arg6[%get3A_715, %get3A_716] {strides = array<i32>} : memref<128x16xi32, #tpu.memory_space<vmem>>, vector<16xi32>,
    %add3A_718 = arith.addi %add3A_713, %get3A_717 : vector<16xi32>
    %get3A_719 = arith.constant 123 : i32
    %get3A_720 = arith.index_cast %get3A_719 : i32 to index
    %get3A_721 = arith.constant 0 : index
    %get3A_722 = tpu.vector_load %arg6[%get3A_720, %get3A_721] {strides = array<i32>} : memref<128x16xi32, #tpu.memory_space<vmem>>, vector<16xi32>,
    %add3A_723 = arith.addi %add3A_718, %get3A_722 : vector<16xi32>
    %and3A_724 = arith.constant 65535 : i32
    %and3A_725 = vector.broadcast %and3A_724 : i32 to vector<16xi32>
    %and3A_726 = arith.andi %add3A_723, %and3A_725 : vector<16xi32>
    %swap3A_727 = arith.constant 3 : i32
    %swap3A_728 = arith.index_cast %swap3A_727 : i32 to index
    %swap3A_729 = arith.constant 0 : index
    %swap3A_730 = tpu.vector_load %arg7[%swap3A_728, %swap3A_729] {strides = array<i32>} : memref<8x16xi32, #tpu.memory_space<vmem>>, vector<16xi32>,
    tpu.vector_store %arg7[%swap3A_728, %swap3A_729], %and3A_726 {strides = array<i32>} : memref<8x16xi32, #tpu.memory_space<vmem>>, vector<16xi32>,
    %shift_right_logical3A_731 = arith.constant 16 : i32
    %shift_right_logical3A_732 = vector.broadcast %shift_right_logical3A_731 : i32 to vector<16xi32>
    %shift_right_logical3A_733 = arith.shrui %add3A_723, %shift_right_logical3A_732 : vector<16xi32>
    %swap3A_734 = arith.constant 3 : i32
    %swap3A_735 = arith.index_cast %swap3A_734 : i32 to index
    %swap3A_736 = arith.constant 0 : index
    %swap3A_737 = tpu.vector_load %arg8[%swap3A_735, %swap3A_736] {strides = array<i32>} : memref<8x16xi32, #tpu.memory_space<vmem>>, vector<16xi32>,
    tpu.vector_store %arg8[%swap3A_735, %swap3A_736], %shift_right_logical3A_733 {strides = array<i32>} : memref<8x16xi32, #tpu.memory_space<vmem>>, vector<16xi32>,
    %get3A_738 = arith.constant 4 : i32
    %get3A_739 = arith.index_cast %get3A_738 : i32 to index
    %get3A_740 = arith.constant 0 : index
    %get3A_741 = tpu.vector_load %arg6[%get3A_739, %get3A_740] {strides = array<i32>} : memref<128x16xi32, #tpu.memory_space<vmem>>, vector<16xi32>,
    %get3A_742 = arith.constant 12 : i32
    %get3A_743 = arith.index_cast %get3A_742 : i32 to index
    %get3A_744 = arith.constant 0 : index
    %get3A_745 = tpu.vector_load %arg6[%get3A_743, %get3A_744] {strides = array<i32>} : memref<128x16xi32, #tpu.memory_space<vmem>>, vector<16xi32>,
    %add3A_746 = arith.addi %get3A_741, %get3A_745 : vector<16xi32>
    %get3A_747 = arith.constant 20 : i32
    %get3A_748 = arith.index_cast %get3A_747 : i32 to index
    %get3A_749 = arith.constant 0 : index
    %get3A_750 = tpu.vector_load %arg6[%get3A_748, %get3A_749] {strides = array<i32>} : memref<128x16xi32, #tpu.memory_space<vmem>>, vector<16xi32>,
    %add3A_751 = arith.addi %add3A_746, %get3A_750 : vector<16xi32>
    %get3A_752 = arith.constant 28 : i32
    %get3A_753 = arith.index_cast %get3A_752 : i32 to index
    %get3A_754 = arith.constant 0 : index
    %get3A_755 = tpu.vector_load %arg6[%get3A_753, %get3A_754] {strides = array<i32>} : memref<128x16xi32, #tpu.memory_space<vmem>>, vector<16xi32>,
    %add3A_756 = arith.addi %add3A_751, %get3A_755 : vector<16xi32>
    %get3A_757 = arith.constant 36 : i32
    %get3A_758 = arith.index_cast %get3A_757 : i32 to index
    %get3A_759 = arith.constant 0 : index
    %get3A_760 = tpu.vector_load %arg6[%get3A_758, %get3A_759] {strides = array<i32>} : memref<128x16xi32, #tpu.memory_space<vmem>>, vector<16xi32>,
    %add3A_761 = arith.addi %add3A_756, %get3A_760 : vector<16xi32>
    %get3A_762 = arith.constant 44 : i32
    %get3A_763 = arith.index_cast %get3A_762 : i32 to index
    %get3A_764 = arith.constant 0 : index
    %get3A_765 = tpu.vector_load %arg6[%get3A_763, %get3A_764] {strides = array<i32>} : memref<128x16xi32, #tpu.memory_space<vmem>>, vector<16xi32>,
    %add3A_766 = arith.addi %add3A_761, %get3A_765 : vector<16xi32>
    %get3A_767 = arith.constant 52 : i32
    %get3A_768 = arith.index_cast %get3A_767 : i32 to index
    %get3A_769 = arith.constant 0 : index
    %get3A_770 = tpu.vector_load %arg6[%get3A_768, %get3A_769] {strides = array<i32>} : memref<128x16xi32, #tpu.memory_space<vmem>>, vector<16xi32>,
    %add3A_771 = arith.addi %add3A_766, %get3A_770 : vector<16xi32>
    %get3A_772 = arith.constant 60 : i32
    %get3A_773 = arith.index_cast %get3A_772 : i32 to index
    %get3A_774 = arith.constant 0 : index
    %get3A_775 = tpu.vector_load %arg6[%get3A_773, %get3A_774] {strides = array<i32>} : memref<128x16xi32, #tpu.memory_space<vmem>>, vector<16xi32>,
    %add3A_776 = arith.addi %add3A_771, %get3A_775 : vector<16xi32>
    %get3A_777 = arith.constant 68 : i32
    %get3A_778 = arith.index_cast %get3A_777 : i32 to index
    %get3A_779 = arith.constant 0 : index
    %get3A_780 = tpu.vector_load %arg6[%get3A_778, %get3A_779] {strides = array<i32>} : memref<128x16xi32, #tpu.memory_space<vmem>>, vector<16xi32>,
    %add3A_781 = arith.addi %add3A_776, %get3A_780 : vector<16xi32>
    %get3A_782 = arith.constant 76 : i32
    %get3A_783 = arith.index_cast %get3A_782 : i32 to index
    %get3A_784 = arith.constant 0 : index
    %get3A_785 = tpu.vector_load %arg6[%get3A_783, %get3A_784] {strides = array<i32>} : memref<128x16xi32, #tpu.memory_space<vmem>>, vector<16xi32>,
    %add3A_786 = arith.addi %add3A_781, %get3A_785 : vector<16xi32>
    %get3A_787 = arith.constant 84 : i32
    %get3A_788 = arith.index_cast %get3A_787 : i32 to index
    %get3A_789 = arith.constant 0 : index
    %get3A_790 = tpu.vector_load %arg6[%get3A_788, %get3A_789] {strides = array<i32>} : memref<128x16xi32, #tpu.memory_space<vmem>>, vector<16xi32>,
    %add3A_791 = arith.addi %add3A_786, %get3A_790 : vector<16xi32>
    %get3A_792 = arith.constant 92 : i32
    %get3A_793 = arith.index_cast %get3A_792 : i32 to index
    %get3A_794 = arith.constant 0 : index
    %get3A_795 = tpu.vector_load %arg6[%get3A_793, %get3A_794] {strides = array<i32>} : memref<128x16xi32, #tpu.memory_space<vmem>>, vector<16xi32>,
    %add3A_796 = arith.addi %add3A_791, %get3A_795 : vector<16xi32>
    %get3A_797 = arith.constant 100 : i32
    %get3A_798 = arith.index_cast %get3A_797 : i32 to index
    %get3A_799 = arith.constant 0 : index
    %get3A_800 = tpu.vector_load %arg6[%get3A_798, %get3A_799] {strides = array<i32>} : memref<128x16xi32, #tpu.memory_space<vmem>>, vector<16xi32>,
    %add3A_801 = arith.addi %add3A_796, %get3A_800 : vector<16xi32>
    %get3A_802 = arith.constant 108 : i32
    %get3A_803 = arith.index_cast %get3A_802 : i32 to index
    %get3A_804 = arith.constant 0 : index
    %get3A_805 = tpu.vector_load %arg6[%get3A_803, %get3A_804] {strides = array<i32>} : memref<128x16xi32, #tpu.memory_space<vmem>>, vector<16xi32>,
    %add3A_806 = arith.addi %add3A_801, %get3A_805 : vector<16xi32>
    %get3A_807 = arith.constant 116 : i32
    %get3A_808 = arith.index_cast %get3A_807 : i32 to index
    %get3A_809 = arith.constant 0 : index
    %get3A_810 = tpu.vector_load %arg6[%get3A_808, %get3A_809] {strides = array<i32>} : memref<128x16xi32, #tpu.memory_space<vmem>>, vector<16xi32>,
    %add3A_811 = arith.addi %add3A_806, %get3A_810 : vector<16xi32>
    %get3A_812 = arith.constant 124 : i32
    %get3A_813 = arith.index_cast %get3A_812 : i32 to index
    %get3A_814 = arith.constant 0 : index
    %get3A_815 = tpu.vector_load %arg6[%get3A_813, %get3A_814] {strides = array<i32>} : memref<128x16xi32, #tpu.memory_space<vmem>>, vector<16xi32>,
    %add3A_816 = arith.addi %add3A_811, %get3A_815 : vector<16xi32>
    %and3A_817 = arith.constant 65535 : i32
    %and3A_818 = vector.broadcast %and3A_817 : i32 to vector<16xi32>
    %and3A_819 = arith.andi %add3A_816, %and3A_818 : vector<16xi32>
    %swap3A_820 = arith.constant 4 : i32
    %swap3A_821 = arith.index_cast %swap3A_820 : i32 to index
    %swap3A_822 = arith.constant 0 : index
    %swap3A_823 = tpu.vector_load %arg7[%swap3A_821, %swap3A_822] {strides = array<i32>} : memref<8x16xi32, #tpu.memory_space<vmem>>, vector<16xi32>,
    tpu.vector_store %arg7[%swap3A_821, %swap3A_822], %and3A_819 {strides = array<i32>} : memref<8x16xi32, #tpu.memory_space<vmem>>, vector<16xi32>,
    %shift_right_logical3A_824 = arith.constant 16 : i32
    %shift_right_logical3A_825 = vector.broadcast %shift_right_logical3A_824 : i32 to vector<16xi32>
    %shift_right_logical3A_826 = arith.shrui %add3A_816, %shift_right_logical3A_825 : vector<16xi32>
    %swap3A_827 = arith.constant 4 : i32
    %swap3A_828 = arith.index_cast %swap3A_827 : i32 to index
    %swap3A_829 = arith.constant 0 : index
    %swap3A_830 = tpu.vector_load %arg8[%swap3A_828, %swap3A_829] {strides = array<i32>} : memref<8x16xi32, #tpu.memory_space<vmem>>, vector<16xi32>,
    tpu.vector_store %arg8[%swap3A_828, %swap3A_829], %shift_right_logical3A_826 {strides = array<i32>} : memref<8x16xi32, #tpu.memory_space<vmem>>, vector<16xi32>,
    %get3A_831 = arith.constant 5 : i32
    %get3A_832 = arith.index_cast %get3A_831 : i32 to index
    %get3A_833 = arith.constant 0 : index
    %get3A_834 = tpu.vector_load %arg6[%get3A_832, %get3A_833] {strides = array<i32>} : memref<128x16xi32, #tpu.memory_space<vmem>>, vector<16xi32>,
    %get3A_835 = arith.constant 13 : i32
    %get3A_836 = arith.index_cast %get3A_835 : i32 to index
    %get3A_837 = arith.constant 0 : index
    %get3A_838 = tpu.vector_load %arg6[%get3A_836, %get3A_837] {strides = array<i32>} : memref<128x16xi32, #tpu.memory_space<vmem>>, vector<16xi32>,
    %add3A_839 = arith.addi %get3A_834, %get3A_838 : vector<16xi32>
    %get3A_840 = arith.constant 21 : i32
    %get3A_841 = arith.index_cast %get3A_840 : i32 to index
    %get3A_842 = arith.constant 0 : index
    %get3A_843 = tpu.vector_load %arg6[%get3A_841, %get3A_842] {strides = array<i32>} : memref<128x16xi32, #tpu.memory_space<vmem>>, vector<16xi32>,
    %add3A_844 = arith.addi %add3A_839, %get3A_843 : vector<16xi32>
    %get3A_845 = arith.constant 29 : i32
    %get3A_846 = arith.index_cast %get3A_845 : i32 to index
    %get3A_847 = arith.constant 0 : index
    %get3A_848 = tpu.vector_load %arg6[%get3A_846, %get3A_847] {strides = array<i32>} : memref<128x16xi32, #tpu.memory_space<vmem>>, vector<16xi32>,
    %add3A_849 = arith.addi %add3A_844, %get3A_848 : vector<16xi32>
    %get3A_850 = arith.constant 37 : i32
    %get3A_851 = arith.index_cast %get3A_850 : i32 to index
    %get3A_852 = arith.constant 0 : index
    %get3A_853 = tpu.vector_load %arg6[%get3A_851, %get3A_852] {strides = array<i32>} : memref<128x16xi32, #tpu.memory_space<vmem>>, vector<16xi32>,
    %add3A_854 = arith.addi %add3A_849, %get3A_853 : vector<16xi32>
    %get3A_855 = arith.constant 45 : i32
    %get3A_856 = arith.index_cast %get3A_855 : i32 to index
    %get3A_857 = arith.constant 0 : index
    %get3A_858 = tpu.vector_load %arg6[%get3A_856, %get3A_857] {strides = array<i32>} : memref<128x16xi32, #tpu.memory_space<vmem>>, vector<16xi32>,
    %add3A_859 = arith.addi %add3A_854, %get3A_858 : vector<16xi32>
    %get3A_860 = arith.constant 53 : i32
    %get3A_861 = arith.index_cast %get3A_860 : i32 to index
    %get3A_862 = arith.constant 0 : index
    %get3A_863 = tpu.vector_load %arg6[%get3A_861, %get3A_862] {strides = array<i32>} : memref<128x16xi32, #tpu.memory_space<vmem>>, vector<16xi32>,
    %add3A_864 = arith.addi %add3A_859, %get3A_863 : vector<16xi32>
    %get3A_865 = arith.constant 61 : i32
    %get3A_866 = arith.index_cast %get3A_865 : i32 to index
    %get3A_867 = arith.constant 0 : index
    %get3A_868 = tpu.vector_load %arg6[%get3A_866, %get3A_867] {strides = array<i32>} : memref<128x16xi32, #tpu.memory_space<vmem>>, vector<16xi32>,
    %add3A_869 = arith.addi %add3A_864, %get3A_868 : vector<16xi32>
    %get3A_870 = arith.constant 69 : i32
    %get3A_871 = arith.index_cast %get3A_870 : i32 to index
    %get3A_872 = arith.constant 0 : index
    %get3A_873 = tpu.vector_load %arg6[%get3A_871, %get3A_872] {strides = array<i32>} : memref<128x16xi32, #tpu.memory_space<vmem>>, vector<16xi32>,
    %add3A_874 = arith.addi %add3A_869, %get3A_873 : vector<16xi32>
    %get3A_875 = arith.constant 77 : i32
    %get3A_876 = arith.index_cast %get3A_875 : i32 to index
    %get3A_877 = arith.constant 0 : index
    %get3A_878 = tpu.vector_load %arg6[%get3A_876, %get3A_877] {strides = array<i32>} : memref<128x16xi32, #tpu.memory_space<vmem>>, vector<16xi32>,
    %add3A_879 = arith.addi %add3A_874, %get3A_878 : vector<16xi32>
    %get3A_880 = arith.constant 85 : i32
    %get3A_881 = arith.index_cast %get3A_880 : i32 to index
    %get3A_882 = arith.constant 0 : index
    %get3A_883 = tpu.vector_load %arg6[%get3A_881, %get3A_882] {strides = array<i32>} : memref<128x16xi32, #tpu.memory_space<vmem>>, vector<16xi32>,
    %add3A_884 = arith.addi %add3A_879, %get3A_883 : vector<16xi32>
    %get3A_885 = arith.constant 93 : i32
    %get3A_886 = arith.index_cast %get3A_885 : i32 to index
    %get3A_887 = arith.constant 0 : index
    %get3A_888 = tpu.vector_load %arg6[%get3A_886, %get3A_887] {strides = array<i32>} : memref<128x16xi32, #tpu.memory_space<vmem>>, vector<16xi32>,
    %add3A_889 = arith.addi %add3A_884, %get3A_888 : vector<16xi32>
    %get3A_890 = arith.constant 101 : i32
    %get3A_891 = arith.index_cast %get3A_890 : i32 to index
    %get3A_892 = arith.constant 0 : index
    %get3A_893 = tpu.vector_load %arg6[%get3A_891, %get3A_892] {strides = array<i32>} : memref<128x16xi32, #tpu.memory_space<vmem>>, vector<16xi32>,
    %add3A_894 = arith.addi %add3A_889, %get3A_893 : vector<16xi32>
    %get3A_895 = arith.constant 109 : i32
    %get3A_896 = arith.index_cast %get3A_895 : i32 to index
    %get3A_897 = arith.constant 0 : index
    %get3A_898 = tpu.vector_load %arg6[%get3A_896, %get3A_897] {strides = array<i32>} : memref<128x16xi32, #tpu.memory_space<vmem>>, vector<16xi32>,
    %add3A_899 = arith.addi %add3A_894, %get3A_898 : vector<16xi32>
    %get3A_900 = arith.constant 117 : i32
    %get3A_901 = arith.index_cast %get3A_900 : i32 to index
    %get3A_902 = arith.constant 0 : index
    %get3A_903 = tpu.vector_load %arg6[%get3A_901, %get3A_902] {strides = array<i32>} : memref<128x16xi32, #tpu.memory_space<vmem>>, vector<16xi32>,
    %add3A_904 = arith.addi %add3A_899, %get3A_903 : vector<16xi32>
    %get3A_905 = arith.constant 125 : i32
    %get3A_906 = arith.index_cast %get3A_905 : i32 to index
    %get3A_907 = arith.constant 0 : index
    %get3A_908 = tpu.vector_load %arg6[%get3A_906, %get3A_907] {strides = array<i32>} : memref<128x16xi32, #tpu.memory_space<vmem>>, vector<16xi32>,
    %add3A_909 = arith.addi %add3A_904, %get3A_908 : vector<16xi32>
    %and3A_910 = arith.constant 65535 : i32
    %and3A_911 = vector.broadcast %and3A_910 : i32 to vector<16xi32>
    %and3A_912 = arith.andi %add3A_909, %and3A_911 : vector<16xi32>
    %swap3A_913 = arith.constant 5 : i32
    %swap3A_914 = arith.index_cast %swap3A_913 : i32 to index
    %swap3A_915 = arith.constant 0 : index
    %swap3A_916 = tpu.vector_load %arg7[%swap3A_914, %swap3A_915] {strides = array<i32>} : memref<8x16xi32, #tpu.memory_space<vmem>>, vector<16xi32>,
    tpu.vector_store %arg7[%swap3A_914, %swap3A_915], %and3A_912 {strides = array<i32>} : memref<8x16xi32, #tpu.memory_space<vmem>>, vector<16xi32>,
    %shift_right_logical3A_917 = arith.constant 16 : i32
    %shift_right_logical3A_918 = vector.broadcast %shift_right_logical3A_917 : i32 to vector<16xi32>
    %shift_right_logical3A_919 = arith.shrui %add3A_909, %shift_right_logical3A_918 : vector<16xi32>
    %swap3A_920 = arith.constant 5 : i32
    %swap3A_921 = arith.index_cast %swap3A_920 : i32 to index
    %swap3A_922 = arith.constant 0 : index
    %swap3A_923 = tpu.vector_load %arg8[%swap3A_921, %swap3A_922] {strides = array<i32>} : memref<8x16xi32, #tpu.memory_space<vmem>>, vector<16xi32>,
    tpu.vector_store %arg8[%swap3A_921, %swap3A_922], %shift_right_logical3A_919 {strides = array<i32>} : memref<8x16xi32, #tpu.memory_space<vmem>>, vector<16xi32>,
    %get3A_924 = arith.constant 6 : i32
    %get3A_925 = arith.index_cast %get3A_924 : i32 to index
    %get3A_926 = arith.constant 0 : index
    %get3A_927 = tpu.vector_load %arg6[%get3A_925, %get3A_926] {strides = array<i32>} : memref<128x16xi32, #tpu.memory_space<vmem>>, vector<16xi32>,
    %get3A_928 = arith.constant 14 : i32
    %get3A_929 = arith.index_cast %get3A_928 : i32 to index
    %get3A_930 = arith.constant 0 : index
    %get3A_931 = tpu.vector_load %arg6[%get3A_929, %get3A_930] {strides = array<i32>} : memref<128x16xi32, #tpu.memory_space<vmem>>, vector<16xi32>,
    %add3A_932 = arith.addi %get3A_927, %get3A_931 : vector<16xi32>
    %get3A_933 = arith.constant 22 : i32
    %get3A_934 = arith.index_cast %get3A_933 : i32 to index
    %get3A_935 = arith.constant 0 : index
    %get3A_936 = tpu.vector_load %arg6[%get3A_934, %get3A_935] {strides = array<i32>} : memref<128x16xi32, #tpu.memory_space<vmem>>, vector<16xi32>,
    %add3A_937 = arith.addi %add3A_932, %get3A_936 : vector<16xi32>
    %get3A_938 = arith.constant 30 : i32
    %get3A_939 = arith.index_cast %get3A_938 : i32 to index
    %get3A_940 = arith.constant 0 : index
    %get3A_941 = tpu.vector_load %arg6[%get3A_939, %get3A_940] {strides = array<i32>} : memref<128x16xi32, #tpu.memory_space<vmem>>, vector<16xi32>,
    %add3A_942 = arith.addi %add3A_937, %get3A_941 : vector<16xi32>
    %get3A_943 = arith.constant 38 : i32
    %get3A_944 = arith.index_cast %get3A_943 : i32 to index
    %get3A_945 = arith.constant 0 : index
    %get3A_946 = tpu.vector_load %arg6[%get3A_944, %get3A_945] {strides = array<i32>} : memref<128x16xi32, #tpu.memory_space<vmem>>, vector<16xi32>,
    %add3A_947 = arith.addi %add3A_942, %get3A_946 : vector<16xi32>
    %get3A_948 = arith.constant 46 : i32
    %get3A_949 = arith.index_cast %get3A_948 : i32 to index
    %get3A_950 = arith.constant 0 : index
    %get3A_951 = tpu.vector_load %arg6[%get3A_949, %get3A_950] {strides = array<i32>} : memref<128x16xi32, #tpu.memory_space<vmem>>, vector<16xi32>,
    %add3A_952 = arith.addi %add3A_947, %get3A_951 : vector<16xi32>
    %get3A_953 = arith.constant 54 : i32
    %get3A_954 = arith.index_cast %get3A_953 : i32 to index
    %get3A_955 = arith.constant 0 : index
    %get3A_956 = tpu.vector_load %arg6[%get3A_954, %get3A_955] {strides = array<i32>} : memref<128x16xi32, #tpu.memory_space<vmem>>, vector<16xi32>,
    %add3A_957 = arith.addi %add3A_952, %get3A_956 : vector<16xi32>
    %get3A_958 = arith.constant 62 : i32
    %get3A_959 = arith.index_cast %get3A_958 : i32 to index
    %get3A_960 = arith.constant 0 : index
    %get3A_961 = tpu.vector_load %arg6[%get3A_959, %get3A_960] {strides = array<i32>} : memref<128x16xi32, #tpu.memory_space<vmem>>, vector<16xi32>,
    %add3A_962 = arith.addi %add3A_957, %get3A_961 : vector<16xi32>
    %get3A_963 = arith.constant 70 : i32
    %get3A_964 = arith.index_cast %get3A_963 : i32 to index
    %get3A_965 = arith.constant 0 : index
    %get3A_966 = tpu.vector_load %arg6[%get3A_964, %get3A_965] {strides = array<i32>} : memref<128x16xi32, #tpu.memory_space<vmem>>, vector<16xi32>,
    %add3A_967 = arith.addi %add3A_962, %get3A_966 : vector<16xi32>
    %get3A_968 = arith.constant 78 : i32
    %get3A_969 = arith.index_cast %get3A_968 : i32 to index
    %get3A_970 = arith.constant 0 : index
    %get3A_971 = tpu.vector_load %arg6[%get3A_969, %get3A_970] {strides = array<i32>} : memref<128x16xi32, #tpu.memory_space<vmem>>, vector<16xi32>,
    %add3A_972 = arith.addi %add3A_967, %get3A_971 : vector<16xi32>
    %get3A_973 = arith.constant 86 : i32
    %get3A_974 = arith.index_cast %get3A_973 : i32 to index
    %get3A_975 = arith.constant 0 : index
    %get3A_976 = tpu.vector_load %arg6[%get3A_974, %get3A_975] {strides = array<i32>} : memref<128x16xi32, #tpu.memory_space<vmem>>, vector<16xi32>,
    %add3A_977 = arith.addi %add3A_972, %get3A_976 : vector<16xi32>
    %get3A_978 = arith.constant 94 : i32
    %get3A_979 = arith.index_cast %get3A_978 : i32 to index
    %get3A_980 = arith.constant 0 : index
    %get3A_981 = tpu.vector_load %arg6[%get3A_979, %get3A_980] {strides = array<i32>} : memref<128x16xi32, #tpu.memory_space<vmem>>, vector<16xi32>,
    %add3A_982 = arith.addi %add3A_977, %get3A_981 : vector<16xi32>
    %get3A_983 = arith.constant 102 : i32
    %get3A_984 = arith.index_cast %get3A_983 : i32 to index
    %get3A_985 = arith.constant 0 : index
    %get3A_986 = tpu.vector_load %arg6[%get3A_984, %get3A_985] {strides = array<i32>} : memref<128x16xi32, #tpu.memory_space<vmem>>, vector<16xi32>,
    %add3A_987 = arith.addi %add3A_982, %get3A_986 : vector<16xi32>
    %get3A_988 = arith.constant 110 : i32
    %get3A_989 = arith.index_cast %get3A_988 : i32 to index
    %get3A_990 = arith.constant 0 : index
    %get3A_991 = tpu.vector_load %arg6[%get3A_989, %get3A_990] {strides = array<i32>} : memref<128x16xi32, #tpu.memory_space<vmem>>, vector<16xi32>,
    %add3A_992 = arith.addi %add3A_987, %get3A_991 : vector<16xi32>
    %get3A_993 = arith.constant 118 : i32
    %get3A_994 = arith.index_cast %get3A_993 : i32 to index
    %get3A_995 = arith.constant 0 : index
    %get3A_996 = tpu.vector_load %arg6[%get3A_994, %get3A_995] {strides = array<i32>} : memref<128x16xi32, #tpu.memory_space<vmem>>, vector<16xi32>,
    %add3A_997 = arith.addi %add3A_992, %get3A_996 : vector<16xi32>
    %get3A_998 = arith.constant 126 : i32
    %get3A_999 = arith.index_cast %get3A_998 : i32 to index
    %get3A_1000 = arith.constant 0 : index
    %get3A_1001 = tpu.vector_load %arg6[%get3A_999, %get3A_1000] {strides = array<i32>} : memref<128x16xi32, #tpu.memory_space<vmem>>, vector<16xi32>,
    %add3A_1002 = arith.addi %add3A_997, %get3A_1001 : vector<16xi32>
    %and3A_1003 = arith.constant 65535 : i32
    %and3A_1004 = vector.broadcast %and3A_1003 : i32 to vector<16xi32>
    %and3A_1005 = arith.andi %add3A_1002, %and3A_1004 : vector<16xi32>
    %swap3A_1006 = arith.constant 6 : i32
    %swap3A_1007 = arith.index_cast %swap3A_1006 : i32 to index
    %swap3A_1008 = arith.constant 0 : index
    %swap3A_1009 = tpu.vector_load %arg7[%swap3A_1007, %swap3A_1008] {strides = array<i32>} : memref<8x16xi32, #tpu.memory_space<vmem>>, vector<16xi32>,
    tpu.vector_store %arg7[%swap3A_1007, %swap3A_1008], %and3A_1005 {strides = array<i32>} : memref<8x16xi32, #tpu.memory_space<vmem>>, vector<16xi32>,
    %shift_right_logical3A_1010 = arith.constant 16 : i32
    %shift_right_logical3A_1011 = vector.broadcast %shift_right_logical3A_1010 : i32 to vector<16xi32>
    %shift_right_logical3A_1012 = arith.shrui %add3A_1002, %shift_right_logical3A_1011 : vector<16xi32>
    %swap3A_1013 = arith.constant 6 : i32
    %swap3A_1014 = arith.index_cast %swap3A_1013 : i32 to index
    %swap3A_1015 = arith.constant 0 : index
    %swap3A_1016 = tpu.vector_load %arg8[%swap3A_1014, %swap3A_1015] {strides = array<i32>} : memref<8x16xi32, #tpu.memory_space<vmem>>, vector<16xi32>,
    tpu.vector_store %arg8[%swap3A_1014, %swap3A_1015], %shift_right_logical3A_1012 {strides = array<i32>} : memref<8x16xi32, #tpu.memory_space<vmem>>, vector<16xi32>,
    %get3A_1017 = arith.constant 7 : i32
    %get3A_1018 = arith.index_cast %get3A_1017 : i32 to index
    %get3A_1019 = arith.constant 0 : index
    %get3A_1020 = tpu.vector_load %arg6[%get3A_1018, %get3A_1019] {strides = array<i32>} : memref<128x16xi32, #tpu.memory_space<vmem>>, vector<16xi32>,
    %get3A_1021 = arith.constant 15 : i32
    %get3A_1022 = arith.index_cast %get3A_1021 : i32 to index
    %get3A_1023 = arith.constant 0 : index
    %get3A_1024 = tpu.vector_load %arg6[%get3A_1022, %get3A_1023] {strides = array<i32>} : memref<128x16xi32, #tpu.memory_space<vmem>>, vector<16xi32>,
    %add3A_1025 = arith.addi %get3A_1020, %get3A_1024 : vector<16xi32>
    %get3A_1026 = arith.constant 23 : i32
    %get3A_1027 = arith.index_cast %get3A_1026 : i32 to index
    %get3A_1028 = arith.constant 0 : index
    %get3A_1029 = tpu.vector_load %arg6[%get3A_1027, %get3A_1028] {strides = array<i32>} : memref<128x16xi32, #tpu.memory_space<vmem>>, vector<16xi32>,
    %add3A_1030 = arith.addi %add3A_1025, %get3A_1029 : vector<16xi32>
    %get3A_1031 = arith.constant 31 : i32
    %get3A_1032 = arith.index_cast %get3A_1031 : i32 to index
    %get3A_1033 = arith.constant 0 : index
    %get3A_1034 = tpu.vector_load %arg6[%get3A_1032, %get3A_1033] {strides = array<i32>} : memref<128x16xi32, #tpu.memory_space<vmem>>, vector<16xi32>,
    %add3A_1035 = arith.addi %add3A_1030, %get3A_1034 : vector<16xi32>
    %get3A_1036 = arith.constant 39 : i32
    %get3A_1037 = arith.index_cast %get3A_1036 : i32 to index
    %get3A_1038 = arith.constant 0 : index
    %get3A_1039 = tpu.vector_load %arg6[%get3A_1037, %get3A_1038] {strides = array<i32>} : memref<128x16xi32, #tpu.memory_space<vmem>>, vector<16xi32>,
    %add3A_1040 = arith.addi %add3A_1035, %get3A_1039 : vector<16xi32>
    %get3A_1041 = arith.constant 47 : i32
    %get3A_1042 = arith.index_cast %get3A_1041 : i32 to index
    %get3A_1043 = arith.constant 0 : index
    %get3A_1044 = tpu.vector_load %arg6[%get3A_1042, %get3A_1043] {strides = array<i32>} : memref<128x16xi32, #tpu.memory_space<vmem>>, vector<16xi32>,
    %add3A_1045 = arith.addi %add3A_1040, %get3A_1044 : vector<16xi32>
    %get3A_1046 = arith.constant 55 : i32
    %get3A_1047 = arith.index_cast %get3A_1046 : i32 to index
    %get3A_1048 = arith.constant 0 : index
    %get3A_1049 = tpu.vector_load %arg6[%get3A_1047, %get3A_1048] {strides = array<i32>} : memref<128x16xi32, #tpu.memory_space<vmem>>, vector<16xi32>,
    %add3A_1050 = arith.addi %add3A_1045, %get3A_1049 : vector<16xi32>
    %get3A_1051 = arith.constant 63 : i32
    %get3A_1052 = arith.index_cast %get3A_1051 : i32 to index
    %get3A_1053 = arith.constant 0 : index
    %get3A_1054 = tpu.vector_load %arg6[%get3A_1052, %get3A_1053] {strides = array<i32>} : memref<128x16xi32, #tpu.memory_space<vmem>>, vector<16xi32>,
    %add3A_1055 = arith.addi %add3A_1050, %get3A_1054 : vector<16xi32>
    %get3A_1056 = arith.constant 71 : i32
    %get3A_1057 = arith.index_cast %get3A_1056 : i32 to index
    %get3A_1058 = arith.constant 0 : index
    %get3A_1059 = tpu.vector_load %arg6[%get3A_1057, %get3A_1058] {strides = array<i32>} : memref<128x16xi32, #tpu.memory_space<vmem>>, vector<16xi32>,
    %add3A_1060 = arith.addi %add3A_1055, %get3A_1059 : vector<16xi32>
    %get3A_1061 = arith.constant 79 : i32
    %get3A_1062 = arith.index_cast %get3A_1061 : i32 to index
    %get3A_1063 = arith.constant 0 : index
    %get3A_1064 = tpu.vector_load %arg6[%get3A_1062, %get3A_1063] {strides = array<i32>} : memref<128x16xi32, #tpu.memory_space<vmem>>, vector<16xi32>,
    %add3A_1065 = arith.addi %add3A_1060, %get3A_1064 : vector<16xi32>
    %get3A_1066 = arith.constant 87 : i32
    %get3A_1067 = arith.index_cast %get3A_1066 : i32 to index
    %get3A_1068 = arith.constant 0 : index
    %get3A_1069 = tpu.vector_load %arg6[%get3A_1067, %get3A_1068] {strides = array<i32>} : memref<128x16xi32, #tpu.memory_space<vmem>>, vector<16xi32>,
    %add3A_1070 = arith.addi %add3A_1065, %get3A_1069 : vector<16xi32>
    %get3A_1071 = arith.constant 95 : i32
    %get3A_1072 = arith.index_cast %get3A_1071 : i32 to index
    %get3A_1073 = arith.constant 0 : index
    %get3A_1074 = tpu.vector_load %arg6[%get3A_1072, %get3A_1073] {strides = array<i32>} : memref<128x16xi32, #tpu.memory_space<vmem>>, vector<16xi32>,
    %add3A_1075 = arith.addi %add3A_1070, %get3A_1074 : vector<16xi32>
    %get3A_1076 = arith.constant 103 : i32
    %get3A_1077 = arith.index_cast %get3A_1076 : i32 to index
    %get3A_1078 = arith.constant 0 : index
    %get3A_1079 = tpu.vector_load %arg6[%get3A_1077, %get3A_1078] {strides = array<i32>} : memref<128x16xi32, #tpu.memory_space<vmem>>, vector<16xi32>,
    %add3A_1080 = arith.addi %add3A_1075, %get3A_1079 : vector<16xi32>
    %get3A_1081 = arith.constant 111 : i32
    %get3A_1082 = arith.index_cast %get3A_1081 : i32 to index
    %get3A_1083 = arith.constant 0 : index
    %get3A_1084 = tpu.vector_load %arg6[%get3A_1082, %get3A_1083] {strides = array<i32>} : memref<128x16xi32, #tpu.memory_space<vmem>>, vector<16xi32>,
    %add3A_1085 = arith.addi %add3A_1080, %get3A_1084 : vector<16xi32>
    %get3A_1086 = arith.constant 119 : i32
    %get3A_1087 = arith.index_cast %get3A_1086 : i32 to index
    %get3A_1088 = arith.constant 0 : index
    %get3A_1089 = tpu.vector_load %arg6[%get3A_1087, %get3A_1088] {strides = array<i32>} : memref<128x16xi32, #tpu.memory_space<vmem>>, vector<16xi32>,
    %add3A_1090 = arith.addi %add3A_1085, %get3A_1089 : vector<16xi32>
    %get3A_1091 = arith.constant 127 : i32
    %get3A_1092 = arith.index_cast %get3A_1091 : i32 to index
    %get3A_1093 = arith.constant 0 : index
    %get3A_1094 = tpu.vector_load %arg6[%get3A_1092, %get3A_1093] {strides = array<i32>} : memref<128x16xi32, #tpu.memory_space<vmem>>, vector<16xi32>,
    %add3A_1095 = arith.addi %add3A_1090, %get3A_1094 : vector<16xi32>
    %and3A_1096 = arith.constant 65535 : i32
    %and3A_1097 = vector.broadcast %and3A_1096 : i32 to vector<16xi32>
    %and3A_1098 = arith.andi %add3A_1095, %and3A_1097 : vector<16xi32>
    %swap3A_1099 = arith.constant 7 : i32
    %swap3A_1100 = arith.index_cast %swap3A_1099 : i32 to index
    %swap3A_1101 = arith.constant 0 : index
    %swap3A_1102 = tpu.vector_load %arg7[%swap3A_1100, %swap3A_1101] {strides = array<i32>} : memref<8x16xi32, #tpu.memory_space<vmem>>, vector<16xi32>,
    tpu.vector_store %arg7[%swap3A_1100, %swap3A_1101], %and3A_1098 {strides = array<i32>} : memref<8x16xi32, #tpu.memory_space<vmem>>, vector<16xi32>,
    %shift_right_logical3A_1103 = arith.constant 16 : i32
    %shift_right_logical3A_1104 = vector.broadcast %shift_right_logical3A_1103 : i32 to vector<16xi32>
    %shift_right_logical3A_1105 = arith.shrui %add3A_1095, %shift_right_logical3A_1104 : vector<16xi32>
    %swap3A_1106 = arith.constant 7 : i32
    %swap3A_1107 = arith.index_cast %swap3A_1106 : i32 to index
    %swap3A_1108 = arith.constant 0 : index
    %swap3A_1109 = tpu.vector_load %arg8[%swap3A_1107, %swap3A_1108] {strides = array<i32>} : memref<8x16xi32, #tpu.memory_space<vmem>>, vector<16xi32>,
    tpu.vector_store %arg8[%swap3A_1107, %swap3A_1108], %shift_right_logical3A_1105 {strides = array<i32>} : memref<8x16xi32, #tpu.memory_space<vmem>>, vector<16xi32>,
    "tpu.region"() ({
      %run_scoped3A = tpu.sem_alloc : memref<!tpu.dma_semaphore, #tpu.memory_space<semaphore_mem>>
      %dma_start3A_1110 = arith.constant 0 : i32
      %dma_start3A_1111 = tpu.memref_slice %arg3[%multiple_of3A, %dma_start3A_1110] : memref<128x16xi32, #tpu.memory_space<hbm>> -> memref<8x16xi32, #tpu.memory_space<hbm>>
      %dma_start3A_1112 = arith.constant 0 : i32
      %dma_start3A_1113 = tpu.memref_slice %arg3[%multiple_of3A, %dma_start3A_1112] : memref<128x16xi32, #tpu.memory_space<hbm>> -> memref<8x16xi32, #tpu.memory_space<hbm>>
      tpu.enqueue_dma source(%arg7 : memref<8x16xi32, #tpu.memory_space<vmem>>) target(%dma_start3A_1113 : memref<8x16xi32, #tpu.memory_space<hbm>>) target_semaphore(%run_scoped3A : memref<!tpu.dma_semaphore, #tpu.memory_space<semaphore_mem>>)
      %dma_wait3A_1114 = arith.constant 0 : i32
      %dma_wait3A_1115 = tpu.memref_slice %arg3[%multiple_of3A, %dma_wait3A_1114] : memref<128x16xi32, #tpu.memory_space<hbm>> -> memref<8x16xi32, #tpu.memory_space<hbm>>
      %dma_wait3A_1116 = arith.constant 0 : i32
      %dma_wait3A_1117 = tpu.memref_slice %arg3[%multiple_of3A, %dma_wait3A_1116] : memref<128x16xi32, #tpu.memory_space<hbm>> -> memref<8x16xi32, #tpu.memory_space<hbm>>
      tpu.wait_dma2 semaphore(%run_scoped3A : memref<!tpu.dma_semaphore, #tpu.memory_space<semaphore_mem>>) src(%arg7 : memref<8x16xi32, #tpu.memory_space<vmem>>) dst(%dma_wait3A_1117 : memref<8x16xi32, #tpu.memory_space<hbm>>)
      tpu.yield
    }) : () -> ()
    "tpu.region"() ({
      %run_scoped3A = tpu.sem_alloc : memref<!tpu.dma_semaphore, #tpu.memory_space<semaphore_mem>>
      %dma_start3A_1110 = arith.constant 0 : i32
      %dma_start3A_1111 = tpu.memref_slice %arg4[%multiple_of3A, %dma_start3A_1110] : memref<128x16xi32, #tpu.memory_space<hbm>> -> memref<8x16xi32, #tpu.memory_space<hbm>>
      %dma_start3A_1112 = arith.constant 0 : i32
      %dma_start3A_1113 = tpu.memref_slice %arg4[%multiple_of3A, %dma_start3A_1112] : memref<128x16xi32, #tpu.memory_space<hbm>> -> memref<8x16xi32, #tpu.memory_space<hbm>>
      tpu.enqueue_dma source(%arg8 : memref<8x16xi32, #tpu.memory_space<vmem>>) target(%dma_start3A_1113 : memref<8x16xi32, #tpu.memory_space<hbm>>) target_semaphore(%run_scoped3A : memref<!tpu.dma_semaphore, #tpu.memory_space<semaphore_mem>>)
      %dma_wait3A_1114 = arith.constant 0 : i32
      %dma_wait3A_1115 = tpu.memref_slice %arg4[%multiple_of3A, %dma_wait3A_1114] : memref<128x16xi32, #tpu.memory_space<hbm>> -> memref<8x16xi32, #tpu.memory_space<hbm>>
      %dma_wait3A_1116 = arith.constant 0 : i32
      %dma_wait3A_1117 = tpu.memref_slice %arg4[%multiple_of3A, %dma_wait3A_1116] : memref<128x16xi32, #tpu.memory_space<hbm>> -> memref<8x16xi32, #tpu.memory_space<hbm>>
      tpu.wait_dma2 semaphore(%run_scoped3A : memref<!tpu.dma_semaphore, #tpu.memory_space<semaphore_mem>>) src(%arg8 : memref<8x16xi32, #tpu.memory_space<vmem>>) dst(%dma_wait3A_1117 : memref<8x16xi32, #tpu.memory_space<hbm>>)
      tpu.yield
    }) : () -> ()
    return
  }
}

module attributes {stable_mosaic.version = 14 : i64} {
  func.func @_materialize_body(%arg0: i32, %arg1: memref<128x64xf32, #tpu.memory_space<vmem>>, %arg2: memref<1x1x128xi32, #tpu.memory_space<vmem>>, %arg3: memref<1x1x128xi32, #tpu.memory_space<vmem>>, %arg4: memref<1x1x128xi32, #tpu.memory_space<vmem>>, %arg5: memref<1x1x128xi32, #tpu.memory_space<vmem>>, %arg6: memref<128x64x80xf32, #tpu.memory_space<vmem>>, %arg7: memref<128x64x80xi32, #tpu.memory_space<vmem>>) attributes {dimension_semantics = [#tpu.dimension_semantics<arbitrary>], iteration_bounds = array<i64: 16>, scalar_prefetch = 0 : i64, scratch_operands = 0 : i64, tpu.core_type = #tpu.core_type<tc>, window_params = [{transform_indices = @transform_0, window_bounds = array<i64: 128, 64>}, {transform_indices = @transform_1, window_bounds = array<i64: 1, 1, 128>}, {transform_indices = @transform_2, window_bounds = array<i64: 1, 1, 128>}, {transform_indices = @transform_3, window_bounds = array<i64: 1, 1, 128>}, {transform_indices = @transform_4, window_bounds = array<i64: 1, 1, 128>}, {transform_indices = @transform_5, window_bounds = array<i64: 128, 64, 80>}, {transform_indices = @transform_6, window_bounds = array<i64: 128, 64, 80>}]} {
    %iota3A = tpu.iota {dimensions = array<i32: 1>} : vector<128x64x80xi32>
    %iota3A_0 = tpu.iota {dimensions = array<i32: 2>} : vector<128x64x80xi32>
    %get3A = arith.constant 0 : index
    %get3A_1 = arith.constant 0 : index
    %get3A_2 = vector.load %arg1[%get3A, %get3A_1] : memref<128x64xf32, #tpu.memory_space<vmem>>, vector<128x64xf32>
    %get3A_3 = arith.constant 0 : index
    %get3A_4 = arith.constant 0 : index
    %get3A_5 = arith.constant 0 : index
    %get3A_6 = vector.load %arg2[%get3A_3, %get3A_4, %get3A_5] : memref<1x1x128xi32, #tpu.memory_space<vmem>>, vector<1x1x128xi32>
    %get3A_7 = vector.shape_cast %get3A_6 : vector<1x1x128xi32> to vector<128xi32>
    %get3A_8 = arith.constant 0 : index
    %get3A_9 = arith.constant 0 : index
    %get3A_10 = arith.constant 0 : index
    %get3A_11 = vector.load %arg3[%get3A_8, %get3A_9, %get3A_10] : memref<1x1x128xi32, #tpu.memory_space<vmem>>, vector<1x1x128xi32>
    %get3A_12 = vector.shape_cast %get3A_11 : vector<1x1x128xi32> to vector<128xi32>
    %iota3A_13 = tpu.iota {dimensions = array<i32: 1>} : vector<128x64xi32>
    %broadcast_in_dim3A = vector.shape_cast %get3A_7 : vector<128xi32> to vector<128x1xi32>
    %eq3A = vector.broadcast %broadcast_in_dim3A : vector<128x1xi32> to vector<128x64xi32>
    %eq3A_14 = arith.cmpi eq, %iota3A_13, %eq3A : vector<128x64xi32>
    %jit3A = arith.constant 0.000000e+00 : f32
    %broadcast_in_dim3A_15 = vector.broadcast %jit3A : f32 to vector<128x64xf32>
    %select_n3A = arith.select %eq3A_14, %get3A_2, %broadcast_in_dim3A_15 : vector<128x64xi1>, vector<128x64xf32>
    %reduce_sum3A = arith.constant dense<0.000000e+00> : vector<128xf32>
    %reduce_sum3A_16 = vector.multi_reduction <add>, %select_n3A, %reduce_sum3A [1] : vector<128x64xf32> to vector<128xf32>
    %broadcast_in_dim3A_17 = vector.shape_cast %get3A_12 : vector<128xi32> to vector<128x1xi32>
    %eq3A_18 = vector.broadcast %broadcast_in_dim3A_17 : vector<128x1xi32> to vector<128x64xi32>
    %eq3A_19 = arith.cmpi eq, %iota3A_13, %eq3A_18 : vector<128x64xi32>
    %jit3A_20 = arith.constant 0.000000e+00 : f32
    %broadcast_in_dim3A_21 = vector.broadcast %jit3A_20 : f32 to vector<128x64xf32>
    %select_n3A_22 = arith.select %eq3A_19, %get3A_2, %broadcast_in_dim3A_21 : vector<128x64xi1>, vector<128x64xf32>
    %reduce_sum3A_23 = arith.constant dense<0.000000e+00> : vector<128xf32>
    %reduce_sum3A_24 = vector.multi_reduction <add>, %select_n3A_22, %reduce_sum3A_23 [1] : vector<128x64xf32> to vector<128xf32>
    %broadcast_in_dim3A_25 = vector.shape_cast %reduce_sum3A_16 : vector<128xf32> to vector<128x1xf32>
    %sub3A = vector.broadcast %broadcast_in_dim3A_25 : vector<128x1xf32> to vector<128x64xf32>
    %sub3A_26 = arith.subf %get3A_2, %sub3A : vector<128x64xf32>
    %exp3A = math.exp %sub3A_26 : vector<128x64xf32>
    %reduce_sum3A_27 = arith.constant dense<0.000000e+00> : vector<128xf32>
    %reduce_sum3A_28 = vector.multi_reduction <add>, %exp3A, %reduce_sum3A_27 [1] : vector<128x64xf32> to vector<128xf32>
    %div3A = arith.constant 1.000000e+00 : f32
    %div3A_29 = vector.broadcast %div3A : f32 to vector<128xf32>
    %div3A_30 = arith.divf %div3A_29, %reduce_sum3A_28 : vector<128xf32>
    %sub3A_31 = arith.subf %reduce_sum3A_24, %reduce_sum3A_16 : vector<128xf32>
    %exp3A_32 = math.exp %sub3A_31 : vector<128xf32>
    %mul3A = arith.mulf %exp3A_32, %div3A_30 : vector<128xf32>
    %broadcast_in_dim3A_33 = vector.shape_cast %get3A_7 : vector<128xi32> to vector<128x1x1xi32>
    %broadcast_in_dim3A_34 = vector.shape_cast %get3A_12 : vector<128xi32> to vector<128x1x1xi32>
    %get3A_35 = arith.constant 0 : index
    %get3A_36 = arith.constant 0 : index
    %get3A_37 = arith.constant 0 : index
    %get3A_38 = vector.load %arg4[%get3A_35, %get3A_36, %get3A_37] : memref<1x1x128xi32, #tpu.memory_space<vmem>>, vector<1x1x128xi32>
    %get3A_39 = vector.shape_cast %get3A_38 : vector<1x1x128xi32> to vector<128xi32>
    %broadcast_in_dim3A_40 = vector.shape_cast %get3A_39 : vector<128xi32> to vector<128x1x1xi32>
    %get3A_41 = arith.constant 0 : index
    %get3A_42 = arith.constant 0 : index
    %get3A_43 = arith.constant 0 : index
    %get3A_44 = vector.load %arg5[%get3A_41, %get3A_42, %get3A_43] : memref<1x1x128xi32, #tpu.memory_space<vmem>>, vector<1x1x128xi32>
    %get3A_45 = vector.shape_cast %get3A_44 : vector<1x1x128xi32> to vector<128xi32>
    %broadcast_in_dim3A_46 = vector.shape_cast %get3A_45 : vector<128xi32> to vector<128x1x1xi32>
    %broadcast_in_dim3A_47 = vector.shape_cast %div3A_30 : vector<128xf32> to vector<128x1x1xf32>
    %broadcast_in_dim3A_48 = vector.shape_cast %mul3A : vector<128xf32> to vector<128x1x1xf32>
    %min3A = arith.constant 79 : i32
    %min3A_49 = vector.broadcast %min3A : i32 to vector<128x1x1xi32>
    %min3A_50 = arith.minsi %broadcast_in_dim3A_40, %min3A_49 : vector<128x1x1xi32>
    %min3A_51 = arith.constant 79 : i32
    %min3A_52 = vector.broadcast %min3A_51 : i32 to vector<128x1x1xi32>
    %min3A_53 = arith.minsi %broadcast_in_dim3A_46, %min3A_52 : vector<128x1x1xi32>
    %eq3A_54 = vector.broadcast %broadcast_in_dim3A_33 : vector<128x1x1xi32> to vector<128x64x80xi32>
    %eq3A_55 = arith.cmpi eq, %iota3A, %eq3A_54 : vector<128x64x80xi32>
    %eq3A_56 = vector.broadcast %min3A_50 : vector<128x1x1xi32> to vector<128x64x80xi32>
    %eq3A_57 = arith.cmpi eq, %iota3A_0, %eq3A_56 : vector<128x64x80xi32>
    %and3A = arith.andi %eq3A_55, %eq3A_57 : vector<128x64x80xi1>
    %lt3A = arith.constant 80 : i32
    %lt3A_58 = vector.broadcast %lt3A : i32 to vector<128x1x1xi32>
    %lt3A_59 = arith.cmpi slt, %broadcast_in_dim3A_40, %lt3A_58 : vector<128x1x1xi32>
    %and3A_60 = vector.broadcast %lt3A_59 : vector<128x1x1xi1> to vector<128x64x80xi1>
    %and3A_61 = arith.andi %and3A, %and3A_60 : vector<128x64x80xi1>
    %eq3A_62 = vector.broadcast %broadcast_in_dim3A_34 : vector<128x1x1xi32> to vector<128x64x80xi32>
    %eq3A_63 = arith.cmpi eq, %iota3A, %eq3A_62 : vector<128x64x80xi32>
    %eq3A_64 = vector.broadcast %min3A_53 : vector<128x1x1xi32> to vector<128x64x80xi32>
    %eq3A_65 = arith.cmpi eq, %iota3A_0, %eq3A_64 : vector<128x64x80xi32>
    %and3A_66 = arith.andi %eq3A_63, %eq3A_65 : vector<128x64x80xi1>
    %lt3A_67 = arith.constant 80 : i32
    %lt3A_68 = vector.broadcast %lt3A_67 : i32 to vector<128x1x1xi32>
    %lt3A_69 = arith.cmpi slt, %broadcast_in_dim3A_46, %lt3A_68 : vector<128x1x1xi32>
    %and3A_70 = vector.broadcast %lt3A_69 : vector<128x1x1xi1> to vector<128x64x80xi1>
    %and3A_71 = arith.andi %and3A_66, %and3A_70 : vector<128x64x80xi1>
    %jit3A_72 = arith.constant 0.000000e+00 : f32
    %broadcast_in_dim3A_73 = vector.shape_cast %broadcast_in_dim3A_47 : vector<128x1x1xf32> to vector<128x1x1xf32>
    %broadcast_in_dim3A_74 = vector.broadcast %broadcast_in_dim3A_73 : vector<128x1x1xf32> to vector<128x64x80xf32>
    %broadcast_in_dim3A_75 = vector.broadcast %jit3A_72 : f32 to vector<128x64x80xf32>
    %select_n3A_76 = arith.select %and3A_61, %broadcast_in_dim3A_74, %broadcast_in_dim3A_75 : vector<128x64x80xi1>, vector<128x64x80xf32>
    %jit3A_77 = arith.constant 0.000000e+00 : f32
    %broadcast_in_dim3A_78 = vector.shape_cast %broadcast_in_dim3A_48 : vector<128x1x1xf32> to vector<128x1x1xf32>
    %broadcast_in_dim3A_79 = vector.broadcast %broadcast_in_dim3A_78 : vector<128x1x1xf32> to vector<128x64x80xf32>
    %broadcast_in_dim3A_80 = vector.broadcast %jit3A_77 : f32 to vector<128x64x80xf32>
    %select_n3A_81 = arith.select %and3A_71, %broadcast_in_dim3A_79, %broadcast_in_dim3A_80 : vector<128x64x80xi1>, vector<128x64x80xf32>
    %add3A = arith.addf %select_n3A_76, %select_n3A_81 : vector<128x64x80xf32>
    %swap3A = arith.constant 0 : index
    %swap3A_82 = arith.constant 0 : index
    %swap3A_83 = arith.constant 0 : index
    %swap3A_84 = vector.load %arg6[%swap3A, %swap3A_82, %swap3A_83] : memref<128x64x80xf32, #tpu.memory_space<vmem>>, vector<128x64x80xf32>
    tpu.vector_store %arg6[%swap3A, %swap3A_82, %swap3A_83], %add3A {strides = array<i32>} : memref<128x64x80xf32, #tpu.memory_space<vmem>>, vector<128x64x80xf32>,
    %ne3A = arith.constant 0.000000e+00 : f32
    %ne3A_85 = vector.broadcast %ne3A : f32 to vector<128x64x80xf32>
    %ne3A_86 = arith.cmpf one, %add3A, %ne3A_85 : vector<128x64x80xf32>
    %swap3A_87 = arith.constant 0 : index
    %swap3A_88 = arith.constant 0 : index
    %swap3A_89 = arith.constant 0 : index
    %swap3A_90 = vector.load %arg7[%swap3A_87, %swap3A_88, %swap3A_89] : memref<128x64x80xi32, #tpu.memory_space<vmem>>, vector<128x64x80xi32>
    %swap3A_91 = arith.extui %ne3A_86 : vector<128x64x80xi1> to vector<128x64x80xi32>
    %swap3A_92 = arith.constant dense<0> : vector<128x64x80xi32>
    %swap3A_93 = arith.cmpi ne, %swap3A_90, %swap3A_92 : vector<128x64x80xi32>
    tpu.vector_store %arg7[%swap3A_87, %swap3A_88, %swap3A_89], %swap3A_91 {strides = array<i32>} : memref<128x64x80xi32, #tpu.memory_space<vmem>>, vector<128x64x80xi32>,
    return
  }
  func.func @transform_0(%arg0: i32) -> (i32, i32) {
    %c0_i32 = arith.constant 0 : i32
    %c0_i32_0 = arith.constant 0 : i32
    return %arg0, %c0_i32 : i32, i32
  }
  func.func @transform_1(%arg0: i32) -> (i32, i32, i32) {
    %c0_i32 = arith.constant 0 : i32
    %c0_i32_0 = arith.constant 0 : i32
    %c0_i32_1 = arith.constant 0 : i32
    return %arg0, %c0_i32, %c0_i32_0 : i32, i32, i32
  }
  func.func @transform_2(%arg0: i32) -> (i32, i32, i32) {
    %c0_i32 = arith.constant 0 : i32
    %c0_i32_0 = arith.constant 0 : i32
    %c0_i32_1 = arith.constant 0 : i32
    return %arg0, %c0_i32, %c0_i32_0 : i32, i32, i32
  }
  func.func @transform_3(%arg0: i32) -> (i32, i32, i32) {
    %c0_i32 = arith.constant 0 : i32
    %c0_i32_0 = arith.constant 0 : i32
    %c0_i32_1 = arith.constant 0 : i32
    return %arg0, %c0_i32, %c0_i32_0 : i32, i32, i32
  }
  func.func @transform_4(%arg0: i32) -> (i32, i32, i32) {
    %c0_i32 = arith.constant 0 : i32
    %c0_i32_0 = arith.constant 0 : i32
    %c0_i32_1 = arith.constant 0 : i32
    return %arg0, %c0_i32, %c0_i32_0 : i32, i32, i32
  }
  func.func @transform_5(%arg0: i32) -> (i32, i32, i32) {
    %c0_i32 = arith.constant 0 : i32
    %c0_i32_0 = arith.constant 0 : i32
    %c0_i32_1 = arith.constant 0 : i32
    return %arg0, %c0_i32, %c0_i32_0 : i32, i32, i32
  }
  func.func @transform_6(%arg0: i32) -> (i32, i32, i32) {
    %c0_i32 = arith.constant 0 : i32
    %c0_i32_0 = arith.constant 0 : i32
    %c0_i32_1 = arith.constant 0 : i32
    return %arg0, %c0_i32, %c0_i32_0 : i32, i32, i32
  }
}

</mosaic_0001>

<sc_bundles>
// kernel: kernel.5.cloned.1.call-start
scs
__scs_entry_jumppad:
0x0: {  	(pc) =	sbr.rel $0x88, $3  }
0x1: {  	(tag) =	ssettag $0x0;
	lr =	simm.s32 $0x1  }
0x2: {  	[smem:$0x3FA0] =	sst lr;
	_ =	strace $0xD0000000  }
0x3: {  	_ = 	snop  }
0x4: {  	_ = 	snop  }
0x5: {  	_ = 	snop  }
0x6: {  	_ = 	snop  }
0x7: {  	_ = 	snop  }
__scs_overlays_trampoline_lowered:
0x8: {  	[smem:$0x3FAF] =	sst s0  }
0x9: {  	[smem:$0x3FB0] =	sst s1  }
0xa: {  	[smem:$0x3FB1] =	sst s2  }
0xb: {  	[smem:$0x3FB2] =	sst s3  }
0xc: {  	[smem:$0x3FB3] =	sst s4  }
0xd: {  	[smem:$0x3FB4] =	sst s5  }
0xe: {  	[smem:$0x3FB5] =	sst s6  }
0xf: {  	[smem:$0x3FB6] =	sst s7  }
0x10: {  	[smem:$0x3FB7] =	sst s8  }
0x11: {  	[smem:$0x3FB8] =	sst s9;
	s0 =	simm.s32 @!p0 $0x0  }
0x12: {  	s1 =	sld [smem:$0x3F9E];
	s0 =	simm.s32 @p0 $0x1  }
0x13: {  	[smem:$0x3FB9] =	sst s0;
	s0 =	simm.s32 @!p1 $0x0  }
0x14: {  	s2 =	sld [smem:$0x3F9D];
	s0 =	simm.s32 @p1 $0x1  }
0x15: {  	[smem:$0x3FBA] =	sst s0;
	s0 =	simm.s32 @!p2 $0x0  }
0x16: {  	s3 =	sld [smem:$0x3FDB];
	s0 =	simm.s32 @p2 $0x1  }
0x17: {  	s4 =	simm.s32 $0x1BF5;
	[smem:$0x3FBC] =	sst s0  }
0x18: {  	s0 =	sld [smem:$0x3F9F];
	_ =	swait.ge [sflag:s4], $0x0  }
0x19: {  	s7 =	sld [smem:$0x3FA0]  }
0x1a: {  	s8 =	sadd.s32 $0xFFFFE003, lr  }
0x1b: {  	s9 =	sadd.s32 $0xFFFFFEF7, lr;
	s5 =	simm.s32 $0xFFFFFFFF;
	p2 =	slt.u32 s8, $0xFFFFF086  }
0x1c: {  	p1 =	slt.u32 s9, $0xF7A;
	s5 =	simm.s32 @!p2 $0x0  }
0x1d: {  	s5 =	simm.s32 @p1 $0x1;
	p0 =	seq.s32 s7, s2  }
0x1e: {  	s7 =	smul.u32 @!p0 $0xF7A, s2;
	p2 =	seq.s32 @!p0 s5, $0x0  }
0x1f: {  	s9 =	smul.u32 $0xF7A, s1;
	s8 =	simm.s32 @!p0 $0x1BF5;
	p2 =	por !p2, p0  }
0x20: {  	[sflag:s8] =	ssyncset.s32 @!p0 $0xFFFFF086;
	s6 =	sadd.s32 @!p0 s3, s7;
	s7 =	simm.s32 @!p0 $0x108  }
0x21: {  	s3 =	sadd.s32 s3, s9;
	s6 =	sadd.s32 @!p0 $0x88, s6;
	s7 =	simm.s32 @p2 $0x1082  }
0x22: {  	[simem:s7], [sflag:s8] =	dma.local @!p0 [hbm:s6], $0xF7A  }
0x23: {  	s9 =	sor.u32 $0xD0000000, s2;
	s6 =	simm.s32 $0x108;
	_ =	swait.ge @!p0 [sflag:s8], $0x0  }
0x24: {  	s3 =	sadd.s32 $0x88, s3;
	s6 =	simm.s32 @!p1 $0x1082;
	[sflag:s4] =	ssyncset.s32 $0xFFFFF086  }
0x25: {  	[simem:s6], [sflag:s4] =	dma.local [hbm:s3], $0xF7A  }
0x26: {  	[smem:$0x3FA0] =	sst s1;
	(tag) =	ssettag s2;
	_ =	strace s9  }
0x27: {  	s1 =	sld [smem:$0x3FB0]  }
0x28: {  	s2 =	sld [smem:$0x3FB1]  }
0x29: {  	s4 =	sld [smem:$0x3FB3]  }
0x2a: {  	p0 =	seq.s32 s5, $0x0;
	s5 =	sld [smem:$0x3FB4]  }
0x2b: {  	s6 =	sld [smem:$0x3FB5]  }
0x2c: {  	s7 =	sld [smem:$0x3FB6]  }
0x2d: {  	s3 =	simm.s32 $0x108;
	s8 =	sld [smem:$0x3FB7]  }
0x2e: {  	s3 =	simm.s32 @!p0 $0x1082;
	s9 =	sld [smem:$0x3FB8]  }
0x2f: {  	lr =	sadd.s32 s0, s3;
	s0 =	sld [smem:$0x3FAF]  }
0x30: {  	s3 =	sld [smem:$0x3FB2]  }
0x31: {  	[smem:$0x3FBB] =	sst s10  }
0x32: {  	s10 =	sld [smem:$0x3FB9];
	_ =	sdelay $0x3  }
0x33: {  	p0 =	seq.s32 s10, $0x1;
	s10 =	sld [smem:$0x3FBB];
	_ =	sdelay $0x3  }
0x34: {  	[smem:$0x3FBB] =	sst s10  }
0x35: {  	s10 =	sld [smem:$0x3FBA];
	_ =	sdelay $0x3  }
0x36: {  	p1 =	seq.s32 s10, $0x1;
	s10 =	sld [smem:$0x3FBB];
	_ =	sdelay $0x3  }
0x37: {  	[smem:$0x3FBB] =	sst s10  }
0x38: {  	s10 =	sld [smem:$0x3FBC]  }
0x39: {  	_ = 	snop;
	(pc) =	sbr.ind lr, $3  }
0x3a: {  	_ = 	snop  }
0x3b: {  	_ = 	snop  }
0x3c: {  	p2 =	seq.s32 s10, $0x1;
	s10 =	sld [smem:$0x3FBB]  }
0x3d: {  	_ =	shalt  }
0x3e: {  	_ =	shalt  }
0x3f: {  	_ =	shalt  }
0x40: {  	_ =	shalt  }
0x41: {  	_ =	shalt  }
0x42: {  	_ =	shalt  }
0x43: {  	_ =	shalt  }
0x44: {  	_ =	shalt  }
0x45: {  	_ =	shalt  }
0x46: {  	_ =	shalt  }
0x47: {  	_ =	shalt  }
0x48: {  	_ =	shalt  }
0x49: {  	_ =	shalt  }
0x4a: {  	_ =	shalt  }
0x4b: {  	_ =	shalt  }
0x4c: {  	_ =	shalt  }
0x4d: {  	_ =	shalt  }
0x4e: {  	_ =	shalt  }
0x4f: {  	_ =	shalt  }
0x50: {  	_ =	shalt  }
0x51: {  	_ =	shalt  }
0x52: {  	_ =	shalt  }
0x53: {  	_ =	shalt  }
0x54: {  	_ =	shalt  }
0x55: {  	_ =	shalt  }
0x56: {  	_ =	shalt  }
0x57: {  	_ =	shalt  }
0x58: {  	_ =	shalt  }
0x59: {  	_ =	shalt  }
0x5a: {  	_ =	shalt  }
0x5b: {  	_ =	shalt  }
0x5c: {  	_ =	shalt  }
0x5d: {  	_ =	shalt  }
0x5e: {  	_ =	shalt  }
0x5f: {  	_ =	shalt  }
0x60: {  	_ =	shalt  }
0x61: {  	_ =	shalt  }
0x62: {  	_ =	shalt  }
0x63: {  	_ =	shalt  }
0x64: {  	_ =	shalt  }
0x65: {  	_ =	shalt  }
0x66: {  	_ =	shalt  }
0x67: {  	_ =	shalt  }
0x68: {  	_ =	shalt  }
0x69: {  	_ =	shalt  }
0x6a: {  	_ =	shalt  }
0x6b: {  	_ =	shalt  }
0x6c: {  	_ =	shalt  }
0x6d: {  	_ =	shalt  }
0x6e: {  	_ =	shalt  }
0x6f: {  	_ =	shalt  }
0x70: {  	_ =	shalt  }
0x71: {  	_ =	shalt  }
0x72: {  	_ =	shalt  }
0x73: {  	_ =	shalt  }
0x74: {  	_ =	shalt  }
0x75: {  	_ =	shalt  }
0x76: {  	_ =	shalt  }
0x77: {  	_ =	shalt  }
0x78: {  	_ =	shalt  }
0x79: {  	_ =	shalt  }
0x7a: {  	_ =	shalt  }
0x7b: {  	_ =	shalt  }
0x7c: {  	_ =	shalt  }
0x7d: {  	_ =	shalt  }
0x7e: {  	_ =	shalt  }
0x7f: {  	_ =	shalt  }
0x80: {  	_ =	shalt  }
0x81: {  	_ =	shalt  }
0x82: {  	_ =	shalt  }
0x83: {  	_ =	shalt  }
0x84: {  	_ =	shalt  }
0x85: {  	_ =	shalt  }
0x86: {  	_ =	shalt  }
0x87: {  	_ =	shalt  }
.Lfunc_end0:
.L_simem_size_0:
called_computation_lowered:
.L_overlay_start_0:
0x88: {  	s2 =	sld [smem:$0x3FD9]  }
0x89: {  	s3 =	sld [smem:$0x3FFE];
	_ =	sdelay $0x1  }
0x8a: {  	s1 =	srdreg.scid  }
0x8b: {  	s0 =	sand.u32 $0x1, s1  }
0x8c: {  	s14 =	sshll.u32 s0, $0xA;
	s2 =	sadd.s32 s3, s2  }
0x8d: {  	s2 =	sadd.s32 s2, s14  }
0x8e: {  	[smem:$0x3FC7] =	sst s2  }
0x8f: {  	_ = 	snop  }
0x90: {  	s2 =	sld [smem:$0x3FD0];
	_ =	sdelay $0x2  }
0x91: {  	s15 =	simm.s32 $0xA;
	s4 =	simm.s32 $0x10  }
0x92: {  	[smem:s4], [sflag:s15] =	dma.local [hbm:s2], $0x1  }
0x93: {  	_ =	swait.eq [sflag:s15], $0x1  }
0x94: {  	[sflag:s15] =	ssyncset.done $0x0  }
0x95: {  	s16 =	sld [smem:$0x10];
	[sflag:s15] =	ssyncadd.s32 $0xFFFFFFFF  }
0x96: {  	s17 =	sld [smem:$0x11];
	(tm) =	ssettm $0x1  }
0x97: {  	s18 =	sld [smem:$0x3FFB];
	_ =	sdelay $0x3  }
0x98: {  	_ =	strace s18  }
0x99: {  	s4 =	sld [smem:$0x3FFC];
	_ =	sdelay $0x3  }
0x9a: {  	_ =	strace s4  }
0x9b: {  	s4 =	sld [smem:$0x3FFD];
	_ =	sdelay $0x3  }
0x9c: {  	_ =	strace s4  }
0x9d: {  	_ =	strace $0x8FFFFFFF  }
0x9e: {  	s19 =	sld [smem:$0x3FDB];
	_ =	sdelay $0x1  }
0x9f: {  	s5 =	simm.s32 $_scs_section_size  }
0xa0: {  	s6 =	simm.s32 $_size__tile_overlayer_lowered;
	s7 =	simm.s32 $_tile_overlayer_lowered  }
0xa1: {  	s22 =	simm.s32 $0x1BFF;
	s21 =	sshll.u32 s7, $0x1;
	s4 =	sadd.s32 s5, s19  }
0xa2: {  	s8 =	simm.s32 $0x0;
	s20 =	sshll.u32 s6, $0x1;
	s6 =	sadd.s32 s21, s4  }
0xa3: {  	[timem:s8], [sflag:s22] =	dma.local [hbm:s6], s20  }
0xa4: {  	_ =	swait.ge [sflag:s22], s20  }
0xa5: {  	s5 =	ssub.s32 $0x0, s20;
	[sflag:s22] =	ssyncset.done $0x0  }
0xa6: {  	[sflag:s22] =	ssyncadd.s32 s5;
	_ =	sdelay $0x1  }
0xa7: {  	s23 =	simm.s32 $0x1B8B  }
0xa8: {  	_ =	swait.ge [sflag:s23], $0x1  }
0xa9: {  	[sflag:s23] =	ssyncset.done $0x0  }
0xaa: {  	s25 =	simm.s32 $0x1B8E;
	s24 =	sld [smem:$0x3FFE];
	[sflag:s23] =	ssyncadd.s32 $0xFFFFFFFF  }
0xab: {  	s26 =	simm.s32 $execute0_lowered;
	[smem:$0x3FD2] =	sst s25  }
0xac: {  	s6 =	sshll.u32 s26, $0x1;
	_ =	strace $0x80000046;
	[dreg:$0x1] =	wrdreg $0xFFFFFFFF  }
0xad: {  	s28 =	simm.s32 $_size_execute0_lowered;
	s4 =	sadd.s32 s4, s6;
	[dreg:$0x0] =	wrdreg $0x0  }
0xae: {  	s6 =	sshll.u32 s28, $0x1;
	[dreg:$0x2] =	wrdreg s4  }
0xaf: {  	[dreg:$0x3] =	wrdreg s6  }
0xb0: {  	[dreg:$0x4] =	wrdreg $0xC0  }
0xb1: {  	_ =	task [dreg:s8], $0x5FFFF  }
0xb2: {  	[dreg:$0x1] =	wrdreg $0xFFFFFFFF  }
0xb3: {  	[dreg:$0x0] =	wrdreg $0x60  }
0xb4: {  	[dreg:$0x2] =	wrdreg s17  }
0xb5: {  	[dreg:$0x3] =	wrdreg s24  }
0xb6: {  	[dreg:$0x4] =	wrdreg s16  }
0xb7: {  	[dreg:$0x5] =	wrdreg $0x84000  }
0xb8: {  	[dreg:$0x6] =	wrdreg $0xC8800  }
0xb9: {  	[dreg:$0x7] =	wrdreg $0xCD000  }
0xba: {  	[dreg:$0x8] =	wrdreg $0x9  }
0xbb: {  	_ =	task.clear_ibuf [dreg:s8], $0x9FFFF;
	_ =	strace $0x90000046  }
0xbc: {  	s29 =	simm.s32 $0x9;
	_ =	strace $0x80000048  }
0xbd: {  	_ =	swait.ge [sflag:s29], $0x1  }
0xbe: {  	[sflag:s29] =	ssyncadd.s32 $0xFFFFFFFF  }
0xbf: {  	_ =	strace $0x90000048  }
0xc0: {  	_ =	sfence  }
0xc1: {  	s30 =	sld [smem:$0x0];
	_ =	sdelay $0x2  }
0xc2: {  	s31 =	sshll.u32 s1, $0xD;
	s1 =	sshrl.u32 s1, $0x2  }
0xc3: {  	s3 =	sand.u32 $0x4000, s31;
	s1 =	sadd.s32 s1, s30  }
0xc4: {  	s0 =	sor.u32 s3, s0;
	s1 =	sshll.u32 s1, $0x11  }
0xc5: {  	s0 =	sor.u32 s1, s0  }
0xc6: {  	s0 =	sadd.s32 $0x8F2B, s0  }
0xc7: {  	[sflag:s0] =	ssyncadd.remote.s32 $0x1  }
0xc8: {  	_ =	sfence.sel $0xFFFF  }
0xc9: {  	[dreg:$0x0] =	wrdreg $0xFFFFFFFF;
	(pc) =	sbr.abs _section_cstart, $3  }
0xca: {  	[dreg:$0x1] =	wrdreg $0xFFFFFFFF  }
0xcb: {  	_ =	task.clear_ibuf [dreg:s8], $0x2FFFF;
	_ =	strace $0x9FFFFFFF  }
0xcc: {  	(tm) =	ssettm $0x7FFFFFFF  }
0xcd: {  	_ =	shalt  }
tec
execute0_lowered:
.L_overlay_start_1:
0x0: {  	(tag) =	ssettag $0x1  }
0x1: {  	s0 =	rddreg [dreg:$0x0]  }
0x2: {  	s1 =	rddreg [dreg:$0x1]  }
0x3: {  	s2 =	rddreg [dreg:$0x2]  }
0x4: {  	s7 =	rddreg [dreg:$0x3]  }
0x5: {  	s8 =	rddreg [dreg:$0x4]  }
0x6: {  	s3 =	rddreg [dreg:$0x5]  }
0x7: {  	s4 =	simm.s32 $0x0;
	s5 =	srdreg.scid;
	s11 =	stileid.u32  }
0x8: {  	s13 =	simm.s32 $0xCD80;
	s16 =	simm.s32 $0x1;
	s18 =	simm.s32 $0xC480  }
0x9: {  	s19 =	simm.s32 $0xC900;
	s22 =	simm.s32 $0x0;
	[smem:$0x7FF] =	sst s4  }
0xa: {  	s5 =	sand.u32 $0x1, s5;
	s6 =	sshll.u32 s11, $0x7;
	s14 =	sshll.u32 s11, $0xB  }
0xb: {  	s29 =	sshll.u32 s11, $0xA;
	s10 =	sshll.u32 s11, $0x2;
	s17 =	sshllo.u32 s11, $0x2  }
0xc: {  	_ =	strace $0x80000047;
	s5 =	ssub.s32 $0x2, s5;
	s1 =	sadd.s32 s6, s1  }
0xd: {  	v3 =	vlaneseq.u32;
	s7 =	sadd.s32 s29, s7;
	s8 =	sadd.s32 s29, s8;
	s9 =	sadd.s32 s29, s3  }
0xe: {  	v8 =	vimm.s32 $0x0;
	v4 =	vor.u32 $0x80000030, v3;
	s30 =	sor.u32 $0x1, s10;
	s31 =	sor.u32 $0x2, s10;
	v7 =	vmov s17;
	s17 =	simm.s32 $0x8000  }
0xf: {  	v5 =	vor.u32 $0x80000020, v3;
	v6 =	vor.u32 $0x80000010, v3;
	v0 =	vmov s10;
	s28 =	sshrl.u32 s5, $0x1;
	s10 =	sadd.s32 $0x1C00, s1;
	s11 =	sadd.s32 $0x2400, s1  }
0x10: {  	v9 =	vor.u32 $0x80000000, v3;
	v10 =	vor.u32 $0x10, v3;
	v11 =	vor.u32 $0x20, v3;
	s12 =	sadd.s32 $0x1400, s1;
	s15 =	ssub.s32 s5, s28;
	s5 =	sadd.s32 s0, s14  }
0x11: {  	v12 =	vor.u32 $0x30, v3;
	v1 =	vmov s30;
	v2 =	vmov s31;
	s14 =	sadd.s32 s2, s14;
	s6 =	sadd.s32 $0x400, s5;
	s15 =	smax.u32 s15, $0x1  }
.LBB2_1:
0x12: {  	s0 =	simm.s32 $0x200;
	s1 =	simm.s32 $0x0  }
.LBB2_2:
0x13: {  	p0 =	sne.s32 s0, $0xFE00;
	[tilespmem:s1+$0x0] =	vst v8;
	s1 =	smov.u32 s0;
	s0 =	sadd.s32 $0x200, s0  }
.Ltmp0:
0x14: {  	(pc) =	sbr.rel @p0 .LBB2_2-.Ltmp0, $2  }
0x15: {  	_ =	sdelay $0x2  }
0x16: {  	s1 =	sshra.s32 s1, $0x2  }
0x17: {  	[tilespmem:s1+$0x0] =	vst v8;
	s23 =	simm.s32 $0x0  }
0x18: {  	[tilespmem:s13], [sflag:$0x1] =	stream.linear.gather [hbm4b:s5+s23], $0x2000, $0x38;
	[tilespmem:$0xED80] =	vst v63  }
0x19: {  	_ =	swait.ge [sflag:s16], $0x2000  }
0x1a: {  	[sflag:s16] =	ssyncset.done $0x0  }
0x1b: {  	s24 =	simm.s32 $0xCDA0;
	[sflag:s16] =	ssyncadd.s32 $0xFFFFE000  }
.LBB2_4:
0x1c: {  	v13 =	vld [tilespmem:s24+$0xFFFFFFE0]  }
0x1d: {  	v18 =	vld [tilespmem:s24+$0xFFFFFFF0]  }
0x1e: {  	v20 =	vld [tilespmem:s24+$0x0]  }
0x1f: {  	v21 =	vld [tilespmem:s24+$0x10];
	_ =	sdelay $0x4  }
0x20: {  	v14 =	vmax.f32 v13, v18;
	v15 =	vmax.f32 v20, v21  }
0x21: {  	v14 =	vmax.f32 v14, v15  }
0x22: {  	(xrf0) =	vmax.scan.msk.f32 $0xffff, v14;
	_ =	sdelay $0x5  }
0x23: {  	s0 =	sadd.s32 $0x80, s24;
	v14, _, _ =	vpop (xrf0)  }
0x24: {  	v17 =	vld [tilespmem:s0+$0x0];
	v22 =	vbroadcast v14, $0xF  }
0x25: {  	v25 =	vld [tilespmem:s0+$0x10]  }
0x26: {  	v15 =	vld [tilespmem:s0+$0xFFFFFFE0];
	vm0 =	veq.f32 v21, v22  }
0x27: {  	v14 =	vld [tilespmem:s0+$0xFFFFFFF0];
	vm1 =	veq.f32 v20, v22;
	v16 =	vnsel vm0, $0x8000270F, v4  }
0x28: {  	vm15 =	veq.f32 v18, v22;
	v16 =	vsel vm1, v5, v16  }
0x29: {  	vm4 =	veq.f32 v13, v22;
	v16 =	vsel vm15, v6, v16  }
0x2a: {  	v16 =	vsel vm4, v9, v16  }
0x2b: {  	(xrf0) =	vmin.scan.msk.u32 $0xffff, v16  }
0x2c: {  	v19 =	vmax.f32 v17, v25;
	v16 =	vmax.f32 v15, v14  }
0x2d: {  	v16 =	vmax.f32 v16, v19  }
0x2e: {  	(xrf0) =	vmax.scan.msk.f32 $0xffff, v16;
	_ =	sdelay $0x2  }
0x2f: {  	v16, _, _ =	vpop (xrf0)  }
0x30: {  	(v2sf) =	vpush v16, $0xF;
	_ =	sdelay $0x1  }
0x31: {  	v16, _, _ =	vpop (xrf0)  }
0x32: {  	v19 =	vsub.f32 v13, v22;
	v26 =	vbroadcast v16, $0xF  }
0x33: {  	v24 =	vsub.f32 v18, v22  }
0x34: {  	s0 =	sadd.s32 $0x80, s0;
	v29 =	vsub.f32 v20, v22;
	v27 =	vmul.f32 $1.442695020e+00, v19;
	vm5 =	veq.f32 v25, v26  }
0x35: {  	v30 =	vmul.f32 $1.442695020e+00, v24;
	v24 =	vld [tilespmem:s0+$0x10];
	vm6 =	veq.f32 v17, v26;
	v23 =	vnsel vm5, $0x8000270F, v4  }
0x36: {  	v19 =	vld [tilespmem:s0+$0xFFFFFFF0];
	(erf) = vpow2.f32 v27;
	vm7 =	veq.f32 v14, v26;
	v28 =	vsel vm6, v5, v23  }
0x37: {  	v27 =	vmul.f32 $1.442695020e+00, v29;
	v16 =	vld [tilespmem:s0+$0xFFFFFFE0];
	vm8 =	veq.f32 v15, v26;
	v28 =	vsel vm7, v6, v28  }
0x38: {  	(erf) = vpow2.f32 v30;
	v23 =	vld [tilespmem:s0+$0x0];
	v28 =	vsel vm8, v9, v28  }
0x39: {  	(erf) = vpow2.f32 v27;
	v27 =	vsub.f32 v15, v26;
	(xrf0) =	vmin.scan.msk.u32 $0xffff, v28  }
0x3a: {  	v22 =	vsub.f32 v21, v22  }
0x3b: {  	v27 =	vmul.f32 $1.442695020e+00, v27  }
0x3c: {  	v22 =	vmul.f32 $1.442695020e+00, v22  }
0x3d: {  	v28 =	vmax.f32 v16, v19;
	v29 =	vmax.f32 v23, v24  }
0x3e: {  	(erf) = vpow2.f32 v22;
	v22 =	vsub.f32 v14, v26;
	v28 =	vmax.f32 v28, v29;
	s1 =	spop (v2sf)  }
0x3f: {  	v30 =	vsub.f32 v17, v26;
	v26 =	vsub.f32 v25, v26;
	(erf) = vpow2.f32 v27;
	(xrf0) =	vmax.scan.msk.f32 $0xffff, v28;
	v27, _, _ =	vpop (xrf0);
	s25 =	sxor.u32 $0x80000000, s1  }
0x40: {  	v22 =	vmul.f32 $1.442695020e+00, v22;
	(v2sf) =	vpush v27, $0xF;
	v28 =	vmov s25  }
0x41: {  	vm9 =	veq.s32 v28, v3;
	vm10 =	veq.s32 v28, v10;
	vm11 =	veq.s32 v28, v11  }
0x42: {  	vm2 =	veq.s32 v28, v12;
	v27 =	vsel vm9, $0xFF61B1E6, v13;
	v13 =	vpop (erf);
	v28 =	vsel vm10, $0xFF61B1E6, v18  }
0x43: {  	v29 =	vsel vm11, $0xFF61B1E6, v20;
	v31 =	vsel vm2, $0xFF61B1E6, v21;
	v18 =	vpop (erf);
	(erf) = vpow2.f32 v22  }
0x44: {  	v20 =	vmax.f32 v27, v28;
	v21 =	vmax.f32 v29, v31;
	v22 =	vmul.f32 $1.442695020e+00, v30  }
0x45: {  	v13 =	vadd.f32 v18, v13;
	v20 =	vmax.f32 v20, v21;
	v21 =	vmul.f32 $1.442695020e+00, v26;
	v26, _, _ =	vpop (xrf0)  }
0x46: {  	v18 =	vpop (erf);
	(xrf0) =	vmax.scan.msk.f32 $0xffff, v20;
	v26 =	vbroadcast v26, $0xF  }
0x47: {  	s0 =	sadd.s32 $0x80, s0;
	(erf) = vpow2.f32 v22;
	v20 =	vadd.f32 v13, v18  }
0x48: {  	v30 =	vpop (erf);
	v22 =	vld [tilespmem:s0+$0xFFFFFFF0];
	(erf) = vpow2.f32 v21;
	v32 =	vsub.f32 v16, v26;
	vm12 =	veq.f32 v24, v26  }
0x49: {  	v18 =	vld [tilespmem:s0+$0xFFFFFFE0];
	vm13 =	veq.f32 v23, v26;
	v30 =	vadd.f32 v20, v30;
	v34 =	vnsel vm12, $0x8000270F, v4  }
0x4a: {  	v21 =	vld [tilespmem:s0+$0x10];
	v33 =	vsub.f32 v19, v26;
	vm14 =	veq.f32 v19, v26;
	v34 =	vsel vm13, v5, v34  }
0x4b: {  	vm15 =	veq.f32 v16, v26;
	v59 =	vsub.f32 v23, v26;
	v20 =	vld [tilespmem:s0+$0x0];
	v34 =	vsel vm14, v6, v34;
	(xrf2) =	vadd.scan.msk.f32 $0xffff, v30  }
0x4c: {  	v26 =	vsub.f32 v24, v26;
	v32 =	vmul.f32 $1.442695020e+00, v32;
	v36, _, _ =	vpop (xrf0);
	v34 =	vsel vm15, v9, v34  }
0x4d: {  	v35 =	vpop (erf);
	v33 =	vmul.f32 $1.442695020e+00, v33;
	v57 =	vbroadcast v36, $0xF;
	(xrf0) =	vmin.scan.msk.u32 $0xffff, v34  }
0x4e: {  	v26 =	vmul.f32 $1.442695020e+00, v26;
	v30 =	vmax.f32 v18, v22;
	v37 =	vpop (erf);
	(erf) = vpow2.f32 v32  }
0x4f: {  	v58 =	vadd.f32 v37, v35;
	(erf) = vpow2.f32 v33;
	vm4 =	veq.f32 v31, v57  }
0x50: {  	v31 =	vmax.f32 v20, v21;
	vm5 =	veq.f32 v29, v57;
	s26 =	spop (v2sf);
	v29 =	vnsel vm4, $0x8000270F, v4  }
0x51: {  	vm6 =	veq.f32 v28, v57;
	v30 =	vmax.f32 v30, v31;
	s26 =	sxor.u32 $0x80000000, s26;
	v28 =	vsel vm5, v5, v29  }
0x52: {  	vm7 =	veq.f32 v27, v57;
	(xrf0) =	vmax.scan.msk.f32 $0xffff, v30;
	v30 =	vmov s26;
	v27 =	vsel vm6, v6, v28  }
0x53: {  	v29 =	vmul.f32 $1.442695020e+00, v59;
	vm8 =	veq.s32 v30, v3;
	v27 =	vsel vm7, v9, v27;
	v60, _, _ =	vpop (xrf0)  }
0x54: {  	vm9 =	veq.s32 v30, v10;
	vm10 =	veq.s32 v30, v11;
	vm11 =	veq.s32 v30, v12;
	v28 =	vpop (erf)  }
0x55: {  	v31 =	vsel vm9, $0xFF61B1E6, v14;
	v34 =	vsel vm10, $0xFF61B1E6, v17;
	(xrf0) =	vmin.scan.msk.u32 $0xffff, v27;
	(v2sf) =	vpush v60, $0xF;
	v30, _, _ =	vpop (xrf2)  }
0x56: {  	v35 =	vsel vm11, $0xFF61B1E6, v25;
	(erf) = vpow2.f32 v29;
	v29 =	vsel vm8, $0xFF61B1E6, v15;
	v27 =	vpop (erf)  }
0x57: {  	v17 =	vmax.f32 v34, v35;
	v14 =	vmax.f32 v29, v31;
	v15 =	vpop (erf)  }
0x58: {  	v28 =	vadd.f32 v58, v28;
	v17 =	vmax.f32 v14, v17;
	(erf) = vpow2.f32 v26;
	v25, _, _ =	vpop (xrf0)  }
0x59: {  	(xrf0) =	vmax.scan.msk.f32 $0xffff, v17;
	v26 =	vpop (erf);
	v25 =	vbroadcast v25, $0xF  }
0x5a: {  	v17 =	vadd.f32 v28, v27;
	v26 =	vadd.f32 v26, v15;
	v15 =	vbroadcast v30, $0xF  }
0x5b: {  	s3 =	sadd.s32 $0x80, s0;
	v27, _, _ =	vpop (xrf0);
	v28 =	vsub.f32 v18, v25;
	vm12 =	veq.f32 v21, v25;
	v30 =	vsub.f32 v22, v25  }
0x5c: {  	(xrf2) =	vadd.scan.msk.f32 $0xffff, v17;
	vm13 =	veq.f32 v20, v25;
	(v2sf) =	vpush v27, $0xF;
	v61 =	vnsel vm12, $0x8000270F, v4;
	v27 =	vld [tilespmem:s3+$0xFFFFFFE0]  }
0x5d: {  	vm14 =	veq.f32 v22, v25;
	v32 =	vsel vm13, v5, v61;
	v38 =	vmul.f32 $1.442695020e+00, v30;
	v30 =	vld [tilespmem:s3+$0xFFFFFFF0]  }
0x5e: {  	v13 =	vimm.s32 $0x0;
	v62 =	vmul.f32 $1.442695020e+00, v28;
	v63 =	vsel vm14, v6, v32;
	v32 =	vld [tilespmem:s3+$0x0]  }
0x5f: {  	v33 =	vld [tilespmem:s3+$0x10];
	v14 =	vimm.f32 $0.0e+00;
	vm15 =	veq.f32 v18, v25;
	v36 =	vsub.f32 v20, v25;
	v39, _, _ =	vpop (xrf0)  }
0x60: {  	s30 =	simm.s32 $0x1;
	s31 =	simm.s32 $0x2;
	s28 =	simm.s32 $0x3;
	v37 =	vsub.f32 v21, v25;
	v28 =	vpop (erf);
	v17 =	vsel vm15, v9, v63;
	(erf) = vpow2.f32 v62  }
0x61: {  	s29 =	simm.s32 $0x4;
	s20 =	simm.s32 $0x5;
	s0 =	simm.s32 $0x0;
	(xrf0) =	vmin.scan.msk.u32 $0xffff, v17;
	v17 =	vimm.s32 $0x0;
	v25 =	vpop (erf);
	(erf) = vpow2.f32 v38;
	v38 =	vbroadcast v39, $0xF  }
.LBB2_5:
0x62: {  	p0 =	sne.s32 s20, $0xF;
	v36 =	vmul.f32 $1.442695020e+00, v36;
	v28 =	vadd.f32 v26, v28;
	v39 =	vmov v30  }
0x63: {  	v26 =	vmax.f32 v27, v39;
	v30 =	vmul.f32 $1.442695020e+00, v37;
	vm0 =	veq.f32 v35, v38;
	v37 =	vmovc v32  }
0x64: {  	vm1 =	veq.f32 v34, v38;
	v35 =	vmax.f32 v37, v33;
	s1 =	spop (v2sf);
	v34 =	vnsel vm0, $0x8000270F, v4;
	v40 =	vmovc v33  }
0x65: {  	vm0 =	veq.f32 v31, v38;
	v26 =	vmax.f32 v26, v35;
	v31 =	vsel vm1, v5, v34  }
0x66: {  	s1 =	sxor.u32 $0x80000000, s1;
	vm1 =	veq.f32 v29, v38;
	(xrf0) =	vmax.scan.msk.f32 $0xffff, v26;
	(erf) = vpow2.f32 v36;
	v26 =	vsel vm0, v6, v31;
	v32, _, _ =	vpop (xrf2)  }
0x67: {  	(erf) = vpow2.f32 v30;
	v29, _, _ =	vpop (xrf0);
	v30 =	vmov s1;
	v31 =	vsel vm1, v9, v26  }
0x68: {  	(v2sf) =	vpush v29, $0xF;
	vm0 =	veq.s32 v30, v3;
	vm1 =	veq.s32 v30, v10;
	(xrf0) =	vmin.scan.msk.u32 $0xffff, v31  }
0x69: {  	vm2 =	veq.s32 v30, v12;
	v26 =	vpop (erf);
	v29 =	vsel vm0, $0xFF61B1E6, v16;
	vm0 =	veq.s32 v30, v11  }
0x6a: {  	v31 =	vsel vm1, $0xFF61B1E6, v19;
	v35 =	vsel vm2, $0xFF61B1E6, v24;
	v30 =	vpop (erf);
	v34 =	vsel vm0, $0xFF61B1E6, v23  }
0x6b: {  	v24 =	vmov s0;
	v16 =	vmovc v18;
	v18 =	vmovc v27;
	s0 =	smov.u32 s30;
	s30 =	smov.u32 s31;
	v33 =	vmax.f32 v29, v31;
	v23 =	vmax.f32 v34, v35;
	s2 =	spop (v2sf)  }
0x6c: {  	s31 =	smov.u32 s28;
	s28 =	smov.u32 s29;
	vm0 =	veq.s32 v24, v3;
	v26 =	vadd.f32 v30, v26;
	v27, _, _ =	vpop (xrf0);
	v30 =	vmax.f32 v33, v23;
	s2 =	sxor.u32 $0x80000000, s2  }
0x6d: {  	v19 =	vmovc v22;
	s29 =	smov.u32 s20;
	v23 =	vadd.f32 v28, v25;
	v38 =	vbroadcast v27, $0xF;
	(xrf0) =	vmax.scan.msk.f32 $0xffff, v30;
	v13 =	vsel vm0, s2, v13  }
0x6e: {  	s3 =	sadd.s32 $0x80, s3;
	v17 =	vsel vm0, s25, v17;
	v14 =	vsel vm0, v15, v14;
	v15 =	vbroadcast v32, $0xF;
	s25 =	smov.u32 s26;
	s26 =	smov.u32 s1;
	v22, _, _ =	vpop (xrf0)  }
0x6f: {  	v27 =	vld [tilespmem:s3+$0xFFFFFFE0];
	v41 =	vsub.f32 v18, v38;
	vm0 =	veq.f32 v40, v38;
	v28 =	vpop (erf);
	(xrf2) =	vadd.scan.msk.f32 $0xffff, v23;
	(v2sf) =	vpush v22, $0xF  }
.Ltmp1:
0x70: {  	v36 =	vsub.f32 v39, v38;
	vm1 =	veq.f32 v37, v38;
	v30 =	vld [tilespmem:s3+$0xFFFFFFF0];
	v33 =	vnsel vm0, $0x8000270F, v4;
	v25 =	vpop (erf);
	(pc) =	sbr.rel @p0 .LBB2_5-.Ltmp1, $4  }
0x71: {  	v22 =	vmovc v39;
	vm0 =	veq.f32 v39, v38;
	v23 =	vmovc v20;
	v32 =	vld [tilespmem:s3+$0x0];
	v44 =	vmul.f32 $1.442695020e+00, v41;
	v43 =	vsel vm1, v5, v33  }
0x72: {  	v24 =	vmovc v21;
	v20 =	vmovc v37;
	v39 =	vmul.f32 $1.442695020e+00, v36;
	vm1 =	veq.f32 v18, v38;
	v33 =	vld [tilespmem:s3+$0x10];
	v42 =	vsel vm0, v6, v43  }
0x73: {  	v36 =	vsub.f32 v20, v38;
	v42 =	vsel vm1, v9, v42;
	(erf) = vpow2.f32 v44;
	v41, _, _ =	vpop (xrf0)  }
0x74: {  	s20 =	sadd.s32 $0x1, s20;
	v21 =	vmovc v40;
	v37 =	vsub.f32 v40, v38;
	(erf) = vpow2.f32 v39;
	(xrf0) =	vmin.scan.msk.u32 $0xffff, v42;
	v38 =	vbroadcast v41, $0xF  }
0x75: {  	_ =	sdelay $0x1  }
0x76: {  	v39 =	vmax.f32 v27, v30;
	v40 =	vmax.f32 v32, v33  }
0x77: {  	v57 =	vmax.f32 v39, v40  }
0x78: {  	vm0 =	veq.f32 v35, v38;
	(xrf0) =	vmax.scan.msk.f32 $0xffff, v57  }
0x79: {  	vm1 =	veq.f32 v34, v38;
	v58 =	vnsel vm0, $0x8000270F, v4  }
0x7a: {  	vm6 =	veq.f32 v31, v38;
	s1 =	spop (v2sf);
	v59 =	vsel vm1, v5, v58  }
0x7b: {  	vm7 =	veq.f32 v29, v38;
	s3 =	sxor.u32 $0x80000000, s1;
	v60 =	vsel vm6, v6, v59;
	v61, _, _ =	vpop (xrf0)  }
0x7c: {  	v62 =	vmov s3;
	v29 =	vsel vm7, v9, v60;
	(v2sf) =	vpush v61, $0xF  }
0x7d: {  	vm8 =	veq.s32 v62, v3;
	vm9 =	veq.s32 v62, v10;
	vm10 =	veq.s32 v62, v11  }
0x7e: {  	vm2 =	veq.s32 v62, v12;
	v16 =	vsel vm8, $0xFF61B1E6, v16;
	v19 =	vsel vm9, $0xFF61B1E6, v19;
	v63, _, _ =	vpop (xrf0)  }
0x7f: {  	v23 =	vsel vm10, $0xFF61B1E6, v23;
	v24 =	vsel vm2, $0xFF61B1E6, v24;
	v31 =	vbroadcast v63, $0xF  }
0x80: {  	(xrf0) =	vmin.scan.msk.u32 $0xffff, v29;
	v38 =	vmax.f32 v16, v19;
	v39 =	vmax.f32 v23, v24  }
0x81: {  	v40 =	vmax.f32 v38, v39;
	vm11 =	veq.f32 v33, v31  }
0x82: {  	(xrf0) =	vmax.scan.msk.f32 $0xffff, v40;
	vm12 =	veq.f32 v32, v31;
	v41 =	vnsel vm11, $0x8000270F, v4  }
0x83: {  	vm13 =	veq.f32 v30, v31;
	v29 =	vsel vm12, v5, v41  }
0x84: {  	vm14 =	veq.f32 v27, v31;
	v29 =	vsel vm13, v6, v29  }
0x85: {  	v29 =	vsel vm14, v9, v29  }
0x86: {  	v42, _, _ =	vpop (xrf0);
	(xrf0) =	vmin.scan.msk.u32 $0xffff, v29;
	_ =	sdelay $0x1  }
0x87: {  	v43, _, _ =	vpop (xrf0)  }
0x88: {  	v29 =	vbroadcast v43, $0xF  }
0x89: {  	s21 =	spop (v2sf)  }
0x8a: {  	(v2sf) =	vpush v42, $0xF;
	vm15 =	veq.f32 v24, v29;
	vm4 =	veq.f32 v23, v29;
	s20 =	spop (v2sf)  }
0x8b: {  	vm5 =	veq.f32 v19, v29;
	vm6 =	veq.f32 v16, v29;
	v44 =	vnsel vm15, $0x8000270F, v4;
	s20 =	sxor.u32 $0x80000000, s20;
	v46, _, _ =	vpop (xrf0)  }
0x8c: {  	v45 =	vsel vm4, v5, v44;
	v47 =	vmov s20;
	(v2sf) =	vpush v46, $0xF  }
0x8d: {  	v19 =	vsel vm5, v6, v45;
	vm7 =	veq.s32 v47, v3;
	vm8 =	veq.s32 v47, v10  }
0x8e: {  	vm9 =	veq.s32 v47, v11;
	vm3 =	veq.s32 v47, v12;
	v18 =	vsel vm7, $0xFF61B1E6, v18  }
0x8f: {  	v48 =	vsel vm8, $0xFF61B1E6, v22;
	v20 =	vsel vm9, $0xFF61B1E6, v20;
	v21 =	vsel vm3, $0xFF61B1E6, v21  }
0x90: {  	v19 =	vsel vm6, v9, v19;
	v22 =	vmax.f32 v18, v48;
	v49 =	vmax.f32 v20, v21  }
0x91: {  	(xrf0) =	vmin.scan.msk.u32 $0xffff, v19;
	v50 =	vmax.f32 v22, v49  }
0x92: {  	(xrf0) =	vmax.scan.msk.f32 $0xffff, v50;
	_ =	sdelay $0x4  }
0x93: {  	v22, _, _ =	vpop (xrf0)  }
0x94: {  	v54, _, _ =	vpop (xrf0)  }
0x95: {  	v29 =	vbroadcast v54, $0xF  }
0x96: {  	v51 =	vmul.f32 $1.442695020e+00, v36;
	v52 =	vmul.f32 $1.442695020e+00, v37;
	s2 =	spop (v2sf)  }
0x97: {  	v53 =	vsub.f32 v27, v31;
	v55 =	vsub.f32 v30, v31;
	vm10 =	veq.f32 v21, v29;
	s1 =	spop (v2sf)  }
0x98: {  	vm11 =	veq.f32 v20, v29;
	vm12 =	veq.f32 v48, v29;
	v58 =	vnsel vm10, $0x8000270F, v4;
	s1 =	sxor.u32 $0x80000000, s1  }
0x99: {  	vm13 =	veq.f32 v18, v29;
	v59 =	vsel vm11, v5, v58;
	v60 =	vmov s1  }
0x9a: {  	v16 =	vsel vm12, v6, v59;
	vm14 =	veq.s32 v60, v3;
	vm15 =	veq.s32 v60, v10  }
0x9b: {  	vm6 =	veq.s32 v60, v11;
	vm7 =	veq.s32 v60, v12;
	v61 =	vsel vm14, $0xFF61B1E6, v27  }
0x9c: {  	v62 =	vsel vm15, $0xFF61B1E6, v30;
	v63 =	vsel vm6, $0xFF61B1E6, v32;
	v34 =	vsel vm7, $0xFF61B1E6, v33  }
0x9d: {  	v16 =	vsel vm13, v9, v16;
	v35 =	vmax.f32 v61, v62;
	v36 =	vmax.f32 v63, v34  }
0x9e: {  	(erf) = vpow2.f32 v51;
	v56 =	vmul.f32 $1.442695020e+00, v53;
	(xrf0) =	vmin.scan.msk.u32 $0xffff, v16;
	v37 =	vmax.f32 v35, v36  }
0x9f: {  	(erf) = vpow2.f32 v52;
	v57 =	vsub.f32 v32, v31;
	v19 =	vmul.f32 $1.442695020e+00, v55;
	(xrf0) =	vmax.scan.msk.f32 $0xffff, v37  }
0xa0: {  	(erf) = vpow2.f32 v56  }
0xa1: {  	v38 =	vsub.f32 v33, v31;
	v39 =	vmul.f32 $1.442695020e+00, v57;
	(erf) = vpow2.f32 v19  }
0xa2: {  	v40 =	vpop (erf)  }
0xa3: {  	v41 =	vpop (erf);
	v23 =	vmul.f32 $1.442695020e+00, v38;
	(erf) = vpow2.f32 v39  }
0xa4: {  	v43, _, _ =	vpop (xrf0)  }
0xa5: {  	(erf) = vpow2.f32 v23;
	v44, _, _ =	vpop (xrf0)  }
0xa6: {  	v46 =	vbroadcast v44, $0xF  }
0xa7: {  	v26 =	vadd.f32 v26, v28;
	v42 =	vpop (erf)  }
0xa8: {  	v45 =	vpop (erf);
	vm8 =	veq.f32 v34, v46  }
0xa9: {  	v47 =	vpop (erf);
	v48 =	vadd.f32 v26, v25;
	vm9 =	veq.f32 v63, v46;
	v50 =	vnsel vm8, $0x8000270F, v4  }
0xaa: {  	v49 =	vpop (erf);
	v16 =	vadd.f32 v41, v40;
	vm10 =	veq.f32 v62, v46;
	v52 =	vsel vm9, v5, v50  }
0xab: {  	v25 =	vadd.f32 v49, v47;
	vm11 =	veq.f32 v61, v46;
	v18 =	vsel vm10, v6, v52  }
0xac: {  	v51 =	vpop (erf);
	(xrf2) =	vadd.scan.msk.f32 $0xffff, v48;
	v16 =	vadd.f32 v16, v42;
	v18 =	vsel vm11, v9, v18  }
0xad: {  	v53 =	vadd.f32 v25, v51;
	(xrf0) =	vmin.scan.msk.u32 $0xffff, v18  }
0xae: {  	v54 =	vpop (erf);
	v16 =	vadd.f32 v16, v45  }
0xaf: {  	v19 =	vadd.f32 v53, v54  }
0xb0: {  	(xrf2) =	vadd.scan.msk.f32 $0xffff, v16  }
0xb1: {  	(xrf2) =	vadd.scan.msk.f32 $0xffff, v19  }
0xb2: {  	(v2sf) =	vpush v22, $0xF  }
0xb3: {  	(v2sf) =	vpush v43, $0xF;
	v55, _, _ =	vpop (xrf0)  }
0xb4: {  	(v2sf) =	vpush v55, $0xF  }
0xb5: {  	v57 =	vmov s0;
	v56, _, _ =	vpop (xrf2)  }
0xb6: {  	vm12 =	veq.s32 v57, v3;
	v59, _, _ =	vpop (xrf2)  }
0xb7: {  	v14 =	vsel vm12, v15, v14;
	v15 =	vbroadcast v59, $0xF  }
0xb8: {  	v58 =	vmov s30;
	v16 =	vbroadcast v56, $0xF  }
0xb9: {  	vm13 =	veq.s32 v58, v3;
	v60 =	vmov s31  }
0xba: {  	vm14 =	veq.s32 v60, v3;
	v14 =	vsel vm13, v16, v14;
	v61, _, _ =	vpop (xrf2)  }
0xbb: {  	v14 =	vsel vm14, v15, v14;
	v62 =	vmov s28;
	v15, _, _ =	vpop (xrf2);
	v18 =	vbroadcast v61, $0xF  }
0xbc: {  	v63 =	vmov s29;
	vm15 =	veq.s32 v62, v3;
	v15 =	vbroadcast v15, $0xF  }
0xbd: {  	vm4 =	veq.s32 v63, v3;
	v14 =	vsel vm15, v18, v14  }
0xbe: {  	v14 =	vsel vm4, v15, v14  }
0xbf: {  	(erf) = vrcp.f32 v14  }
0xc0: {  	s21 =	sxor.u32 $0x80000000, s21  }
0xc1: {  	s2 =	sxor.u32 $0x80000000, s2;
	v13 =	vsel vm12, s21, v13;
	v14 =	vsel vm12, s25, v17;
	s25 =	spop (v2sf)  }
0xc2: {  	v13 =	vsel vm13, s2, v13;
	s31 =	sshll.u32 s23, $0x7;
	v14 =	vsel vm13, s26, v14;
	s0 =	sxor.u32 $0x80000000, s25;
	s26 =	spop (v2sf)  }
0xc3: {  	s23 =	sadd.s32 $0x1, s23;
	v13 =	vsel vm14, s0, v13;
	s28 =	sxor.u32 $0x80000000, s26;
	s29 =	spop (v2sf)  }
0xc4: {  	p0 =	sne.s32 s23, $0x4;
	v14 =	vsel vm14, s3, v14;
	v13 =	vsel vm15, s28, v13;
	s30 =	sxor.u32 $0x80000000, s29  }
.Ltmp2:
0xc5: {  	v14 =	vsel vm15, s20, v14;
	v13 =	vsel vm4, s30, v13;
	(pc) =	sbr.rel @p0 .LBB2_4-.Ltmp2, $4  }
0xc6: {  	v14 =	vsel vm4, s1, v14  }
0xc7: {  	[tilespmem:s31+$0x8000] =	vst v14  }
0xc8: {  	[tilespmem:s31+$0xC480] =	vst v13;
	v13 =	vpop (erf)  }
0xc9: {  	s24 =	sadd.s32 $0x800, s24;
	[tilespmem:s31+$0xC900] =	vst v13  }
0xca: {  	[tilespmem:s13], [sflag:$0x1] =	stream.linear.gather [hbm4b:s6+s4], $0x2000, $0x38;
	[tilespmem:$0xED80] =	vst v63  }
0xcb: {  	_ =	swait.ge [sflag:s16], $0x2000  }
0xcc: {  	[sflag:s16] =	ssyncset.done $0x0  }
0xcd: {  	s23 =	simm.s32 $0x4;
	s24 =	simm.s32 $0xCDA0;
	[sflag:s16] =	ssyncadd.s32 $0xFFFFE000  }
.LBB2_8:
0xce: {  	v13 =	vld [tilespmem:s24+$0xFFFFFFE0]  }
0xcf: {  	v18 =	vld [tilespmem:s24+$0xFFFFFFF0]  }
0xd0: {  	v20 =	vld [tilespmem:s24+$0x0]  }
0xd1: {  	v21 =	vld [tilespmem:s24+$0x10];
	_ =	sdelay $0x4  }
0xd2: {  	v14 =	vmax.f32 v13, v18;
	v15 =	vmax.f32 v20, v21  }
0xd3: {  	v14 =	vmax.f32 v14, v15  }
0xd4: {  	(xrf0) =	vmax.scan.msk.f32 $0xffff, v14;
	_ =	sdelay $0x5  }
0xd5: {  	s0 =	sadd.s32 $0x80, s24;
	v14, _, _ =	vpop (xrf0)  }
0xd6: {  	v17 =	vld [tilespmem:s0+$0x0];
	v22 =	vbroadcast v14, $0xF  }
0xd7: {  	v25 =	vld [tilespmem:s0+$0x10]  }
0xd8: {  	v15 =	vld [tilespmem:s0+$0xFFFFFFE0];
	vm0 =	veq.f32 v21, v22  }
0xd9: {  	v14 =	vld [tilespmem:s0+$0xFFFFFFF0];
	vm1 =	veq.f32 v20, v22;
	v16 =	vnsel vm0, $0x8000270F, v4  }
0xda: {  	vm15 =	veq.f32 v18, v22;
	v16 =	vsel vm1, v5, v16  }
0xdb: {  	vm4 =	veq.f32 v13, v22;
	v16 =	vsel vm15, v6, v16  }
0xdc: {  	v16 =	vsel vm4, v9, v16  }
0xdd: {  	(xrf0) =	vmin.scan.msk.u32 $0xffff, v16  }
0xde: {  	v19 =	vmax.f32 v17, v25;
	v16 =	vmax.f32 v15, v14  }
0xdf: {  	v16 =	vmax.f32 v16, v19  }
0xe0: {  	(xrf0) =	vmax.scan.msk.f32 $0xffff, v16;
	_ =	sdelay $0x2  }
0xe1: {  	v16, _, _ =	vpop (xrf0)  }
0xe2: {  	(v2sf) =	vpush v16, $0xF;
	_ =	sdelay $0x1  }
0xe3: {  	v16, _, _ =	vpop (xrf0)  }
0xe4: {  	v19 =	vsub.f32 v13, v22;
	v26 =	vbroadcast v16, $0xF  }
0xe5: {  	v24 =	vsub.f32 v18, v22  }
0xe6: {  	s0 =	sadd.s32 $0x80, s0;
	v29 =	vsub.f32 v20, v22;
	v27 =	vmul.f32 $1.442695020e+00, v19;
	vm5 =	veq.f32 v25, v26  }
0xe7: {  	v30 =	vmul.f32 $1.442695020e+00, v24;
	v24 =	vld [tilespmem:s0+$0x10];
	vm6 =	veq.f32 v17, v26;
	v23 =	vnsel vm5, $0x8000270F, v4  }
0xe8: {  	v19 =	vld [tilespmem:s0+$0xFFFFFFF0];
	(erf) = vpow2.f32 v27;
	vm7 =	veq.f32 v14, v26;
	v28 =	vsel vm6, v5, v23  }
0xe9: {  	v27 =	vmul.f32 $1.442695020e+00, v29;
	v16 =	vld [tilespmem:s0+$0xFFFFFFE0];
	vm8 =	veq.f32 v15, v26;
	v28 =	vsel vm7, v6, v28  }
0xea: {  	(erf) = vpow2.f32 v30;
	v23 =	vld [tilespmem:s0+$0x0];
	v28 =	vsel vm8, v9, v28  }
0xeb: {  	(erf) = vpow2.f32 v27;
	v27 =	vsub.f32 v15, v26;
	(xrf0) =	vmin.scan.msk.u32 $0xffff, v28  }
0xec: {  	v22 =	vsub.f32 v21, v22  }
0xed: {  	v27 =	vmul.f32 $1.442695020e+00, v27  }
0xee: {  	v22 =	vmul.f32 $1.442695020e+00, v22  }
0xef: {  	v28 =	vmax.f32 v16, v19;
	v29 =	vmax.f32 v23, v24  }
0xf0: {  	(erf) = vpow2.f32 v22;
	v22 =	vsub.f32 v14, v26;
	v28 =	vmax.f32 v28, v29;
	s1 =	spop (v2sf)  }
0xf1: {  	v30 =	vsub.f32 v17, v26;
	v26 =	vsub.f32 v25, v26;
	(erf) = vpow2.f32 v27;
	(xrf0) =	vmax.scan.msk.f32 $0xffff, v28;
	v27, _, _ =	vpop (xrf0);
	s25 =	sxor.u32 $0x80000000, s1  }
0xf2: {  	v22 =	vmul.f32 $1.442695020e+00, v22;
	(v2sf) =	vpush v27, $0xF;
	v28 =	vmov s25  }
0xf3: {  	vm9 =	veq.s32 v28, v3;
	vm10 =	veq.s32 v28, v10;
	vm11 =	veq.s32 v28, v11  }
0xf4: {  	vm2 =	veq.s32 v28, v12;
	v27 =	vsel vm9, $0xFF61B1E6, v13;
	v13 =	vpop (erf);
	v28 =	vsel vm10, $0xFF61B1E6, v18  }
0xf5: {  	v29 =	vsel vm11, $0xFF61B1E6, v20;
	v31 =	vsel vm2, $0xFF61B1E6, v21;
	v18 =	vpop (erf);
	(erf) = vpow2.f32 v22  }
0xf6: {  	v20 =	vmax.f32 v27, v28;
	v21 =	vmax.f32 v29, v31;
	v22 =	vmul.f32 $1.442695020e+00, v30  }
0xf7: {  	v13 =	vadd.f32 v18, v13;
	v20 =	vmax.f32 v20, v21;
	v21 =	vmul.f32 $1.442695020e+00, v26;
	v26, _, _ =	vpop (xrf0)  }
0xf8: {  	v18 =	vpop (erf);
	(xrf0) =	vmax.scan.msk.f32 $0xffff, v20;
	v26 =	vbroadcast v26, $0xF  }
0xf9: {  	s0 =	sadd.s32 $0x80, s0;
	(erf) = vpow2.f32 v22;
	v20 =	vadd.f32 v13, v18  }
0xfa: {  	v30 =	vpop (erf);
	v22 =	vld [tilespmem:s0+$0xFFFFFFF0];
	(erf) = vpow2.f32 v21;
	v32 =	vsub.f32 v16, v26;
	vm12 =	veq.f32 v24, v26  }
0xfb: {  	v18 =	vld [tilespmem:s0+$0xFFFFFFE0];
	vm13 =	veq.f32 v23, v26;
	v30 =	vadd.f32 v20, v30;
	v34 =	vnsel vm12, $0x8000270F, v4  }
0xfc: {  	v21 =	vld [tilespmem:s0+$0x10];
	v33 =	vsub.f32 v19, v26;
	vm14 =	veq.f32 v19, v26;
	v34 =	vsel vm13, v5, v34  }
0xfd: {  	vm15 =	veq.f32 v16, v26;
	v59 =	vsub.f32 v23, v26;
	v20 =	vld [tilespmem:s0+$0x0];
	v34 =	vsel vm14, v6, v34;
	(xrf2) =	vadd.scan.msk.f32 $0xffff, v30  }
0xfe: {  	v26 =	vsub.f32 v24, v26;
	v32 =	vmul.f32 $1.442695020e+00, v32;
	v36, _, _ =	vpop (xrf0);
	v34 =	vsel vm15, v9, v34  }
0xff: {  	v35 =	vpop (erf);
	v33 =	vmul.f32 $1.442695020e+00, v33;
	v57 =	vbroadcast v36, $0xF;
	(xrf0) =	vmin.scan.msk.u32 $0xffff, v34  }
0x100: {  	v26 =	vmul.f32 $1.442695020e+00, v26;
	v30 =	vmax.f32 v18, v22;
	v37 =	vpop (erf);
	(erf) = vpow2.f32 v32  }
0x101: {  	v58 =	vadd.f32 v37, v35;
	(erf) = vpow2.f32 v33;
	vm4 =	veq.f32 v31, v57  }
0x102: {  	v31 =	vmax.f32 v20, v21;
	vm5 =	veq.f32 v29, v57;
	s26 =	spop (v2sf);
	v29 =	vnsel vm4, $0x8000270F, v4  }
0x103: {  	vm6 =	veq.f32 v28, v57;
	v30 =	vmax.f32 v30, v31;
	s26 =	sxor.u32 $0x80000000, s26;
	v28 =	vsel vm5, v5, v29  }
0x104: {  	vm7 =	veq.f32 v27, v57;
	(xrf0) =	vmax.scan.msk.f32 $0xffff, v30;
	v30 =	vmov s26;
	v27 =	vsel vm6, v6, v28  }
0x105: {  	v29 =	vmul.f32 $1.442695020e+00, v59;
	vm8 =	veq.s32 v30, v3;
	v27 =	vsel vm7, v9, v27;
	v60, _, _ =	vpop (xrf0)  }
0x106: {  	vm9 =	veq.s32 v30, v10;
	vm10 =	veq.s32 v30, v11;
	vm11 =	veq.s32 v30, v12;
	v28 =	vpop (erf)  }
0x107: {  	v31 =	vsel vm9, $0xFF61B1E6, v14;
	v34 =	vsel vm10, $0xFF61B1E6, v17;
	(xrf0) =	vmin.scan.msk.u32 $0xffff, v27;
	(v2sf) =	vpush v60, $0xF;
	v30, _, _ =	vpop (xrf2)  }
0x108: {  	v35 =	vsel vm11, $0xFF61B1E6, v25;
	(erf) = vpow2.f32 v29;
	v29 =	vsel vm8, $0xFF61B1E6, v15;
	v27 =	vpop (erf)  }
0x109: {  	v17 =	vmax.f32 v34, v35;
	v14 =	vmax.f32 v29, v31;
	v15 =	vpop (erf)  }
0x10a: {  	v28 =	vadd.f32 v58, v28;
	v17 =	vmax.f32 v14, v17;
	(erf) = vpow2.f32 v26;
	v25, _, _ =	vpop (xrf0)  }
0x10b: {  	(xrf0) =	vmax.scan.msk.f32 $0xffff, v17;
	v26 =	vpop (erf);
	v25 =	vbroadcast v25, $0xF  }
0x10c: {  	v17 =	vadd.f32 v28, v27;
	v26 =	vadd.f32 v26, v15;
	v15 =	vbroadcast v30, $0xF  }
0x10d: {  	s3 =	sadd.s32 $0x80, s0;
	v27, _, _ =	vpop (xrf0);
	v28 =	vsub.f32 v18, v25;
	vm12 =	veq.f32 v21, v25;
	v30 =	vsub.f32 v22, v25  }
0x10e: {  	(xrf2) =	vadd.scan.msk.f32 $0xffff, v17;
	vm13 =	veq.f32 v20, v25;
	(v2sf) =	vpush v27, $0xF;
	v61 =	vnsel vm12, $0x8000270F, v4;
	v27 =	vld [tilespmem:s3+$0xFFFFFFE0]  }
0x10f: {  	vm14 =	veq.f32 v22, v25;
	v32 =	vsel vm13, v5, v61;
	v38 =	vmul.f32 $1.442695020e+00, v30;
	v30 =	vld [tilespmem:s3+$0xFFFFFFF0]  }
0x110: {  	v13 =	vimm.s32 $0x0;
	v62 =	vmul.f32 $1.442695020e+00, v28;
	v63 =	vsel vm14, v6, v32;
	v32 =	vld [tilespmem:s3+$0x0]  }
0x111: {  	v33 =	vld [tilespmem:s3+$0x10];
	v14 =	vimm.f32 $0.0e+00;
	vm15 =	veq.f32 v18, v25;
	v36 =	vsub.f32 v20, v25;
	v39, _, _ =	vpop (xrf0)  }
0x112: {  	s31 =	simm.s32 $0x0;
	s30 =	simm.s32 $0x1;
	s28 =	simm.s32 $0x3;
	v37 =	vsub.f32 v21, v25;
	v28 =	vpop (erf);
	v17 =	vsel vm15, v9, v63;
	(erf) = vpow2.f32 v62  }
0x113: {  	s29 =	simm.s32 $0x4;
	s20 =	simm.s32 $0x5;
	s0 =	simm.s32 $0x2;
	(xrf0) =	vmin.scan.msk.u32 $0xffff, v17;
	v17 =	vimm.s32 $0x0;
	v25 =	vpop (erf);
	(erf) = vpow2.f32 v38;
	v38 =	vbroadcast v39, $0xF  }
.LBB2_9:
0x114: {  	p0 =	sne.s32 s20, $0xF;
	v36 =	vmul.f32 $1.442695020e+00, v36;
	v28 =	vadd.f32 v26, v28;
	v39 =	vmov v30  }
0x115: {  	v26 =	vmax.f32 v27, v39;
	v30 =	vmul.f32 $1.442695020e+00, v37;
	vm0 =	veq.f32 v35, v38;
	v37 =	vmovc v32  }
0x116: {  	vm1 =	veq.f32 v34, v38;
	v35 =	vmax.f32 v37, v33;
	s1 =	spop (v2sf);
	v34 =	vnsel vm0, $0x8000270F, v4;
	v40 =	vmovc v33  }
0x117: {  	vm0 =	veq.f32 v31, v38;
	v26 =	vmax.f32 v26, v35;
	v31 =	vsel vm1, v5, v34  }
0x118: {  	s1 =	sxor.u32 $0x80000000, s1;
	vm1 =	veq.f32 v29, v38;
	(xrf0) =	vmax.scan.msk.f32 $0xffff, v26;
	(erf) = vpow2.f32 v36;
	v26 =	vsel vm0, v6, v31;
	v32, _, _ =	vpop (xrf2)  }
0x119: {  	(erf) = vpow2.f32 v30;
	v29, _, _ =	vpop (xrf0);
	v30 =	vmov s1;
	v31 =	vsel vm1, v9, v26  }
0x11a: {  	(v2sf) =	vpush v29, $0xF;
	vm0 =	veq.s32 v30, v3;
	vm1 =	veq.s32 v30, v10;
	(xrf0) =	vmin.scan.msk.u32 $0xffff, v31  }
0x11b: {  	vm2 =	veq.s32 v30, v12;
	v26 =	vpop (erf);
	v29 =	vsel vm0, $0xFF61B1E6, v16;
	vm0 =	veq.s32 v30, v11  }
0x11c: {  	v31 =	vsel vm1, $0xFF61B1E6, v19;
	v35 =	vsel vm2, $0xFF61B1E6, v24;
	v30 =	vpop (erf);
	v34 =	vsel vm0, $0xFF61B1E6, v23  }
0x11d: {  	v24 =	vmov s31;
	v16 =	vmovc v18;
	v18 =	vmovc v27;
	s31 =	smov.u32 s30;
	s30 =	smov.u32 s0;
	v33 =	vmax.f32 v29, v31;
	v23 =	vmax.f32 v34, v35;
	s2 =	spop (v2sf)  }
0x11e: {  	s0 =	smov.u32 s28;
	s28 =	smov.u32 s29;
	vm0 =	veq.s32 v24, v3;
	v26 =	vadd.f32 v30, v26;
	v27, _, _ =	vpop (xrf0);
	v30 =	vmax.f32 v33, v23;
	s2 =	sxor.u32 $0x80000000, s2  }
0x11f: {  	v19 =	vmovc v22;
	s29 =	smov.u32 s20;
	v23 =	vadd.f32 v28, v25;
	v38 =	vbroadcast v27, $0xF;
	(xrf0) =	vmax.scan.msk.f32 $0xffff, v30;
	v13 =	vsel vm0, s2, v13  }
0x120: {  	s3 =	sadd.s32 $0x80, s3;
	v17 =	vsel vm0, s25, v17;
	v14 =	vsel vm0, v15, v14;
	v15 =	vbroadcast v32, $0xF;
	s25 =	smov.u32 s26;
	s26 =	smov.u32 s1;
	v22, _, _ =	vpop (xrf0)  }
0x121: {  	v27 =	vld [tilespmem:s3+$0xFFFFFFE0];
	v41 =	vsub.f32 v18, v38;
	vm0 =	veq.f32 v40, v38;
	v28 =	vpop (erf);
	(xrf2) =	vadd.scan.msk.f32 $0xffff, v23;
	(v2sf) =	vpush v22, $0xF  }
.Ltmp3:
0x122: {  	v36 =	vsub.f32 v39, v38;
	vm1 =	veq.f32 v37, v38;
	v30 =	vld [tilespmem:s3+$0xFFFFFFF0];
	v33 =	vnsel vm0, $0x8000270F, v4;
	v25 =	vpop (erf);
	(pc) =	sbr.rel @p0 .LBB2_9-.Ltmp3, $4  }
0x123: {  	v22 =	vmovc v39;
	vm0 =	veq.f32 v39, v38;
	v23 =	vmovc v20;
	v32 =	vld [tilespmem:s3+$0x0];
	v44 =	vmul.f32 $1.442695020e+00, v41;
	v43 =	vsel vm1, v5, v33  }
0x124: {  	v24 =	vmovc v21;
	v20 =	vmovc v37;
	v39 =	vmul.f32 $1.442695020e+00, v36;
	vm1 =	veq.f32 v18, v38;
	v33 =	vld [tilespmem:s3+$0x10];
	v42 =	vsel vm0, v6, v43  }
0x125: {  	v36 =	vsub.f32 v20, v38;
	v42 =	vsel vm1, v9, v42;
	(erf) = vpow2.f32 v44;
	v41, _, _ =	vpop (xrf0)  }
0x126: {  	s20 =	sadd.s32 $0x1, s20;
	v21 =	vmovc v40;
	v37 =	vsub.f32 v40, v38;
	(erf) = vpow2.f32 v39;
	(xrf0) =	vmin.scan.msk.u32 $0xffff, v42;
	v38 =	vbroadcast v41, $0xF  }
0x127: {  	_ =	sdelay $0x1  }
0x128: {  	v39 =	vmax.f32 v27, v30;
	v40 =	vmax.f32 v32, v33  }
0x129: {  	v57 =	vmax.f32 v39, v40  }
0x12a: {  	vm0 =	veq.f32 v35, v38;
	(xrf0) =	vmax.scan.msk.f32 $0xffff, v57  }
0x12b: {  	vm1 =	veq.f32 v34, v38;
	v58 =	vnsel vm0, $0x8000270F, v4  }
0x12c: {  	vm6 =	veq.f32 v31, v38;
	s1 =	spop (v2sf);
	v59 =	vsel vm1, v5, v58  }
0x12d: {  	vm7 =	veq.f32 v29, v38;
	s3 =	sxor.u32 $0x80000000, s1;
	v60 =	vsel vm6, v6, v59;
	v61, _, _ =	vpop (xrf0)  }
0x12e: {  	v62 =	vmov s3;
	v29 =	vsel vm7, v9, v60;
	(v2sf) =	vpush v61, $0xF  }
0x12f: {  	vm8 =	veq.s32 v62, v3;
	vm9 =	veq.s32 v62, v10;
	vm10 =	veq.s32 v62, v11  }
0x130: {  	vm2 =	veq.s32 v62, v12;
	v16 =	vsel vm8, $0xFF61B1E6, v16;
	v19 =	vsel vm9, $0xFF61B1E6, v19;
	v63, _, _ =	vpop (xrf0)  }
0x131: {  	v23 =	vsel vm10, $0xFF61B1E6, v23;
	v24 =	vsel vm2, $0xFF61B1E6, v24;
	v31 =	vbroadcast v63, $0xF  }
0x132: {  	(xrf0) =	vmin.scan.msk.u32 $0xffff, v29;
	v38 =	vmax.f32 v16, v19;
	v39 =	vmax.f32 v23, v24  }
0x133: {  	v40 =	vmax.f32 v38, v39;
	vm11 =	veq.f32 v33, v31  }
0x134: {  	(xrf0) =	vmax.scan.msk.f32 $0xffff, v40;
	vm12 =	veq.f32 v32, v31;
	v41 =	vnsel vm11, $0x8000270F, v4  }
0x135: {  	vm13 =	veq.f32 v30, v31;
	v29 =	vsel vm12, v5, v41  }
0x136: {  	vm14 =	veq.f32 v27, v31;
	v29 =	vsel vm13, v6, v29  }
0x137: {  	v29 =	vsel vm14, v9, v29  }
0x138: {  	v42, _, _ =	vpop (xrf0);
	(xrf0) =	vmin.scan.msk.u32 $0xffff, v29;
	_ =	sdelay $0x1  }
0x139: {  	v43, _, _ =	vpop (xrf0)  }
0x13a: {  	v29 =	vbroadcast v43, $0xF  }
0x13b: {  	s21 =	spop (v2sf)  }
0x13c: {  	(v2sf) =	vpush v42, $0xF;
	vm15 =	veq.f32 v24, v29;
	vm4 =	veq.f32 v23, v29;
	s20 =	spop (v2sf)  }
0x13d: {  	vm5 =	veq.f32 v19, v29;
	vm6 =	veq.f32 v16, v29;
	v44 =	vnsel vm15, $0x8000270F, v4;
	s20 =	sxor.u32 $0x80000000, s20;
	v46, _, _ =	vpop (xrf0)  }
0x13e: {  	v45 =	vsel vm4, v5, v44;
	v47 =	vmov s20;
	(v2sf) =	vpush v46, $0xF  }
0x13f: {  	v19 =	vsel vm5, v6, v45;
	vm7 =	veq.s32 v47, v3;
	vm8 =	veq.s32 v47, v10  }
0x140: {  	vm9 =	veq.s32 v47, v11;
	vm3 =	veq.s32 v47, v12;
	v18 =	vsel vm7, $0xFF61B1E6, v18  }
0x141: {  	v48 =	vsel vm8, $0xFF61B1E6, v22;
	v20 =	vsel vm9, $0xFF61B1E6, v20;
	v21 =	vsel vm3, $0xFF61B1E6, v21  }
0x142: {  	v19 =	vsel vm6, v9, v19;
	v22 =	vmax.f32 v18, v48;
	v49 =	vmax.f32 v20, v21  }
0x143: {  	(xrf0) =	vmin.scan.msk.u32 $0xffff, v19;
	v50 =	vmax.f32 v22, v49  }
0x144: {  	(xrf0) =	vmax.scan.msk.f32 $0xffff, v50;
	_ =	sdelay $0x4  }
0x145: {  	v22, _, _ =	vpop (xrf0)  }
0x146: {  	v54, _, _ =	vpop (xrf0)  }
0x147: {  	v29 =	vbroadcast v54, $0xF  }
0x148: {  	v51 =	vmul.f32 $1.442695020e+00, v36;
	v52 =	vmul.f32 $1.442695020e+00, v37;
	s2 =	spop (v2sf)  }
0x149: {  	v53 =	vsub.f32 v27, v31;
	v55 =	vsub.f32 v30, v31;
	vm10 =	veq.f32 v21, v29;
	s1 =	spop (v2sf)  }
0x14a: {  	vm11 =	veq.f32 v20, v29;
	vm12 =	veq.f32 v48, v29;
	v58 =	vnsel vm10, $0x8000270F, v4;
	s1 =	sxor.u32 $0x80000000, s1  }
0x14b: {  	vm13 =	veq.f32 v18, v29;
	v59 =	vsel vm11, v5, v58;
	v60 =	vmov s1  }
0x14c: {  	v16 =	vsel vm12, v6, v59;
	vm14 =	veq.s32 v60, v3;
	vm15 =	veq.s32 v60, v10  }
0x14d: {  	vm6 =	veq.s32 v60, v11;
	vm7 =	veq.s32 v60, v12;
	v61 =	vsel vm14, $0xFF61B1E6, v27  }
0x14e: {  	v62 =	vsel vm15, $0xFF61B1E6, v30;
	v63 =	vsel vm6, $0xFF61B1E6, v32;
	v34 =	vsel vm7, $0xFF61B1E6, v33  }
0x14f: {  	v16 =	vsel vm13, v9, v16;
	v35 =	vmax.f32 v61, v62;
	v36 =	vmax.f32 v63, v34  }
0x150: {  	(erf) = vpow2.f32 v51;
	v56 =	vmul.f32 $1.442695020e+00, v53;
	(xrf0) =	vmin.scan.msk.u32 $0xffff, v16;
	v37 =	vmax.f32 v35, v36  }
0x151: {  	(erf) = vpow2.f32 v52;
	v57 =	vsub.f32 v32, v31;
	v19 =	vmul.f32 $1.442695020e+00, v55;
	(xrf0) =	vmax.scan.msk.f32 $0xffff, v37  }
0x152: {  	(erf) = vpow2.f32 v56  }
0x153: {  	v38 =	vsub.f32 v33, v31;
	v39 =	vmul.f32 $1.442695020e+00, v57;
	(erf) = vpow2.f32 v19  }
0x154: {  	v40 =	vpop (erf)  }
0x155: {  	v41 =	vpop (erf);
	v23 =	vmul.f32 $1.442695020e+00, v38;
	(erf) = vpow2.f32 v39  }
0x156: {  	v43, _, _ =	vpop (xrf0)  }
0x157: {  	(erf) = vpow2.f32 v23;
	v44, _, _ =	vpop (xrf0)  }
0x158: {  	v46 =	vbroadcast v44, $0xF  }
0x159: {  	v26 =	vadd.f32 v26, v28;
	v42 =	vpop (erf)  }
0x15a: {  	v45 =	vpop (erf);
	vm8 =	veq.f32 v34, v46  }
0x15b: {  	v47 =	vpop (erf);
	v48 =	vadd.f32 v26, v25;
	vm9 =	veq.f32 v63, v46;
	v50 =	vnsel vm8, $0x8000270F, v4  }
0x15c: {  	v49 =	vpop (erf);
	v16 =	vadd.f32 v41, v40;
	vm10 =	veq.f32 v62, v46;
	v52 =	vsel vm9, v5, v50  }
0x15d: {  	v25 =	vadd.f32 v49, v47;
	vm11 =	veq.f32 v61, v46;
	v18 =	vsel vm10, v6, v52  }
0x15e: {  	v51 =	vpop (erf);
	(xrf2) =	vadd.scan.msk.f32 $0xffff, v48;
	v16 =	vadd.f32 v16, v42;
	v18 =	vsel vm11, v9, v18  }
0x15f: {  	v53 =	vadd.f32 v25, v51;
	(xrf0) =	vmin.scan.msk.u32 $0xffff, v18  }
0x160: {  	v54 =	vpop (erf);
	v16 =	vadd.f32 v16, v45  }
0x161: {  	v19 =	vadd.f32 v53, v54  }
0x162: {  	(xrf2) =	vadd.scan.msk.f32 $0xffff, v16  }
0x163: {  	(xrf2) =	vadd.scan.msk.f32 $0xffff, v19  }
0x164: {  	(v2sf) =	vpush v22, $0xF  }
0x165: {  	(v2sf) =	vpush v43, $0xF;
	v55, _, _ =	vpop (xrf0)  }
0x166: {  	(v2sf) =	vpush v55, $0xF  }
0x167: {  	v57 =	vmov s31;
	v56, _, _ =	vpop (xrf2)  }
0x168: {  	vm12 =	veq.s32 v57, v3;
	v59, _, _ =	vpop (xrf2)  }
0x169: {  	v14 =	vsel vm12, v15, v14;
	v15 =	vbroadcast v59, $0xF  }
0x16a: {  	v58 =	vmov s30;
	v16 =	vbroadcast v56, $0xF  }
0x16b: {  	vm13 =	veq.s32 v58, v3;
	v60 =	vmov s0  }
0x16c: {  	vm14 =	veq.s32 v60, v3;
	v14 =	vsel vm13, v16, v14;
	v61, _, _ =	vpop (xrf2)  }
0x16d: {  	v14 =	vsel vm14, v15, v14;
	v62 =	vmov s28;
	v15, _, _ =	vpop (xrf2);
	v18 =	vbroadcast v61, $0xF  }
0x16e: {  	v63 =	vmov s29;
	vm15 =	veq.s32 v62, v3;
	v15 =	vbroadcast v15, $0xF  }
0x16f: {  	vm4 =	veq.s32 v63, v3;
	v14 =	vsel vm15, v18, v14  }
0x170: {  	v14 =	vsel vm4, v15, v14  }
0x171: {  	(erf) = vrcp.f32 v14  }
0x172: {  	s21 =	sxor.u32 $0x80000000, s21  }
0x173: {  	s2 =	sxor.u32 $0x80000000, s2;
	v13 =	vsel vm12, s21, v13;
	v14 =	vsel vm12, s25, v17;
	s25 =	spop (v2sf)  }
0x174: {  	s31 =	sshll.u32 s23, $0x7;
	v13 =	vsel vm13, s2, v13;
	v14 =	vsel vm13, s26, v14;
	s0 =	sxor.u32 $0x80000000, s25;
	s26 =	spop (v2sf)  }
0x175: {  	s23 =	sadd.s32 $0x1, s23;
	v13 =	vsel vm14, s0, v13;
	s28 =	sxor.u32 $0x80000000, s26;
	s29 =	spop (v2sf)  }
0x176: {  	p0 =	sne.s32 s23, $0x8;
	v14 =	vsel vm14, s3, v14;
	v13 =	vsel vm15, s28, v13;
	s30 =	sxor.u32 $0x80000000, s29  }
.Ltmp4:
0x177: {  	v14 =	vsel vm15, s20, v14;
	v13 =	vsel vm4, s30, v13;
	(pc) =	sbr.rel @p0 .LBB2_8-.Ltmp4, $4  }
0x178: {  	v14 =	vsel vm4, s1, v14  }
0x179: {  	[tilespmem:s31+$0x8000] =	vst v14  }
0x17a: {  	[tilespmem:s31+$0xC480] =	vst v13;
	v13 =	vpop (erf)  }
0x17b: {  	s24 =	sadd.s32 $0x800, s24;
	[tilespmem:s31+$0xC900] =	vst v13  }
0x17c: {  	[spmem:s7] =	stream.linear.scatter [tilespmem:s17], [sflag:$0x1], $0x400, $0x38;
	[tilespmem:$0xED80] =	vst v63  }
0x17d: {  	_ =	swait.ge [sflag:s16], $0x400  }
0x17e: {  	[sflag:s16] =	ssyncset.done $0x0  }
0x17f: {  	[sflag:s16] =	ssyncadd.s32 $0xFFFFFC00  }
0x180: {  	[spmem:s8] =	stream.linear.scatter [tilespmem:s18], [sflag:$0x1], $0x400, $0x38;
	[tilespmem:$0xED80] =	vst v63  }
0x181: {  	_ =	swait.ge [sflag:s16], $0x400  }
0x182: {  	[sflag:s16] =	ssyncset.done $0x0  }
0x183: {  	[sflag:s16] =	ssyncadd.s32 $0xFFFFFC00  }
0x184: {  	[spmem:s9] =	stream.linear.scatter [tilespmem:s19], [sflag:$0x1], $0x400, $0x38;
	[tilespmem:$0xED80] =	vst v63  }
0x185: {  	_ =	swait.ge [sflag:s16], $0x400  }
0x186: {  	[sflag:s16] =	ssyncset.done $0x0  }
0x187: {  	[sflag:s16] =	ssyncadd.s32 $0xFFFFFC00  }
0x188: {  	[bflag:$0x0] =	sbarrier.arrive $0xFFFF  }
0x189: {  	s1 =	simm.s32 $0x4000;
	s0 =	rddreg [dreg:$0x3]  }
0x18a: {  	[tilespmem:s1], [sflag:$0x1] =	stream.linear.gather [spmem:s0], $0x4000, $0x38;
	[tilespmem:$0xED80] =	vst v63  }
0x18b: {  	_ =	swait.ge [sflag:s16], $0x4000  }
0x18c: {  	[sflag:s16] =	ssyncset.done $0x0  }
0x18d: {  	[sflag:s16] =	ssyncadd.s32 $0xFFFFC000  }
0x18e: {  	s31 =	simm.s32 $0x8480;
	s30 =	rddreg [dreg:$0x4]  }
0x18f: {  	[tilespmem:s31], [sflag:$0x1] =	stream.linear.gather [spmem:s30], $0x4000, $0x38;
	[tilespmem:$0xED80] =	vst v63  }
0x190: {  	_ =	swait.ge [sflag:s16], $0x4000  }
0x191: {  	[sflag:s16] =	ssyncset.done $0x0  }
0x192: {  	s25 =	simm.s32 $0x0;
	[sflag:s16] =	ssyncadd.s32 $0xFFFFC000  }
0x193: {  	v13 =	vld [tilespmem:s25+$0x4000];
	_ =	sdelay $0x1  }
0x194: {  	s24 =	simm.s32 $0x80  }
0x195: {  	v14 =	vld [tilespmem:s24+$0x4000];
	_ =	sdelay $0x1  }
0x196: {  	vm0 =	veq.s32 v13, v0  }
0x197: {  	v13 =	vsel vm0, $0x1, v8  }
0x198: {  	(xrf0) =	vadd.scan.msk.s32 $0xffff, v13  }
0x199: {  	vm1 =	veq.s32 v14, v0  }
0x19a: {  	v13 =	vsel vm1, $0x1, v8  }
0x19b: {  	(xrf0) =	vadd.scan.msk.s32 $0xffff, v13;
	_ =	sdelay $0x2  }
0x19c: {  	s23 =	simm.s32 $0x100;
	v16, _, _ =	vpop (xrf0)  }
0x19d: {  	v14 =	vld [tilespmem:s23+$0x4000];
	(v2sf) =	vpush v16, $0xF;
	_ =	sdelay $0x1  }
0x19e: {  	v13, _, _ =	vpop (xrf0)  }
0x19f: {  	(v2sf) =	vpush v13, $0xF  }
0x1a0: {  	vm0 =	vmmov vm0  }
0x1a1: {  	vm0 =	vmmov vm0;
	vm3 =	veq.s32 v14, v0  }
0x1a2: {  	s0 =	simm.s32 $0x180;
	vm0 =	vmmov vm0;
	v17 =	vsel vm3, $0x1, v8  }
0x1a3: {  	s2 =	simm.s32 $0x0;
	v15 =	vsel vm0, $0xFFFFFFFF, v8;
	v14 =	vld [tilespmem:s0+$0x4000];
	(xrf0) =	vadd.scan.msk.s32 $0xffff, v17  }
0x1a4: {  	v18 =	vadd.s32 s2, v15;
	v15 =	vld [tilespmem:s25+$0x0]  }
0x1a5: {  	s26 =	simm.s32 $0x800  }
0x1a6: {  	s28 =	simm.s32 $0xA00;
	s29 =	simm.s32 $0x800;
	s21 =	simm.s32 $0x0;
	vm1 =	vmmov vm1  }
0x1a7: {  	s20 =	simm.s32 $0x80;
	s3 =	simm.s32 $0x100;
	s1 =	simm.s32 $0x180;
	vm2 =	vmmov vm1;
	vm1 =	vmmov vm3;
	v16 =	vadd.s32 v16, v18  }
.LBB2_12:
0x1a8: {  	p0 =	sne.s32 s28, $0xFE00;
	vm3 =	veq.s32 v14, v0;
	v14 =	vnsel vm0, $0x0, v16;
	vm0 =	vmmov vm2  }
0x1a9: {  	s30 =	sshra.s32 s29, $0x2;
	vm2 =	vmmov vm1;
	s29 =	smov.u32 s28;
	v16 =	vsel vm3, $0x1, v8;
	v17, _, _ =	vpop (xrf0);
	v15 =	vadd.s32 v15, v14  }
.Ltmp5:
0x1aa: {  	vm1 =	vmmov vm3;
	v14 =	vld [tilespmem:s30+$0x4000];
	(xrf0) =	vadd.scan.msk.s32 $0xffff, v16;
	(v2sf) =	vpush v17, $0xF;
	[tilespmem:s21+$0x0] =	vst v15;
	s21 =	smov.u32 s20;
	s20 =	smov.u32 s3;
	(pc) =	sbr.rel @p0 .LBB2_12-.Ltmp5, $4  }
0x1ab: {  	s3 =	smov.u32 s1;
	s1 =	smov.u32 s30;
	v15 =	vld [tilespmem:s21+$0x0];
	s31 =	spop (v2sf)  }
0x1ac: {  	v16 =	vsel vm0, $0xFFFFFFFF, v8;
	s2 =	sadd.s32 s2, s31  }
0x1ad: {  	v16 =	vadd.s32 s2, v16  }
0x1ae: {  	s28 =	sadd.s32 $0x200, s28;
	v16 =	vadd.s32 v13, v16;
	v13 =	vmov v17  }
0x1af: {  	vm3 =	veq.s32 v14, v0;
	v14 =	vnsel vm0, $0x0, v16  }
0x1b0: {  	s28 =	sshra.s32 s29, $0x2;
	v16 =	vsel vm3, $0x1, v8;
	v17, _, _ =	vpop (xrf0);
	v14 =	vadd.s32 v15, v14  }
0x1b1: {  	v15 =	vld [tilespmem:s28+$0x4000];
	(xrf0) =	vadd.scan.msk.s32 $0xffff, v16;
	(v2sf) =	vpush v17, $0xF;
	[tilespmem:s21+$0x0] =	vst v14  }
0x1b2: {  	vm0 =	vmmov vm2;
	s31 =	spop (v2sf);
	v14 =	vld [tilespmem:s20+$0x0]  }
0x1b3: {  	s2 =	sadd.s32 s2, s31;
	v16 =	vsel vm0, $0xFFFFFFFF, v8  }
0x1b4: {  	v16 =	vadd.s32 s2, v16  }
0x1b5: {  	v13 =	vadd.s32 v13, v16  }
0x1b6: {  	v13 =	vnsel vm0, $0x0, v13  }
0x1b7: {  	v16, _, _ =	vpop (xrf0);
	v13 =	vadd.s32 v14, v13  }
0x1b8: {  	vm0 =	vmmov vm1;
	(v2sf) =	vpush v16, $0xF;
	[tilespmem:s20+$0x0] =	vst v13  }
0x1b9: {  	vm0 =	vmmov vm0;
	v13 =	vld [tilespmem:s3+$0x0];
	s21 =	spop (v2sf)  }
0x1ba: {  	v14 =	vsel vm0, $0xFFFFFFFF, v8;
	s2 =	sadd.s32 s2, s21  }
0x1bb: {  	v14 =	vadd.s32 s2, v14  }
0x1bc: {  	v14 =	vadd.s32 v17, v14  }
0x1bd: {  	v14 =	vnsel vm0, $0x0, v14  }
0x1be: {  	vm0 =	vmmov vm3;
	v13 =	vadd.s32 v13, v14  }
0x1bf: {  	vm0 =	vmmov vm0;
	[tilespmem:s3+$0x0] =	vst v13  }
0x1c0: {  	vm0 =	vmmov vm0;
	v13 =	vld [tilespmem:s1+$0x0];
	s29 =	spop (v2sf)  }
0x1c1: {  	vm1 =	veq.s32 v15, v0;
	v14 =	vsel vm0, $0xFFFFFFFF, v8;
	s2 =	sadd.s32 s2, s29  }
0x1c2: {  	v15 =	vsel vm1, $0x1, v8;
	v14 =	vadd.s32 s2, v14  }
0x1c3: {  	(xrf0) =	vadd.scan.msk.s32 $0xffff, v15;
	v14 =	vadd.s32 v16, v14  }
0x1c4: {  	v14 =	vnsel vm0, $0x0, v14  }
0x1c5: {  	vm0 =	vmmov vm1;
	v13 =	vadd.s32 v13, v14  }
0x1c6: {  	vm0 =	vmmov vm0;
	[tilespmem:s1+$0x0] =	vst v13  }
0x1c7: {  	vm0 =	vmmov vm0;
	v13 =	vld [tilespmem:s28+$0x0];
	s30 =	spop (v2sf)  }
0x1c8: {  	v14 =	vsel vm0, $0xFFFFFFFF, v8;
	s1 =	sadd.s32 s2, s30  }
0x1c9: {  	v15, _, _ =	vpop (xrf0);
	v14 =	vadd.s32 s1, v14  }
0x1ca: {  	v14 =	vadd.s32 v15, v14  }
0x1cb: {  	v14 =	vnsel vm0, $0x0, v14  }
0x1cc: {  	v13 =	vadd.s32 v13, v14  }
0x1cd: {  	[tilespmem:s28+$0x0] =	vst v13  }
0x1ce: {  	v13 =	vld [tilespmem:s25+$0x8480];
	_ =	sdelay $0x2  }
0x1cf: {  	(v2sf) =	vpush v15, $0xF  }
0x1d0: {  	v14 =	vld [tilespmem:s24+$0x8480]  }
0x1d1: {  	vm0 =	veq.s32 v13, v0  }
0x1d2: {  	v13 =	vsel vm0, $0x1, v8  }
0x1d3: {  	(xrf0) =	vadd.scan.msk.s32 $0xffff, v13;
	_ =	sdelay $0x1  }
0x1d4: {  	vm1 =	veq.s32 v14, v0  }
0x1d5: {  	v13 =	vsel vm1, $0x1, v8  }
0x1d6: {  	(xrf0) =	vadd.scan.msk.s32 $0xffff, v13;
	_ =	sdelay $0x1  }
0x1d7: {  	v16, _, _ =	vpop (xrf0)  }
0x1d8: {  	v14 =	vld [tilespmem:s23+$0x8480];
	(v2sf) =	vpush v16, $0xF;
	_ =	sdelay $0x2  }
0x1d9: {  	v13, _, _ =	vpop (xrf0)  }
0x1da: {  	s31 =	spop (v2sf);
	vm0 =	vmmov vm0;
	(v2sf) =	vpush v13, $0xF  }
0x1db: {  	vm0 =	vmmov vm0;
	vm2 =	veq.s32 v14, v0  }
0x1dc: {  	vm0 =	vmmov vm0;
	v17 =	vsel vm2, $0x1, v8  }
0x1dd: {  	v15 =	vld [tilespmem:s0+$0x8480];
	s1 =	sadd.s32 s1, s31;
	v14 =	vsel vm0, $0xFFFFFFFF, v8;
	(xrf0) =	vadd.scan.msk.s32 $0xffff, v17  }
0x1de: {  	v14 =	vadd.s32 s1, v14  }
0x1df: {  	v16 =	vadd.s32 v16, v14;
	v14 =	vld [tilespmem:s25+$0x0]  }
0x1e0: {  	vm1 =	vmmov vm1  }
0x1e1: {  	vm3 =	vmmov vm1  }
0x1e2: {  	s2 =	simm.s32 $0xA00;
	vm1 =	vmmov vm2;
	vm2 =	veq.s32 v15, v0;
	v15 =	vshll.u32 v16, $0x10  }
.LBB2_14:
0x1e3: {  	p0 =	sne.s32 s2, $0xFE00;
	s3 =	sshra.s32 s26, $0x2;
	v16 =	vsel vm2, $0x1, v8;
	v17, _, _ =	vpop (xrf0);
	v15 =	vnsel vm0, $0x0, v15;
	vm0 =	vmmov vm3;
	s26 =	smov.u32 s2  }
0x1e4: {  	vm3 =	vmmov vm1;
	v18 =	vld [tilespmem:s3+$0x8480];
	(xrf0) =	vadd.scan.msk.s32 $0xffff, v16;
	(v2sf) =	vpush v17, $0xF;
	v14 =	vadd.s32 v14, v15  }
.Ltmp6:
0x1e5: {  	vm1 =	vmmov vm2;
	[tilespmem:s25+$0x0] =	vst v14;
	s20 =	spop (v2sf);
	(pc) =	sbr.rel @p0 .LBB2_14-.Ltmp6, $4  }
0x1e6: {  	v15 =	vsel vm0, $0xFFFFFFFF, v8;
	s25 =	smov.u32 s24;
	v14 =	vld [tilespmem:s24+$0x0];
	s1 =	sadd.s32 s1, s20;
	s24 =	smov.u32 s23  }
0x1e7: {  	s23 =	smov.u32 s0;
	s0 =	smov.u32 s3;
	v15 =	vadd.s32 s1, v15  }
0x1e8: {  	v15 =	vadd.s32 v13, v15;
	v13 =	vmov v17  }
0x1e9: {  	s2 =	sadd.s32 $0x200, s2;
	vm2 =	veq.s32 v18, v0;
	v15 =	vshll.u32 v15, $0x10  }
0x1ea: {  	v16 =	vsel vm2, $0x1, v8;
	v17, _, _ =	vpop (xrf0);
	v15 =	vnsel vm0, $0x0, v15  }
0x1eb: {  	s2 =	sshra.s32 s26, $0x2;
	(xrf0) =	vadd.scan.msk.s32 $0xffff, v16;
	(v2sf) =	vpush v17, $0xF;
	v14 =	vadd.s32 v14, v15  }
0x1ec: {  	vm0 =	vmmov vm3;
	s3 =	spop (v2sf);
	v18 =	vld [tilespmem:s2+$0x8480];
	[tilespmem:s25+$0x0] =	vst v14  }
0x1ed: {  	s1 =	sadd.s32 s1, s3;
	v14 =	vsel vm0, $0xFFFFFFFF, v8;
	v15 =	vld [tilespmem:s24+$0x0]  }
0x1ee: {  	v14 =	vadd.s32 s1, v14  }
0x1ef: {  	v13 =	vadd.s32 v13, v14  }
0x1f0: {  	v13 =	vshll.u32 v13, $0x10  }
0x1f1: {  	v13 =	vnsel vm0, $0x0, v13;
	v14, _, _ =	vpop (xrf0)  }
0x1f2: {  	vm0 =	vmmov vm1;
	(v2sf) =	vpush v14, $0xF;
	v13 =	vadd.s32 v15, v13  }
0x1f3: {  	vm0 =	vmmov vm0;
	[tilespmem:s24+$0x0] =	vst v13;
	s25 =	spop (v2sf)  }
0x1f4: {  	v13 =	vsel vm0, $0xFFFFFFFF, v8;
	v15 =	vld [tilespmem:s23+$0x0];
	s1 =	sadd.s32 s1, s25  }
0x1f5: {  	v13 =	vadd.s32 s1, v13  }
0x1f6: {  	v13 =	vadd.s32 v17, v13  }
0x1f7: {  	v13 =	vshll.u32 v13, $0x10  }
0x1f8: {  	vm1 =	vmmov vm2;
	v13 =	vnsel vm0, $0x0, v13  }
0x1f9: {  	vm0 =	vmmov vm1;
	v13 =	vadd.s32 v15, v13  }
0x1fa: {  	vm0 =	vmmov vm0;
	[tilespmem:s23+$0x0] =	vst v13;
	s26 =	spop (v2sf)  }
0x1fb: {  	vm1 =	veq.s32 v18, v0;
	v13 =	vsel vm0, $0xFFFFFFFF, v8;
	v15 =	vld [tilespmem:s0+$0x0];
	s1 =	sadd.s32 s1, s26  }
0x1fc: {  	v16 =	vsel vm1, $0x1, v8;
	v13 =	vadd.s32 s1, v13  }
0x1fd: {  	(xrf0) =	vadd.scan.msk.s32 $0xffff, v16;
	v13 =	vadd.s32 v14, v13  }
0x1fe: {  	v13 =	vshll.u32 v13, $0x10  }
0x1ff: {  	vm1 =	vmmov vm1;
	v13 =	vnsel vm0, $0x0, v13  }
0x200: {  	vm0 =	vmmov vm1;
	v13 =	vadd.s32 v15, v13  }
0x201: {  	vm0 =	vmmov vm0;
	[tilespmem:s0+$0x0] =	vst v13;
	s30 =	spop (v2sf)  }
0x202: {  	v13 =	vsel vm0, $0xFFFFFFFF, v8;
	v14 =	vld [tilespmem:s2+$0x0];
	s0 =	sadd.s32 s1, s30  }
0x203: {  	v15, _, _ =	vpop (xrf0);
	v13 =	vadd.s32 s0, v13  }
0x204: {  	v13 =	vadd.s32 v15, v13  }
0x205: {  	v13 =	vshll.u32 v13, $0x10  }
0x206: {  	v13 =	vnsel vm0, $0x0, v13  }
0x207: {  	v13 =	vadd.s32 v14, v13  }
0x208: {  	s25 =	simm.s32 $0x0;
	[tilespmem:s2+$0x0] =	vst v13  }
0x209: {  	v13 =	vld [tilespmem:s25+$0x4000];
	_ =	sdelay $0x1  }
0x20a: {  	s24 =	simm.s32 $0x80;
	(v2sf) =	vpush v15, $0xF  }
0x20b: {  	v14 =	vld [tilespmem:s24+$0x4000];
	_ =	sdelay $0x1  }
0x20c: {  	vm0 =	veq.s32 v13, v1  }
0x20d: {  	v13 =	vsel vm0, $0x1, v8  }
0x20e: {  	(xrf0) =	vadd.scan.msk.s32 $0xffff, v13  }
0x20f: {  	vm1 =	veq.s32 v14, v1  }
0x210: {  	v13 =	vsel vm1, $0x1, v8  }
0x211: {  	(xrf0) =	vadd.scan.msk.s32 $0xffff, v13;
	_ =	sdelay $0x2  }
0x212: {  	s23 =	simm.s32 $0x100;
	v16, _, _ =	vpop (xrf0)  }
0x213: {  	v14 =	vld [tilespmem:s23+$0x4000];
	(v2sf) =	vpush v16, $0xF;
	_ =	sdelay $0x1  }
0x214: {  	v13, _, _ =	vpop (xrf0)  }
0x215: {  	s31 =	spop (v2sf);
	(v2sf) =	vpush v13, $0xF  }
0x216: {  	vm0 =	vmmov vm0  }
0x217: {  	vm0 =	vmmov vm0;
	vm3 =	veq.s32 v14, v1  }
0x218: {  	s0 =	simm.s32 $0x180;
	vm0 =	vmmov vm0;
	v17 =	vsel vm3, $0x1, v8  }
0x219: {  	s2 =	simm.s32 $0x0;
	v15 =	vsel vm0, $0xFFFFFFFF, v8;
	v14 =	vld [tilespmem:s0+$0x4000];
	(xrf0) =	vadd.scan.msk.s32 $0xffff, v17  }
0x21a: {  	v18 =	vadd.s32 s2, v15;
	v15 =	vld [tilespmem:s25+$0x0]  }
0x21b: {  	s28 =	simm.s32 $0xA00  }
0x21c: {  	s29 =	simm.s32 $0x800;
	s21 =	simm.s32 $0x0;
	s20 =	simm.s32 $0x80;
	vm1 =	vmmov vm1  }
0x21d: {  	s3 =	simm.s32 $0x100;
	s26 =	simm.s32 $0x800;
	s1 =	simm.s32 $0x180;
	vm2 =	vmmov vm1;
	vm1 =	vmmov vm3;
	v16 =	vadd.s32 v16, v18  }
.LBB2_16:
0x21e: {  	p0 =	sne.s32 s28, $0xFE00;
	vm3 =	veq.s32 v14, v1;
	v14 =	vnsel vm0, $0x0, v16;
	vm0 =	vmmov vm2  }
0x21f: {  	s30 =	sshra.s32 s29, $0x2;
	vm2 =	vmmov vm1;
	s29 =	smov.u32 s28;
	v16 =	vsel vm3, $0x1, v8;
	v17, _, _ =	vpop (xrf0);
	v15 =	vadd.s32 v15, v14  }
.Ltmp7:
0x220: {  	vm1 =	vmmov vm3;
	v14 =	vld [tilespmem:s30+$0x4000];
	(xrf0) =	vadd.scan.msk.s32 $0xffff, v16;
	(v2sf) =	vpush v17, $0xF;
	[tilespmem:s21+$0x0] =	vst v15;
	s21 =	smov.u32 s20;
	s20 =	smov.u32 s3;
	(pc) =	sbr.rel @p0 .LBB2_16-.Ltmp7, $4  }
0x221: {  	s3 =	smov.u32 s1;
	s1 =	smov.u32 s30;
	v15 =	vld [tilespmem:s21+$0x0];
	s31 =	spop (v2sf)  }
0x222: {  	v16 =	vsel vm0, $0xFFFFFFFF, v8;
	s2 =	sadd.s32 s2, s31  }
0x223: {  	v16 =	vadd.s32 s2, v16  }
0x224: {  	s28 =	sadd.s32 $0x200, s28;
	v16 =	vadd.s32 v13, v16;
	v13 =	vmov v17  }
0x225: {  	vm3 =	veq.s32 v14, v1;
	v14 =	vnsel vm0, $0x0, v16  }
0x226: {  	s28 =	sshra.s32 s29, $0x2;
	v16 =	vsel vm3, $0x1, v8;
	v17, _, _ =	vpop (xrf0);
	v14 =	vadd.s32 v15, v14  }
0x227: {  	v15 =	vld [tilespmem:s28+$0x4000];
	(xrf0) =	vadd.scan.msk.s32 $0xffff, v16;
	(v2sf) =	vpush v17, $0xF;
	[tilespmem:s21+$0x0] =	vst v14  }
0x228: {  	vm0 =	vmmov vm2;
	s31 =	spop (v2sf);
	v14 =	vld [tilespmem:s20+$0x0]  }
0x229: {  	s2 =	sadd.s32 s2, s31;
	v16 =	vsel vm0, $0xFFFFFFFF, v8  }
0x22a: {  	v16 =	vadd.s32 s2, v16  }
0x22b: {  	v13 =	vadd.s32 v13, v16  }
0x22c: {  	v13 =	vnsel vm0, $0x0, v13  }
0x22d: {  	v16, _, _ =	vpop (xrf0);
	v13 =	vadd.s32 v14, v13  }
0x22e: {  	vm0 =	vmmov vm1;
	(v2sf) =	vpush v16, $0xF;
	[tilespmem:s20+$0x0] =	vst v13  }
0x22f: {  	vm0 =	vmmov vm0;
	v13 =	vld [tilespmem:s3+$0x0];
	s21 =	spop (v2sf)  }
0x230: {  	v14 =	vsel vm0, $0xFFFFFFFF, v8;
	s2 =	sadd.s32 s2, s21  }
0x231: {  	v14 =	vadd.s32 s2, v14  }
0x232: {  	v14 =	vadd.s32 v17, v14  }
0x233: {  	v14 =	vnsel vm0, $0x0, v14  }
0x234: {  	vm0 =	vmmov vm3;
	v13 =	vadd.s32 v13, v14  }
0x235: {  	vm0 =	vmmov vm0;
	[tilespmem:s3+$0x0] =	vst v13  }
0x236: {  	vm0 =	vmmov vm0;
	v13 =	vld [tilespmem:s1+$0x0];
	s29 =	spop (v2sf)  }
0x237: {  	vm1 =	veq.s32 v15, v1;
	v14 =	vsel vm0, $0xFFFFFFFF, v8;
	s2 =	sadd.s32 s2, s29  }
0x238: {  	v15 =	vsel vm1, $0x1, v8;
	v14 =	vadd.s32 s2, v14  }
0x239: {  	(xrf0) =	vadd.scan.msk.s32 $0xffff, v15;
	v14 =	vadd.s32 v16, v14  }
0x23a: {  	v14 =	vnsel vm0, $0x0, v14  }
0x23b: {  	vm0 =	vmmov vm1;
	v13 =	vadd.s32 v13, v14  }
0x23c: {  	vm0 =	vmmov vm0;
	[tilespmem:s1+$0x0] =	vst v13  }
0x23d: {  	vm0 =	vmmov vm0;
	v13 =	vld [tilespmem:s28+$0x0];
	s30 =	spop (v2sf)  }
0x23e: {  	v14 =	vsel vm0, $0xFFFFFFFF, v8;
	s1 =	sadd.s32 s2, s30  }
0x23f: {  	v15, _, _ =	vpop (xrf0);
	v14 =	vadd.s32 s1, v14  }
0x240: {  	v14 =	vadd.s32 v15, v14  }
0x241: {  	v14 =	vnsel vm0, $0x0, v14  }
0x242: {  	v13 =	vadd.s32 v13, v14  }
0x243: {  	[tilespmem:s28+$0x0] =	vst v13  }
0x244: {  	v13 =	vld [tilespmem:s25+$0x8480];
	_ =	sdelay $0x2  }
0x245: {  	(v2sf) =	vpush v15, $0xF  }
0x246: {  	v14 =	vld [tilespmem:s24+$0x8480]  }
0x247: {  	vm0 =	veq.s32 v13, v1  }
0x248: {  	v13 =	vsel vm0, $0x1, v8  }
0x249: {  	(xrf0) =	vadd.scan.msk.s32 $0xffff, v13;
	_ =	sdelay $0x1  }
0x24a: {  	vm1 =	veq.s32 v14, v1  }
0x24b: {  	v13 =	vsel vm1, $0x1, v8  }
0x24c: {  	(xrf0) =	vadd.scan.msk.s32 $0xffff, v13;
	_ =	sdelay $0x1  }
0x24d: {  	v16, _, _ =	vpop (xrf0)  }
0x24e: {  	v14 =	vld [tilespmem:s23+$0x8480];
	(v2sf) =	vpush v16, $0xF;
	_ =	sdelay $0x2  }
0x24f: {  	v13, _, _ =	vpop (xrf0)  }
0x250: {  	s31 =	spop (v2sf);
	vm0 =	vmmov vm0;
	(v2sf) =	vpush v13, $0xF  }
0x251: {  	vm0 =	vmmov vm0;
	vm2 =	veq.s32 v14, v1  }
0x252: {  	vm0 =	vmmov vm0;
	v17 =	vsel vm2, $0x1, v8  }
0x253: {  	v15 =	vld [tilespmem:s0+$0x8480];
	s1 =	sadd.s32 s1, s31;
	v14 =	vsel vm0, $0xFFFFFFFF, v8;
	(xrf0) =	vadd.scan.msk.s32 $0xffff, v17  }
0x254: {  	v14 =	vadd.s32 s1, v14  }
0x255: {  	v16 =	vadd.s32 v16, v14;
	v14 =	vld [tilespmem:s25+$0x0]  }
0x256: {  	vm1 =	vmmov vm1  }
0x257: {  	vm3 =	vmmov vm1  }
0x258: {  	s2 =	simm.s32 $0xA00;
	vm1 =	vmmov vm2;
	vm2 =	veq.s32 v15, v1;
	v15 =	vshll.u32 v16, $0x10  }
.LBB2_18:
0x259: {  	p0 =	sne.s32 s2, $0xFE00;
	s3 =	sshra.s32 s26, $0x2;
	v16 =	vsel vm2, $0x1, v8;
	v17, _, _ =	vpop (xrf0);
	v15 =	vnsel vm0, $0x0, v15;
	vm0 =	vmmov vm3;
	s26 =	smov.u32 s2  }
0x25a: {  	vm3 =	vmmov vm1;
	v18 =	vld [tilespmem:s3+$0x8480];
	(xrf0) =	vadd.scan.msk.s32 $0xffff, v16;
	(v2sf) =	vpush v17, $0xF;
	v14 =	vadd.s32 v14, v15  }
.Ltmp8:
0x25b: {  	vm1 =	vmmov vm2;
	[tilespmem:s25+$0x0] =	vst v14;
	s20 =	spop (v2sf);
	(pc) =	sbr.rel @p0 .LBB2_18-.Ltmp8, $4  }
0x25c: {  	v15 =	vsel vm0, $0xFFFFFFFF, v8;
	s25 =	smov.u32 s24;
	v14 =	vld [tilespmem:s24+$0x0];
	s1 =	sadd.s32 s1, s20;
	s24 =	smov.u32 s23  }
0x25d: {  	s23 =	smov.u32 s0;
	s0 =	smov.u32 s3;
	v15 =	vadd.s32 s1, v15  }
0x25e: {  	v15 =	vadd.s32 v13, v15;
	v13 =	vmov v17  }
0x25f: {  	s2 =	sadd.s32 $0x200, s2;
	vm2 =	veq.s32 v18, v1;
	v15 =	vshll.u32 v15, $0x10  }
0x260: {  	v16 =	vsel vm2, $0x1, v8;
	v17, _, _ =	vpop (xrf0);
	v15 =	vnsel vm0, $0x0, v15  }
0x261: {  	s2 =	sshra.s32 s26, $0x2;
	(xrf0) =	vadd.scan.msk.s32 $0xffff, v16;
	(v2sf) =	vpush v17, $0xF;
	v14 =	vadd.s32 v14, v15  }
0x262: {  	vm0 =	vmmov vm3;
	s3 =	spop (v2sf);
	v18 =	vld [tilespmem:s2+$0x8480];
	[tilespmem:s25+$0x0] =	vst v14  }
0x263: {  	s1 =	sadd.s32 s1, s3;
	v14 =	vsel vm0, $0xFFFFFFFF, v8;
	v15 =	vld [tilespmem:s24+$0x0]  }
0x264: {  	v14 =	vadd.s32 s1, v14  }
0x265: {  	v13 =	vadd.s32 v13, v14  }
0x266: {  	v13 =	vshll.u32 v13, $0x10  }
0x267: {  	v13 =	vnsel vm0, $0x0, v13;
	v14, _, _ =	vpop (xrf0)  }
0x268: {  	vm0 =	vmmov vm1;
	(v2sf) =	vpush v14, $0xF;
	v13 =	vadd.s32 v15, v13  }
0x269: {  	vm0 =	vmmov vm0;
	[tilespmem:s24+$0x0] =	vst v13;
	s25 =	spop (v2sf)  }
0x26a: {  	v13 =	vsel vm0, $0xFFFFFFFF, v8;
	v15 =	vld [tilespmem:s23+$0x0];
	s1 =	sadd.s32 s1, s25  }
0x26b: {  	v13 =	vadd.s32 s1, v13  }
0x26c: {  	v13 =	vadd.s32 v17, v13  }
0x26d: {  	v13 =	vshll.u32 v13, $0x10  }
0x26e: {  	vm1 =	vmmov vm2;
	v13 =	vnsel vm0, $0x0, v13  }
0x26f: {  	vm0 =	vmmov vm1;
	v13 =	vadd.s32 v15, v13  }
0x270: {  	vm0 =	vmmov vm0;
	[tilespmem:s23+$0x0] =	vst v13;
	s26 =	spop (v2sf)  }
0x271: {  	vm1 =	veq.s32 v18, v1;
	v13 =	vsel vm0, $0xFFFFFFFF, v8;
	v15 =	vld [tilespmem:s0+$0x0];
	s1 =	sadd.s32 s1, s26  }
0x272: {  	v16 =	vsel vm1, $0x1, v8;
	v13 =	vadd.s32 s1, v13  }
0x273: {  	(xrf0) =	vadd.scan.msk.s32 $0xffff, v16;
	v13 =	vadd.s32 v14, v13  }
0x274: {  	v13 =	vshll.u32 v13, $0x10  }
0x275: {  	vm1 =	vmmov vm1;
	v13 =	vnsel vm0, $0x0, v13  }
0x276: {  	vm0 =	vmmov vm1;
	v13 =	vadd.s32 v15, v13  }
0x277: {  	vm0 =	vmmov vm0;
	[tilespmem:s0+$0x0] =	vst v13;
	s30 =	spop (v2sf)  }
0x278: {  	v13 =	vsel vm0, $0xFFFFFFFF, v8;
	v14 =	vld [tilespmem:s2+$0x0];
	s0 =	sadd.s32 s1, s30  }
0x279: {  	v15, _, _ =	vpop (xrf0);
	v13 =	vadd.s32 s0, v13  }
0x27a: {  	v13 =	vadd.s32 v15, v13  }
0x27b: {  	v13 =	vshll.u32 v13, $0x10  }
0x27c: {  	v13 =	vnsel vm0, $0x0, v13  }
0x27d: {  	v13 =	vadd.s32 v14, v13  }
0x27e: {  	s25 =	simm.s32 $0x0;
	[tilespmem:s2+$0x0] =	vst v13  }
0x27f: {  	v13 =	vld [tilespmem:s25+$0x4000];
	_ =	sdelay $0x1  }
0x280: {  	s24 =	simm.s32 $0x80;
	(v2sf) =	vpush v15, $0xF  }
0x281: {  	v14 =	vld [tilespmem:s24+$0x4000];
	_ =	sdelay $0x1  }
0x282: {  	vm0 =	veq.s32 v13, v2  }
0x283: {  	v13 =	vsel vm0, $0x1, v8  }
0x284: {  	(xrf0) =	vadd.scan.msk.s32 $0xffff, v13  }
0x285: {  	vm1 =	veq.s32 v14, v2  }
0x286: {  	v13 =	vsel vm1, $0x1, v8  }
0x287: {  	(xrf0) =	vadd.scan.msk.s32 $0xffff, v13;
	_ =	sdelay $0x2  }
0x288: {  	s23 =	simm.s32 $0x100;
	v16, _, _ =	vpop (xrf0)  }
0x289: {  	v14 =	vld [tilespmem:s23+$0x4000];
	(v2sf) =	vpush v16, $0xF;
	_ =	sdelay $0x1  }
0x28a: {  	v13, _, _ =	vpop (xrf0)  }
0x28b: {  	s31 =	spop (v2sf);
	(v2sf) =	vpush v13, $0xF  }
0x28c: {  	vm0 =	vmmov vm0  }
0x28d: {  	vm0 =	vmmov vm0;
	vm3 =	veq.s32 v14, v2  }
0x28e: {  	s0 =	simm.s32 $0x180;
	vm0 =	vmmov vm0;
	v17 =	vsel vm3, $0x1, v8  }
0x28f: {  	s2 =	simm.s32 $0x0;
	v15 =	vsel vm0, $0xFFFFFFFF, v8;
	v14 =	vld [tilespmem:s0+$0x4000];
	(xrf0) =	vadd.scan.msk.s32 $0xffff, v17  }
0x290: {  	v18 =	vadd.s32 s2, v15;
	v15 =	vld [tilespmem:s25+$0x0]  }
0x291: {  	s28 =	simm.s32 $0xA00  }
0x292: {  	s29 =	simm.s32 $0x800;
	s21 =	simm.s32 $0x0;
	s20 =	simm.s32 $0x80;
	vm1 =	vmmov vm1  }
0x293: {  	s3 =	simm.s32 $0x100;
	s26 =	simm.s32 $0x800;
	s1 =	simm.s32 $0x180;
	vm2 =	vmmov vm1;
	vm1 =	vmmov vm3;
	v16 =	vadd.s32 v16, v18  }
.LBB2_20:
0x294: {  	p0 =	sne.s32 s28, $0xFE00;
	vm3 =	veq.s32 v14, v2;
	v14 =	vnsel vm0, $0x0, v16;
	vm0 =	vmmov vm2  }
0x295: {  	s30 =	sshra.s32 s29, $0x2;
	vm2 =	vmmov vm1;
	s29 =	smov.u32 s28;
	v16 =	vsel vm3, $0x1, v8;
	v17, _, _ =	vpop (xrf0);
	v15 =	vadd.s32 v15, v14  }
.Ltmp9:
0x296: {  	vm1 =	vmmov vm3;
	v14 =	vld [tilespmem:s30+$0x4000];
	(xrf0) =	vadd.scan.msk.s32 $0xffff, v16;
	(v2sf) =	vpush v17, $0xF;
	[tilespmem:s21+$0x0] =	vst v15;
	s21 =	smov.u32 s20;
	s20 =	smov.u32 s3;
	(pc) =	sbr.rel @p0 .LBB2_20-.Ltmp9, $4  }
0x297: {  	s3 =	smov.u32 s1;
	s1 =	smov.u32 s30;
	v15 =	vld [tilespmem:s21+$0x0];
	s31 =	spop (v2sf)  }
0x298: {  	v16 =	vsel vm0, $0xFFFFFFFF, v8;
	s2 =	sadd.s32 s2, s31  }
0x299: {  	v16 =	vadd.s32 s2, v16  }
0x29a: {  	s28 =	sadd.s32 $0x200, s28;
	v16 =	vadd.s32 v13, v16;
	v13 =	vmov v17  }
0x29b: {  	vm3 =	veq.s32 v14, v2;
	v14 =	vnsel vm0, $0x0, v16  }
0x29c: {  	s28 =	sshra.s32 s29, $0x2;
	v16 =	vsel vm3, $0x1, v8;
	v17, _, _ =	vpop (xrf0);
	v14 =	vadd.s32 v15, v14  }
0x29d: {  	v15 =	vld [tilespmem:s28+$0x4000];
	(xrf0) =	vadd.scan.msk.s32 $0xffff, v16;
	(v2sf) =	vpush v17, $0xF;
	[tilespmem:s21+$0x0] =	vst v14  }
0x29e: {  	vm0 =	vmmov vm2;
	s31 =	spop (v2sf);
	v14 =	vld [tilespmem:s20+$0x0]  }
0x29f: {  	s2 =	sadd.s32 s2, s31;
	v16 =	vsel vm0, $0xFFFFFFFF, v8  }
0x2a0: {  	v16 =	vadd.s32 s2, v16  }
0x2a1: {  	v13 =	vadd.s32 v13, v16  }
0x2a2: {  	v13 =	vnsel vm0, $0x0, v13  }
0x2a3: {  	v16, _, _ =	vpop (xrf0);
	v13 =	vadd.s32 v14, v13  }
0x2a4: {  	vm0 =	vmmov vm1;
	(v2sf) =	vpush v16, $0xF;
	[tilespmem:s20+$0x0] =	vst v13  }
0x2a5: {  	vm0 =	vmmov vm0;
	v13 =	vld [tilespmem:s3+$0x0];
	s21 =	spop (v2sf)  }
0x2a6: {  	v14 =	vsel vm0, $0xFFFFFFFF, v8;
	s2 =	sadd.s32 s2, s21  }
0x2a7: {  	v14 =	vadd.s32 s2, v14  }
0x2a8: {  	v14 =	vadd.s32 v17, v14  }
0x2a9: {  	v14 =	vnsel vm0, $0x0, v14  }
0x2aa: {  	vm0 =	vmmov vm3;
	v13 =	vadd.s32 v13, v14  }
0x2ab: {  	vm0 =	vmmov vm0;
	[tilespmem:s3+$0x0] =	vst v13  }
0x2ac: {  	vm0 =	vmmov vm0;
	v13 =	vld [tilespmem:s1+$0x0];
	s29 =	spop (v2sf)  }
0x2ad: {  	vm1 =	veq.s32 v15, v2;
	v14 =	vsel vm0, $0xFFFFFFFF, v8;
	s2 =	sadd.s32 s2, s29  }
0x2ae: {  	v15 =	vsel vm1, $0x1, v8;
	v14 =	vadd.s32 s2, v14  }
0x2af: {  	(xrf0) =	vadd.scan.msk.s32 $0xffff, v15;
	v14 =	vadd.s32 v16, v14  }
0x2b0: {  	v14 =	vnsel vm0, $0x0, v14  }
0x2b1: {  	vm0 =	vmmov vm1;
	v13 =	vadd.s32 v13, v14  }
0x2b2: {  	vm0 =	vmmov vm0;
	[tilespmem:s1+$0x0] =	vst v13  }
0x2b3: {  	vm0 =	vmmov vm0;
	v13 =	vld [tilespmem:s28+$0x0];
	s30 =	spop (v2sf)  }
0x2b4: {  	v14 =	vsel vm0, $0xFFFFFFFF, v8;
	s1 =	sadd.s32 s2, s30  }
0x2b5: {  	v15, _, _ =	vpop (xrf0);
	v14 =	vadd.s32 s1, v14  }
0x2b6: {  	v14 =	vadd.s32 v15, v14  }
0x2b7: {  	v14 =	vnsel vm0, $0x0, v14  }
0x2b8: {  	v13 =	vadd.s32 v13, v14  }
0x2b9: {  	[tilespmem:s28+$0x0] =	vst v13  }
0x2ba: {  	v13 =	vld [tilespmem:s25+$0x8480];
	_ =	sdelay $0x2  }
0x2bb: {  	(v2sf) =	vpush v15, $0xF  }
0x2bc: {  	v14 =	vld [tilespmem:s24+$0x8480]  }
0x2bd: {  	vm0 =	veq.s32 v13, v2  }
0x2be: {  	v13 =	vsel vm0, $0x1, v8  }
0x2bf: {  	(xrf0) =	vadd.scan.msk.s32 $0xffff, v13;
	_ =	sdelay $0x1  }
0x2c0: {  	vm1 =	veq.s32 v14, v2  }
0x2c1: {  	v13 =	vsel vm1, $0x1, v8  }
0x2c2: {  	(xrf0) =	vadd.scan.msk.s32 $0xffff, v13;
	_ =	sdelay $0x1  }
0x2c3: {  	v16, _, _ =	vpop (xrf0)  }
0x2c4: {  	v14 =	vld [tilespmem:s23+$0x8480];
	(v2sf) =	vpush v16, $0xF;
	_ =	sdelay $0x2  }
0x2c5: {  	v13, _, _ =	vpop (xrf0)  }
0x2c6: {  	s31 =	spop (v2sf);
	vm0 =	vmmov vm0;
	(v2sf) =	vpush v13, $0xF  }
0x2c7: {  	vm0 =	vmmov vm0;
	vm2 =	veq.s32 v14, v2  }
0x2c8: {  	vm0 =	vmmov vm0;
	v17 =	vsel vm2, $0x1, v8  }
0x2c9: {  	v15 =	vld [tilespmem:s0+$0x8480];
	s1 =	sadd.s32 s1, s31;
	v14 =	vsel vm0, $0xFFFFFFFF, v8;
	(xrf0) =	vadd.scan.msk.s32 $0xffff, v17  }
0x2ca: {  	v14 =	vadd.s32 s1, v14  }
0x2cb: {  	v16 =	vadd.s32 v16, v14;
	v14 =	vld [tilespmem:s25+$0x0]  }
0x2cc: {  	vm1 =	vmmov vm1  }
0x2cd: {  	vm3 =	vmmov vm1  }
0x2ce: {  	s2 =	simm.s32 $0xA00;
	vm1 =	vmmov vm2;
	vm2 =	veq.s32 v15, v2;
	v15 =	vshll.u32 v16, $0x10  }
.LBB2_22:
0x2cf: {  	p0 =	sne.s32 s2, $0xFE00;
	s3 =	sshra.s32 s26, $0x2;
	v16 =	vsel vm2, $0x1, v8;
	v17, _, _ =	vpop (xrf0);
	v15 =	vnsel vm0, $0x0, v15;
	vm0 =	vmmov vm3;
	s26 =	smov.u32 s2  }
0x2d0: {  	vm3 =	vmmov vm1;
	v18 =	vld [tilespmem:s3+$0x8480];
	(xrf0) =	vadd.scan.msk.s32 $0xffff, v16;
	(v2sf) =	vpush v17, $0xF;
	v14 =	vadd.s32 v14, v15  }
.Ltmp10:
0x2d1: {  	vm1 =	vmmov vm2;
	[tilespmem:s25+$0x0] =	vst v14;
	s20 =	spop (v2sf);
	(pc) =	sbr.rel @p0 .LBB2_22-.Ltmp10, $4  }
0x2d2: {  	v15 =	vsel vm0, $0xFFFFFFFF, v8;
	s25 =	smov.u32 s24;
	v14 =	vld [tilespmem:s24+$0x0];
	s1 =	sadd.s32 s1, s20;
	s24 =	smov.u32 s23  }
0x2d3: {  	s23 =	smov.u32 s0;
	s0 =	smov.u32 s3;
	v15 =	vadd.s32 s1, v15  }
0x2d4: {  	v15 =	vadd.s32 v13, v15;
	v13 =	vmov v17  }
0x2d5: {  	s2 =	sadd.s32 $0x200, s2;
	vm2 =	veq.s32 v18, v2;
	v15 =	vshll.u32 v15, $0x10  }
0x2d6: {  	v16 =	vsel vm2, $0x1, v8;
	v17, _, _ =	vpop (xrf0);
	v15 =	vnsel vm0, $0x0, v15  }
0x2d7: {  	s2 =	sshra.s32 s26, $0x2;
	(xrf0) =	vadd.scan.msk.s32 $0xffff, v16;
	(v2sf) =	vpush v17, $0xF;
	v14 =	vadd.s32 v14, v15  }
0x2d8: {  	vm0 =	vmmov vm3;
	s3 =	spop (v2sf);
	v18 =	vld [tilespmem:s2+$0x8480];
	[tilespmem:s25+$0x0] =	vst v14  }
0x2d9: {  	s1 =	sadd.s32 s1, s3;
	v14 =	vsel vm0, $0xFFFFFFFF, v8;
	v15 =	vld [tilespmem:s24+$0x0]  }
0x2da: {  	v14 =	vadd.s32 s1, v14  }
0x2db: {  	v13 =	vadd.s32 v13, v14  }
0x2dc: {  	v13 =	vshll.u32 v13, $0x10  }
0x2dd: {  	v13 =	vnsel vm0, $0x0, v13;
	v14, _, _ =	vpop (xrf0)  }
0x2de: {  	vm0 =	vmmov vm1;
	(v2sf) =	vpush v14, $0xF;
	v13 =	vadd.s32 v15, v13  }
0x2df: {  	vm0 =	vmmov vm0;
	[tilespmem:s24+$0x0] =	vst v13;
	s25 =	spop (v2sf)  }
0x2e0: {  	v13 =	vsel vm0, $0xFFFFFFFF, v8;
	v15 =	vld [tilespmem:s23+$0x0];
	s1 =	sadd.s32 s1, s25  }
0x2e1: {  	v13 =	vadd.s32 s1, v13  }
0x2e2: {  	v13 =	vadd.s32 v17, v13  }
0x2e3: {  	v13 =	vshll.u32 v13, $0x10  }
0x2e4: {  	vm1 =	vmmov vm2;
	v13 =	vnsel vm0, $0x0, v13  }
0x2e5: {  	vm0 =	vmmov vm1;
	v13 =	vadd.s32 v15, v13  }
0x2e6: {  	vm0 =	vmmov vm0;
	[tilespmem:s23+$0x0] =	vst v13;
	s26 =	spop (v2sf)  }
0x2e7: {  	vm1 =	veq.s32 v18, v2;
	v13 =	vsel vm0, $0xFFFFFFFF, v8;
	v15 =	vld [tilespmem:s0+$0x0];
	s1 =	sadd.s32 s1, s26  }
0x2e8: {  	v16 =	vsel vm1, $0x1, v8;
	v13 =	vadd.s32 s1, v13  }
0x2e9: {  	(xrf0) =	vadd.scan.msk.s32 $0xffff, v16;
	v13 =	vadd.s32 v14, v13  }
0x2ea: {  	v13 =	vshll.u32 v13, $0x10  }
0x2eb: {  	vm1 =	vmmov vm1;
	v13 =	vnsel vm0, $0x0, v13  }
0x2ec: {  	vm0 =	vmmov vm1;
	v13 =	vadd.s32 v15, v13  }
0x2ed: {  	vm0 =	vmmov vm0;
	[tilespmem:s0+$0x0] =	vst v13;
	s30 =	spop (v2sf)  }
0x2ee: {  	v13 =	vsel vm0, $0xFFFFFFFF, v8;
	v14 =	vld [tilespmem:s2+$0x0];
	s0 =	sadd.s32 s1, s30  }
0x2ef: {  	v15, _, _ =	vpop (xrf0);
	v13 =	vadd.s32 s0, v13  }
0x2f0: {  	v13 =	vadd.s32 v15, v13  }
0x2f1: {  	v13 =	vshll.u32 v13, $0x10  }
0x2f2: {  	v13 =	vnsel vm0, $0x0, v13  }
0x2f3: {  	v13 =	vadd.s32 v14, v13  }
0x2f4: {  	s25 =	simm.s32 $0x0;
	[tilespmem:s2+$0x0] =	vst v13  }
0x2f5: {  	v13 =	vld [tilespmem:s25+$0x4000];
	_ =	sdelay $0x1  }
0x2f6: {  	s24 =	simm.s32 $0x80;
	(v2sf) =	vpush v15, $0xF  }
0x2f7: {  	v14 =	vld [tilespmem:s24+$0x4000];
	_ =	sdelay $0x1  }
0x2f8: {  	vm0 =	veq.s32 v13, v7  }
0x2f9: {  	v13 =	vsel vm0, $0x1, v8  }
0x2fa: {  	(xrf0) =	vadd.scan.msk.s32 $0xffff, v13  }
0x2fb: {  	vm1 =	veq.s32 v14, v7  }
0x2fc: {  	v13 =	vsel vm1, $0x1, v8  }
0x2fd: {  	(xrf0) =	vadd.scan.msk.s32 $0xffff, v13;
	_ =	sdelay $0x2  }
0x2fe: {  	s0 =	simm.s32 $0x100;
	v16, _, _ =	vpop (xrf0)  }
0x2ff: {  	v14 =	vld [tilespmem:s0+$0x4000];
	(v2sf) =	vpush v16, $0xF;
	_ =	sdelay $0x1  }
0x300: {  	v13, _, _ =	vpop (xrf0)  }
0x301: {  	s31 =	spop (v2sf);
	(v2sf) =	vpush v13, $0xF  }
0x302: {  	vm0 =	vmmov vm0  }
0x303: {  	vm0 =	vmmov vm0;
	vm3 =	veq.s32 v14, v7  }
0x304: {  	s23 =	simm.s32 $0x180;
	vm0 =	vmmov vm0;
	v17 =	vsel vm3, $0x1, v8  }
0x305: {  	s2 =	simm.s32 $0x0;
	v15 =	vsel vm0, $0xFFFFFFFF, v8;
	v14 =	vld [tilespmem:s23+$0x4000];
	(xrf0) =	vadd.scan.msk.s32 $0xffff, v17  }
0x306: {  	v18 =	vadd.s32 s2, v15;
	v15 =	vld [tilespmem:s25+$0x0]  }
0x307: {  	s28 =	simm.s32 $0xA00  }
0x308: {  	s29 =	simm.s32 $0x800;
	s21 =	simm.s32 $0x0;
	s20 =	simm.s32 $0x80;
	vm1 =	vmmov vm1  }
0x309: {  	s3 =	simm.s32 $0x100;
	s26 =	simm.s32 $0x800;
	s1 =	simm.s32 $0x180;
	vm2 =	vmmov vm1;
	vm1 =	vmmov vm3;
	v16 =	vadd.s32 v16, v18  }
.LBB2_24:
0x30a: {  	p0 =	sne.s32 s28, $0xFE00;
	vm3 =	veq.s32 v14, v7;
	v14 =	vnsel vm0, $0x0, v16;
	vm0 =	vmmov vm2  }
0x30b: {  	s30 =	sshra.s32 s29, $0x2;
	vm2 =	vmmov vm1;
	s29 =	smov.u32 s28;
	v16 =	vsel vm3, $0x1, v8;
	v17, _, _ =	vpop (xrf0);
	v15 =	vadd.s32 v15, v14  }
.Ltmp11:
0x30c: {  	vm1 =	vmmov vm3;
	v14 =	vld [tilespmem:s30+$0x4000];
	(xrf0) =	vadd.scan.msk.s32 $0xffff, v16;
	(v2sf) =	vpush v17, $0xF;
	[tilespmem:s21+$0x0] =	vst v15;
	s21 =	smov.u32 s20;
	s20 =	smov.u32 s3;
	(pc) =	sbr.rel @p0 .LBB2_24-.Ltmp11, $4  }
0x30d: {  	s3 =	smov.u32 s1;
	s1 =	smov.u32 s30;
	v15 =	vld [tilespmem:s21+$0x0];
	s31 =	spop (v2sf)  }
0x30e: {  	v16 =	vsel vm0, $0xFFFFFFFF, v8;
	s2 =	sadd.s32 s2, s31  }
0x30f: {  	v16 =	vadd.s32 s2, v16  }
0x310: {  	s28 =	sadd.s32 $0x200, s28;
	v16 =	vadd.s32 v13, v16;
	v13 =	vmov v17  }
0x311: {  	vm3 =	veq.s32 v14, v7;
	v14 =	vnsel vm0, $0x0, v16  }
0x312: {  	s28 =	sshra.s32 s29, $0x2;
	v16 =	vsel vm3, $0x1, v8;
	v17, _, _ =	vpop (xrf0);
	v14 =	vadd.s32 v15, v14  }
0x313: {  	v15 =	vld [tilespmem:s28+$0x4000];
	(xrf0) =	vadd.scan.msk.s32 $0xffff, v16;
	(v2sf) =	vpush v17, $0xF;
	[tilespmem:s21+$0x0] =	vst v14  }
0x314: {  	vm0 =	vmmov vm2;
	s31 =	spop (v2sf);
	v14 =	vld [tilespmem:s20+$0x0]  }
0x315: {  	s2 =	sadd.s32 s2, s31;
	v16 =	vsel vm0, $0xFFFFFFFF, v8  }
0x316: {  	v16 =	vadd.s32 s2, v16  }
0x317: {  	v13 =	vadd.s32 v13, v16  }
0x318: {  	v13 =	vnsel vm0, $0x0, v13  }
0x319: {  	v16, _, _ =	vpop (xrf0);
	v13 =	vadd.s32 v14, v13  }
0x31a: {  	vm0 =	vmmov vm1;
	(v2sf) =	vpush v16, $0xF;
	[tilespmem:s20+$0x0] =	vst v13  }
0x31b: {  	vm0 =	vmmov vm0;
	v13 =	vld [tilespmem:s3+$0x0];
	s21 =	spop (v2sf)  }
0x31c: {  	v14 =	vsel vm0, $0xFFFFFFFF, v8;
	s2 =	sadd.s32 s2, s21  }
0x31d: {  	v14 =	vadd.s32 s2, v14  }
0x31e: {  	v14 =	vadd.s32 v17, v14  }
0x31f: {  	v14 =	vnsel vm0, $0x0, v14  }
0x320: {  	vm0 =	vmmov vm3;
	v13 =	vadd.s32 v13, v14  }
0x321: {  	vm0 =	vmmov vm0;
	[tilespmem:s3+$0x0] =	vst v13  }
0x322: {  	vm0 =	vmmov vm0;
	v13 =	vld [tilespmem:s1+$0x0];
	s29 =	spop (v2sf)  }
0x323: {  	vm1 =	veq.s32 v15, v7;
	v14 =	vsel vm0, $0xFFFFFFFF, v8;
	s2 =	sadd.s32 s2, s29  }
0x324: {  	v15 =	vsel vm1, $0x1, v8;
	v14 =	vadd.s32 s2, v14  }
0x325: {  	(xrf0) =	vadd.scan.msk.s32 $0xffff, v15;
	v14 =	vadd.s32 v16, v14  }
0x326: {  	v14 =	vnsel vm0, $0x0, v14  }
0x327: {  	vm0 =	vmmov vm1;
	v13 =	vadd.s32 v13, v14  }
0x328: {  	vm0 =	vmmov vm0;
	[tilespmem:s1+$0x0] =	vst v13  }
0x329: {  	vm0 =	vmmov vm0;
	v13 =	vld [tilespmem:s28+$0x0];
	s30 =	spop (v2sf)  }
0x32a: {  	v14 =	vsel vm0, $0xFFFFFFFF, v8;
	s1 =	sadd.s32 s2, s30  }
0x32b: {  	v15, _, _ =	vpop (xrf0);
	v14 =	vadd.s32 s1, v14  }
0x32c: {  	v14 =	vadd.s32 v15, v14  }
0x32d: {  	v14 =	vnsel vm0, $0x0, v14  }
0x32e: {  	v13 =	vadd.s32 v13, v14  }
0x32f: {  	[tilespmem:s28+$0x0] =	vst v13  }
0x330: {  	v13 =	vld [tilespmem:s25+$0x8480];
	_ =	sdelay $0x2  }
0x331: {  	(v2sf) =	vpush v15, $0xF  }
0x332: {  	v14 =	vld [tilespmem:s24+$0x8480]  }
0x333: {  	vm0 =	veq.s32 v13, v7  }
0x334: {  	v13 =	vsel vm0, $0x1, v8  }
0x335: {  	(xrf0) =	vadd.scan.msk.s32 $0xffff, v13;
	_ =	sdelay $0x1  }
0x336: {  	vm2 =	veq.s32 v14, v7  }
0x337: {  	v13 =	vsel vm2, $0x1, v8  }
0x338: {  	(xrf0) =	vadd.scan.msk.s32 $0xffff, v13;
	_ =	sdelay $0x1  }
0x339: {  	v16, _, _ =	vpop (xrf0)  }
0x33a: {  	v14 =	vld [tilespmem:s0+$0x8480];
	(v2sf) =	vpush v16, $0xF;
	_ =	sdelay $0x2  }
0x33b: {  	vm0 =	vmmov vm0;
	v13, _, _ =	vpop (xrf0)  }
0x33c: {  	s31 =	spop (v2sf);
	vm0 =	vmmov vm0;
	(v2sf) =	vpush v13, $0xF  }
0x33d: {  	vm1 =	vmmov vm0;
	vm0 =	veq.s32 v14, v7  }
0x33e: {  	v17 =	vsel vm0, $0x1, v8  }
0x33f: {  	v15 =	vld [tilespmem:s23+$0x8480];
	s1 =	sadd.s32 s1, s31;
	v14 =	vsel vm1, $0xFFFFFFFF, v8;
	(xrf0) =	vadd.scan.msk.s32 $0xffff, v17  }
0x340: {  	v14 =	vadd.s32 s1, v14  }
0x341: {  	v16 =	vadd.s32 v16, v14;
	v14 =	vld [tilespmem:s25+$0x0]  }
0x342: {  	vm2 =	vmmov vm2  }
0x343: {  	vm3 =	vmmov vm2  }
0x344: {  	s2 =	simm.s32 $0xA00;
	vm2 =	veq.s32 v15, v7;
	vm0 =	vmmov vm0;
	v15 =	vshll.u32 v16, $0x10  }
.LBB2_26:
0x345: {  	p0 =	sne.s32 s2, $0xFE00;
	s3 =	sshra.s32 s26, $0x2;
	v16 =	vsel vm2, $0x1, v8;
	v17, _, _ =	vpop (xrf0);
	v15 =	vnsel vm1, $0x0, v15;
	vm1 =	vmmov vm3;
	s26 =	smov.u32 s2  }
0x346: {  	vm3 =	vmmov vm0;
	v18 =	vld [tilespmem:s3+$0x8480];
	(xrf0) =	vadd.scan.msk.s32 $0xffff, v16;
	(v2sf) =	vpush v17, $0xF;
	v14 =	vadd.s32 v14, v15  }
.Ltmp12:
0x347: {  	vm0 =	vmmov vm2;
	[tilespmem:s25+$0x0] =	vst v14;
	s20 =	spop (v2sf);
	s25 =	smov.u32 s24;
	(pc) =	sbr.rel @p0 .LBB2_26-.Ltmp12, $4  }
0x348: {  	v15 =	vsel vm1, $0xFFFFFFFF, v8;
	s24 =	smov.u32 s0;
	s0 =	smov.u32 s23;
	v14 =	vld [tilespmem:s25+$0x0];
	s1 =	sadd.s32 s1, s20  }
0x349: {  	s23 =	smov.u32 s3;
	v15 =	vadd.s32 s1, v15  }
0x34a: {  	v15 =	vadd.s32 v13, v15;
	v13 =	vmov v17  }
0x34b: {  	s2 =	sadd.s32 $0x200, s2;
	vm2 =	veq.s32 v18, v7;
	v15 =	vshll.u32 v15, $0x10  }
0x34c: {  	s2 =	sshra.s32 s26, $0x2;
	v16 =	vsel vm2, $0x1, v8;
	v17, _, _ =	vpop (xrf0);
	v15 =	vnsel vm1, $0x0, v15  }
0x34d: {  	v18 =	vld [tilespmem:s2+$0x8480];
	(xrf0) =	vadd.scan.msk.s32 $0xffff, v16;
	(v2sf) =	vpush v17, $0xF;
	v14 =	vadd.s32 v14, v15  }
0x34e: {  	vm3 =	vmmov vm3;
	s3 =	spop (v2sf);
	[tilespmem:s25+$0x0] =	vst v14  }
0x34f: {  	s1 =	sadd.s32 s1, s3;
	v14 =	vsel vm3, $0xFFFFFFFF, v8;
	v15 =	vld [tilespmem:s24+$0x0]  }
0x350: {  	v14 =	vadd.s32 s1, v14  }
0x351: {  	v13 =	vadd.s32 v13, v14  }
0x352: {  	v13 =	vshll.u32 v13, $0x10;
	vm12 =	veq.s32 v18, v7  }
0x353: {  	v13 =	vnsel vm3, $0x0, v13;
	v14 =	vsel vm12, $0x1, v8;
	v16, _, _ =	vpop (xrf0)  }
0x354: {  	vm0 =	vmmov vm0;
	(xrf0) =	vadd.scan.msk.s32 $0xffff, v14;
	(v2sf) =	vpush v16, $0xF;
	v13 =	vadd.s32 v15, v13  }
0x355: {  	vm0 =	vmmov vm0;
	[tilespmem:s24+$0x0] =	vst v13;
	s28 =	spop (v2sf)  }
0x356: {  	v13 =	vsel vm0, $0xFFFFFFFF, v8;
	v14 =	vld [tilespmem:s0+$0x0];
	s1 =	sadd.s32 s1, s28  }
0x357: {  	v13 =	vadd.s32 s1, v13  }
0x358: {  	v13 =	vadd.s32 v17, v13  }
0x359: {  	v13 =	vshll.u32 v13, $0x10  }
0x35a: {  	vm13 =	vmmov vm2;
	v15, _, _ =	vpop (xrf0);
	v13 =	vnsel vm0, $0x0, v13  }
0x35b: {  	vm14 =	vmmov vm13;
	(v2sf) =	vpush v15, $0xF;
	v13 =	vadd.s32 v14, v13  }
0x35c: {  	vm0 =	vmmov vm14;
	[tilespmem:s0+$0x0] =	vst v13;
	s29 =	spop (v2sf)  }
0x35d: {  	v13 =	vsel vm0, $0xFFFFFFFF, v8;
	v14 =	vld [tilespmem:s23+$0x0];
	s0 =	sadd.s32 s1, s29  }
0x35e: {  	v13 =	vadd.s32 s0, v13  }
0x35f: {  	v13 =	vadd.s32 v16, v13  }
0x360: {  	v13 =	vshll.u32 v13, $0x10  }
0x361: {  	vm1 =	vmmov vm12;
	v13 =	vnsel vm0, $0x0, v13  }
0x362: {  	vm15 =	vmmov vm1;
	v13 =	vadd.s32 v14, v13  }
0x363: {  	vm0 =	vmmov vm15;
	[tilespmem:s23+$0x0] =	vst v13;
	s30 =	spop (v2sf)  }
0x364: {  	v13 =	vsel vm0, $0xFFFFFFFF, v8;
	v14 =	vld [tilespmem:s2+$0x0];
	s0 =	sadd.s32 s0, s30  }
0x365: {  	v13 =	vadd.s32 s0, v13  }
0x366: {  	v13 =	vadd.s32 v15, v13  }
0x367: {  	v13 =	vshll.u32 v13, $0x10  }
0x368: {  	v13 =	vnsel vm0, $0x0, v13  }
0x369: {  	v13 =	vadd.s32 v14, v13  }
0x36a: {  	[tilespmem:s2+$0x0] =	vst v13;
	s31 =	spop (v2sf)  }
0x36b: {  	[hbm4b:s14+s4] =	stream.linear.scatter [tilespmem:s4], [sflag:$0x1], $0x4000, $0x38;
	[tilespmem:$0xED80] =	vst v63  }
0x36c: {  	_ =	swait.ge [sflag:s16], $0x4000  }
0x36d: {  	[sflag:s16] =	ssyncset.done $0x0  }
0x36e: {  	[sflag:s16] =	ssyncadd.s32 $0xFFFFC000  }
0x36f: {  	[hbm4b:s10+s4] =	stream.linear.scatter [tilespmem:s17], [sflag:$0x1], $0x400, $0x38;
	[tilespmem:$0xED80] =	vst v63  }
0x370: {  	_ =	swait.ge [sflag:s16], $0x400  }
0x371: {  	[sflag:s16] =	ssyncset.done $0x0  }
0x372: {  	[sflag:s16] =	ssyncadd.s32 $0xFFFFFC00  }
0x373: {  	[hbm4b:s11+s4] =	stream.linear.scatter [tilespmem:s18], [sflag:$0x1], $0x400, $0x38;
	[tilespmem:$0xED80] =	vst v63  }
0x374: {  	s22 =	sadd.s32 $0x1, s22;
	_ =	swait.ge [sflag:s16], $0x400  }
0x375: {  	p0 =	sne.s32 s22, s15;
	[sflag:s16] =	ssyncset.done $0x0  }
.Ltmp13:
0x376: {  	[sflag:s16] =	ssyncadd.s32 $0xFFFFFC00;
	(pc) =	sbr.rel @p0 .LBB2_1-.Ltmp13, $4  }
0x377: {  	[hbm4b:s12+s4] =	stream.linear.scatter [tilespmem:s19], [sflag:$0x1], $0x400, $0x38;
	[tilespmem:$0xED80] =	vst v63  }
0x378: {  	_ =	swait.ge [sflag:s16], $0x400  }
0x379: {  	[sflag:s16] =	ssyncset.done $0x0  }
0x37a: {  	[sflag:s16] =	ssyncadd.s32 $0xFFFFFC00  }
0x37b: {  	_ =	sfence.sel $0x180000  }
0x37c: {  	[bflag:$0x0] =	sbarrier.arrive $0xFFFF  }
0x37d: {  	_ =	strace $0x90000047  }
0x37e: {  	s0 =	stileid.u32;
	[bflag:$0x2] =	sbarrier.arrive $0xFFFF  }
0x37f: {  	p0 =	sne.s32 s0, $0x0;
	s0 =	rddreg [dreg:$0x6]  }
0x380: {  	s0 =	sadd.s32 @!p0 $0x100000, s0  }
0x381: {  	[sflag:s0] =	ssyncadd.tile.s32 @!p0 $0x1;
	_ =	shalt  }
.Lfunc_end2:
_tile_overlayer_lowered:
.L_overlay_start_2:
0x382: {  	(tag) =	ssettag $0x2  }
0x383: {  	s0 =	rddreg [dreg:$0x0];
	s2 =	stileid.u32  }
0x384: {  	s1 =	rddreg [dreg:$0x1];
	p0 =	sne.s32 s2, $0x0  }
0x385: {  	s3 =	rddreg [dreg:$0x2];
	[bflag:$0x3] =	sbarrier.arrive $0xFFFF;
	s2 =	simm.s32 @!p0 $0x1C01  }
0x386: {  	[timem:s3], [sflag:s2] =	dma.local @!p0 [hbm:s0], s1  }
0x387: {  	s0 =	simm.s32 @!p0 $0x1  }
0x388: {  	_ =	swait.ge @!p0 [sflag:s0], s1  }
0x389: {  	s1 =	ssub.s32 @!p0 $0x0, s1;
	[sflag:s0] =	ssyncset.done @!p0 $0x0  }
0x38a: {  	[sflag:s0] =	ssyncadd.s32 @!p0 s1  }
0x38b: {  	[bflag:$0x3] =	sbarrier.arrive $0xFFFF  }
0x38c: {  	_ =	shalt  }

// kernel: kernel.8.cloned.1.call-start
scs
__scs_entry_jumppad:
0x0: {  	(pc) =	sbr.rel $0x88, $3  }
0x1: {  	(tag) =	ssettag $0x0;
	lr =	simm.s32 $0x1  }
0x2: {  	[smem:$0x3FA0] =	sst lr;
	_ =	strace $0xD0000000  }
0x3: {  	_ = 	snop  }
0x4: {  	_ = 	snop  }
0x5: {  	_ = 	snop  }
0x6: {  	_ = 	snop  }
0x7: {  	_ = 	snop  }
__scs_overlays_trampoline_lowered:
0x8: {  	[smem:$0x3FAF] =	sst s0  }
0x9: {  	[smem:$0x3FB0] =	sst s1  }
0xa: {  	[smem:$0x3FB1] =	sst s2  }
0xb: {  	[smem:$0x3FB2] =	sst s3  }
0xc: {  	[smem:$0x3FB3] =	sst s4  }
0xd: {  	[smem:$0x3FB4] =	sst s5  }
0xe: {  	[smem:$0x3FB5] =	sst s6  }
0xf: {  	[smem:$0x3FB6] =	sst s7  }
0x10: {  	[smem:$0x3FB7] =	sst s8  }
0x11: {  	[smem:$0x3FB8] =	sst s9;
	s0 =	simm.s32 @!p0 $0x0  }
0x12: {  	s1 =	sld [smem:$0x3F9E];
	s0 =	simm.s32 @p0 $0x1  }
0x13: {  	[smem:$0x3FB9] =	sst s0;
	s0 =	simm.s32 @!p1 $0x0  }
0x14: {  	s2 =	sld [smem:$0x3F9D];
	s0 =	simm.s32 @p1 $0x1  }
0x15: {  	[smem:$0x3FBA] =	sst s0;
	s0 =	simm.s32 @!p2 $0x0  }
0x16: {  	s3 =	sld [smem:$0x3FDB];
	s0 =	simm.s32 @p2 $0x1  }
0x17: {  	s4 =	simm.s32 $0x1BF5;
	[smem:$0x3FBC] =	sst s0  }
0x18: {  	s0 =	sld [smem:$0x3F9F];
	_ =	swait.ge [sflag:s4], $0x0  }
0x19: {  	s7 =	sld [smem:$0x3FA0]  }
0x1a: {  	s8 =	sadd.s32 $0xFFFFE003, lr  }
0x1b: {  	s9 =	sadd.s32 $0xFFFFFEF7, lr;
	s5 =	simm.s32 $0xFFFFFFFF;
	p2 =	slt.u32 s8, $0xFFFFF086  }
0x1c: {  	p1 =	slt.u32 s9, $0xF7A;
	s5 =	simm.s32 @!p2 $0x0  }
0x1d: {  	s5 =	simm.s32 @p1 $0x1;
	p0 =	seq.s32 s7, s2  }
0x1e: {  	s7 =	smul.u32 @!p0 $0xF7A, s2;
	p2 =	seq.s32 @!p0 s5, $0x0  }
0x1f: {  	s9 =	smul.u32 $0xF7A, s1;
	s8 =	simm.s32 @!p0 $0x1BF5;
	p2 =	por !p2, p0  }
0x20: {  	[sflag:s8] =	ssyncset.s32 @!p0 $0xFFFFF086;
	s6 =	sadd.s32 @!p0 s3, s7;
	s7 =	simm.s32 @!p0 $0x108  }
0x21: {  	s3 =	sadd.s32 s3, s9;
	s6 =	sadd.s32 @!p0 $0x88, s6;
	s7 =	simm.s32 @p2 $0x1082  }
0x22: {  	[simem:s7], [sflag:s8] =	dma.local @!p0 [hbm:s6], $0xF7A  }
0x23: {  	s9 =	sor.u32 $0xD0000000, s2;
	s6 =	simm.s32 $0x108;
	_ =	swait.ge @!p0 [sflag:s8], $0x0  }
0x24: {  	s3 =	sadd.s32 $0x88, s3;
	s6 =	simm.s32 @!p1 $0x1082;
	[sflag:s4] =	ssyncset.s32 $0xFFFFF086  }
0x25: {  	[simem:s6], [sflag:s4] =	dma.local [hbm:s3], $0xF7A  }
0x26: {  	[smem:$0x3FA0] =	sst s1;
	(tag) =	ssettag s2;
	_ =	strace s9  }
0x27: {  	s1 =	sld [smem:$0x3FB0]  }
0x28: {  	s2 =	sld [smem:$0x3FB1]  }
0x29: {  	s4 =	sld [smem:$0x3FB3]  }
0x2a: {  	p0 =	seq.s32 s5, $0x0;
	s5 =	sld [smem:$0x3FB4]  }
0x2b: {  	s6 =	sld [smem:$0x3FB5]  }
0x2c: {  	s7 =	sld [smem:$0x3FB6]  }
0x2d: {  	s3 =	simm.s32 $0x108;
	s8 =	sld [smem:$0x3FB7]  }
0x2e: {  	s3 =	simm.s32 @!p0 $0x1082;
	s9 =	sld [smem:$0x3FB8]  }
0x2f: {  	lr =	sadd.s32 s0, s3;
	s0 =	sld [smem:$0x3FAF]  }
0x30: {  	s3 =	sld [smem:$0x3FB2]  }
0x31: {  	[smem:$0x3FBB] =	sst s10  }
0x32: {  	s10 =	sld [smem:$0x3FB9];
	_ =	sdelay $0x3  }
0x33: {  	p0 =	seq.s32 s10, $0x1;
	s10 =	sld [smem:$0x3FBB];
	_ =	sdelay $0x3  }
0x34: {  	[smem:$0x3FBB] =	sst s10  }
0x35: {  	s10 =	sld [smem:$0x3FBA];
	_ =	sdelay $0x3  }
0x36: {  	p1 =	seq.s32 s10, $0x1;
	s10 =	sld [smem:$0x3FBB];
	_ =	sdelay $0x3  }
0x37: {  	[smem:$0x3FBB] =	sst s10  }
0x38: {  	s10 =	sld [smem:$0x3FBC]  }
0x39: {  	_ = 	snop;
	(pc) =	sbr.ind lr, $3  }
0x3a: {  	_ = 	snop  }
0x3b: {  	_ = 	snop  }
0x3c: {  	p2 =	seq.s32 s10, $0x1;
	s10 =	sld [smem:$0x3FBB]  }
0x3d: {  	_ =	shalt  }
0x3e: {  	_ =	shalt  }
0x3f: {  	_ =	shalt  }
0x40: {  	_ =	shalt  }
0x41: {  	_ =	shalt  }
0x42: {  	_ =	shalt  }
0x43: {  	_ =	shalt  }
0x44: {  	_ =	shalt  }
0x45: {  	_ =	shalt  }
0x46: {  	_ =	shalt  }
0x47: {  	_ =	shalt  }
0x48: {  	_ =	shalt  }
0x49: {  	_ =	shalt  }
0x4a: {  	_ =	shalt  }
0x4b: {  	_ =	shalt  }
0x4c: {  	_ =	shalt  }
0x4d: {  	_ =	shalt  }
0x4e: {  	_ =	shalt  }
0x4f: {  	_ =	shalt  }
0x50: {  	_ =	shalt  }
0x51: {  	_ =	shalt  }
0x52: {  	_ =	shalt  }
0x53: {  	_ =	shalt  }
0x54: {  	_ =	shalt  }
0x55: {  	_ =	shalt  }
0x56: {  	_ =	shalt  }
0x57: {  	_ =	shalt  }
0x58: {  	_ =	shalt  }
0x59: {  	_ =	shalt  }
0x5a: {  	_ =	shalt  }
0x5b: {  	_ =	shalt  }
0x5c: {  	_ =	shalt  }
0x5d: {  	_ =	shalt  }
0x5e: {  	_ =	shalt  }
0x5f: {  	_ =	shalt  }
0x60: {  	_ =	shalt  }
0x61: {  	_ =	shalt  }
0x62: {  	_ =	shalt  }
0x63: {  	_ =	shalt  }
0x64: {  	_ =	shalt  }
0x65: {  	_ =	shalt  }
0x66: {  	_ =	shalt  }
0x67: {  	_ =	shalt  }
0x68: {  	_ =	shalt  }
0x69: {  	_ =	shalt  }
0x6a: {  	_ =	shalt  }
0x6b: {  	_ =	shalt  }
0x6c: {  	_ =	shalt  }
0x6d: {  	_ =	shalt  }
0x6e: {  	_ =	shalt  }
0x6f: {  	_ =	shalt  }
0x70: {  	_ =	shalt  }
0x71: {  	_ =	shalt  }
0x72: {  	_ =	shalt  }
0x73: {  	_ =	shalt  }
0x74: {  	_ =	shalt  }
0x75: {  	_ =	shalt  }
0x76: {  	_ =	shalt  }
0x77: {  	_ =	shalt  }
0x78: {  	_ =	shalt  }
0x79: {  	_ =	shalt  }
0x7a: {  	_ =	shalt  }
0x7b: {  	_ =	shalt  }
0x7c: {  	_ =	shalt  }
0x7d: {  	_ =	shalt  }
0x7e: {  	_ =	shalt  }
0x7f: {  	_ =	shalt  }
0x80: {  	_ =	shalt  }
0x81: {  	_ =	shalt  }
0x82: {  	_ =	shalt  }
0x83: {  	_ =	shalt  }
0x84: {  	_ =	shalt  }
0x85: {  	_ =	shalt  }
0x86: {  	_ =	shalt  }
0x87: {  	_ =	shalt  }
.Lfunc_end0:
.L_simem_size_0:
called_computation.1_lowered:
.L_overlay_start_0:
0x88: {  	s2 =	sld [smem:$0x3FD9]  }
0x89: {  	s3 =	sld [smem:$0x3FFE];
	_ =	sdelay $0x1  }
0x8a: {  	s1 =	srdreg.scid  }
0x8b: {  	s0 =	sand.u32 $0x1, s1  }
0x8c: {  	s14 =	sshll.u32 s0, $0xA;
	s2 =	sadd.s32 s3, s2  }
0x8d: {  	s2 =	sadd.s32 s2, s14  }
0x8e: {  	[smem:$0x3FC7] =	sst s2  }
0x8f: {  	_ = 	snop  }
0x90: {  	s2 =	sld [smem:$0x3FD0];
	_ =	sdelay $0x2  }
0x91: {  	s15 =	simm.s32 $0xA;
	s4 =	simm.s32 $0x10  }
0x92: {  	[smem:s4], [sflag:s15] =	dma.local [hbm:s2], $0x1  }
0x93: {  	_ =	swait.eq [sflag:s15], $0x1  }
0x94: {  	[sflag:s15] =	ssyncset.done $0x0  }
0x95: {  	[sflag:s15] =	ssyncadd.s32 $0xFFFFFFFF  }
0x96: {  	s16 =	sld [smem:$0x10];
	(tm) =	ssettm $0x1  }
0x97: {  	s17 =	sld [smem:$0x3FFB];
	_ =	sdelay $0x3  }
0x98: {  	_ =	strace s17  }
0x99: {  	s3 =	sld [smem:$0x3FFC];
	_ =	sdelay $0x3  }
0x9a: {  	_ =	strace s3  }
0x9b: {  	s3 =	sld [smem:$0x3FFD];
	_ =	sdelay $0x3  }
0x9c: {  	_ =	strace s3  }
0x9d: {  	_ =	strace $0x8FFFFFFF  }
0x9e: {  	s18 =	sld [smem:$0x3FDB];
	_ =	sdelay $0x1  }
0x9f: {  	s19 =	simm.s32 $_scs_section_size  }
0xa0: {  	s5 =	simm.s32 $_size__tile_overlayer_lowered;
	s6 =	simm.s32 $_tile_overlayer_lowered  }
0xa1: {  	s22 =	simm.s32 $0x1BFF;
	s21 =	sshll.u32 s6, $0x1;
	s3 =	sadd.s32 s19, s18  }
0xa2: {  	s7 =	simm.s32 $0x0;
	s20 =	sshll.u32 s5, $0x1;
	s5 =	sadd.s32 s21, s3  }
0xa3: {  	[timem:s7], [sflag:s22] =	dma.local [hbm:s5], s20  }
0xa4: {  	_ =	swait.ge [sflag:s22], s20  }
0xa5: {  	s4 =	ssub.s32 $0x0, s20;
	[sflag:s22] =	ssyncset.done $0x0  }
0xa6: {  	[sflag:s22] =	ssyncadd.s32 s4;
	_ =	sdelay $0x1  }
0xa7: {  	s23 =	simm.s32 $0x1B8B  }
0xa8: {  	_ =	swait.ge [sflag:s23], $0x1  }
0xa9: {  	[sflag:s23] =	ssyncset.done $0x0  }
0xaa: {  	s25 =	simm.s32 $0x1B8E;
	s24 =	sld [smem:$0x3FFE];
	[sflag:s23] =	ssyncadd.s32 $0xFFFFFFFF  }
0xab: {  	s26 =	simm.s32 $execute0_lowered;
	[smem:$0x3FD2] =	sst s25  }
0xac: {  	s5 =	sshll.u32 s26, $0x1;
	_ =	strace $0x80000049;
	[dreg:$0x1] =	wrdreg $0xFFFFFFFF  }
0xad: {  	s28 =	simm.s32 $_size_execute0_lowered;
	s3 =	sadd.s32 s3, s5;
	[dreg:$0x0] =	wrdreg $0x0  }
0xae: {  	s5 =	sshll.u32 s28, $0x1;
	[dreg:$0x2] =	wrdreg s3  }
0xaf: {  	[dreg:$0x3] =	wrdreg s5  }
0xb0: {  	[dreg:$0x4] =	wrdreg $0xC0  }
0xb1: {  	_ =	task [dreg:s7], $0x5FFFF  }
0xb2: {  	[dreg:$0x1] =	wrdreg $0xFFFFFFFF  }
0xb3: {  	[dreg:$0x0] =	wrdreg $0x60  }
0xb4: {  	[dreg:$0x2] =	wrdreg s16  }
0xb5: {  	[dreg:$0x3] =	wrdreg s24  }
0xb6: {  	[dreg:$0x4] =	wrdreg $0x9  }
0xb7: {  	_ =	task.clear_ibuf [dreg:s7], $0x5FFFF;
	_ =	strace $0x90000049  }
0xb8: {  	s29 =	simm.s32 $0x9;
	_ =	strace $0x8000004B  }
0xb9: {  	_ =	swait.ge [sflag:s29], $0x1  }
0xba: {  	[sflag:s29] =	ssyncadd.s32 $0xFFFFFFFF  }
0xbb: {  	_ =	strace $0x9000004B  }
0xbc: {  	_ =	sfence  }
0xbd: {  	s30 =	sld [smem:$0x0];
	_ =	sdelay $0x2  }
0xbe: {  	s31 =	sshll.u32 s1, $0xD;
	s1 =	sshrl.u32 s1, $0x2  }
0xbf: {  	s3 =	sand.u32 $0x4000, s31;
	s1 =	sadd.s32 s1, s30  }
0xc0: {  	s0 =	sor.u32 s3, s0;
	s1 =	sshll.u32 s1, $0x11  }
0xc1: {  	s0 =	sor.u32 s1, s0  }
0xc2: {  	s0 =	sadd.s32 $0x8F2B, s0  }
0xc3: {  	[sflag:s0] =	ssyncadd.remote.s32 $0x1  }
0xc4: {  	_ =	sfence.sel $0xFFFF  }
0xc5: {  	[dreg:$0x0] =	wrdreg $0xFFFFFFFF;
	(pc) =	sbr.abs _section_cstart, $3  }
0xc6: {  	[dreg:$0x1] =	wrdreg $0xFFFFFFFF  }
0xc7: {  	_ =	task.clear_ibuf [dreg:s7], $0x2FFFF;
	_ =	strace $0x9FFFFFFF  }
0xc8: {  	(tm) =	ssettm $0x7FFFFFFF  }
0xc9: {  	_ =	shalt  }
tec
execute0_lowered:
.L_overlay_start_1:
0x0: {  	(tag) =	ssettag $0x1  }
0x1: {  	s1 =	srdreg.scid  }
0x2: {  	s0 =	stileid.u32;
	s4 =	sand.u32 $0x1, s1  }
0x3: {  	s3 =	simm.s32 $0x1;
	s1 =	sor.u32 s4, s0  }
0x4: {  	s5 =	rddreg [dreg:$0x1];
	p1 =	seq.s32 s4, $0x1;
	p0 =	seq.s32 s1, $0x0  }
0x5: {  	s2 =	simm.s32 $0x0;
	s28 =	simm.s32 $0x3800;
	p0 =	por !p0, !p1  }
0x6: {  	s29 =	simm.s32 $0x3C00;
	s30 =	simm.s32 $0x4000;
	p0 =	por !p0, !p0  }
0x7: {  	s31 =	simm.s32 $0x2;
	[smem:$0x7FF] =	sst s2;
	s3 =	simm.s32 @!p0 $0x0  }
0x8: {  	s4 =	ssub.s32 $0x2, s4;
	s1 =	rddreg [dreg:$0x0];
	s6 =	ssub.s32 s0, s3  }
0x9: {  	_ =	strace $0x8000004A;
	s7 =	sshll.u32 s6, $0x7;
	s8 =	sshll.u32 s6, $0xA  }
0xa: {  	s3 =	simm.s32 $0x1;
	s7 =	sand.u32 $0x1FFFFF80, s7;
	s23 =	sadd.s32 $0x4000, s8  }
0xb: {  	s25 =	sadd.s32 $0x8000, s8;
	s9 =	sadd.s32 $0xC000, s8;
	s11 =	sadd.s32 $0x14000, s8  }
0xc: {  	s13 =	sadd.s32 $0x18000, s8;
	s17 =	sadd.s32 $0x1C000, s8;
	s19 =	sadd.s32 $0x20000, s8  }
0xd: {  	s20 =	sadd.s32 $0x24000, s8;
	s12 =	sadd.s32 s7, s5;
	s5 =	sshrl.u32 s4, $0x1  }
0xe: {  	s22 =	sadd.s32 s1, s7;
	s24 =	sshrl.u32 s23, $0x3;
	s7 =	sshrl.u32 s25, $0x3  }
0xf: {  	s0 =	sshrl.u32 s9, $0x3;
	s9 =	sadd.s32 $0x10000, s8;
	s15 =	sshrl.u32 s13, $0x3  }
0x10: {  	s18 =	sshrl.u32 s17, $0x3;
	s23 =	sadd.s32 $0x28000, s8;
	s25 =	sadd.s32 $0x30000, s8  }
0x11: {  	s17 =	simm.s32 $0x1000;
	[dreg:$0x3] =	wrdreg s22;
	s6 =	sadd.s32 s1, s24  }
0x12: {  	s26 =	sadd.s32 s1, s7;
	s7 =	sadd.s32 s1, s0;
	s10 =	sshrl.u32 s9, $0x3  }
0x13: {  	s16 =	sadd.s32 s1, s15;
	s22 =	sshrl.u32 s20, $0x3;
	s13 =	ssub.s32 s4, s5  }
0x14: {  	s24 =	sadd.s32 $0x2C000, s8;
	s5 =	sshrl.u32 s23, $0x3;
	[dreg:$0x4] =	wrdreg s6  }
0x15: {  	s20 =	simm.s32 $0x1C00;
	s23 =	simm.s32 $0x2800;
	[dreg:$0x5] =	wrdreg s26  }
0x16: {  	[dreg:$0x6] =	wrdreg s7;
	s6 =	sadd.s32 s1, s10;
	s7 =	sshrl.u32 s11, $0x3  }
0x17: {  	[dreg:$0x9] =	wrdreg s16;
	s4 =	sadd.s32 s1, s22;
	s5 =	sadd.s32 s1, s5  }
0x18: {  	s26 =	sadd.s32 $0x34000, s8;
	s10 =	sadd.s32 $0x38000, s8;
	s8 =	sadd.s32 $0x3C000, s8  }
0x19: {  	s13 =	smax.u32 s13, $0x1;
	s16 =	simm.s32 $0xC00;
	s22 =	simm.s32 $0x2400  }
0x1a: {  	[dreg:$0x7] =	wrdreg s6;
	s14 =	sadd.s32 s1, s7;
	s6 =	sadd.s32 s1, s18  }
0x1b: {  	s7 =	sshrl.u32 s19, $0x3;
	s9 =	sshrl.u32 s26, $0x3;
	s10 =	sshrl.u32 s10, $0x3  }
0x1c: {  	s11 =	sshrl.u32 s8, $0x3;
	s18 =	simm.s32 $0x1400;
	[dreg:$0x8] =	wrdreg s14  }
0x1d: {  	s19 =	simm.s32 $0x1800;
	s26 =	simm.s32 $0x3400;
	[dreg:$0xa] =	wrdreg s6  }
0x1e: {  	s21 =	sadd.s32 s1, s7;
	s6 =	sshrl.u32 s24, $0x3;
	s7 =	sshrl.u32 s25, $0x3  }
0x1f: {  	s8 =	sadd.s32 s1, s9;
	s9 =	sadd.s32 s1, s10;
	s10 =	sadd.s32 s1, s11  }
0x20: {  	s11 =	sadd.s32 $0x1400, s12;
	s12 =	sadd.s32 $0x2C00, s12;
	s24 =	simm.s32 $0x2C00  }
0x21: {  	s25 =	simm.s32 $0x3000;
	[dreg:$0xb] =	wrdreg s21;
	s6 =	sadd.s32 s1, s6  }
0x22: {  	s7 =	sadd.s32 s1, s7;
	s21 =	simm.s32 $0x2000;
	s1 =	simm.s32 $0x4400  }
.LBB2_1:
0x23: {  	s0 =	rddreg [dreg:$0x3]  }
0x24: {  	[tilespmem:s2], [sflag:$0x1] =	stream.linear.gather [hbm4b:s0+s2], $0x400, $0x38;
	[tilespmem:$0x4800] =	vst v63  }
0x25: {  	s14 =	rddreg [dreg:$0x4];
	s15 =	simm.s32 $0x400  }
0x26: {  	[tilespmem:s15], [sflag:$0x1] =	stream.linear.gather [hbm4b:s14+s2], $0x400, $0x38;
	[tilespmem:$0x4800] =	vst v63  }
0x27: {  	s0 =	rddreg [dreg:$0x5];
	s15 =	simm.s32 $0x800  }
0x28: {  	[tilespmem:s15], [sflag:$0x1] =	stream.linear.gather [hbm4b:s0+s2], $0x400, $0x38;
	[tilespmem:$0x4800] =	vst v63  }
0x29: {  	s14 =	rddreg [dreg:$0x6]  }
0x2a: {  	[tilespmem:s16], [sflag:$0x1] =	stream.linear.gather [hbm4b:s14+s2], $0x400, $0x38;
	[tilespmem:$0x4800] =	vst v63  }
0x2b: {  	s0 =	rddreg [dreg:$0x7]  }
0x2c: {  	[tilespmem:s17], [sflag:$0x1] =	stream.linear.gather [hbm4b:s0+s2], $0x400, $0x38;
	[tilespmem:$0x4800] =	vst v63  }
0x2d: {  	s15 =	rddreg [dreg:$0x8]  }
0x2e: {  	[tilespmem:s18], [sflag:$0x1] =	stream.linear.gather [hbm4b:s15+s2], $0x400, $0x38;
	[tilespmem:$0x4800] =	vst v63  }
0x2f: {  	s0 =	rddreg [dreg:$0x9]  }
0x30: {  	[tilespmem:s19], [sflag:$0x1] =	stream.linear.gather [hbm4b:s0+s2], $0x400, $0x38;
	[tilespmem:$0x4800] =	vst v63  }
0x31: {  	s15 =	rddreg [dreg:$0xa]  }
0x32: {  	[tilespmem:s20], [sflag:$0x1] =	stream.linear.gather [hbm4b:s15+s2], $0x400, $0x38;
	[tilespmem:$0x4800] =	vst v63  }
0x33: {  	_ =	swait.ge [sflag:s3], $0x400  }
0x34: {  	[sflag:s3] =	ssyncset.done $0x0  }
0x35: {  	[sflag:s3] =	ssyncadd.s32 $0xFFFFFC00  }
0x36: {  	_ =	swait.ge [sflag:s3], $0x400  }
0x37: {  	[sflag:s3] =	ssyncset.done $0x0  }
0x38: {  	[sflag:s3] =	ssyncadd.s32 $0xFFFFFC00  }
0x39: {  	_ =	swait.ge [sflag:s3], $0x400  }
0x3a: {  	[sflag:s3] =	ssyncset.done $0x0  }
0x3b: {  	[sflag:s3] =	ssyncadd.s32 $0xFFFFFC00  }
0x3c: {  	_ =	swait.ge [sflag:s3], $0x400  }
0x3d: {  	[sflag:s3] =	ssyncset.done $0x0  }
0x3e: {  	[sflag:s3] =	ssyncadd.s32 $0xFFFFFC00  }
0x3f: {  	_ =	swait.ge [sflag:s3], $0x400  }
0x40: {  	[sflag:s3] =	ssyncset.done $0x0  }
0x41: {  	[sflag:s3] =	ssyncadd.s32 $0xFFFFFC00  }
0x42: {  	_ =	swait.ge [sflag:s3], $0x400  }
0x43: {  	[sflag:s3] =	ssyncset.done $0x0  }
0x44: {  	[sflag:s3] =	ssyncadd.s32 $0xFFFFFC00  }
0x45: {  	_ =	swait.ge [sflag:s3], $0x400  }
0x46: {  	[sflag:s3] =	ssyncset.done $0x0  }
0x47: {  	[sflag:s3] =	ssyncadd.s32 $0xFFFFFC00  }
0x48: {  	_ =	swait.ge [sflag:s3], $0x400  }
0x49: {  	[sflag:s3] =	ssyncset.done $0x0  }
0x4a: {  	s15 =	rddreg [dreg:$0xb];
	[sflag:s3] =	ssyncadd.s32 $0xFFFFFC00  }
0x4b: {  	[tilespmem:s21], [sflag:$0x1] =	stream.linear.gather [hbm4b:s15+s2], $0x400, $0x38;
	[tilespmem:$0x4800] =	vst v63  }
0x4c: {  	_ = 	snop  }
0x4d: {  	[tilespmem:s22], [sflag:$0x1] =	stream.linear.gather [hbm4b:s4+s2], $0x400, $0x38;
	[tilespmem:$0x4800] =	vst v63  }
0x4e: {  	_ = 	snop  }
0x4f: {  	[tilespmem:s23], [sflag:$0x1] =	stream.linear.gather [hbm4b:s5+s2], $0x400, $0x38;
	[tilespmem:$0x4800] =	vst v63  }
0x50: {  	_ = 	snop  }
0x51: {  	[tilespmem:s24], [sflag:$0x1] =	stream.linear.gather [hbm4b:s6+s2], $0x400, $0x38;
	[tilespmem:$0x4800] =	vst v63  }
0x52: {  	_ = 	snop  }
0x53: {  	[tilespmem:s25], [sflag:$0x1] =	stream.linear.gather [hbm4b:s7+s2], $0x400, $0x38;
	[tilespmem:$0x4800] =	vst v63  }
0x54: {  	_ = 	snop  }
0x55: {  	[tilespmem:s26], [sflag:$0x1] =	stream.linear.gather [hbm4b:s8+s2], $0x400, $0x38;
	[tilespmem:$0x4800] =	vst v63  }
0x56: {  	_ = 	snop  }
0x57: {  	[tilespmem:s28], [sflag:$0x1] =	stream.linear.gather [hbm4b:s9+s2], $0x400, $0x38;
	[tilespmem:$0x4800] =	vst v63  }
0x58: {  	_ = 	snop  }
0x59: {  	[tilespmem:s29], [sflag:$0x1] =	stream.linear.gather [hbm4b:s10+s2], $0x400, $0x38;
	[tilespmem:$0x4800] =	vst v63  }
0x5a: {  	_ =	swait.ge [sflag:s3], $0x400  }
0x5b: {  	[sflag:s3] =	ssyncset.done $0x0  }
0x5c: {  	[sflag:s3] =	ssyncadd.s32 $0xFFFFFC00  }
0x5d: {  	_ =	swait.ge [sflag:s3], $0x400  }
0x5e: {  	[sflag:s3] =	ssyncset.done $0x0  }
0x5f: {  	[sflag:s3] =	ssyncadd.s32 $0xFFFFFC00  }
0x60: {  	_ =	swait.ge [sflag:s3], $0x400  }
0x61: {  	[sflag:s3] =	ssyncset.done $0x0  }
0x62: {  	[sflag:s3] =	ssyncadd.s32 $0xFFFFFC00  }
0x63: {  	_ =	swait.ge [sflag:s3], $0x400  }
0x64: {  	[sflag:s3] =	ssyncset.done $0x0  }
0x65: {  	[sflag:s3] =	ssyncadd.s32 $0xFFFFFC00  }
0x66: {  	_ =	swait.ge [sflag:s3], $0x400  }
0x67: {  	[sflag:s3] =	ssyncset.done $0x0  }
0x68: {  	[sflag:s3] =	ssyncadd.s32 $0xFFFFFC00  }
0x69: {  	_ =	swait.ge [sflag:s3], $0x400  }
0x6a: {  	[sflag:s3] =	ssyncset.done $0x0  }
0x6b: {  	[sflag:s3] =	ssyncadd.s32 $0xFFFFFC00  }
0x6c: {  	_ =	swait.ge [sflag:s3], $0x400  }
0x6d: {  	[sflag:s3] =	ssyncset.done $0x0  }
0x6e: {  	[sflag:s3] =	ssyncadd.s32 $0xFFFFFC00  }
0x6f: {  	_ =	swait.ge [sflag:s3], $0x400  }
0x70: {  	[sflag:s3] =	ssyncset.done $0x0  }
0x71: {  	[sflag:s3] =	ssyncadd.s32 $0xFFFFFC00  }
0x72: {  	v6 =	vld [tilespmem:$0x0]  }
0x73: {  	v5 =	vld [tilespmem:$0x400]  }
0x74: {  	v7 =	vld [tilespmem:$0x800]  }
0x75: {  	v11 =	vld [tilespmem:$0xC00]  }
0x76: {  	v13 =	vld [tilespmem:$0x1000]  }
0x77: {  	v15 =	vld [tilespmem:$0x1400]  }
0x78: {  	v17 =	vld [tilespmem:$0x1800]  }
0x79: {  	v29 =	vld [tilespmem:$0x1C00]  }
0x7a: {  	v32 =	vld [tilespmem:$0x2000]  }
0x7b: {  	v56 =	vld [tilespmem:$0x2400]  }
0x7c: {  	v61 =	vld [tilespmem:$0x2800]  }
0x7d: {  	v0 =	vld [tilespmem:$0x2C00]  }
0x7e: {  	v60 =	vld [tilespmem:$0x3000]  }
0x7f: {  	v62 =	vld [tilespmem:$0x3400]  }
0x80: {  	v63 =	vld [tilespmem:$0x3800]  }
0x81: {  	v4 =	vld [tilespmem:$0x3C00]  }
0x82: {  	v18 =	vld [tilespmem:$0x80]  }
0x83: {  	v19 =	vld [tilespmem:$0x480]  }
0x84: {  	v20 =	vld [tilespmem:$0x880]  }
0x85: {  	v21 =	vld [tilespmem:$0xC80]  }
0x86: {  	v22 =	vld [tilespmem:$0x1080]  }
0x87: {  	v23 =	vld [tilespmem:$0x1480]  }
0x88: {  	v24 =	vld [tilespmem:$0x1880]  }
0x89: {  	v25 =	vld [tilespmem:$0x1C80]  }
0x8a: {  	v26 =	vld [tilespmem:$0x2080]  }
0x8b: {  	v27 =	vld [tilespmem:$0x2480]  }
0x8c: {  	v30 =	vld [tilespmem:$0x2880]  }
0x8d: {  	v33 =	vld [tilespmem:$0x2C80]  }
0x8e: {  	v58 =	vld [tilespmem:$0x3080]  }
0x8f: {  	v8 =	vld [tilespmem:$0x3880]  }
0x90: {  	v9 =	vld [tilespmem:$0x3C80]  }
0x91: {  	v34 =	vld [tilespmem:$0x100]  }
0x92: {  	v35 =	vld [tilespmem:$0x500]  }
0x93: {  	v36 =	vld [tilespmem:$0x900]  }
0x94: {  	v37 =	vld [tilespmem:$0xD00]  }
0x95: {  	v38 =	vld [tilespmem:$0x1100]  }
0x96: {  	v39 =	vld [tilespmem:$0x1500]  }
0x97: {  	v40 =	vld [tilespmem:$0x1900]  }
0x98: {  	v41 =	vld [tilespmem:$0x1D00]  }
0x99: {  	v42 =	vld [tilespmem:$0x2100]  }
0x9a: {  	v43 =	vld [tilespmem:$0x2500]  }
0x9b: {  	v44 =	vld [tilespmem:$0x2900]  }
0x9c: {  	v45 =	vld [tilespmem:$0x2D00]  }
0x9d: {  	v46 =	vld [tilespmem:$0x3100]  }
0x9e: {  	v47 =	vld [tilespmem:$0x3500]  }
0x9f: {  	v48 =	vld [tilespmem:$0x3900]  }
0xa0: {  	v49 =	vld [tilespmem:$0x3D00]  }
0xa1: {  	v50 =	vld [tilespmem:$0x180]  }
0xa2: {  	v51 =	vld [tilespmem:$0x580]  }
0xa3: {  	v52 =	vld [tilespmem:$0x980]  }
0xa4: {  	v53 =	vld [tilespmem:$0xD80]  }
0xa5: {  	v54 =	vld [tilespmem:$0x1180]  }
0xa6: {  	v57 =	vld [tilespmem:$0x1580]  }
0xa7: {  	v10 =	vld [tilespmem:$0x1D80]  }
0xa8: {  	v12 =	vld [tilespmem:$0x2180]  }
0xa9: {  	v14 =	vld [tilespmem:$0x2580]  }
0xaa: {  	v16 =	vld [tilespmem:$0x2980]  }
0xab: {  	v28 =	vld [tilespmem:$0x2D80]  }
0xac: {  	v31 =	vld [tilespmem:$0x3180]  }
0xad: {  	v55 =	vld [tilespmem:$0x3580]  }
0xae: {  	v59 =	vld [tilespmem:$0x3980]  }
0xaf: {  	v1 =	vld [tilespmem:$0x280]  }
0xb0: {  	v2 =	vld [tilespmem:$0xA80]  }
0xb1: {  	v3 =	vld [tilespmem:$0xE80]  }
0xb2: {  	[tilespmem:$0x1FEC0] =	vst v62;
	v62 =	vld [tilespmem:$0x3480]  }
0xb3: {  	[tilespmem:$0x1FEB0] =	vst v60;
	v60 =	vld [tilespmem:$0x1980]  }
0xb4: {  	[tilespmem:$0x1FED0] =	vst v63;
	v63 =	vld [tilespmem:$0x3D80]  }
0xb5: {  	[tilespmem:$0x1FF10] =	vst v10;
	v10 =	vld [tilespmem:$0x200]  }
0xb6: {  	[tilespmem:$0x1FEF0] =	vst v8;
	v8 =	vld [tilespmem:$0x600]  }
0xb7: {  	[tilespmem:$0x1FF20] =	vst v12;
	v12 =	vld [tilespmem:$0xA00]  }
0xb8: {  	[tilespmem:$0x1FF30] =	vst v14;
	v14 =	vld [tilespmem:$0xE00]  }
0xb9: {  	[tilespmem:$0x1FF40] =	vst v16;
	v16 =	vld [tilespmem:$0x1200]  }
0xba: {  	[tilespmem:$0x1FF50] =	vst v28;
	v28 =	vld [tilespmem:$0x1600]  }
0xbb: {  	[tilespmem:$0x1FF60] =	vst v31;
	v31 =	vld [tilespmem:$0x1A00]  }
0xbc: {  	[tilespmem:$0x1FF80] =	vst v55;
	v55 =	vld [tilespmem:$0x1E00]  }
0xbd: {  	[tilespmem:$0x1FFA0] =	vst v59;
	v59 =	vld [tilespmem:$0x2200]  }
0xbe: {  	[tilespmem:$0x1FEE0] =	vst v4;
	v4 =	vld [tilespmem:$0x2A00]  }
0xbf: {  	[tilespmem:$0x1FF00] =	vst v9;
	v9 =	vld [tilespmem:$0x2E00]  }
0xc0: {  	[tilespmem:$0x1FEA0] =	vst v0;
	v0 =	vld [tilespmem:$0x680]  }
0xc1: {  	v5 =	vadd.s32 v6, v5;
	v6 =	vld [tilespmem:$0x1A80]  }
0xc2: {  	v5 =	vadd.s32 v7, v5;
	v7 =	vld [tilespmem:$0x1E80]  }
0xc3: {  	v35 =	vadd.s32 v34, v35;
	v34 =	vld [tilespmem:$0x1FEC0]  }
0xc4: {  	v5 =	vadd.s32 v11, v5;
	v11 =	vadd.s32 v18, v19;
	v18 =	vld [tilespmem:$0x2280]  }
0xc5: {  	v19 =	vld [tilespmem:$0x2680]  }
0xc6: {  	v11 =	vadd.s32 v20, v11;
	v20 =	vld [tilespmem:$0x3280]  }
0xc7: {  	v5 =	vadd.s32 v13, v5;
	v13 =	vadd.s32 v36, v35;
	v35 =	vld [tilespmem:$0x1FED0]  }
0xc8: {  	v36 =	vld [tilespmem:$0xF00]  }
0xc9: {  	v5 =	vadd.s32 v15, v5;
	v15 =	vld [tilespmem:$0x2A80]  }
0xca: {  	v11 =	vadd.s32 v21, v11;
	v21 =	vld [tilespmem:$0x3680]  }
0xcb: {  	v13 =	vadd.s32 v37, v13;
	v37 =	vld [tilespmem:$0x1FEE0]  }
0xcc: {  	[tilespmem:$0x1FFC0] =	vst v63;
	v63 =	vld [tilespmem:$0x2600]  }
0xcd: {  	[tilespmem:$0x1FF70] =	vst v4;
	v4 =	vld [tilespmem:$0x3200]  }
0xce: {  	[tilespmem:$0x1FF90] =	vst v9;
	v9 =	vld [tilespmem:$0x3600]  }
0xcf: {  	v5 =	vadd.s32 v17, v5;
	v17 =	vld [tilespmem:$0x2E80]  }
0xd0: {  	v11 =	vadd.s32 v22, v11;
	v22 =	vld [tilespmem:$0x3A80]  }
0xd1: {  	v13 =	vadd.s32 v38, v13;
	v38 =	vld [tilespmem:$0x1300]  }
0xd2: {  	v0 =	vadd.s32 v1, v0;
	v1 =	vld [tilespmem:$0x2300]  }
0xd3: {  	v11 =	vadd.s32 v23, v11;
	v23 =	vld [tilespmem:$0x3E80]  }
0xd4: {  	v5 =	vadd.s32 v29, v5;
	v29 =	vld [tilespmem:$0x1FEA0]  }
0xd5: {  	v13 =	vadd.s32 v39, v13;
	v39 =	vld [tilespmem:$0x1FEF0]  }
0xd6: {  	v0 =	vadd.s32 v2, v0;
	v2 =	vld [tilespmem:$0x2700]  }
0xd7: {  	v11 =	vadd.s32 v24, v11;
	v24 =	vld [tilespmem:$0x300]  }
0xd8: {  	v5 =	vadd.s32 v32, v5;
	v32 =	vld [tilespmem:$0x1FEB0]  }
0xd9: {  	v8 =	vadd.s32 v10, v8;
	v0 =	vadd.s32 v3, v0;
	v3 =	vld [tilespmem:$0x2B00]  }
0xda: {  	v8 =	vadd.s32 v12, v8;
	v13 =	vadd.s32 v40, v13;
	v40 =	vadd.s32 v50, v51;
	v50 =	vld [tilespmem:$0x1FF50]  }
0xdb: {  	v8 =	vadd.s32 v14, v8;
	v14 =	vld [tilespmem:$0x3F00]  }
0xdc: {  	v51 =	vld [tilespmem:$0x1FF60]  }
0xdd: {  	v11 =	vadd.s32 v25, v11;
	v25 =	vld [tilespmem:$0x700]  }
0xde: {  	v13 =	vadd.s32 v41, v13;
	v41 =	vld [tilespmem:$0x1700]  }
0xdf: {  	v5 =	vadd.s32 v56, v5;
	v56 =	vld [tilespmem:$0x780]  }
0xe0: {  	v11 =	vadd.s32 v26, v11;
	v26 =	vld [tilespmem:$0xB00]  }
0xe1: {  	v13 =	vadd.s32 v42, v13;
	v42 =	vld [tilespmem:$0x1FF00]  }
0xe2: {  	[tilespmem:$0x1FFB0] =	vst v4;
	v4 =	vld [tilespmem:$0x3A00]  }
0xe3: {  	[tilespmem:$0x1FFD0] =	vst v9;
	v9 =	vld [tilespmem:$0x3E00]  }
0xe4: {  	v8 =	vadd.s32 v16, v8;
	v13 =	vadd.s32 v43, v13;
	v43 =	vld [tilespmem:$0x1B00]  }
0xe5: {  	v8 =	vadd.s32 v28, v8;
	v11 =	vadd.s32 v27, v11;
	v13 =	vadd.s32 v44, v13;
	v44 =	vld [tilespmem:$0x1F00]  }
0xe6: {  	v8 =	vadd.s32 v31, v8;
	v11 =	vadd.s32 v30, v11;
	v30 =	vadd.s32 v52, v40;
	v52 =	vld [tilespmem:$0x1FF70]  }
0xe7: {  	v8 =	vadd.s32 v55, v8;
	v55 =	vld [tilespmem:$0x1FF90]  }
0xe8: {  	v5 =	vadd.s32 v61, v5;
	v61 =	vld [tilespmem:$0x1FFD0]  }
0xe9: {  	v30 =	vadd.s32 v53, v30;
	v53 =	vld [tilespmem:$0x380]  }
0xea: {  	v13 =	vadd.s32 v45, v13;
	v8 =	vadd.s32 v59, v8;
	v59 =	vld [tilespmem:$0xB80]  }
0xeb: {  	v13 =	vadd.s32 v46, v13;
	v46 =	vld [tilespmem:$0x1FF10]  }
0xec: {  	v5 =	vadd.s32 v29, v5;
	v11 =	vadd.s32 v33, v11;
	v30 =	vadd.s32 v54, v30;
	v54 =	vld [tilespmem:$0x1FF80]  }
0xed: {  	v5 =	vadd.s32 v32, v5;
	v11 =	vadd.s32 v58, v11;
	v58 =	vld [tilespmem:$0x1FFB0]  }
0xee: {  	v5 =	vadd.s32 v34, v5;
	v34 =	vld [tilespmem:$0x1780]  }
0xef: {  	v13 =	vadd.s32 v47, v13;
	v47 =	vld [tilespmem:$0x1FF20]  }
0xf0: {  	[tilespmem:$0x1FFE0] =	vst v4;
	v4 =	vld [tilespmem:$0x1280]  }
0xf1: {  	v8 =	vadd.s32 v63, v8;
	v28 =	vadd.s32 v24, v25;
	[tilespmem:$0x1FFF0] =	vst v9;
	v9 =	vld [tilespmem:$0x1680]  }
0xf2: {  	v5 =	vadd.s32 v35, v5;
	v11 =	vadd.s32 v62, v11;
	v13 =	vadd.s32 v48, v13;
	v48 =	vld [tilespmem:$0x1FF30]  }
0xf3: {  	v45 =	vadd.s32 v57, v30;
	v5 =	vadd.s32 v37, v5;
	v13 =	vadd.s32 v49, v13;
	v49 =	vld [tilespmem:$0x1FF40]  }
0xf4: {  	v57 =	vld [tilespmem:$0x1FFA0];
	v11 =	vadd.s32 v39, v11;
	v12 =	vadd.s32 v60, v45;
	v8 =	vadd.s32 v52, v8  }
0xf5: {  	v62 =	vld [tilespmem:$0xF80];
	v11 =	vadd.s32 v42, v11;
	v8 =	vadd.s32 v55, v8;
	v12 =	vadd.s32 v46, v12  }
0xf6: {  	v63 =	vld [tilespmem:$0x1FFE0];
	v40 =	vand.u32 $0xFFFF, v11;
	v42 =	vshrl.u32 v11, $0x10;
	v12 =	vadd.s32 v47, v12  }
0xf7: {  	v31 =	vld [tilespmem:$0x1FFF0];
	v45 =	vand.u32 $0xFFFF, v13;
	v0 =	vadd.s32 v4, v0;
	v12 =	vadd.s32 v48, v12  }
0xf8: {  	v60 =	vld [tilespmem:$0x1FFC0];
	v8 =	vadd.s32 v58, v8;
	v0 =	vadd.s32 v9, v0;
	v12 =	vadd.s32 v49, v12  }
0xf9: {  	v30 =	vld [tilespmem:$0x1380];
	v8 =	vadd.s32 v61, v8;
	v0 =	vadd.s32 v6, v0;
	v12 =	vadd.s32 v50, v12  }
0xfa: {  	v35 =	vld [tilespmem:$0x1B80];
	v48 =	vshrl.u32 v13, $0x10;
	v0 =	vadd.s32 v7, v0;
	v12 =	vadd.s32 v51, v12  }
0xfb: {  	v37 =	vld [tilespmem:$0x1F80];
	v8 =	vadd.s32 v63, v8;
	v0 =	vadd.s32 v18, v0;
	v12 =	vadd.s32 v54, v12  }
0xfc: {  	v47 =	vld [tilespmem:$0x2F80];
	v8 =	vadd.s32 v31, v8;
	v0 =	vadd.s32 v19, v0;
	v12 =	vadd.s32 v57, v12  }
0xfd: {  	v4 =	vld [tilespmem:$0x2F00];
	v19 =	vadd.s32 v26, v28;
	v0 =	vadd.s32 v15, v0;
	v12 =	vadd.s32 v60, v12  }
0xfe: {  	v9 =	vld [tilespmem:$0x3300];
	v19 =	vadd.s32 v36, v19;
	v15 =	vadd.s32 v53, v56;
	v36 =	vand.u32 $0xFFFF, v5  }
0xff: {  	v6 =	vld [tilespmem:$0x3700];
	v5 =	vshrl.u32 v5, $0x10;
	v19 =	vadd.s32 v38, v19;
	v15 =	vadd.s32 v59, v15  }
0x100: {  	[tilespmem:$0x4080] =	vst v40;
	v56 =	vand.u32 $0xFFFF, v8;
	v38 =	vld [tilespmem:$0x2380];
	v19 =	vadd.s32 v41, v19;
	v15 =	vadd.s32 v62, v15  }
0x101: {  	[tilespmem:$0x4480] =	vst v42;
	v0 =	vadd.s32 v17, v0;
	v41 =	vld [tilespmem:$0x2780];
	v39 =	vadd.s32 v43, v19;
	v15 =	vadd.s32 v30, v15  }
0x102: {  	[tilespmem:$0x4400] =	vst v5;
	v51 =	vand.u32 $0xFFFF, v12;
	v5 =	vadd.s32 v44, v39;
	v43 =	vadd.s32 v34, v15;
	v44 =	vld [tilespmem:$0x2B80]  }
0x103: {  	[tilespmem:$0x4100] =	vst v45;
	v50 =	vld [tilespmem:$0x3380];
	v54 =	vshrl.u32 v12, $0x10;
	v1 =	vadd.s32 v1, v5;
	v46 =	vadd.s32 v35, v43  }
0x104: {  	[tilespmem:$0x4500] =	vst v48;
	v7 =	vld [tilespmem:$0x3B00];
	v59 =	vshrl.u32 v8, $0x10;
	v1 =	vadd.s32 v2, v1;
	v49 =	vadd.s32 v37, v46  }
0x105: {  	v53 =	vld [tilespmem:$0x3780];
	[tilespmem:$0x4000] =	vst v36;
	v0 =	vadd.s32 v20, v0;
	v1 =	vadd.s32 v3, v1;
	v52 =	vadd.s32 v38, v49  }
0x106: {  	v55 =	vld [tilespmem:$0x3B80];
	[tilespmem:$0x4200] =	vst v56;
	v0 =	vadd.s32 v21, v0;
	v1 =	vadd.s32 v4, v1;
	v3 =	vadd.s32 v41, v52  }
0x107: {  	v57 =	vld [tilespmem:$0x3F80];
	[tilespmem:$0x4180] =	vst v51;
	v0 =	vadd.s32 v22, v0;
	v1 =	vadd.s32 v9, v1;
	v3 =	vadd.s32 v44, v3  }
0x108: {  	[tilespmem:$0x4580] =	vst v54;
	v0 =	vadd.s32 v23, v0;
	v1 =	vadd.s32 v6, v1;
	v58 =	vadd.s32 v47, v3  }
0x109: {  	[tilespmem:$0x4600] =	vst v59;
	v60 =	vand.u32 $0xFFFF, v0;
	v1 =	vadd.s32 v7, v1;
	v2 =	vadd.s32 v50, v58  }
0x10a: {  	v0 =	vshrl.u32 v0, $0x10;
	[tilespmem:$0x4280] =	vst v60;
	v1 =	vadd.s32 v14, v1;
	v2 =	vadd.s32 v53, v2  }
0x10b: {  	[tilespmem:$0x4680] =	vst v0;
	v61 =	vadd.s32 v55, v2;
	v62 =	vand.u32 $0xFFFF, v1  }
0x10c: {  	v1 =	vshrl.u32 v1, $0x10;
	[tilespmem:$0x4300] =	vst v62;
	v0 =	vadd.s32 v57, v61  }
0x10d: {  	[tilespmem:$0x4700] =	vst v1;
	v63 =	vand.u32 $0xFFFF, v0  }
0x10e: {  	v0 =	vshrl.u32 v0, $0x10;
	[tilespmem:$0x4380] =	vst v63  }
0x10f: {  	[tilespmem:$0x4780] =	vst v0  }
0x110: {  	[hbm4b:s11+s2] =	stream.linear.scatter [tilespmem:s30], [sflag:$0x2], $0x400, $0x38;
	[tilespmem:$0x4800] =	vst v63  }
0x111: {  	_ =	swait.ge [sflag:s31], $0x400  }
0x112: {  	p0 =	sne.s32 s13, $0x1;
	[sflag:s31] =	ssyncset.done $0x0  }
.Ltmp0:
0x113: {  	[sflag:s31] =	ssyncadd.s32 $0xFFFFFC00;
	(pc) =	sbr.rel @p0 .LBB2_1-.Ltmp0, $4  }
0x114: {  	[hbm4b:s12+s2] =	stream.linear.scatter [tilespmem:s1], [sflag:$0x2], $0x400, $0x38;
	[tilespmem:$0x4800] =	vst v63  }
0x115: {  	_ =	swait.ge [sflag:s31], $0x400  }
0x116: {  	[sflag:s31] =	ssyncset.done $0x0  }
0x117: {  	s13 =	sadd.s32 $0xFFFFFFFF, s13;
	[sflag:s31] =	ssyncadd.s32 $0xFFFFFC00  }
0x118: {  	_ =	sfence.sel $0x180000  }
0x119: {  	[bflag:$0x0] =	sbarrier.arrive $0xFFFF  }
0x11a: {  	_ =	strace $0x9000004A  }
0x11b: {  	s0 =	stileid.u32;
	[bflag:$0x2] =	sbarrier.arrive $0xFFFF  }
0x11c: {  	p0 =	sne.s32 s0, $0x0;
	s0 =	rddreg [dreg:$0x2]  }
0x11d: {  	s0 =	sadd.s32 @!p0 $0x100000, s0  }
0x11e: {  	[sflag:s0] =	ssyncadd.tile.s32 @!p0 $0x1;
	_ =	shalt  }
.Lfunc_end2:
_tile_overlayer_lowered:
.L_overlay_start_2:
0x11f: {  	(tag) =	ssettag $0x2  }
0x120: {  	s0 =	rddreg [dreg:$0x0];
	s2 =	stileid.u32  }
0x121: {  	s1 =	rddreg [dreg:$0x1];
	p0 =	sne.s32 s2, $0x0  }
0x122: {  	s3 =	rddreg [dreg:$0x2];
	[bflag:$0x3] =	sbarrier.arrive $0xFFFF;
	s2 =	simm.s32 @!p0 $0x1C02  }
0x123: {  	[timem:s3], [sflag:s2] =	dma.local @!p0 [hbm:s0], s1  }
0x124: {  	s0 =	simm.s32 @!p0 $0x2  }
0x125: {  	_ =	swait.ge @!p0 [sflag:s0], s1  }
0x126: {  	s1 =	ssub.s32 @!p0 $0x0, s1;
	[sflag:s0] =	ssyncset.done @!p0 $0x0  }
0x127: {  	[sflag:s0] =	ssyncadd.s32 @!p0 s1  }
0x128: {  	[bflag:$0x3] =	sbarrier.arrive $0xFFFF  }
0x129: {  	_ =	shalt  }

</sc_bundles>
